<compile_context>
chip_gen: v7x
topology: tpu7x:2x2x1
jax: 0.10.2.dev20260603
libtpu: 0.0.44.dev20260713+nightly
codegen_flags: <defaults>
</compile_context>

<pallas_src>
import functools

import jax
import jax.numpy as jnp
from jax import lax
from jax.experimental import pallas as pl
from jax.experimental.pallas import tpu as pltpu
from jax.experimental.pallas import tpu_sc as plsc

NUM_FIELDS = 8
VOCAB = 100000
EMB = 64
PROJ = 128

NC, NS = 2, 16
NW = NC * NS
T = 128
NBUF = 5


def _precompute_body(t_ref, w_ref, b_ref, o_ref):
    o_ref[0] = (
        jnp.dot(
            t_ref[0].astype(jnp.bfloat16),
            w_ref[0].astype(jnp.bfloat16),
            preferred_element_type=jnp.float32,
        )
        + b_ref[...] * (1.0 / NUM_FIELDS)
    )


def _tc_precompute(tables, w3, proj_b2d, bmv):
    nf, vocab, emb = tables.shape
    return pl.pallas_call(
        _precompute_body,
        grid=(nf, vocab // bmv),
        in_specs=[
            pl.BlockSpec((1, bmv, emb), lambda i, j: (i, j, 0)),
            pl.BlockSpec((1, emb, PROJ), lambda i, j: (i, 0, 0)),
            pl.BlockSpec((1, PROJ), lambda i, j: (0, 0)),
        ],
        out_specs=pl.BlockSpec((1, bmv, PROJ), lambda i, j: (i, j, 0)),
        out_shape=jax.ShapeDtypeStruct((nf, vocab, PROJ), jnp.float32),
    )(tables, w3, proj_b2d)


def _sc_gather_add(p_tab, idx3, n_tok):
    tpw = n_tok // NW
    nblk = tpw // T
    nround = nblk // NBUF

    mesh = plsc.VectorSubcoreMesh(core_axis_name="c", subcore_axis_name="s")

    @functools.partial(
        pl.kernel,
        out_type=jax.ShapeDtypeStruct((n_tok, PROJ), jnp.float32),
        mesh=mesh,
        scratch_types=[
            pltpu.VMEM((NBUF, NUM_FIELDS, T), jnp.int32),
            pltpu.VMEM((NBUF, T, PROJ), jnp.float32),
        ]
        + [pltpu.SemaphoreType.DMA] * (4 * NBUF),
    )
    def k(p_hbm, idx_hbm, out_hbm, idx_v, acc_v, *sems):
        isem = sems[:NBUF]
        g0sem = sems[NBUF : 2 * NBUF]
        gsem = sems[2 * NBUF : 3 * NBUF]
        osem = sems[3 * NBUF :]
        wid = lax.axis_index("s") * NC + lax.axis_index("c")
        blk_base = wid * nblk
        tok_base = wid * tpw

        def fire_idx(h, blk_i):
            pltpu.async_copy(idx_hbm.at[blk_base + blk_i], idx_v.at[h], isem[h])

        def wait_idx_fire0(h):
            pltpu.make_async_copy(
                idx_hbm.at[blk_base], idx_v.at[h], isem[h]
            ).wait()
            pltpu.async_copy(
                p_hbm.at[idx_v.at[h].at[0]], acc_v.at[h], g0sem[h]
            )

        def wait0_fire_adds(h):
            pltpu.make_async_copy(
                p_hbm.at[idx_v.at[h].at[0]], acc_v.at[h], g0sem[h]
            ).wait()
            for i in range(1, NUM_FIELDS):
                pltpu.async_copy(
                    p_hbm.at[idx_v.at[h].at[i]], acc_v.at[h], gsem[h], add=True
                )

        def wait_adds_fire_out(h, blk_i):
            for i in range(1, NUM_FIELDS):
                pltpu.make_async_copy(
                    p_hbm.at[idx_v.at[h].at[i]], acc_v.at[h], gsem[h]
                ).wait()
            pltpu.async_copy(
                acc_v.at[h],
                out_hbm.at[pl.ds(tok_base + blk_i * T, T)],
                osem[h],
            )

        def wait_out(h):
            pltpu.make_async_copy(
                acc_v.at[h], out_hbm.at[pl.ds(tok_base, T)], osem[h]
            ).wait()

        for h in range(NBUF):
            fire_idx(h, h)
        for h in range(NBUF):
            wait_idx_fire0(h)

        def round_body(r, carry):
            blk0 = r * NBUF
            for h in range(NBUF):
                wait0_fire_adds(h)
            for h in range(NBUF):
                wait_adds_fire_out(h, blk0 + h)
            for h in range(NBUF):
                wait_out(h)
                fire_idx(h, blk0 + NBUF + h)
            for h in range(NBUF):
                wait_idx_fire0(h)
            return carry

        lax.fori_loop(0, nround - 1, round_body, 0)

        for h in range(NBUF):
            wait0_fire_adds(h)
        blk0 = (nround - 1) * NBUF
        for h in range(NBUF):
            wait_adds_fire_out(h, blk0 + h)
        for h in range(NBUF):
            wait_out(h)

    return k(p_tab, idx3)


def kernel(x, tables, proj_w, proj_b):
    b, l, nf = x.shape
    n = b * l
    offsets = (jnp.arange(nf, dtype=jnp.int32) * VOCAB).reshape(1, nf, 1)
    idx3 = (
        x.astype(jnp.int32)
        .reshape(n // T, T, nf)
        .transpose(0, 2, 1)
        + offsets
    )
    p3 = _tc_precompute(
        tables, proj_w.reshape(nf, EMB, PROJ), proj_b.reshape(1, PROJ), 10000
    )
    p_tab = p3.reshape(nf * VOCAB, PROJ)
    out2d = _sc_gather_add(p_tab, idx3, n)
    return out2d.reshape(b, l, PROJ)

# --- scband reference (transcript-rebuilt; emitter-appended) ---
"""Pipeline reference for scband-tuple-token-embeddings-39676907888701 (READ-ONLY COPY).

The authoritative reference and input builder live on the scoring server;
editing this copy changes nothing except your own understanding.
"""

import jax, jax.numpy as jnp
import numpy as np

NUM_FIELDS = 8
VOCAB = 100000
EMB = 64
PROJ = 128
B = 4096
L = 50


def setup_inputs(seed: int = 0) -> dict:
    key = jax.random.key(seed)
    k1, k2, k3 = jax.random.split(key, 3)
    # forward arg: tuple-token ids, one id per field in the last dim
    x = jax.random.randint(k1, (B, L, NUM_FIELDS), 0, VOCAB)
    # learned params: one embedding table per field (stacked), kaiming-ish init
    tables = jax.random.normal(k2, (NUM_FIELDS, VOCAB, EMB), dtype=jnp.float32) * (2.0 / EMB) ** 0.5
    # projection Linear(total_emb_dim=512 -> project_emb_dim=128)
    proj_w = jax.random.normal(k3, (NUM_FIELDS * EMB, PROJ), dtype=jnp.float32) * (1.0 / (NUM_FIELDS * EMB)) ** 0.5
    proj_b = jnp.zeros((PROJ,), dtype=jnp.float32)
    return {"x": x, "tables": tables, "proj_w": proj_w, "proj_b": proj_b}


def reference(x, tables, proj_w, proj_b):
    # _forward_embeddings: per-field embedding lookup x[..., i] into table i
    token_embs = [jnp.take(tables[i], x[..., i], axis=0) for i in range(NUM_FIELDS)]
    # _forward_project, mode='cat': concat along last dim; emb_norm=False -> Identity;
    # total_emb_dim (512) != project_emb_dim (128) -> Linear projection
    cat = jnp.concatenate(token_embs, axis=-1)  # [B, L, 512]
    token_emb = cat @ proj_w + proj_b  # [B, L, 128]
    return token_emb

if __name__ == "__main__":
    import jax
    _d = setup_inputs()
    print(jax.jit(kernel)(*tuple(_d.values())))

</pallas_src>

<mosaic_0001>
#map = affine_map<(d0, d1) -> (0, 0)>
#map1 = affine_map<(d0, d1) -> (0, 0, 0)>
module attributes {stable_mosaic.version = 14 : i64} {
  func.func @k(%arg0: i32, %arg1: i32, %arg2: memref<800000x128xf32, #tpu.memory_space<hbm>>, %arg3: memref<1600x8x128xi32, #tpu.memory_space<hbm>>, %arg4: memref<204800x128xf32, #tpu.memory_space<hbm>>, %arg5: memref<5x8x128xi32, #tpu.memory_space<vmem>>, %arg6: memref<5x128x128xf32, #tpu.memory_space<vmem>>, %arg7: memref<!tpu.dma_semaphore, #tpu.memory_space<semaphore_mem>>, %arg8: memref<!tpu.dma_semaphore, #tpu.memory_space<semaphore_mem>>, %arg9: memref<!tpu.dma_semaphore, #tpu.memory_space<semaphore_mem>>, %arg10: memref<!tpu.dma_semaphore, #tpu.memory_space<semaphore_mem>>, %arg11: memref<!tpu.dma_semaphore, #tpu.memory_space<semaphore_mem>>, %arg12: memref<!tpu.dma_semaphore, #tpu.memory_space<semaphore_mem>>, %arg13: memref<!tpu.dma_semaphore, #tpu.memory_space<semaphore_mem>>, %arg14: memref<!tpu.dma_semaphore, #tpu.memory_space<semaphore_mem>>, %arg15: memref<!tpu.dma_semaphore, #tpu.memory_space<semaphore_mem>>, %arg16: memref<!tpu.dma_semaphore, #tpu.memory_space<semaphore_mem>>, %arg17: memref<!tpu.dma_semaphore, #tpu.memory_space<semaphore_mem>>, %arg18: memref<!tpu.dma_semaphore, #tpu.memory_space<semaphore_mem>>, %arg19: memref<!tpu.dma_semaphore, #tpu.memory_space<semaphore_mem>>, %arg20: memref<!tpu.dma_semaphore, #tpu.memory_space<semaphore_mem>>, %arg21: memref<!tpu.dma_semaphore, #tpu.memory_space<semaphore_mem>>, %arg22: memref<!tpu.dma_semaphore, #tpu.memory_space<semaphore_mem>>, %arg23: memref<!tpu.dma_semaphore, #tpu.memory_space<semaphore_mem>>, %arg24: memref<!tpu.dma_semaphore, #tpu.memory_space<semaphore_mem>>, %arg25: memref<!tpu.dma_semaphore, #tpu.memory_space<semaphore_mem>>, %arg26: memref<!tpu.dma_semaphore, #tpu.memory_space<semaphore_mem>>) attributes {dimension_semantics = [#tpu.dimension_semantics<core_parallel>, #tpu.dimension_semantics<subcore_parallel>], iteration_bounds = array<i64: 2, 16>, scalar_prefetch = 0 : i64, scratch_operands = 22 : i64, tpu.core_type = #tpu.core_type<sc_vector_subcore>, window_params = [{transform_indices = #map}, {transform_indices = #map1}, {transform_indices = #map}]} {
    %mul3A = arith.constant 2 : i32
    %mul3A_0 = arith.muli %arg1, %mul3A : i32
    %add3A = arith.addi %mul3A_0, %arg0 : i32
    %mul3A_1 = arith.constant 50 : i32
    %mul3A_2 = arith.muli %add3A, %mul3A_1 : i32
    %mul3A_3 = arith.constant 6400 : i32
    %mul3A_4 = arith.muli %add3A, %mul3A_3 : i32
    %add3A_5 = arith.constant 0 : i32
    %add3A_6 = arith.addi %mul3A_2, %add3A_5 : i32
    %dma_start3A = arith.constant 0 : i32
    %dma_start3A_7 = arith.constant 0 : i32
    %dma_start3A_8 = arith.constant 0 : i32
    %dma_start3A_9 = tpu.memref_slice %arg5[%dma_start3A, %dma_start3A_7, %dma_start3A_8] : memref<5x8x128xi32, #tpu.memory_space<vmem>> -> memref<1x8x128xi32, #tpu.memory_space<vmem>>
    %dma_start3A_10 = tpu.memref_squeeze %dma_start3A_9 : memref<1x8x128xi32, #tpu.memory_space<vmem>> -> memref<8x128xi32, #tpu.memory_space<vmem>>
    %dma_start3A_11 = arith.constant 0 : i32
    %dma_start3A_12 = arith.constant 0 : i32
    %dma_start3A_13 = tpu.memref_slice %arg3[%add3A_6, %dma_start3A_11, %dma_start3A_12] : memref<1600x8x128xi32, #tpu.memory_space<hbm>> -> memref<1x8x128xi32, #tpu.memory_space<hbm>>
    %dma_start3A_14 = tpu.memref_squeeze %dma_start3A_13 : memref<1x8x128xi32, #tpu.memory_space<hbm>> -> memref<8x128xi32, #tpu.memory_space<hbm>>
    %dma_start3A_15 = arith.constant 0 : i32
    %dma_start3A_16 = arith.constant 0 : i32
    %dma_start3A_17 = tpu.memref_slice %arg5[%dma_start3A, %dma_start3A_15, %dma_start3A_16] : memref<5x8x128xi32, #tpu.memory_space<vmem>> -> memref<1x8x128xi32, #tpu.memory_space<vmem>>
    %dma_start3A_18 = tpu.memref_squeeze %dma_start3A_17 : memref<1x8x128xi32, #tpu.memory_space<vmem>> -> memref<8x128xi32, #tpu.memory_space<vmem>>
    %dma_start3A_19 = arith.constant 0 : i32
    %dma_start3A_20 = arith.constant 0 : i32
    %dma_start3A_21 = tpu.memref_slice %arg3[%add3A_6, %dma_start3A_19, %dma_start3A_20] : memref<1600x8x128xi32, #tpu.memory_space<hbm>> -> memref<1x8x128xi32, #tpu.memory_space<hbm>>
    %dma_start3A_22 = tpu.memref_squeeze %dma_start3A_21 : memref<1x8x128xi32, #tpu.memory_space<hbm>> -> memref<8x128xi32, #tpu.memory_space<hbm>>
    tpu.enqueue_dma source(%dma_start3A_22 : memref<8x128xi32, #tpu.memory_space<hbm>>) target(%dma_start3A_18 : memref<8x128xi32, #tpu.memory_space<vmem>>) target_semaphore(%arg7 : memref<!tpu.dma_semaphore, #tpu.memory_space<semaphore_mem>>)
    %add3A_23 = arith.constant 1 : i32
    %add3A_24 = arith.addi %mul3A_2, %add3A_23 : i32
    %dma_start3A_25 = arith.constant 1 : i32
    %dma_start3A_26 = arith.constant 0 : i32
    %dma_start3A_27 = arith.constant 0 : i32
    %dma_start3A_28 = tpu.memref_slice %arg5[%dma_start3A_25, %dma_start3A_26, %dma_start3A_27] : memref<5x8x128xi32, #tpu.memory_space<vmem>> -> memref<1x8x128xi32, #tpu.memory_space<vmem>>
    %dma_start3A_29 = tpu.memref_squeeze %dma_start3A_28 : memref<1x8x128xi32, #tpu.memory_space<vmem>> -> memref<8x128xi32, #tpu.memory_space<vmem>>
    %dma_start3A_30 = arith.constant 0 : i32
    %dma_start3A_31 = arith.constant 0 : i32
    %dma_start3A_32 = tpu.memref_slice %arg3[%add3A_24, %dma_start3A_30, %dma_start3A_31] : memref<1600x8x128xi32, #tpu.memory_space<hbm>> -> memref<1x8x128xi32, #tpu.memory_space<hbm>>
    %dma_start3A_33 = tpu.memref_squeeze %dma_start3A_32 : memref<1x8x128xi32, #tpu.memory_space<hbm>> -> memref<8x128xi32, #tpu.memory_space<hbm>>
    %dma_start3A_34 = arith.constant 0 : i32
    %dma_start3A_35 = arith.constant 0 : i32
    %dma_start3A_36 = tpu.memref_slice %arg5[%dma_start3A_25, %dma_start3A_34, %dma_start3A_35] : memref<5x8x128xi32, #tpu.memory_space<vmem>> -> memref<1x8x128xi32, #tpu.memory_space<vmem>>
    %dma_start3A_37 = tpu.memref_squeeze %dma_start3A_36 : memref<1x8x128xi32, #tpu.memory_space<vmem>> -> memref<8x128xi32, #tpu.memory_space<vmem>>
    %dma_start3A_38 = arith.constant 0 : i32
    %dma_start3A_39 = arith.constant 0 : i32
    %dma_start3A_40 = tpu.memref_slice %arg3[%add3A_24, %dma_start3A_38, %dma_start3A_39] : memref<1600x8x128xi32, #tpu.memory_space<hbm>> -> memref<1x8x128xi32, #tpu.memory_space<hbm>>
    %dma_start3A_41 = tpu.memref_squeeze %dma_start3A_40 : memref<1x8x128xi32, #tpu.memory_space<hbm>> -> memref<8x128xi32, #tpu.memory_space<hbm>>
    tpu.enqueue_dma source(%dma_start3A_41 : memref<8x128xi32, #tpu.memory_space<hbm>>) target(%dma_start3A_37 : memref<8x128xi32, #tpu.memory_space<vmem>>) target_semaphore(%arg8 : memref<!tpu.dma_semaphore, #tpu.memory_space<semaphore_mem>>)
    %add3A_42 = arith.constant 2 : i32
    %add3A_43 = arith.addi %mul3A_2, %add3A_42 : i32
    %dma_start3A_44 = arith.constant 2 : i32
    %dma_start3A_45 = arith.constant 0 : i32
    %dma_start3A_46 = arith.constant 0 : i32
    %dma_start3A_47 = tpu.memref_slice %arg5[%dma_start3A_44, %dma_start3A_45, %dma_start3A_46] : memref<5x8x128xi32, #tpu.memory_space<vmem>> -> memref<1x8x128xi32, #tpu.memory_space<vmem>>
    %dma_start3A_48 = tpu.memref_squeeze %dma_start3A_47 : memref<1x8x128xi32, #tpu.memory_space<vmem>> -> memref<8x128xi32, #tpu.memory_space<vmem>>
    %dma_start3A_49 = arith.constant 0 : i32
    %dma_start3A_50 = arith.constant 0 : i32
    %dma_start3A_51 = tpu.memref_slice %arg3[%add3A_43, %dma_start3A_49, %dma_start3A_50] : memref<1600x8x128xi32, #tpu.memory_space<hbm>> -> memref<1x8x128xi32, #tpu.memory_space<hbm>>
    %dma_start3A_52 = tpu.memref_squeeze %dma_start3A_51 : memref<1x8x128xi32, #tpu.memory_space<hbm>> -> memref<8x128xi32, #tpu.memory_space<hbm>>
    %dma_start3A_53 = arith.constant 0 : i32
    %dma_start3A_54 = arith.constant 0 : i32
    %dma_start3A_55 = tpu.memref_slice %arg5[%dma_start3A_44, %dma_start3A_53, %dma_start3A_54] : memref<5x8x128xi32, #tpu.memory_space<vmem>> -> memref<1x8x128xi32, #tpu.memory_space<vmem>>
    %dma_start3A_56 = tpu.memref_squeeze %dma_start3A_55 : memref<1x8x128xi32, #tpu.memory_space<vmem>> -> memref<8x128xi32, #tpu.memory_space<vmem>>
    %dma_start3A_57 = arith.constant 0 : i32
    %dma_start3A_58 = arith.constant 0 : i32
    %dma_start3A_59 = tpu.memref_slice %arg3[%add3A_43, %dma_start3A_57, %dma_start3A_58] : memref<1600x8x128xi32, #tpu.memory_space<hbm>> -> memref<1x8x128xi32, #tpu.memory_space<hbm>>
    %dma_start3A_60 = tpu.memref_squeeze %dma_start3A_59 : memref<1x8x128xi32, #tpu.memory_space<hbm>> -> memref<8x128xi32, #tpu.memory_space<hbm>>
    tpu.enqueue_dma source(%dma_start3A_60 : memref<8x128xi32, #tpu.memory_space<hbm>>) target(%dma_start3A_56 : memref<8x128xi32, #tpu.memory_space<vmem>>) target_semaphore(%arg9 : memref<!tpu.dma_semaphore, #tpu.memory_space<semaphore_mem>>)
    %add3A_61 = arith.constant 3 : i32
    %add3A_62 = arith.addi %mul3A_2, %add3A_61 : i32
    %dma_start3A_63 = arith.constant 3 : i32
    %dma_start3A_64 = arith.constant 0 : i32
    %dma_start3A_65 = arith.constant 0 : i32
    %dma_start3A_66 = tpu.memref_slice %arg5[%dma_start3A_63, %dma_start3A_64, %dma_start3A_65] : memref<5x8x128xi32, #tpu.memory_space<vmem>> -> memref<1x8x128xi32, #tpu.memory_space<vmem>>
    %dma_start3A_67 = tpu.memref_squeeze %dma_start3A_66 : memref<1x8x128xi32, #tpu.memory_space<vmem>> -> memref<8x128xi32, #tpu.memory_space<vmem>>
    %dma_start3A_68 = arith.constant 0 : i32
    %dma_start3A_69 = arith.constant 0 : i32
    %dma_start3A_70 = tpu.memref_slice %arg3[%add3A_62, %dma_start3A_68, %dma_start3A_69] : memref<1600x8x128xi32, #tpu.memory_space<hbm>> -> memref<1x8x128xi32, #tpu.memory_space<hbm>>
    %dma_start3A_71 = tpu.memref_squeeze %dma_start3A_70 : memref<1x8x128xi32, #tpu.memory_space<hbm>> -> memref<8x128xi32, #tpu.memory_space<hbm>>
    %dma_start3A_72 = arith.constant 0 : i32
    %dma_start3A_73 = arith.constant 0 : i32
    %dma_start3A_74 = tpu.memref_slice %arg5[%dma_start3A_63, %dma_start3A_72, %dma_start3A_73] : memref<5x8x128xi32, #tpu.memory_space<vmem>> -> memref<1x8x128xi32, #tpu.memory_space<vmem>>
    %dma_start3A_75 = tpu.memref_squeeze %dma_start3A_74 : memref<1x8x128xi32, #tpu.memory_space<vmem>> -> memref<8x128xi32, #tpu.memory_space<vmem>>
    %dma_start3A_76 = arith.constant 0 : i32
    %dma_start3A_77 = arith.constant 0 : i32
    %dma_start3A_78 = tpu.memref_slice %arg3[%add3A_62, %dma_start3A_76, %dma_start3A_77] : memref<1600x8x128xi32, #tpu.memory_space<hbm>> -> memref<1x8x128xi32, #tpu.memory_space<hbm>>
    %dma_start3A_79 = tpu.memref_squeeze %dma_start3A_78 : memref<1x8x128xi32, #tpu.memory_space<hbm>> -> memref<8x128xi32, #tpu.memory_space<hbm>>
    tpu.enqueue_dma source(%dma_start3A_79 : memref<8x128xi32, #tpu.memory_space<hbm>>) target(%dma_start3A_75 : memref<8x128xi32, #tpu.memory_space<vmem>>) target_semaphore(%arg10 : memref<!tpu.dma_semaphore, #tpu.memory_space<semaphore_mem>>)
    %add3A_80 = arith.constant 4 : i32
    %add3A_81 = arith.addi %mul3A_2, %add3A_80 : i32
    %dma_start3A_82 = arith.constant 4 : i32
    %dma_start3A_83 = arith.constant 0 : i32
    %dma_start3A_84 = arith.constant 0 : i32
    %dma_start3A_85 = tpu.memref_slice %arg5[%dma_start3A_82, %dma_start3A_83, %dma_start3A_84] : memref<5x8x128xi32, #tpu.memory_space<vmem>> -> memref<1x8x128xi32, #tpu.memory_space<vmem>>
    %dma_start3A_86 = tpu.memref_squeeze %dma_start3A_85 : memref<1x8x128xi32, #tpu.memory_space<vmem>> -> memref<8x128xi32, #tpu.memory_space<vmem>>
    %dma_start3A_87 = arith.constant 0 : i32
    %dma_start3A_88 = arith.constant 0 : i32
    %dma_start3A_89 = tpu.memref_slice %arg3[%add3A_81, %dma_start3A_87, %dma_start3A_88] : memref<1600x8x128xi32, #tpu.memory_space<hbm>> -> memref<1x8x128xi32, #tpu.memory_space<hbm>>
    %dma_start3A_90 = tpu.memref_squeeze %dma_start3A_89 : memref<1x8x128xi32, #tpu.memory_space<hbm>> -> memref<8x128xi32, #tpu.memory_space<hbm>>
    %dma_start3A_91 = arith.constant 0 : i32
    %dma_start3A_92 = arith.constant 0 : i32
    %dma_start3A_93 = tpu.memref_slice %arg5[%dma_start3A_82, %dma_start3A_91, %dma_start3A_92] : memref<5x8x128xi32, #tpu.memory_space<vmem>> -> memref<1x8x128xi32, #tpu.memory_space<vmem>>
    %dma_start3A_94 = tpu.memref_squeeze %dma_start3A_93 : memref<1x8x128xi32, #tpu.memory_space<vmem>> -> memref<8x128xi32, #tpu.memory_space<vmem>>
    %dma_start3A_95 = arith.constant 0 : i32
    %dma_start3A_96 = arith.constant 0 : i32
    %dma_start3A_97 = tpu.memref_slice %arg3[%add3A_81, %dma_start3A_95, %dma_start3A_96] : memref<1600x8x128xi32, #tpu.memory_space<hbm>> -> memref<1x8x128xi32, #tpu.memory_space<hbm>>
    %dma_start3A_98 = tpu.memref_squeeze %dma_start3A_97 : memref<1x8x128xi32, #tpu.memory_space<hbm>> -> memref<8x128xi32, #tpu.memory_space<hbm>>
    tpu.enqueue_dma source(%dma_start3A_98 : memref<8x128xi32, #tpu.memory_space<hbm>>) target(%dma_start3A_94 : memref<8x128xi32, #tpu.memory_space<vmem>>) target_semaphore(%arg11 : memref<!tpu.dma_semaphore, #tpu.memory_space<semaphore_mem>>)
    %dma_wait3A = arith.constant 0 : i32
    %dma_wait3A_99 = arith.constant 0 : i32
    %dma_wait3A_100 = arith.constant 0 : i32
    %dma_wait3A_101 = tpu.memref_slice %arg5[%dma_wait3A, %dma_wait3A_99, %dma_wait3A_100] : memref<5x8x128xi32, #tpu.memory_space<vmem>> -> memref<1x8x128xi32, #tpu.memory_space<vmem>>
    %dma_wait3A_102 = tpu.memref_squeeze %dma_wait3A_101 : memref<1x8x128xi32, #tpu.memory_space<vmem>> -> memref<8x128xi32, #tpu.memory_space<vmem>>
    %dma_wait3A_103 = arith.constant 0 : i32
    %dma_wait3A_104 = arith.constant 0 : i32
    %dma_wait3A_105 = tpu.memref_slice %arg3[%mul3A_2, %dma_wait3A_103, %dma_wait3A_104] : memref<1600x8x128xi32, #tpu.memory_space<hbm>> -> memref<1x8x128xi32, #tpu.memory_space<hbm>>
    %dma_wait3A_106 = tpu.memref_squeeze %dma_wait3A_105 : memref<1x8x128xi32, #tpu.memory_space<hbm>> -> memref<8x128xi32, #tpu.memory_space<hbm>>
    %dma_wait3A_107 = arith.constant 0 : i32
    %dma_wait3A_108 = arith.constant 0 : i32
    %dma_wait3A_109 = tpu.memref_slice %arg5[%dma_wait3A, %dma_wait3A_107, %dma_wait3A_108] : memref<5x8x128xi32, #tpu.memory_space<vmem>> -> memref<1x8x128xi32, #tpu.memory_space<vmem>>
    %dma_wait3A_110 = tpu.memref_squeeze %dma_wait3A_109 : memref<1x8x128xi32, #tpu.memory_space<vmem>> -> memref<8x128xi32, #tpu.memory_space<vmem>>
    %dma_wait3A_111 = arith.constant 0 : i32
    %dma_wait3A_112 = arith.constant 0 : i32
    %dma_wait3A_113 = tpu.memref_slice %arg3[%mul3A_2, %dma_wait3A_111, %dma_wait3A_112] : memref<1600x8x128xi32, #tpu.memory_space<hbm>> -> memref<1x8x128xi32, #tpu.memory_space<hbm>>
    %dma_wait3A_114 = tpu.memref_squeeze %dma_wait3A_113 : memref<1x8x128xi32, #tpu.memory_space<hbm>> -> memref<8x128xi32, #tpu.memory_space<hbm>>
    tpu.wait_dma2 semaphore(%arg7 : memref<!tpu.dma_semaphore, #tpu.memory_space<semaphore_mem>>) src(%dma_wait3A_114 : memref<8x128xi32, #tpu.memory_space<hbm>>) dst(%dma_wait3A_110 : memref<8x128xi32, #tpu.memory_space<vmem>>)
    %dma_start3A_115 = arith.constant 0 : i32
    %dma_start3A_116 = arith.constant 0 : i32
    %dma_start3A_117 = arith.constant 0 : i32
    %dma_start3A_118 = arith.constant 0 : i32
    %dma_start3A_119 = arith.constant 0 : i32
    %dma_start3A_120 = tpu.memref_slice %arg6[%dma_start3A_117, %dma_start3A_118, %dma_start3A_119] : memref<5x128x128xf32, #tpu.memory_space<vmem>> -> memref<1x128x128xf32, #tpu.memory_space<vmem>>
    %dma_start3A_121 = tpu.memref_squeeze %dma_start3A_120 : memref<1x128x128xf32, #tpu.memory_space<vmem>> -> memref<128x128xf32, #tpu.memory_space<vmem>>
    %dma_start3A_122 = arith.constant 0 : i32
    %dma_start3A_123 = arith.constant 0 : i32
    %dma_start3A_124 = tpu.memref_slice %arg5[%dma_start3A_115, %dma_start3A_122, %dma_start3A_123] : memref<5x8x128xi32, #tpu.memory_space<vmem>> -> memref<1x8x128xi32, #tpu.memory_space<vmem>>
    %dma_start3A_125 = tpu.memref_squeeze %dma_start3A_124 : memref<1x8x128xi32, #tpu.memory_space<vmem>> -> memref<8x128xi32, #tpu.memory_space<vmem>>
    %dma_start3A_126 = arith.constant 0 : i32
    %dma_start3A_127 = tpu.memref_slice %dma_start3A_125[%dma_start3A_116, %dma_start3A_126] : memref<8x128xi32, #tpu.memory_space<vmem>> -> memref<1x128xi32, #tpu.memory_space<vmem>>
    %dma_start3A_128 = tpu.memref_squeeze %dma_start3A_127 : memref<1x128xi32, #tpu.memory_space<vmem>> -> memref<128xi32, #tpu.memory_space<vmem>>
    %dma_start3A_129 = arith.constant 0 : i32
    %dma_start3A_130 = arith.constant 0 : i32
    %dma_start3A_131 = tpu.memref_slice %arg2[%dma_start3A_129, %dma_start3A_130] : memref<800000x128xf32, #tpu.memory_space<hbm>> -> memref<800000x128xf32, #tpu.memory_space<hbm>>
    tpu.enqueue_indirect_dma source(%dma_start3A_131 : memref<800000x128xf32, #tpu.memory_space<hbm>>) target(%dma_start3A_121 : memref<128x128xf32, #tpu.memory_space<vmem>>) offsets(%dma_start3A_128 : memref<128xi32, #tpu.memory_space<vmem>>) semaphore(%arg12 : memref<!tpu.dma_semaphore, #tpu.memory_space<semaphore_mem>>)
    %dma_wait3A_132 = arith.constant 1 : i32
    %dma_wait3A_133 = arith.constant 0 : i32
    %dma_wait3A_134 = arith.constant 0 : i32
    %dma_wait3A_135 = tpu.memref_slice %arg5[%dma_wait3A_132, %dma_wait3A_133, %dma_wait3A_134] : memref<5x8x128xi32, #tpu.memory_space<vmem>> -> memref<1x8x128xi32, #tpu.memory_space<vmem>>
    %dma_wait3A_136 = tpu.memref_squeeze %dma_wait3A_135 : memref<1x8x128xi32, #tpu.memory_space<vmem>> -> memref<8x128xi32, #tpu.memory_space<vmem>>
    %dma_wait3A_137 = arith.constant 0 : i32
    %dma_wait3A_138 = arith.constant 0 : i32
    %dma_wait3A_139 = tpu.memref_slice %arg3[%mul3A_2, %dma_wait3A_137, %dma_wait3A_138] : memref<1600x8x128xi32, #tpu.memory_space<hbm>> -> memref<1x8x128xi32, #tpu.memory_space<hbm>>
    %dma_wait3A_140 = tpu.memref_squeeze %dma_wait3A_139 : memref<1x8x128xi32, #tpu.memory_space<hbm>> -> memref<8x128xi32, #tpu.memory_space<hbm>>
    %dma_wait3A_141 = arith.constant 0 : i32
    %dma_wait3A_142 = arith.constant 0 : i32
    %dma_wait3A_143 = tpu.memref_slice %arg5[%dma_wait3A_132, %dma_wait3A_141, %dma_wait3A_142] : memref<5x8x128xi32, #tpu.memory_space<vmem>> -> memref<1x8x128xi32, #tpu.memory_space<vmem>>
    %dma_wait3A_144 = tpu.memref_squeeze %dma_wait3A_143 : memref<1x8x128xi32, #tpu.memory_space<vmem>> -> memref<8x128xi32, #tpu.memory_space<vmem>>
    %dma_wait3A_145 = arith.constant 0 : i32
    %dma_wait3A_146 = arith.constant 0 : i32
    %dma_wait3A_147 = tpu.memref_slice %arg3[%mul3A_2, %dma_wait3A_145, %dma_wait3A_146] : memref<1600x8x128xi32, #tpu.memory_space<hbm>> -> memref<1x8x128xi32, #tpu.memory_space<hbm>>
    %dma_wait3A_148 = tpu.memref_squeeze %dma_wait3A_147 : memref<1x8x128xi32, #tpu.memory_space<hbm>> -> memref<8x128xi32, #tpu.memory_space<hbm>>
    tpu.wait_dma2 semaphore(%arg8 : memref<!tpu.dma_semaphore, #tpu.memory_space<semaphore_mem>>) src(%dma_wait3A_148 : memref<8x128xi32, #tpu.memory_space<hbm>>) dst(%dma_wait3A_144 : memref<8x128xi32, #tpu.memory_space<vmem>>)
    %dma_start3A_149 = arith.constant 1 : i32
    %dma_start3A_150 = arith.constant 0 : i32
    %dma_start3A_151 = arith.constant 1 : i32
    %dma_start3A_152 = arith.constant 0 : i32
    %dma_start3A_153 = arith.constant 0 : i32
    %dma_start3A_154 = tpu.memref_slice %arg6[%dma_start3A_151, %dma_start3A_152, %dma_start3A_153] : memref<5x128x128xf32, #tpu.memory_space<vmem>> -> memref<1x128x128xf32, #tpu.memory_space<vmem>>
    %dma_start3A_155 = tpu.memref_squeeze %dma_start3A_154 : memref<1x128x128xf32, #tpu.memory_space<vmem>> -> memref<128x128xf32, #tpu.memory_space<vmem>>
    %dma_start3A_156 = arith.constant 0 : i32
    %dma_start3A_157 = arith.constant 0 : i32
    %dma_start3A_158 = tpu.memref_slice %arg5[%dma_start3A_149, %dma_start3A_156, %dma_start3A_157] : memref<5x8x128xi32, #tpu.memory_space<vmem>> -> memref<1x8x128xi32, #tpu.memory_space<vmem>>
    %dma_start3A_159 = tpu.memref_squeeze %dma_start3A_158 : memref<1x8x128xi32, #tpu.memory_space<vmem>> -> memref<8x128xi32, #tpu.memory_space<vmem>>
    %dma_start3A_160 = arith.constant 0 : i32
    %dma_start3A_161 = tpu.memref_slice %dma_start3A_159[%dma_start3A_150, %dma_start3A_160] : memref<8x128xi32, #tpu.memory_space<vmem>> -> memref<1x128xi32, #tpu.memory_space<vmem>>
    %dma_start3A_162 = tpu.memref_squeeze %dma_start3A_161 : memref<1x128xi32, #tpu.memory_space<vmem>> -> memref<128xi32, #tpu.memory_space<vmem>>
    %dma_start3A_163 = arith.constant 0 : i32
    %dma_start3A_164 = arith.constant 0 : i32
    %dma_start3A_165 = tpu.memref_slice %arg2[%dma_start3A_163, %dma_start3A_164] : memref<800000x128xf32, #tpu.memory_space<hbm>> -> memref<800000x128xf32, #tpu.memory_space<hbm>>
    tpu.enqueue_indirect_dma source(%dma_start3A_165 : memref<800000x128xf32, #tpu.memory_space<hbm>>) target(%dma_start3A_155 : memref<128x128xf32, #tpu.memory_space<vmem>>) offsets(%dma_start3A_162 : memref<128xi32, #tpu.memory_space<vmem>>) semaphore(%arg13 : memref<!tpu.dma_semaphore, #tpu.memory_space<semaphore_mem>>)
    %dma_wait3A_166 = arith.constant 2 : i32
    %dma_wait3A_167 = arith.constant 0 : i32
    %dma_wait3A_168 = arith.constant 0 : i32
    %dma_wait3A_169 = tpu.memref_slice %arg5[%dma_wait3A_166, %dma_wait3A_167, %dma_wait3A_168] : memref<5x8x128xi32, #tpu.memory_space<vmem>> -> memref<1x8x128xi32, #tpu.memory_space<vmem>>
    %dma_wait3A_170 = tpu.memref_squeeze %dma_wait3A_169 : memref<1x8x128xi32, #tpu.memory_space<vmem>> -> memref<8x128xi32, #tpu.memory_space<vmem>>
    %dma_wait3A_171 = arith.constant 0 : i32
    %dma_wait3A_172 = arith.constant 0 : i32
    %dma_wait3A_173 = tpu.memref_slice %arg3[%mul3A_2, %dma_wait3A_171, %dma_wait3A_172] : memref<1600x8x128xi32, #tpu.memory_space<hbm>> -> memref<1x8x128xi32, #tpu.memory_space<hbm>>
    %dma_wait3A_174 = tpu.memref_squeeze %dma_wait3A_173 : memref<1x8x128xi32, #tpu.memory_space<hbm>> -> memref<8x128xi32, #tpu.memory_space<hbm>>
    %dma_wait3A_175 = arith.constant 0 : i32
    %dma_wait3A_176 = arith.constant 0 : i32
    %dma_wait3A_177 = tpu.memref_slice %arg5[%dma_wait3A_166, %dma_wait3A_175, %dma_wait3A_176] : memref<5x8x128xi32, #tpu.memory_space<vmem>> -> memref<1x8x128xi32, #tpu.memory_space<vmem>>
    %dma_wait3A_178 = tpu.memref_squeeze %dma_wait3A_177 : memref<1x8x128xi32, #tpu.memory_space<vmem>> -> memref<8x128xi32, #tpu.memory_space<vmem>>
    %dma_wait3A_179 = arith.constant 0 : i32
    %dma_wait3A_180 = arith.constant 0 : i32
    %dma_wait3A_181 = tpu.memref_slice %arg3[%mul3A_2, %dma_wait3A_179, %dma_wait3A_180] : memref<1600x8x128xi32, #tpu.memory_space<hbm>> -> memref<1x8x128xi32, #tpu.memory_space<hbm>>
    %dma_wait3A_182 = tpu.memref_squeeze %dma_wait3A_181 : memref<1x8x128xi32, #tpu.memory_space<hbm>> -> memref<8x128xi32, #tpu.memory_space<hbm>>
    tpu.wait_dma2 semaphore(%arg9 : memref<!tpu.dma_semaphore, #tpu.memory_space<semaphore_mem>>) src(%dma_wait3A_182 : memref<8x128xi32, #tpu.memory_space<hbm>>) dst(%dma_wait3A_178 : memref<8x128xi32, #tpu.memory_space<vmem>>)
    %dma_start3A_183 = arith.constant 2 : i32
    %dma_start3A_184 = arith.constant 0 : i32
    %dma_start3A_185 = arith.constant 2 : i32
    %dma_start3A_186 = arith.constant 0 : i32
    %dma_start3A_187 = arith.constant 0 : i32
    %dma_start3A_188 = tpu.memref_slice %arg6[%dma_start3A_185, %dma_start3A_186, %dma_start3A_187] : memref<5x128x128xf32, #tpu.memory_space<vmem>> -> memref<1x128x128xf32, #tpu.memory_space<vmem>>
    %dma_start3A_189 = tpu.memref_squeeze %dma_start3A_188 : memref<1x128x128xf32, #tpu.memory_space<vmem>> -> memref<128x128xf32, #tpu.memory_space<vmem>>
    %dma_start3A_190 = arith.constant 0 : i32
    %dma_start3A_191 = arith.constant 0 : i32
    %dma_start3A_192 = tpu.memref_slice %arg5[%dma_start3A_183, %dma_start3A_190, %dma_start3A_191] : memref<5x8x128xi32, #tpu.memory_space<vmem>> -> memref<1x8x128xi32, #tpu.memory_space<vmem>>
    %dma_start3A_193 = tpu.memref_squeeze %dma_start3A_192 : memref<1x8x128xi32, #tpu.memory_space<vmem>> -> memref<8x128xi32, #tpu.memory_space<vmem>>
    %dma_start3A_194 = arith.constant 0 : i32
    %dma_start3A_195 = tpu.memref_slice %dma_start3A_193[%dma_start3A_184, %dma_start3A_194] : memref<8x128xi32, #tpu.memory_space<vmem>> -> memref<1x128xi32, #tpu.memory_space<vmem>>
    %dma_start3A_196 = tpu.memref_squeeze %dma_start3A_195 : memref<1x128xi32, #tpu.memory_space<vmem>> -> memref<128xi32, #tpu.memory_space<vmem>>
    %dma_start3A_197 = arith.constant 0 : i32
    %dma_start3A_198 = arith.constant 0 : i32
    %dma_start3A_199 = tpu.memref_slice %arg2[%dma_start3A_197, %dma_start3A_198] : memref<800000x128xf32, #tpu.memory_space<hbm>> -> memref<800000x128xf32, #tpu.memory_space<hbm>>
    tpu.enqueue_indirect_dma source(%dma_start3A_199 : memref<800000x128xf32, #tpu.memory_space<hbm>>) target(%dma_start3A_189 : memref<128x128xf32, #tpu.memory_space<vmem>>) offsets(%dma_start3A_196 : memref<128xi32, #tpu.memory_space<vmem>>) semaphore(%arg14 : memref<!tpu.dma_semaphore, #tpu.memory_space<semaphore_mem>>)
    %dma_wait3A_200 = arith.constant 3 : i32
    %dma_wait3A_201 = arith.constant 0 : i32
    %dma_wait3A_202 = arith.constant 0 : i32
    %dma_wait3A_203 = tpu.memref_slice %arg5[%dma_wait3A_200, %dma_wait3A_201, %dma_wait3A_202] : memref<5x8x128xi32, #tpu.memory_space<vmem>> -> memref<1x8x128xi32, #tpu.memory_space<vmem>>
    %dma_wait3A_204 = tpu.memref_squeeze %dma_wait3A_203 : memref<1x8x128xi32, #tpu.memory_space<vmem>> -> memref<8x128xi32, #tpu.memory_space<vmem>>
    %dma_wait3A_205 = arith.constant 0 : i32
    %dma_wait3A_206 = arith.constant 0 : i32
    %dma_wait3A_207 = tpu.memref_slice %arg3[%mul3A_2, %dma_wait3A_205, %dma_wait3A_206] : memref<1600x8x128xi32, #tpu.memory_space<hbm>> -> memref<1x8x128xi32, #tpu.memory_space<hbm>>
    %dma_wait3A_208 = tpu.memref_squeeze %dma_wait3A_207 : memref<1x8x128xi32, #tpu.memory_space<hbm>> -> memref<8x128xi32, #tpu.memory_space<hbm>>
    %dma_wait3A_209 = arith.constant 0 : i32
    %dma_wait3A_210 = arith.constant 0 : i32
    %dma_wait3A_211 = tpu.memref_slice %arg5[%dma_wait3A_200, %dma_wait3A_209, %dma_wait3A_210] : memref<5x8x128xi32, #tpu.memory_space<vmem>> -> memref<1x8x128xi32, #tpu.memory_space<vmem>>
    %dma_wait3A_212 = tpu.memref_squeeze %dma_wait3A_211 : memref<1x8x128xi32, #tpu.memory_space<vmem>> -> memref<8x128xi32, #tpu.memory_space<vmem>>
    %dma_wait3A_213 = arith.constant 0 : i32
    %dma_wait3A_214 = arith.constant 0 : i32
    %dma_wait3A_215 = tpu.memref_slice %arg3[%mul3A_2, %dma_wait3A_213, %dma_wait3A_214] : memref<1600x8x128xi32, #tpu.memory_space<hbm>> -> memref<1x8x128xi32, #tpu.memory_space<hbm>>
    %dma_wait3A_216 = tpu.memref_squeeze %dma_wait3A_215 : memref<1x8x128xi32, #tpu.memory_space<hbm>> -> memref<8x128xi32, #tpu.memory_space<hbm>>
    tpu.wait_dma2 semaphore(%arg10 : memref<!tpu.dma_semaphore, #tpu.memory_space<semaphore_mem>>) src(%dma_wait3A_216 : memref<8x128xi32, #tpu.memory_space<hbm>>) dst(%dma_wait3A_212 : memref<8x128xi32, #tpu.memory_space<vmem>>)
    %dma_start3A_217 = arith.constant 3 : i32
    %dma_start3A_218 = arith.constant 0 : i32
    %dma_start3A_219 = arith.constant 3 : i32
    %dma_start3A_220 = arith.constant 0 : i32
    %dma_start3A_221 = arith.constant 0 : i32
    %dma_start3A_222 = tpu.memref_slice %arg6[%dma_start3A_219, %dma_start3A_220, %dma_start3A_221] : memref<5x128x128xf32, #tpu.memory_space<vmem>> -> memref<1x128x128xf32, #tpu.memory_space<vmem>>
    %dma_start3A_223 = tpu.memref_squeeze %dma_start3A_222 : memref<1x128x128xf32, #tpu.memory_space<vmem>> -> memref<128x128xf32, #tpu.memory_space<vmem>>
    %dma_start3A_224 = arith.constant 0 : i32
    %dma_start3A_225 = arith.constant 0 : i32
    %dma_start3A_226 = tpu.memref_slice %arg5[%dma_start3A_217, %dma_start3A_224, %dma_start3A_225] : memref<5x8x128xi32, #tpu.memory_space<vmem>> -> memref<1x8x128xi32, #tpu.memory_space<vmem>>
    %dma_start3A_227 = tpu.memref_squeeze %dma_start3A_226 : memref<1x8x128xi32, #tpu.memory_space<vmem>> -> memref<8x128xi32, #tpu.memory_space<vmem>>
    %dma_start3A_228 = arith.constant 0 : i32
    %dma_start3A_229 = tpu.memref_slice %dma_start3A_227[%dma_start3A_218, %dma_start3A_228] : memref<8x128xi32, #tpu.memory_space<vmem>> -> memref<1x128xi32, #tpu.memory_space<vmem>>
    %dma_start3A_230 = tpu.memref_squeeze %dma_start3A_229 : memref<1x128xi32, #tpu.memory_space<vmem>> -> memref<128xi32, #tpu.memory_space<vmem>>
    %dma_start3A_231 = arith.constant 0 : i32
    %dma_start3A_232 = arith.constant 0 : i32
    %dma_start3A_233 = tpu.memref_slice %arg2[%dma_start3A_231, %dma_start3A_232] : memref<800000x128xf32, #tpu.memory_space<hbm>> -> memref<800000x128xf32, #tpu.memory_space<hbm>>
    tpu.enqueue_indirect_dma source(%dma_start3A_233 : memref<800000x128xf32, #tpu.memory_space<hbm>>) target(%dma_start3A_223 : memref<128x128xf32, #tpu.memory_space<vmem>>) offsets(%dma_start3A_230 : memref<128xi32, #tpu.memory_space<vmem>>) semaphore(%arg15 : memref<!tpu.dma_semaphore, #tpu.memory_space<semaphore_mem>>)
    %dma_wait3A_234 = arith.constant 4 : i32
    %dma_wait3A_235 = arith.constant 0 : i32
    %dma_wait3A_236 = arith.constant 0 : i32
    %dma_wait3A_237 = tpu.memref_slice %arg5[%dma_wait3A_234, %dma_wait3A_235, %dma_wait3A_236] : memref<5x8x128xi32, #tpu.memory_space<vmem>> -> memref<1x8x128xi32, #tpu.memory_space<vmem>>
    %dma_wait3A_238 = tpu.memref_squeeze %dma_wait3A_237 : memref<1x8x128xi32, #tpu.memory_space<vmem>> -> memref<8x128xi32, #tpu.memory_space<vmem>>
    %dma_wait3A_239 = arith.constant 0 : i32
    %dma_wait3A_240 = arith.constant 0 : i32
    %dma_wait3A_241 = tpu.memref_slice %arg3[%mul3A_2, %dma_wait3A_239, %dma_wait3A_240] : memref<1600x8x128xi32, #tpu.memory_space<hbm>> -> memref<1x8x128xi32, #tpu.memory_space<hbm>>
    %dma_wait3A_242 = tpu.memref_squeeze %dma_wait3A_241 : memref<1x8x128xi32, #tpu.memory_space<hbm>> -> memref<8x128xi32, #tpu.memory_space<hbm>>
    %dma_wait3A_243 = arith.constant 0 : i32
    %dma_wait3A_244 = arith.constant 0 : i32
    %dma_wait3A_245 = tpu.memref_slice %arg5[%dma_wait3A_234, %dma_wait3A_243, %dma_wait3A_244] : memref<5x8x128xi32, #tpu.memory_space<vmem>> -> memref<1x8x128xi32, #tpu.memory_space<vmem>>
    %dma_wait3A_246 = tpu.memref_squeeze %dma_wait3A_245 : memref<1x8x128xi32, #tpu.memory_space<vmem>> -> memref<8x128xi32, #tpu.memory_space<vmem>>
    %dma_wait3A_247 = arith.constant 0 : i32
    %dma_wait3A_248 = arith.constant 0 : i32
    %dma_wait3A_249 = tpu.memref_slice %arg3[%mul3A_2, %dma_wait3A_247, %dma_wait3A_248] : memref<1600x8x128xi32, #tpu.memory_space<hbm>> -> memref<1x8x128xi32, #tpu.memory_space<hbm>>
    %dma_wait3A_250 = tpu.memref_squeeze %dma_wait3A_249 : memref<1x8x128xi32, #tpu.memory_space<hbm>> -> memref<8x128xi32, #tpu.memory_space<hbm>>
    tpu.wait_dma2 semaphore(%arg11 : memref<!tpu.dma_semaphore, #tpu.memory_space<semaphore_mem>>) src(%dma_wait3A_250 : memref<8x128xi32, #tpu.memory_space<hbm>>) dst(%dma_wait3A_246 : memref<8x128xi32, #tpu.memory_space<vmem>>)
    %dma_start3A_251 = arith.constant 4 : i32
    %dma_start3A_252 = arith.constant 0 : i32
    %dma_start3A_253 = arith.constant 4 : i32
    %dma_start3A_254 = arith.constant 0 : i32
    %dma_start3A_255 = arith.constant 0 : i32
    %dma_start3A_256 = tpu.memref_slice %arg6[%dma_start3A_253, %dma_start3A_254, %dma_start3A_255] : memref<5x128x128xf32, #tpu.memory_space<vmem>> -> memref<1x128x128xf32, #tpu.memory_space<vmem>>
    %dma_start3A_257 = tpu.memref_squeeze %dma_start3A_256 : memref<1x128x128xf32, #tpu.memory_space<vmem>> -> memref<128x128xf32, #tpu.memory_space<vmem>>
    %dma_start3A_258 = arith.constant 0 : i32
    %dma_start3A_259 = arith.constant 0 : i32
    %dma_start3A_260 = tpu.memref_slice %arg5[%dma_start3A_251, %dma_start3A_258, %dma_start3A_259] : memref<5x8x128xi32, #tpu.memory_space<vmem>> -> memref<1x8x128xi32, #tpu.memory_space<vmem>>
    %dma_start3A_261 = tpu.memref_squeeze %dma_start3A_260 : memref<1x8x128xi32, #tpu.memory_space<vmem>> -> memref<8x128xi32, #tpu.memory_space<vmem>>
    %dma_start3A_262 = arith.constant 0 : i32
    %dma_start3A_263 = tpu.memref_slice %dma_start3A_261[%dma_start3A_252, %dma_start3A_262] : memref<8x128xi32, #tpu.memory_space<vmem>> -> memref<1x128xi32, #tpu.memory_space<vmem>>
    %dma_start3A_264 = tpu.memref_squeeze %dma_start3A_263 : memref<1x128xi32, #tpu.memory_space<vmem>> -> memref<128xi32, #tpu.memory_space<vmem>>
    %dma_start3A_265 = arith.constant 0 : i32
    %dma_start3A_266 = arith.constant 0 : i32
    %dma_start3A_267 = tpu.memref_slice %arg2[%dma_start3A_265, %dma_start3A_266] : memref<800000x128xf32, #tpu.memory_space<hbm>> -> memref<800000x128xf32, #tpu.memory_space<hbm>>
    tpu.enqueue_indirect_dma source(%dma_start3A_267 : memref<800000x128xf32, #tpu.memory_space<hbm>>) target(%dma_start3A_257 : memref<128x128xf32, #tpu.memory_space<vmem>>) offsets(%dma_start3A_264 : memref<128xi32, #tpu.memory_space<vmem>>) semaphore(%arg16 : memref<!tpu.dma_semaphore, #tpu.memory_space<semaphore_mem>>)
    %scan3A = arith.constant 0 : i32
    %scan3A_268 = arith.constant 0 : i32
    %scan3A_269 = arith.constant 9 : i32
    %scan3A_270 = arith.addi %scan3A_268, %scan3A_269 : i32
    %scan3A_271 = arith.constant 1 : i32
    scf.for %scan3A_1688 = %scan3A_268 to %scan3A_270 step %scan3A_271  : i32 {
      %mul3A_1689 = arith.constant 5 : i32
      %mul3A_1690 = arith.muli %scan3A_1688, %mul3A_1689 : i32
      %dma_wait3A_1691 = arith.constant 0 : i32
      %dma_wait3A_1692 = arith.constant 0 : i32
      %dma_wait3A_1693 = arith.constant 0 : i32
      %dma_wait3A_1694 = arith.constant 0 : i32
      %dma_wait3A_1695 = arith.constant 0 : i32
      %dma_wait3A_1696 = tpu.memref_slice %arg6[%dma_wait3A_1693, %dma_wait3A_1694, %dma_wait3A_1695] : memref<5x128x128xf32, #tpu.memory_space<vmem>> -> memref<1x128x128xf32, #tpu.memory_space<vmem>>
      %dma_wait3A_1697 = tpu.memref_squeeze %dma_wait3A_1696 : memref<1x128x128xf32, #tpu.memory_space<vmem>> -> memref<128x128xf32, #tpu.memory_space<vmem>>
      %dma_wait3A_1698 = arith.constant 0 : i32
      %dma_wait3A_1699 = arith.constant 0 : i32
      %dma_wait3A_1700 = tpu.memref_slice %arg5[%dma_wait3A_1691, %dma_wait3A_1698, %dma_wait3A_1699] : memref<5x8x128xi32, #tpu.memory_space<vmem>> -> memref<1x8x128xi32, #tpu.memory_space<vmem>>
      %dma_wait3A_1701 = tpu.memref_squeeze %dma_wait3A_1700 : memref<1x8x128xi32, #tpu.memory_space<vmem>> -> memref<8x128xi32, #tpu.memory_space<vmem>>
      %dma_wait3A_1702 = arith.constant 0 : i32
      %dma_wait3A_1703 = tpu.memref_slice %dma_wait3A_1701[%dma_wait3A_1692, %dma_wait3A_1702] : memref<8x128xi32, #tpu.memory_space<vmem>> -> memref<1x128xi32, #tpu.memory_space<vmem>>
      %dma_wait3A_1704 = tpu.memref_squeeze %dma_wait3A_1703 : memref<1x128xi32, #tpu.memory_space<vmem>> -> memref<128xi32, #tpu.memory_space<vmem>>
      %dma_wait3A_1705 = arith.constant 0 : i32
      %dma_wait3A_1706 = arith.constant 0 : i32
      %dma_wait3A_1707 = tpu.memref_slice %arg2[%dma_wait3A_1705, %dma_wait3A_1706] : memref<800000x128xf32, #tpu.memory_space<hbm>> -> memref<800000x128xf32, #tpu.memory_space<hbm>>
      tpu.wait_indirect_dma semaphore(%arg12 : memref<!tpu.dma_semaphore, #tpu.memory_space<semaphore_mem>>) src(%dma_wait3A_1707 : memref<800000x128xf32, #tpu.memory_space<hbm>>) dst(%dma_wait3A_1697 : memref<128x128xf32, #tpu.memory_space<vmem>>)
      %dma_start3A_1708 = arith.constant 0 : i32
      %dma_start3A_1709 = arith.constant 1 : i32
      %dma_start3A_1710 = arith.constant 0 : i32
      %dma_start3A_1711 = arith.constant 0 : i32
      %dma_start3A_1712 = arith.constant 0 : i32
      %dma_start3A_1713 = tpu.memref_slice %arg6[%dma_start3A_1710, %dma_start3A_1711, %dma_start3A_1712] : memref<5x128x128xf32, #tpu.memory_space<vmem>> -> memref<1x128x128xf32, #tpu.memory_space<vmem>>
      %dma_start3A_1714 = tpu.memref_squeeze %dma_start3A_1713 : memref<1x128x128xf32, #tpu.memory_space<vmem>> -> memref<128x128xf32, #tpu.memory_space<vmem>>
      %dma_start3A_1715 = arith.constant 0 : i32
      %dma_start3A_1716 = arith.constant 0 : i32
      %dma_start3A_1717 = tpu.memref_slice %arg5[%dma_start3A_1708, %dma_start3A_1715, %dma_start3A_1716] : memref<5x8x128xi32, #tpu.memory_space<vmem>> -> memref<1x8x128xi32, #tpu.memory_space<vmem>>
      %dma_start3A_1718 = tpu.memref_squeeze %dma_start3A_1717 : memref<1x8x128xi32, #tpu.memory_space<vmem>> -> memref<8x128xi32, #tpu.memory_space<vmem>>
      %dma_start3A_1719 = arith.constant 0 : i32
      %dma_start3A_1720 = tpu.memref_slice %dma_start3A_1718[%dma_start3A_1709, %dma_start3A_1719] : memref<8x128xi32, #tpu.memory_space<vmem>> -> memref<1x128xi32, #tpu.memory_space<vmem>>
      %dma_start3A_1721 = tpu.memref_squeeze %dma_start3A_1720 : memref<1x128xi32, #tpu.memory_space<vmem>> -> memref<128xi32, #tpu.memory_space<vmem>>
      %dma_start3A_1722 = arith.constant 0 : i32
      %dma_start3A_1723 = arith.constant 0 : i32
      %dma_start3A_1724 = tpu.memref_slice %arg2[%dma_start3A_1722, %dma_start3A_1723] : memref<800000x128xf32, #tpu.memory_space<hbm>> -> memref<800000x128xf32, #tpu.memory_space<hbm>>
      tpu.enqueue_indirect_dma source(%dma_start3A_1724 : memref<800000x128xf32, #tpu.memory_space<hbm>>) target(%dma_start3A_1714 : memref<128x128xf32, #tpu.memory_space<vmem>>) offsets(%dma_start3A_1721 : memref<128xi32, #tpu.memory_space<vmem>>) semaphore(%arg17 : memref<!tpu.dma_semaphore, #tpu.memory_space<semaphore_mem>>) {add = true}
      %dma_start3A_1725 = arith.constant 0 : i32
      %dma_start3A_1726 = arith.constant 2 : i32
      %dma_start3A_1727 = arith.constant 0 : i32
      %dma_start3A_1728 = arith.constant 0 : i32
      %dma_start3A_1729 = arith.constant 0 : i32
      %dma_start3A_1730 = tpu.memref_slice %arg6[%dma_start3A_1727, %dma_start3A_1728, %dma_start3A_1729] : memref<5x128x128xf32, #tpu.memory_space<vmem>> -> memref<1x128x128xf32, #tpu.memory_space<vmem>>
      %dma_start3A_1731 = tpu.memref_squeeze %dma_start3A_1730 : memref<1x128x128xf32, #tpu.memory_space<vmem>> -> memref<128x128xf32, #tpu.memory_space<vmem>>
      %dma_start3A_1732 = arith.constant 0 : i32
      %dma_start3A_1733 = arith.constant 0 : i32
      %dma_start3A_1734 = tpu.memref_slice %arg5[%dma_start3A_1725, %dma_start3A_1732, %dma_start3A_1733] : memref<5x8x128xi32, #tpu.memory_space<vmem>> -> memref<1x8x128xi32, #tpu.memory_space<vmem>>
      %dma_start3A_1735 = tpu.memref_squeeze %dma_start3A_1734 : memref<1x8x128xi32, #tpu.memory_space<vmem>> -> memref<8x128xi32, #tpu.memory_space<vmem>>
      %dma_start3A_1736 = arith.constant 0 : i32
      %dma_start3A_1737 = tpu.memref_slice %dma_start3A_1735[%dma_start3A_1726, %dma_start3A_1736] : memref<8x128xi32, #tpu.memory_space<vmem>> -> memref<1x128xi32, #tpu.memory_space<vmem>>
      %dma_start3A_1738 = tpu.memref_squeeze %dma_start3A_1737 : memref<1x128xi32, #tpu.memory_space<vmem>> -> memref<128xi32, #tpu.memory_space<vmem>>
      %dma_start3A_1739 = arith.constant 0 : i32
      %dma_start3A_1740 = arith.constant 0 : i32
      %dma_start3A_1741 = tpu.memref_slice %arg2[%dma_start3A_1739, %dma_start3A_1740] : memref<800000x128xf32, #tpu.memory_space<hbm>> -> memref<800000x128xf32, #tpu.memory_space<hbm>>
      tpu.enqueue_indirect_dma source(%dma_start3A_1741 : memref<800000x128xf32, #tpu.memory_space<hbm>>) target(%dma_start3A_1731 : memref<128x128xf32, #tpu.memory_space<vmem>>) offsets(%dma_start3A_1738 : memref<128xi32, #tpu.memory_space<vmem>>) semaphore(%arg17 : memref<!tpu.dma_semaphore, #tpu.memory_space<semaphore_mem>>) {add = true}
      %dma_start3A_1742 = arith.constant 0 : i32
      %dma_start3A_1743 = arith.constant 3 : i32
      %dma_start3A_1744 = arith.constant 0 : i32
      %dma_start3A_1745 = arith.constant 0 : i32
      %dma_start3A_1746 = arith.constant 0 : i32
      %dma_start3A_1747 = tpu.memref_slice %arg6[%dma_start3A_1744, %dma_start3A_1745, %dma_start3A_1746] : memref<5x128x128xf32, #tpu.memory_space<vmem>> -> memref<1x128x128xf32, #tpu.memory_space<vmem>>
      %dma_start3A_1748 = tpu.memref_squeeze %dma_start3A_1747 : memref<1x128x128xf32, #tpu.memory_space<vmem>> -> memref<128x128xf32, #tpu.memory_space<vmem>>
      %dma_start3A_1749 = arith.constant 0 : i32
      %dma_start3A_1750 = arith.constant 0 : i32
      %dma_start3A_1751 = tpu.memref_slice %arg5[%dma_start3A_1742, %dma_start3A_1749, %dma_start3A_1750] : memref<5x8x128xi32, #tpu.memory_space<vmem>> -> memref<1x8x128xi32, #tpu.memory_space<vmem>>
      %dma_start3A_1752 = tpu.memref_squeeze %dma_start3A_1751 : memref<1x8x128xi32, #tpu.memory_space<vmem>> -> memref<8x128xi32, #tpu.memory_space<vmem>>
      %dma_start3A_1753 = arith.constant 0 : i32
      %dma_start3A_1754 = tpu.memref_slice %dma_start3A_1752[%dma_start3A_1743, %dma_start3A_1753] : memref<8x128xi32, #tpu.memory_space<vmem>> -> memref<1x128xi32, #tpu.memory_space<vmem>>
      %dma_start3A_1755 = tpu.memref_squeeze %dma_start3A_1754 : memref<1x128xi32, #tpu.memory_space<vmem>> -> memref<128xi32, #tpu.memory_space<vmem>>
      %dma_start3A_1756 = arith.constant 0 : i32
      %dma_start3A_1757 = arith.constant 0 : i32
      %dma_start3A_1758 = tpu.memref_slice %arg2[%dma_start3A_1756, %dma_start3A_1757] : memref<800000x128xf32, #tpu.memory_space<hbm>> -> memref<800000x128xf32, #tpu.memory_space<hbm>>
      tpu.enqueue_indirect_dma source(%dma_start3A_1758 : memref<800000x128xf32, #tpu.memory_space<hbm>>) target(%dma_start3A_1748 : memref<128x128xf32, #tpu.memory_space<vmem>>) offsets(%dma_start3A_1755 : memref<128xi32, #tpu.memory_space<vmem>>) semaphore(%arg17 : memref<!tpu.dma_semaphore, #tpu.memory_space<semaphore_mem>>) {add = true}
      %dma_start3A_1759 = arith.constant 0 : i32
      %dma_start3A_1760 = arith.constant 4 : i32
      %dma_start3A_1761 = arith.constant 0 : i32
      %dma_start3A_1762 = arith.constant 0 : i32
      %dma_start3A_1763 = arith.constant 0 : i32
      %dma_start3A_1764 = tpu.memref_slice %arg6[%dma_start3A_1761, %dma_start3A_1762, %dma_start3A_1763] : memref<5x128x128xf32, #tpu.memory_space<vmem>> -> memref<1x128x128xf32, #tpu.memory_space<vmem>>
      %dma_start3A_1765 = tpu.memref_squeeze %dma_start3A_1764 : memref<1x128x128xf32, #tpu.memory_space<vmem>> -> memref<128x128xf32, #tpu.memory_space<vmem>>
      %dma_start3A_1766 = arith.constant 0 : i32
      %dma_start3A_1767 = arith.constant 0 : i32
      %dma_start3A_1768 = tpu.memref_slice %arg5[%dma_start3A_1759, %dma_start3A_1766, %dma_start3A_1767] : memref<5x8x128xi32, #tpu.memory_space<vmem>> -> memref<1x8x128xi32, #tpu.memory_space<vmem>>
      %dma_start3A_1769 = tpu.memref_squeeze %dma_start3A_1768 : memref<1x8x128xi32, #tpu.memory_space<vmem>> -> memref<8x128xi32, #tpu.memory_space<vmem>>
      %dma_start3A_1770 = arith.constant 0 : i32
      %dma_start3A_1771 = tpu.memref_slice %dma_start3A_1769[%dma_start3A_1760, %dma_start3A_1770] : memref<8x128xi32, #tpu.memory_space<vmem>> -> memref<1x128xi32, #tpu.memory_space<vmem>>
      %dma_start3A_1772 = tpu.memref_squeeze %dma_start3A_1771 : memref<1x128xi32, #tpu.memory_space<vmem>> -> memref<128xi32, #tpu.memory_space<vmem>>
      %dma_start3A_1773 = arith.constant 0 : i32
      %dma_start3A_1774 = arith.constant 0 : i32
      %dma_start3A_1775 = tpu.memref_slice %arg2[%dma_start3A_1773, %dma_start3A_1774] : memref<800000x128xf32, #tpu.memory_space<hbm>> -> memref<800000x128xf32, #tpu.memory_space<hbm>>
      tpu.enqueue_indirect_dma source(%dma_start3A_1775 : memref<800000x128xf32, #tpu.memory_space<hbm>>) target(%dma_start3A_1765 : memref<128x128xf32, #tpu.memory_space<vmem>>) offsets(%dma_start3A_1772 : memref<128xi32, #tpu.memory_space<vmem>>) semaphore(%arg17 : memref<!tpu.dma_semaphore, #tpu.memory_space<semaphore_mem>>) {add = true}
      %dma_start3A_1776 = arith.constant 0 : i32
      %dma_start3A_1777 = arith.constant 5 : i32
      %dma_start3A_1778 = arith.constant 0 : i32
      %dma_start3A_1779 = arith.constant 0 : i32
      %dma_start3A_1780 = arith.constant 0 : i32
      %dma_start3A_1781 = tpu.memref_slice %arg6[%dma_start3A_1778, %dma_start3A_1779, %dma_start3A_1780] : memref<5x128x128xf32, #tpu.memory_space<vmem>> -> memref<1x128x128xf32, #tpu.memory_space<vmem>>
      %dma_start3A_1782 = tpu.memref_squeeze %dma_start3A_1781 : memref<1x128x128xf32, #tpu.memory_space<vmem>> -> memref<128x128xf32, #tpu.memory_space<vmem>>
      %dma_start3A_1783 = arith.constant 0 : i32
      %dma_start3A_1784 = arith.constant 0 : i32
      %dma_start3A_1785 = tpu.memref_slice %arg5[%dma_start3A_1776, %dma_start3A_1783, %dma_start3A_1784] : memref<5x8x128xi32, #tpu.memory_space<vmem>> -> memref<1x8x128xi32, #tpu.memory_space<vmem>>
      %dma_start3A_1786 = tpu.memref_squeeze %dma_start3A_1785 : memref<1x8x128xi32, #tpu.memory_space<vmem>> -> memref<8x128xi32, #tpu.memory_space<vmem>>
      %dma_start3A_1787 = arith.constant 0 : i32
      %dma_start3A_1788 = tpu.memref_slice %dma_start3A_1786[%dma_start3A_1777, %dma_start3A_1787] : memref<8x128xi32, #tpu.memory_space<vmem>> -> memref<1x128xi32, #tpu.memory_space<vmem>>
      %dma_start3A_1789 = tpu.memref_squeeze %dma_start3A_1788 : memref<1x128xi32, #tpu.memory_space<vmem>> -> memref<128xi32, #tpu.memory_space<vmem>>
      %dma_start3A_1790 = arith.constant 0 : i32
      %dma_start3A_1791 = arith.constant 0 : i32
      %dma_start3A_1792 = tpu.memref_slice %arg2[%dma_start3A_1790, %dma_start3A_1791] : memref<800000x128xf32, #tpu.memory_space<hbm>> -> memref<800000x128xf32, #tpu.memory_space<hbm>>
      tpu.enqueue_indirect_dma source(%dma_start3A_1792 : memref<800000x128xf32, #tpu.memory_space<hbm>>) target(%dma_start3A_1782 : memref<128x128xf32, #tpu.memory_space<vmem>>) offsets(%dma_start3A_1789 : memref<128xi32, #tpu.memory_space<vmem>>) semaphore(%arg17 : memref<!tpu.dma_semaphore, #tpu.memory_space<semaphore_mem>>) {add = true}
      %dma_start3A_1793 = arith.constant 0 : i32
      %dma_start3A_1794 = arith.constant 6 : i32
      %dma_start3A_1795 = arith.constant 0 : i32
      %dma_start3A_1796 = arith.constant 0 : i32
      %dma_start3A_1797 = arith.constant 0 : i32
      %dma_start3A_1798 = tpu.memref_slice %arg6[%dma_start3A_1795, %dma_start3A_1796, %dma_start3A_1797] : memref<5x128x128xf32, #tpu.memory_space<vmem>> -> memref<1x128x128xf32, #tpu.memory_space<vmem>>
      %dma_start3A_1799 = tpu.memref_squeeze %dma_start3A_1798 : memref<1x128x128xf32, #tpu.memory_space<vmem>> -> memref<128x128xf32, #tpu.memory_space<vmem>>
      %dma_start3A_1800 = arith.constant 0 : i32
      %dma_start3A_1801 = arith.constant 0 : i32
      %dma_start3A_1802 = tpu.memref_slice %arg5[%dma_start3A_1793, %dma_start3A_1800, %dma_start3A_1801] : memref<5x8x128xi32, #tpu.memory_space<vmem>> -> memref<1x8x128xi32, #tpu.memory_space<vmem>>
      %dma_start3A_1803 = tpu.memref_squeeze %dma_start3A_1802 : memref<1x8x128xi32, #tpu.memory_space<vmem>> -> memref<8x128xi32, #tpu.memory_space<vmem>>
      %dma_start3A_1804 = arith.constant 0 : i32
      %dma_start3A_1805 = tpu.memref_slice %dma_start3A_1803[%dma_start3A_1794, %dma_start3A_1804] : memref<8x128xi32, #tpu.memory_space<vmem>> -> memref<1x128xi32, #tpu.memory_space<vmem>>
      %dma_start3A_1806 = tpu.memref_squeeze %dma_start3A_1805 : memref<1x128xi32, #tpu.memory_space<vmem>> -> memref<128xi32, #tpu.memory_space<vmem>>
      %dma_start3A_1807 = arith.constant 0 : i32
      %dma_start3A_1808 = arith.constant 0 : i32
      %dma_start3A_1809 = tpu.memref_slice %arg2[%dma_start3A_1807, %dma_start3A_1808] : memref<800000x128xf32, #tpu.memory_space<hbm>> -> memref<800000x128xf32, #tpu.memory_space<hbm>>
      tpu.enqueue_indirect_dma source(%dma_start3A_1809 : memref<800000x128xf32, #tpu.memory_space<hbm>>) target(%dma_start3A_1799 : memref<128x128xf32, #tpu.memory_space<vmem>>) offsets(%dma_start3A_1806 : memref<128xi32, #tpu.memory_space<vmem>>) semaphore(%arg17 : memref<!tpu.dma_semaphore, #tpu.memory_space<semaphore_mem>>) {add = true}
      %dma_start3A_1810 = arith.constant 0 : i32
      %dma_start3A_1811 = arith.constant 7 : i32
      %dma_start3A_1812 = arith.constant 0 : i32
      %dma_start3A_1813 = arith.constant 0 : i32
      %dma_start3A_1814 = arith.constant 0 : i32
      %dma_start3A_1815 = tpu.memref_slice %arg6[%dma_start3A_1812, %dma_start3A_1813, %dma_start3A_1814] : memref<5x128x128xf32, #tpu.memory_space<vmem>> -> memref<1x128x128xf32, #tpu.memory_space<vmem>>
      %dma_start3A_1816 = tpu.memref_squeeze %dma_start3A_1815 : memref<1x128x128xf32, #tpu.memory_space<vmem>> -> memref<128x128xf32, #tpu.memory_space<vmem>>
      %dma_start3A_1817 = arith.constant 0 : i32
      %dma_start3A_1818 = arith.constant 0 : i32
      %dma_start3A_1819 = tpu.memref_slice %arg5[%dma_start3A_1810, %dma_start3A_1817, %dma_start3A_1818] : memref<5x8x128xi32, #tpu.memory_space<vmem>> -> memref<1x8x128xi32, #tpu.memory_space<vmem>>
      %dma_start3A_1820 = tpu.memref_squeeze %dma_start3A_1819 : memref<1x8x128xi32, #tpu.memory_space<vmem>> -> memref<8x128xi32, #tpu.memory_space<vmem>>
      %dma_start3A_1821 = arith.constant 0 : i32
      %dma_start3A_1822 = tpu.memref_slice %dma_start3A_1820[%dma_start3A_1811, %dma_start3A_1821] : memref<8x128xi32, #tpu.memory_space<vmem>> -> memref<1x128xi32, #tpu.memory_space<vmem>>
      %dma_start3A_1823 = tpu.memref_squeeze %dma_start3A_1822 : memref<1x128xi32, #tpu.memory_space<vmem>> -> memref<128xi32, #tpu.memory_space<vmem>>
      %dma_start3A_1824 = arith.constant 0 : i32
      %dma_start3A_1825 = arith.constant 0 : i32
      %dma_start3A_1826 = tpu.memref_slice %arg2[%dma_start3A_1824, %dma_start3A_1825] : memref<800000x128xf32, #tpu.memory_space<hbm>> -> memref<800000x128xf32, #tpu.memory_space<hbm>>
      tpu.enqueue_indirect_dma source(%dma_start3A_1826 : memref<800000x128xf32, #tpu.memory_space<hbm>>) target(%dma_start3A_1816 : memref<128x128xf32, #tpu.memory_space<vmem>>) offsets(%dma_start3A_1823 : memref<128xi32, #tpu.memory_space<vmem>>) semaphore(%arg17 : memref<!tpu.dma_semaphore, #tpu.memory_space<semaphore_mem>>) {add = true}
      %dma_wait3A_1827 = arith.constant 1 : i32
      %dma_wait3A_1828 = arith.constant 0 : i32
      %dma_wait3A_1829 = arith.constant 1 : i32
      %dma_wait3A_1830 = arith.constant 0 : i32
      %dma_wait3A_1831 = arith.constant 0 : i32
      %dma_wait3A_1832 = tpu.memref_slice %arg6[%dma_wait3A_1829, %dma_wait3A_1830, %dma_wait3A_1831] : memref<5x128x128xf32, #tpu.memory_space<vmem>> -> memref<1x128x128xf32, #tpu.memory_space<vmem>>
      %dma_wait3A_1833 = tpu.memref_squeeze %dma_wait3A_1832 : memref<1x128x128xf32, #tpu.memory_space<vmem>> -> memref<128x128xf32, #tpu.memory_space<vmem>>
      %dma_wait3A_1834 = arith.constant 0 : i32
      %dma_wait3A_1835 = arith.constant 0 : i32
      %dma_wait3A_1836 = tpu.memref_slice %arg5[%dma_wait3A_1827, %dma_wait3A_1834, %dma_wait3A_1835] : memref<5x8x128xi32, #tpu.memory_space<vmem>> -> memref<1x8x128xi32, #tpu.memory_space<vmem>>
      %dma_wait3A_1837 = tpu.memref_squeeze %dma_wait3A_1836 : memref<1x8x128xi32, #tpu.memory_space<vmem>> -> memref<8x128xi32, #tpu.memory_space<vmem>>
      %dma_wait3A_1838 = arith.constant 0 : i32
      %dma_wait3A_1839 = tpu.memref_slice %dma_wait3A_1837[%dma_wait3A_1828, %dma_wait3A_1838] : memref<8x128xi32, #tpu.memory_space<vmem>> -> memref<1x128xi32, #tpu.memory_space<vmem>>
      %dma_wait3A_1840 = tpu.memref_squeeze %dma_wait3A_1839 : memref<1x128xi32, #tpu.memory_space<vmem>> -> memref<128xi32, #tpu.memory_space<vmem>>
      %dma_wait3A_1841 = arith.constant 0 : i32
      %dma_wait3A_1842 = arith.constant 0 : i32
      %dma_wait3A_1843 = tpu.memref_slice %arg2[%dma_wait3A_1841, %dma_wait3A_1842] : memref<800000x128xf32, #tpu.memory_space<hbm>> -> memref<800000x128xf32, #tpu.memory_space<hbm>>
      tpu.wait_indirect_dma semaphore(%arg13 : memref<!tpu.dma_semaphore, #tpu.memory_space<semaphore_mem>>) src(%dma_wait3A_1843 : memref<800000x128xf32, #tpu.memory_space<hbm>>) dst(%dma_wait3A_1833 : memref<128x128xf32, #tpu.memory_space<vmem>>)
      %dma_start3A_1844 = arith.constant 1 : i32
      %dma_start3A_1845 = arith.constant 1 : i32
      %dma_start3A_1846 = arith.constant 1 : i32
      %dma_start3A_1847 = arith.constant 0 : i32
      %dma_start3A_1848 = arith.constant 0 : i32
      %dma_start3A_1849 = tpu.memref_slice %arg6[%dma_start3A_1846, %dma_start3A_1847, %dma_start3A_1848] : memref<5x128x128xf32, #tpu.memory_space<vmem>> -> memref<1x128x128xf32, #tpu.memory_space<vmem>>
      %dma_start3A_1850 = tpu.memref_squeeze %dma_start3A_1849 : memref<1x128x128xf32, #tpu.memory_space<vmem>> -> memref<128x128xf32, #tpu.memory_space<vmem>>
      %dma_start3A_1851 = arith.constant 0 : i32
      %dma_start3A_1852 = arith.constant 0 : i32
      %dma_start3A_1853 = tpu.memref_slice %arg5[%dma_start3A_1844, %dma_start3A_1851, %dma_start3A_1852] : memref<5x8x128xi32, #tpu.memory_space<vmem>> -> memref<1x8x128xi32, #tpu.memory_space<vmem>>
      %dma_start3A_1854 = tpu.memref_squeeze %dma_start3A_1853 : memref<1x8x128xi32, #tpu.memory_space<vmem>> -> memref<8x128xi32, #tpu.memory_space<vmem>>
      %dma_start3A_1855 = arith.constant 0 : i32
      %dma_start3A_1856 = tpu.memref_slice %dma_start3A_1854[%dma_start3A_1845, %dma_start3A_1855] : memref<8x128xi32, #tpu.memory_space<vmem>> -> memref<1x128xi32, #tpu.memory_space<vmem>>
      %dma_start3A_1857 = tpu.memref_squeeze %dma_start3A_1856 : memref<1x128xi32, #tpu.memory_space<vmem>> -> memref<128xi32, #tpu.memory_space<vmem>>
      %dma_start3A_1858 = arith.constant 0 : i32
      %dma_start3A_1859 = arith.constant 0 : i32
      %dma_start3A_1860 = tpu.memref_slice %arg2[%dma_start3A_1858, %dma_start3A_1859] : memref<800000x128xf32, #tpu.memory_space<hbm>> -> memref<800000x128xf32, #tpu.memory_space<hbm>>
      tpu.enqueue_indirect_dma source(%dma_start3A_1860 : memref<800000x128xf32, #tpu.memory_space<hbm>>) target(%dma_start3A_1850 : memref<128x128xf32, #tpu.memory_space<vmem>>) offsets(%dma_start3A_1857 : memref<128xi32, #tpu.memory_space<vmem>>) semaphore(%arg18 : memref<!tpu.dma_semaphore, #tpu.memory_space<semaphore_mem>>) {add = true}
      %dma_start3A_1861 = arith.constant 1 : i32
      %dma_start3A_1862 = arith.constant 2 : i32
      %dma_start3A_1863 = arith.constant 1 : i32
      %dma_start3A_1864 = arith.constant 0 : i32
      %dma_start3A_1865 = arith.constant 0 : i32
      %dma_start3A_1866 = tpu.memref_slice %arg6[%dma_start3A_1863, %dma_start3A_1864, %dma_start3A_1865] : memref<5x128x128xf32, #tpu.memory_space<vmem>> -> memref<1x128x128xf32, #tpu.memory_space<vmem>>
      %dma_start3A_1867 = tpu.memref_squeeze %dma_start3A_1866 : memref<1x128x128xf32, #tpu.memory_space<vmem>> -> memref<128x128xf32, #tpu.memory_space<vmem>>
      %dma_start3A_1868 = arith.constant 0 : i32
      %dma_start3A_1869 = arith.constant 0 : i32
      %dma_start3A_1870 = tpu.memref_slice %arg5[%dma_start3A_1861, %dma_start3A_1868, %dma_start3A_1869] : memref<5x8x128xi32, #tpu.memory_space<vmem>> -> memref<1x8x128xi32, #tpu.memory_space<vmem>>
      %dma_start3A_1871 = tpu.memref_squeeze %dma_start3A_1870 : memref<1x8x128xi32, #tpu.memory_space<vmem>> -> memref<8x128xi32, #tpu.memory_space<vmem>>
      %dma_start3A_1872 = arith.constant 0 : i32
      %dma_start3A_1873 = tpu.memref_slice %dma_start3A_1871[%dma_start3A_1862, %dma_start3A_1872] : memref<8x128xi32, #tpu.memory_space<vmem>> -> memref<1x128xi32, #tpu.memory_space<vmem>>
      %dma_start3A_1874 = tpu.memref_squeeze %dma_start3A_1873 : memref<1x128xi32, #tpu.memory_space<vmem>> -> memref<128xi32, #tpu.memory_space<vmem>>
      %dma_start3A_1875 = arith.constant 0 : i32
      %dma_start3A_1876 = arith.constant 0 : i32
      %dma_start3A_1877 = tpu.memref_slice %arg2[%dma_start3A_1875, %dma_start3A_1876] : memref<800000x128xf32, #tpu.memory_space<hbm>> -> memref<800000x128xf32, #tpu.memory_space<hbm>>
      tpu.enqueue_indirect_dma source(%dma_start3A_1877 : memref<800000x128xf32, #tpu.memory_space<hbm>>) target(%dma_start3A_1867 : memref<128x128xf32, #tpu.memory_space<vmem>>) offsets(%dma_start3A_1874 : memref<128xi32, #tpu.memory_space<vmem>>) semaphore(%arg18 : memref<!tpu.dma_semaphore, #tpu.memory_space<semaphore_mem>>) {add = true}
      %dma_start3A_1878 = arith.constant 1 : i32
      %dma_start3A_1879 = arith.constant 3 : i32
      %dma_start3A_1880 = arith.constant 1 : i32
      %dma_start3A_1881 = arith.constant 0 : i32
      %dma_start3A_1882 = arith.constant 0 : i32
      %dma_start3A_1883 = tpu.memref_slice %arg6[%dma_start3A_1880, %dma_start3A_1881, %dma_start3A_1882] : memref<5x128x128xf32, #tpu.memory_space<vmem>> -> memref<1x128x128xf32, #tpu.memory_space<vmem>>
      %dma_start3A_1884 = tpu.memref_squeeze %dma_start3A_1883 : memref<1x128x128xf32, #tpu.memory_space<vmem>> -> memref<128x128xf32, #tpu.memory_space<vmem>>
      %dma_start3A_1885 = arith.constant 0 : i32
      %dma_start3A_1886 = arith.constant 0 : i32
      %dma_start3A_1887 = tpu.memref_slice %arg5[%dma_start3A_1878, %dma_start3A_1885, %dma_start3A_1886] : memref<5x8x128xi32, #tpu.memory_space<vmem>> -> memref<1x8x128xi32, #tpu.memory_space<vmem>>
      %dma_start3A_1888 = tpu.memref_squeeze %dma_start3A_1887 : memref<1x8x128xi32, #tpu.memory_space<vmem>> -> memref<8x128xi32, #tpu.memory_space<vmem>>
      %dma_start3A_1889 = arith.constant 0 : i32
      %dma_start3A_1890 = tpu.memref_slice %dma_start3A_1888[%dma_start3A_1879, %dma_start3A_1889] : memref<8x128xi32, #tpu.memory_space<vmem>> -> memref<1x128xi32, #tpu.memory_space<vmem>>
      %dma_start3A_1891 = tpu.memref_squeeze %dma_start3A_1890 : memref<1x128xi32, #tpu.memory_space<vmem>> -> memref<128xi32, #tpu.memory_space<vmem>>
      %dma_start3A_1892 = arith.constant 0 : i32
      %dma_start3A_1893 = arith.constant 0 : i32
      %dma_start3A_1894 = tpu.memref_slice %arg2[%dma_start3A_1892, %dma_start3A_1893] : memref<800000x128xf32, #tpu.memory_space<hbm>> -> memref<800000x128xf32, #tpu.memory_space<hbm>>
      tpu.enqueue_indirect_dma source(%dma_start3A_1894 : memref<800000x128xf32, #tpu.memory_space<hbm>>) target(%dma_start3A_1884 : memref<128x128xf32, #tpu.memory_space<vmem>>) offsets(%dma_start3A_1891 : memref<128xi32, #tpu.memory_space<vmem>>) semaphore(%arg18 : memref<!tpu.dma_semaphore, #tpu.memory_space<semaphore_mem>>) {add = true}
      %dma_start3A_1895 = arith.constant 1 : i32
      %dma_start3A_1896 = arith.constant 4 : i32
      %dma_start3A_1897 = arith.constant 1 : i32
      %dma_start3A_1898 = arith.constant 0 : i32
      %dma_start3A_1899 = arith.constant 0 : i32
      %dma_start3A_1900 = tpu.memref_slice %arg6[%dma_start3A_1897, %dma_start3A_1898, %dma_start3A_1899] : memref<5x128x128xf32, #tpu.memory_space<vmem>> -> memref<1x128x128xf32, #tpu.memory_space<vmem>>
      %dma_start3A_1901 = tpu.memref_squeeze %dma_start3A_1900 : memref<1x128x128xf32, #tpu.memory_space<vmem>> -> memref<128x128xf32, #tpu.memory_space<vmem>>
      %dma_start3A_1902 = arith.constant 0 : i32
      %dma_start3A_1903 = arith.constant 0 : i32
      %dma_start3A_1904 = tpu.memref_slice %arg5[%dma_start3A_1895, %dma_start3A_1902, %dma_start3A_1903] : memref<5x8x128xi32, #tpu.memory_space<vmem>> -> memref<1x8x128xi32, #tpu.memory_space<vmem>>
      %dma_start3A_1905 = tpu.memref_squeeze %dma_start3A_1904 : memref<1x8x128xi32, #tpu.memory_space<vmem>> -> memref<8x128xi32, #tpu.memory_space<vmem>>
      %dma_start3A_1906 = arith.constant 0 : i32
      %dma_start3A_1907 = tpu.memref_slice %dma_start3A_1905[%dma_start3A_1896, %dma_start3A_1906] : memref<8x128xi32, #tpu.memory_space<vmem>> -> memref<1x128xi32, #tpu.memory_space<vmem>>
      %dma_start3A_1908 = tpu.memref_squeeze %dma_start3A_1907 : memref<1x128xi32, #tpu.memory_space<vmem>> -> memref<128xi32, #tpu.memory_space<vmem>>
      %dma_start3A_1909 = arith.constant 0 : i32
      %dma_start3A_1910 = arith.constant 0 : i32
      %dma_start3A_1911 = tpu.memref_slice %arg2[%dma_start3A_1909, %dma_start3A_1910] : memref<800000x128xf32, #tpu.memory_space<hbm>> -> memref<800000x128xf32, #tpu.memory_space<hbm>>
      tpu.enqueue_indirect_dma source(%dma_start3A_1911 : memref<800000x128xf32, #tpu.memory_space<hbm>>) target(%dma_start3A_1901 : memref<128x128xf32, #tpu.memory_space<vmem>>) offsets(%dma_start3A_1908 : memref<128xi32, #tpu.memory_space<vmem>>) semaphore(%arg18 : memref<!tpu.dma_semaphore, #tpu.memory_space<semaphore_mem>>) {add = true}
      %dma_start3A_1912 = arith.constant 1 : i32
      %dma_start3A_1913 = arith.constant 5 : i32
      %dma_start3A_1914 = arith.constant 1 : i32
      %dma_start3A_1915 = arith.constant 0 : i32
      %dma_start3A_1916 = arith.constant 0 : i32
      %dma_start3A_1917 = tpu.memref_slice %arg6[%dma_start3A_1914, %dma_start3A_1915, %dma_start3A_1916] : memref<5x128x128xf32, #tpu.memory_space<vmem>> -> memref<1x128x128xf32, #tpu.memory_space<vmem>>
      %dma_start3A_1918 = tpu.memref_squeeze %dma_start3A_1917 : memref<1x128x128xf32, #tpu.memory_space<vmem>> -> memref<128x128xf32, #tpu.memory_space<vmem>>
      %dma_start3A_1919 = arith.constant 0 : i32
      %dma_start3A_1920 = arith.constant 0 : i32
      %dma_start3A_1921 = tpu.memref_slice %arg5[%dma_start3A_1912, %dma_start3A_1919, %dma_start3A_1920] : memref<5x8x128xi32, #tpu.memory_space<vmem>> -> memref<1x8x128xi32, #tpu.memory_space<vmem>>
      %dma_start3A_1922 = tpu.memref_squeeze %dma_start3A_1921 : memref<1x8x128xi32, #tpu.memory_space<vmem>> -> memref<8x128xi32, #tpu.memory_space<vmem>>
      %dma_start3A_1923 = arith.constant 0 : i32
      %dma_start3A_1924 = tpu.memref_slice %dma_start3A_1922[%dma_start3A_1913, %dma_start3A_1923] : memref<8x128xi32, #tpu.memory_space<vmem>> -> memref<1x128xi32, #tpu.memory_space<vmem>>
      %dma_start3A_1925 = tpu.memref_squeeze %dma_start3A_1924 : memref<1x128xi32, #tpu.memory_space<vmem>> -> memref<128xi32, #tpu.memory_space<vmem>>
      %dma_start3A_1926 = arith.constant 0 : i32
      %dma_start3A_1927 = arith.constant 0 : i32
      %dma_start3A_1928 = tpu.memref_slice %arg2[%dma_start3A_1926, %dma_start3A_1927] : memref<800000x128xf32, #tpu.memory_space<hbm>> -> memref<800000x128xf32, #tpu.memory_space<hbm>>
      tpu.enqueue_indirect_dma source(%dma_start3A_1928 : memref<800000x128xf32, #tpu.memory_space<hbm>>) target(%dma_start3A_1918 : memref<128x128xf32, #tpu.memory_space<vmem>>) offsets(%dma_start3A_1925 : memref<128xi32, #tpu.memory_space<vmem>>) semaphore(%arg18 : memref<!tpu.dma_semaphore, #tpu.memory_space<semaphore_mem>>) {add = true}
      %dma_start3A_1929 = arith.constant 1 : i32
      %dma_start3A_1930 = arith.constant 6 : i32
      %dma_start3A_1931 = arith.constant 1 : i32
      %dma_start3A_1932 = arith.constant 0 : i32
      %dma_start3A_1933 = arith.constant 0 : i32
      %dma_start3A_1934 = tpu.memref_slice %arg6[%dma_start3A_1931, %dma_start3A_1932, %dma_start3A_1933] : memref<5x128x128xf32, #tpu.memory_space<vmem>> -> memref<1x128x128xf32, #tpu.memory_space<vmem>>
      %dma_start3A_1935 = tpu.memref_squeeze %dma_start3A_1934 : memref<1x128x128xf32, #tpu.memory_space<vmem>> -> memref<128x128xf32, #tpu.memory_space<vmem>>
      %dma_start3A_1936 = arith.constant 0 : i32
      %dma_start3A_1937 = arith.constant 0 : i32
      %dma_start3A_1938 = tpu.memref_slice %arg5[%dma_start3A_1929, %dma_start3A_1936, %dma_start3A_1937] : memref<5x8x128xi32, #tpu.memory_space<vmem>> -> memref<1x8x128xi32, #tpu.memory_space<vmem>>
      %dma_start3A_1939 = tpu.memref_squeeze %dma_start3A_1938 : memref<1x8x128xi32, #tpu.memory_space<vmem>> -> memref<8x128xi32, #tpu.memory_space<vmem>>
      %dma_start3A_1940 = arith.constant 0 : i32
      %dma_start3A_1941 = tpu.memref_slice %dma_start3A_1939[%dma_start3A_1930, %dma_start3A_1940] : memref<8x128xi32, #tpu.memory_space<vmem>> -> memref<1x128xi32, #tpu.memory_space<vmem>>
      %dma_start3A_1942 = tpu.memref_squeeze %dma_start3A_1941 : memref<1x128xi32, #tpu.memory_space<vmem>> -> memref<128xi32, #tpu.memory_space<vmem>>
      %dma_start3A_1943 = arith.constant 0 : i32
      %dma_start3A_1944 = arith.constant 0 : i32
      %dma_start3A_1945 = tpu.memref_slice %arg2[%dma_start3A_1943, %dma_start3A_1944] : memref<800000x128xf32, #tpu.memory_space<hbm>> -> memref<800000x128xf32, #tpu.memory_space<hbm>>
      tpu.enqueue_indirect_dma source(%dma_start3A_1945 : memref<800000x128xf32, #tpu.memory_space<hbm>>) target(%dma_start3A_1935 : memref<128x128xf32, #tpu.memory_space<vmem>>) offsets(%dma_start3A_1942 : memref<128xi32, #tpu.memory_space<vmem>>) semaphore(%arg18 : memref<!tpu.dma_semaphore, #tpu.memory_space<semaphore_mem>>) {add = true}
      %dma_start3A_1946 = arith.constant 1 : i32
      %dma_start3A_1947 = arith.constant 7 : i32
      %dma_start3A_1948 = arith.constant 1 : i32
      %dma_start3A_1949 = arith.constant 0 : i32
      %dma_start3A_1950 = arith.constant 0 : i32
      %dma_start3A_1951 = tpu.memref_slice %arg6[%dma_start3A_1948, %dma_start3A_1949, %dma_start3A_1950] : memref<5x128x128xf32, #tpu.memory_space<vmem>> -> memref<1x128x128xf32, #tpu.memory_space<vmem>>
      %dma_start3A_1952 = tpu.memref_squeeze %dma_start3A_1951 : memref<1x128x128xf32, #tpu.memory_space<vmem>> -> memref<128x128xf32, #tpu.memory_space<vmem>>
      %dma_start3A_1953 = arith.constant 0 : i32
      %dma_start3A_1954 = arith.constant 0 : i32
      %dma_start3A_1955 = tpu.memref_slice %arg5[%dma_start3A_1946, %dma_start3A_1953, %dma_start3A_1954] : memref<5x8x128xi32, #tpu.memory_space<vmem>> -> memref<1x8x128xi32, #tpu.memory_space<vmem>>
      %dma_start3A_1956 = tpu.memref_squeeze %dma_start3A_1955 : memref<1x8x128xi32, #tpu.memory_space<vmem>> -> memref<8x128xi32, #tpu.memory_space<vmem>>
      %dma_start3A_1957 = arith.constant 0 : i32
      %dma_start3A_1958 = tpu.memref_slice %dma_start3A_1956[%dma_start3A_1947, %dma_start3A_1957] : memref<8x128xi32, #tpu.memory_space<vmem>> -> memref<1x128xi32, #tpu.memory_space<vmem>>
      %dma_start3A_1959 = tpu.memref_squeeze %dma_start3A_1958 : memref<1x128xi32, #tpu.memory_space<vmem>> -> memref<128xi32, #tpu.memory_space<vmem>>
      %dma_start3A_1960 = arith.constant 0 : i32
      %dma_start3A_1961 = arith.constant 0 : i32
      %dma_start3A_1962 = tpu.memref_slice %arg2[%dma_start3A_1960, %dma_start3A_1961] : memref<800000x128xf32, #tpu.memory_space<hbm>> -> memref<800000x128xf32, #tpu.memory_space<hbm>>
      tpu.enqueue_indirect_dma source(%dma_start3A_1962 : memref<800000x128xf32, #tpu.memory_space<hbm>>) target(%dma_start3A_1952 : memref<128x128xf32, #tpu.memory_space<vmem>>) offsets(%dma_start3A_1959 : memref<128xi32, #tpu.memory_space<vmem>>) semaphore(%arg18 : memref<!tpu.dma_semaphore, #tpu.memory_space<semaphore_mem>>) {add = true}
      %dma_wait3A_1963 = arith.constant 2 : i32
      %dma_wait3A_1964 = arith.constant 0 : i32
      %dma_wait3A_1965 = arith.constant 2 : i32
      %dma_wait3A_1966 = arith.constant 0 : i32
      %dma_wait3A_1967 = arith.constant 0 : i32
      %dma_wait3A_1968 = tpu.memref_slice %arg6[%dma_wait3A_1965, %dma_wait3A_1966, %dma_wait3A_1967] : memref<5x128x128xf32, #tpu.memory_space<vmem>> -> memref<1x128x128xf32, #tpu.memory_space<vmem>>
      %dma_wait3A_1969 = tpu.memref_squeeze %dma_wait3A_1968 : memref<1x128x128xf32, #tpu.memory_space<vmem>> -> memref<128x128xf32, #tpu.memory_space<vmem>>
      %dma_wait3A_1970 = arith.constant 0 : i32
      %dma_wait3A_1971 = arith.constant 0 : i32
      %dma_wait3A_1972 = tpu.memref_slice %arg5[%dma_wait3A_1963, %dma_wait3A_1970, %dma_wait3A_1971] : memref<5x8x128xi32, #tpu.memory_space<vmem>> -> memref<1x8x128xi32, #tpu.memory_space<vmem>>
      %dma_wait3A_1973 = tpu.memref_squeeze %dma_wait3A_1972 : memref<1x8x128xi32, #tpu.memory_space<vmem>> -> memref<8x128xi32, #tpu.memory_space<vmem>>
      %dma_wait3A_1974 = arith.constant 0 : i32
      %dma_wait3A_1975 = tpu.memref_slice %dma_wait3A_1973[%dma_wait3A_1964, %dma_wait3A_1974] : memref<8x128xi32, #tpu.memory_space<vmem>> -> memref<1x128xi32, #tpu.memory_space<vmem>>
      %dma_wait3A_1976 = tpu.memref_squeeze %dma_wait3A_1975 : memref<1x128xi32, #tpu.memory_space<vmem>> -> memref<128xi32, #tpu.memory_space<vmem>>
      %dma_wait3A_1977 = arith.constant 0 : i32
      %dma_wait3A_1978 = arith.constant 0 : i32
      %dma_wait3A_1979 = tpu.memref_slice %arg2[%dma_wait3A_1977, %dma_wait3A_1978] : memref<800000x128xf32, #tpu.memory_space<hbm>> -> memref<800000x128xf32, #tpu.memory_space<hbm>>
      tpu.wait_indirect_dma semaphore(%arg14 : memref<!tpu.dma_semaphore, #tpu.memory_space<semaphore_mem>>) src(%dma_wait3A_1979 : memref<800000x128xf32, #tpu.memory_space<hbm>>) dst(%dma_wait3A_1969 : memref<128x128xf32, #tpu.memory_space<vmem>>)
      %dma_start3A_1980 = arith.constant 2 : i32
      %dma_start3A_1981 = arith.constant 1 : i32
      %dma_start3A_1982 = arith.constant 2 : i32
      %dma_start3A_1983 = arith.constant 0 : i32
      %dma_start3A_1984 = arith.constant 0 : i32
      %dma_start3A_1985 = tpu.memref_slice %arg6[%dma_start3A_1982, %dma_start3A_1983, %dma_start3A_1984] : memref<5x128x128xf32, #tpu.memory_space<vmem>> -> memref<1x128x128xf32, #tpu.memory_space<vmem>>
      %dma_start3A_1986 = tpu.memref_squeeze %dma_start3A_1985 : memref<1x128x128xf32, #tpu.memory_space<vmem>> -> memref<128x128xf32, #tpu.memory_space<vmem>>
      %dma_start3A_1987 = arith.constant 0 : i32
      %dma_start3A_1988 = arith.constant 0 : i32
      %dma_start3A_1989 = tpu.memref_slice %arg5[%dma_start3A_1980, %dma_start3A_1987, %dma_start3A_1988] : memref<5x8x128xi32, #tpu.memory_space<vmem>> -> memref<1x8x128xi32, #tpu.memory_space<vmem>>
      %dma_start3A_1990 = tpu.memref_squeeze %dma_start3A_1989 : memref<1x8x128xi32, #tpu.memory_space<vmem>> -> memref<8x128xi32, #tpu.memory_space<vmem>>
      %dma_start3A_1991 = arith.constant 0 : i32
      %dma_start3A_1992 = tpu.memref_slice %dma_start3A_1990[%dma_start3A_1981, %dma_start3A_1991] : memref<8x128xi32, #tpu.memory_space<vmem>> -> memref<1x128xi32, #tpu.memory_space<vmem>>
      %dma_start3A_1993 = tpu.memref_squeeze %dma_start3A_1992 : memref<1x128xi32, #tpu.memory_space<vmem>> -> memref<128xi32, #tpu.memory_space<vmem>>
      %dma_start3A_1994 = arith.constant 0 : i32
      %dma_start3A_1995 = arith.constant 0 : i32
      %dma_start3A_1996 = tpu.memref_slice %arg2[%dma_start3A_1994, %dma_start3A_1995] : memref<800000x128xf32, #tpu.memory_space<hbm>> -> memref<800000x128xf32, #tpu.memory_space<hbm>>
      tpu.enqueue_indirect_dma source(%dma_start3A_1996 : memref<800000x128xf32, #tpu.memory_space<hbm>>) target(%dma_start3A_1986 : memref<128x128xf32, #tpu.memory_space<vmem>>) offsets(%dma_start3A_1993 : memref<128xi32, #tpu.memory_space<vmem>>) semaphore(%arg19 : memref<!tpu.dma_semaphore, #tpu.memory_space<semaphore_mem>>) {add = true}
      %dma_start3A_1997 = arith.constant 2 : i32
      %dma_start3A_1998 = arith.constant 2 : i32
      %dma_start3A_1999 = arith.constant 2 : i32
      %dma_start3A_2000 = arith.constant 0 : i32
      %dma_start3A_2001 = arith.constant 0 : i32
      %dma_start3A_2002 = tpu.memref_slice %arg6[%dma_start3A_1999, %dma_start3A_2000, %dma_start3A_2001] : memref<5x128x128xf32, #tpu.memory_space<vmem>> -> memref<1x128x128xf32, #tpu.memory_space<vmem>>
      %dma_start3A_2003 = tpu.memref_squeeze %dma_start3A_2002 : memref<1x128x128xf32, #tpu.memory_space<vmem>> -> memref<128x128xf32, #tpu.memory_space<vmem>>
      %dma_start3A_2004 = arith.constant 0 : i32
      %dma_start3A_2005 = arith.constant 0 : i32
      %dma_start3A_2006 = tpu.memref_slice %arg5[%dma_start3A_1997, %dma_start3A_2004, %dma_start3A_2005] : memref<5x8x128xi32, #tpu.memory_space<vmem>> -> memref<1x8x128xi32, #tpu.memory_space<vmem>>
      %dma_start3A_2007 = tpu.memref_squeeze %dma_start3A_2006 : memref<1x8x128xi32, #tpu.memory_space<vmem>> -> memref<8x128xi32, #tpu.memory_space<vmem>>
      %dma_start3A_2008 = arith.constant 0 : i32
      %dma_start3A_2009 = tpu.memref_slice %dma_start3A_2007[%dma_start3A_1998, %dma_start3A_2008] : memref<8x128xi32, #tpu.memory_space<vmem>> -> memref<1x128xi32, #tpu.memory_space<vmem>>
      %dma_start3A_2010 = tpu.memref_squeeze %dma_start3A_2009 : memref<1x128xi32, #tpu.memory_space<vmem>> -> memref<128xi32, #tpu.memory_space<vmem>>
      %dma_start3A_2011 = arith.constant 0 : i32
      %dma_start3A_2012 = arith.constant 0 : i32
      %dma_start3A_2013 = tpu.memref_slice %arg2[%dma_start3A_2011, %dma_start3A_2012] : memref<800000x128xf32, #tpu.memory_space<hbm>> -> memref<800000x128xf32, #tpu.memory_space<hbm>>
      tpu.enqueue_indirect_dma source(%dma_start3A_2013 : memref<800000x128xf32, #tpu.memory_space<hbm>>) target(%dma_start3A_2003 : memref<128x128xf32, #tpu.memory_space<vmem>>) offsets(%dma_start3A_2010 : memref<128xi32, #tpu.memory_space<vmem>>) semaphore(%arg19 : memref<!tpu.dma_semaphore, #tpu.memory_space<semaphore_mem>>) {add = true}
      %dma_start3A_2014 = arith.constant 2 : i32
      %dma_start3A_2015 = arith.constant 3 : i32
      %dma_start3A_2016 = arith.constant 2 : i32
      %dma_start3A_2017 = arith.constant 0 : i32
      %dma_start3A_2018 = arith.constant 0 : i32
      %dma_start3A_2019 = tpu.memref_slice %arg6[%dma_start3A_2016, %dma_start3A_2017, %dma_start3A_2018] : memref<5x128x128xf32, #tpu.memory_space<vmem>> -> memref<1x128x128xf32, #tpu.memory_space<vmem>>
      %dma_start3A_2020 = tpu.memref_squeeze %dma_start3A_2019 : memref<1x128x128xf32, #tpu.memory_space<vmem>> -> memref<128x128xf32, #tpu.memory_space<vmem>>
      %dma_start3A_2021 = arith.constant 0 : i32
      %dma_start3A_2022 = arith.constant 0 : i32
      %dma_start3A_2023 = tpu.memref_slice %arg5[%dma_start3A_2014, %dma_start3A_2021, %dma_start3A_2022] : memref<5x8x128xi32, #tpu.memory_space<vmem>> -> memref<1x8x128xi32, #tpu.memory_space<vmem>>
      %dma_start3A_2024 = tpu.memref_squeeze %dma_start3A_2023 : memref<1x8x128xi32, #tpu.memory_space<vmem>> -> memref<8x128xi32, #tpu.memory_space<vmem>>
      %dma_start3A_2025 = arith.constant 0 : i32
      %dma_start3A_2026 = tpu.memref_slice %dma_start3A_2024[%dma_start3A_2015, %dma_start3A_2025] : memref<8x128xi32, #tpu.memory_space<vmem>> -> memref<1x128xi32, #tpu.memory_space<vmem>>
      %dma_start3A_2027 = tpu.memref_squeeze %dma_start3A_2026 : memref<1x128xi32, #tpu.memory_space<vmem>> -> memref<128xi32, #tpu.memory_space<vmem>>
      %dma_start3A_2028 = arith.constant 0 : i32
      %dma_start3A_2029 = arith.constant 0 : i32
      %dma_start3A_2030 = tpu.memref_slice %arg2[%dma_start3A_2028, %dma_start3A_2029] : memref<800000x128xf32, #tpu.memory_space<hbm>> -> memref<800000x128xf32, #tpu.memory_space<hbm>>
      tpu.enqueue_indirect_dma source(%dma_start3A_2030 : memref<800000x128xf32, #tpu.memory_space<hbm>>) target(%dma_start3A_2020 : memref<128x128xf32, #tpu.memory_space<vmem>>) offsets(%dma_start3A_2027 : memref<128xi32, #tpu.memory_space<vmem>>) semaphore(%arg19 : memref<!tpu.dma_semaphore, #tpu.memory_space<semaphore_mem>>) {add = true}
      %dma_start3A_2031 = arith.constant 2 : i32
      %dma_start3A_2032 = arith.constant 4 : i32
      %dma_start3A_2033 = arith.constant 2 : i32
      %dma_start3A_2034 = arith.constant 0 : i32
      %dma_start3A_2035 = arith.constant 0 : i32
      %dma_start3A_2036 = tpu.memref_slice %arg6[%dma_start3A_2033, %dma_start3A_2034, %dma_start3A_2035] : memref<5x128x128xf32, #tpu.memory_space<vmem>> -> memref<1x128x128xf32, #tpu.memory_space<vmem>>
      %dma_start3A_2037 = tpu.memref_squeeze %dma_start3A_2036 : memref<1x128x128xf32, #tpu.memory_space<vmem>> -> memref<128x128xf32, #tpu.memory_space<vmem>>
      %dma_start3A_2038 = arith.constant 0 : i32
      %dma_start3A_2039 = arith.constant 0 : i32
      %dma_start3A_2040 = tpu.memref_slice %arg5[%dma_start3A_2031, %dma_start3A_2038, %dma_start3A_2039] : memref<5x8x128xi32, #tpu.memory_space<vmem>> -> memref<1x8x128xi32, #tpu.memory_space<vmem>>
      %dma_start3A_2041 = tpu.memref_squeeze %dma_start3A_2040 : memref<1x8x128xi32, #tpu.memory_space<vmem>> -> memref<8x128xi32, #tpu.memory_space<vmem>>
      %dma_start3A_2042 = arith.constant 0 : i32
      %dma_start3A_2043 = tpu.memref_slice %dma_start3A_2041[%dma_start3A_2032, %dma_start3A_2042] : memref<8x128xi32, #tpu.memory_space<vmem>> -> memref<1x128xi32, #tpu.memory_space<vmem>>
      %dma_start3A_2044 = tpu.memref_squeeze %dma_start3A_2043 : memref<1x128xi32, #tpu.memory_space<vmem>> -> memref<128xi32, #tpu.memory_space<vmem>>
      %dma_start3A_2045 = arith.constant 0 : i32
      %dma_start3A_2046 = arith.constant 0 : i32
      %dma_start3A_2047 = tpu.memref_slice %arg2[%dma_start3A_2045, %dma_start3A_2046] : memref<800000x128xf32, #tpu.memory_space<hbm>> -> memref<800000x128xf32, #tpu.memory_space<hbm>>
      tpu.enqueue_indirect_dma source(%dma_start3A_2047 : memref<800000x128xf32, #tpu.memory_space<hbm>>) target(%dma_start3A_2037 : memref<128x128xf32, #tpu.memory_space<vmem>>) offsets(%dma_start3A_2044 : memref<128xi32, #tpu.memory_space<vmem>>) semaphore(%arg19 : memref<!tpu.dma_semaphore, #tpu.memory_space<semaphore_mem>>) {add = true}
      %dma_start3A_2048 = arith.constant 2 : i32
      %dma_start3A_2049 = arith.constant 5 : i32
      %dma_start3A_2050 = arith.constant 2 : i32
      %dma_start3A_2051 = arith.constant 0 : i32
      %dma_start3A_2052 = arith.constant 0 : i32
      %dma_start3A_2053 = tpu.memref_slice %arg6[%dma_start3A_2050, %dma_start3A_2051, %dma_start3A_2052] : memref<5x128x128xf32, #tpu.memory_space<vmem>> -> memref<1x128x128xf32, #tpu.memory_space<vmem>>
      %dma_start3A_2054 = tpu.memref_squeeze %dma_start3A_2053 : memref<1x128x128xf32, #tpu.memory_space<vmem>> -> memref<128x128xf32, #tpu.memory_space<vmem>>
      %dma_start3A_2055 = arith.constant 0 : i32
      %dma_start3A_2056 = arith.constant 0 : i32
      %dma_start3A_2057 = tpu.memref_slice %arg5[%dma_start3A_2048, %dma_start3A_2055, %dma_start3A_2056] : memref<5x8x128xi32, #tpu.memory_space<vmem>> -> memref<1x8x128xi32, #tpu.memory_space<vmem>>
      %dma_start3A_2058 = tpu.memref_squeeze %dma_start3A_2057 : memref<1x8x128xi32, #tpu.memory_space<vmem>> -> memref<8x128xi32, #tpu.memory_space<vmem>>
      %dma_start3A_2059 = arith.constant 0 : i32
      %dma_start3A_2060 = tpu.memref_slice %dma_start3A_2058[%dma_start3A_2049, %dma_start3A_2059] : memref<8x128xi32, #tpu.memory_space<vmem>> -> memref<1x128xi32, #tpu.memory_space<vmem>>
      %dma_start3A_2061 = tpu.memref_squeeze %dma_start3A_2060 : memref<1x128xi32, #tpu.memory_space<vmem>> -> memref<128xi32, #tpu.memory_space<vmem>>
      %dma_start3A_2062 = arith.constant 0 : i32
      %dma_start3A_2063 = arith.constant 0 : i32
      %dma_start3A_2064 = tpu.memref_slice %arg2[%dma_start3A_2062, %dma_start3A_2063] : memref<800000x128xf32, #tpu.memory_space<hbm>> -> memref<800000x128xf32, #tpu.memory_space<hbm>>
      tpu.enqueue_indirect_dma source(%dma_start3A_2064 : memref<800000x128xf32, #tpu.memory_space<hbm>>) target(%dma_start3A_2054 : memref<128x128xf32, #tpu.memory_space<vmem>>) offsets(%dma_start3A_2061 : memref<128xi32, #tpu.memory_space<vmem>>) semaphore(%arg19 : memref<!tpu.dma_semaphore, #tpu.memory_space<semaphore_mem>>) {add = true}
      %dma_start3A_2065 = arith.constant 2 : i32
      %dma_start3A_2066 = arith.constant 6 : i32
      %dma_start3A_2067 = arith.constant 2 : i32
      %dma_start3A_2068 = arith.constant 0 : i32
      %dma_start3A_2069 = arith.constant 0 : i32
      %dma_start3A_2070 = tpu.memref_slice %arg6[%dma_start3A_2067, %dma_start3A_2068, %dma_start3A_2069] : memref<5x128x128xf32, #tpu.memory_space<vmem>> -> memref<1x128x128xf32, #tpu.memory_space<vmem>>
      %dma_start3A_2071 = tpu.memref_squeeze %dma_start3A_2070 : memref<1x128x128xf32, #tpu.memory_space<vmem>> -> memref<128x128xf32, #tpu.memory_space<vmem>>
      %dma_start3A_2072 = arith.constant 0 : i32
      %dma_start3A_2073 = arith.constant 0 : i32
      %dma_start3A_2074 = tpu.memref_slice %arg5[%dma_start3A_2065, %dma_start3A_2072, %dma_start3A_2073] : memref<5x8x128xi32, #tpu.memory_space<vmem>> -> memref<1x8x128xi32, #tpu.memory_space<vmem>>
      %dma_start3A_2075 = tpu.memref_squeeze %dma_start3A_2074 : memref<1x8x128xi32, #tpu.memory_space<vmem>> -> memref<8x128xi32, #tpu.memory_space<vmem>>
      %dma_start3A_2076 = arith.constant 0 : i32
      %dma_start3A_2077 = tpu.memref_slice %dma_start3A_2075[%dma_start3A_2066, %dma_start3A_2076] : memref<8x128xi32, #tpu.memory_space<vmem>> -> memref<1x128xi32, #tpu.memory_space<vmem>>
      %dma_start3A_2078 = tpu.memref_squeeze %dma_start3A_2077 : memref<1x128xi32, #tpu.memory_space<vmem>> -> memref<128xi32, #tpu.memory_space<vmem>>
      %dma_start3A_2079 = arith.constant 0 : i32
      %dma_start3A_2080 = arith.constant 0 : i32
      %dma_start3A_2081 = tpu.memref_slice %arg2[%dma_start3A_2079, %dma_start3A_2080] : memref<800000x128xf32, #tpu.memory_space<hbm>> -> memref<800000x128xf32, #tpu.memory_space<hbm>>
      tpu.enqueue_indirect_dma source(%dma_start3A_2081 : memref<800000x128xf32, #tpu.memory_space<hbm>>) target(%dma_start3A_2071 : memref<128x128xf32, #tpu.memory_space<vmem>>) offsets(%dma_start3A_2078 : memref<128xi32, #tpu.memory_space<vmem>>) semaphore(%arg19 : memref<!tpu.dma_semaphore, #tpu.memory_space<semaphore_mem>>) {add = true}
      %dma_start3A_2082 = arith.constant 2 : i32
      %dma_start3A_2083 = arith.constant 7 : i32
      %dma_start3A_2084 = arith.constant 2 : i32
      %dma_start3A_2085 = arith.constant 0 : i32
      %dma_start3A_2086 = arith.constant 0 : i32
      %dma_start3A_2087 = tpu.memref_slice %arg6[%dma_start3A_2084, %dma_start3A_2085, %dma_start3A_2086] : memref<5x128x128xf32, #tpu.memory_space<vmem>> -> memref<1x128x128xf32, #tpu.memory_space<vmem>>
      %dma_start3A_2088 = tpu.memref_squeeze %dma_start3A_2087 : memref<1x128x128xf32, #tpu.memory_space<vmem>> -> memref<128x128xf32, #tpu.memory_space<vmem>>
      %dma_start3A_2089 = arith.constant 0 : i32
      %dma_start3A_2090 = arith.constant 0 : i32
      %dma_start3A_2091 = tpu.memref_slice %arg5[%dma_start3A_2082, %dma_start3A_2089, %dma_start3A_2090] : memref<5x8x128xi32, #tpu.memory_space<vmem>> -> memref<1x8x128xi32, #tpu.memory_space<vmem>>
      %dma_start3A_2092 = tpu.memref_squeeze %dma_start3A_2091 : memref<1x8x128xi32, #tpu.memory_space<vmem>> -> memref<8x128xi32, #tpu.memory_space<vmem>>
      %dma_start3A_2093 = arith.constant 0 : i32
      %dma_start3A_2094 = tpu.memref_slice %dma_start3A_2092[%dma_start3A_2083, %dma_start3A_2093] : memref<8x128xi32, #tpu.memory_space<vmem>> -> memref<1x128xi32, #tpu.memory_space<vmem>>
      %dma_start3A_2095 = tpu.memref_squeeze %dma_start3A_2094 : memref<1x128xi32, #tpu.memory_space<vmem>> -> memref<128xi32, #tpu.memory_space<vmem>>
      %dma_start3A_2096 = arith.constant 0 : i32
      %dma_start3A_2097 = arith.constant 0 : i32
      %dma_start3A_2098 = tpu.memref_slice %arg2[%dma_start3A_2096, %dma_start3A_2097] : memref<800000x128xf32, #tpu.memory_space<hbm>> -> memref<800000x128xf32, #tpu.memory_space<hbm>>
      tpu.enqueue_indirect_dma source(%dma_start3A_2098 : memref<800000x128xf32, #tpu.memory_space<hbm>>) target(%dma_start3A_2088 : memref<128x128xf32, #tpu.memory_space<vmem>>) offsets(%dma_start3A_2095 : memref<128xi32, #tpu.memory_space<vmem>>) semaphore(%arg19 : memref<!tpu.dma_semaphore, #tpu.memory_space<semaphore_mem>>) {add = true}
      %dma_wait3A_2099 = arith.constant 3 : i32
      %dma_wait3A_2100 = arith.constant 0 : i32
      %dma_wait3A_2101 = arith.constant 3 : i32
      %dma_wait3A_2102 = arith.constant 0 : i32
      %dma_wait3A_2103 = arith.constant 0 : i32
      %dma_wait3A_2104 = tpu.memref_slice %arg6[%dma_wait3A_2101, %dma_wait3A_2102, %dma_wait3A_2103] : memref<5x128x128xf32, #tpu.memory_space<vmem>> -> memref<1x128x128xf32, #tpu.memory_space<vmem>>
      %dma_wait3A_2105 = tpu.memref_squeeze %dma_wait3A_2104 : memref<1x128x128xf32, #tpu.memory_space<vmem>> -> memref<128x128xf32, #tpu.memory_space<vmem>>
      %dma_wait3A_2106 = arith.constant 0 : i32
      %dma_wait3A_2107 = arith.constant 0 : i32
      %dma_wait3A_2108 = tpu.memref_slice %arg5[%dma_wait3A_2099, %dma_wait3A_2106, %dma_wait3A_2107] : memref<5x8x128xi32, #tpu.memory_space<vmem>> -> memref<1x8x128xi32, #tpu.memory_space<vmem>>
      %dma_wait3A_2109 = tpu.memref_squeeze %dma_wait3A_2108 : memref<1x8x128xi32, #tpu.memory_space<vmem>> -> memref<8x128xi32, #tpu.memory_space<vmem>>
      %dma_wait3A_2110 = arith.constant 0 : i32
      %dma_wait3A_2111 = tpu.memref_slice %dma_wait3A_2109[%dma_wait3A_2100, %dma_wait3A_2110] : memref<8x128xi32, #tpu.memory_space<vmem>> -> memref<1x128xi32, #tpu.memory_space<vmem>>
      %dma_wait3A_2112 = tpu.memref_squeeze %dma_wait3A_2111 : memref<1x128xi32, #tpu.memory_space<vmem>> -> memref<128xi32, #tpu.memory_space<vmem>>
      %dma_wait3A_2113 = arith.constant 0 : i32
      %dma_wait3A_2114 = arith.constant 0 : i32
      %dma_wait3A_2115 = tpu.memref_slice %arg2[%dma_wait3A_2113, %dma_wait3A_2114] : memref<800000x128xf32, #tpu.memory_space<hbm>> -> memref<800000x128xf32, #tpu.memory_space<hbm>>
      tpu.wait_indirect_dma semaphore(%arg15 : memref<!tpu.dma_semaphore, #tpu.memory_space<semaphore_mem>>) src(%dma_wait3A_2115 : memref<800000x128xf32, #tpu.memory_space<hbm>>) dst(%dma_wait3A_2105 : memref<128x128xf32, #tpu.memory_space<vmem>>)
      %dma_start3A_2116 = arith.constant 3 : i32
      %dma_start3A_2117 = arith.constant 1 : i32
      %dma_start3A_2118 = arith.constant 3 : i32
      %dma_start3A_2119 = arith.constant 0 : i32
      %dma_start3A_2120 = arith.constant 0 : i32
      %dma_start3A_2121 = tpu.memref_slice %arg6[%dma_start3A_2118, %dma_start3A_2119, %dma_start3A_2120] : memref<5x128x128xf32, #tpu.memory_space<vmem>> -> memref<1x128x128xf32, #tpu.memory_space<vmem>>
      %dma_start3A_2122 = tpu.memref_squeeze %dma_start3A_2121 : memref<1x128x128xf32, #tpu.memory_space<vmem>> -> memref<128x128xf32, #tpu.memory_space<vmem>>
      %dma_start3A_2123 = arith.constant 0 : i32
      %dma_start3A_2124 = arith.constant 0 : i32
      %dma_start3A_2125 = tpu.memref_slice %arg5[%dma_start3A_2116, %dma_start3A_2123, %dma_start3A_2124] : memref<5x8x128xi32, #tpu.memory_space<vmem>> -> memref<1x8x128xi32, #tpu.memory_space<vmem>>
      %dma_start3A_2126 = tpu.memref_squeeze %dma_start3A_2125 : memref<1x8x128xi32, #tpu.memory_space<vmem>> -> memref<8x128xi32, #tpu.memory_space<vmem>>
      %dma_start3A_2127 = arith.constant 0 : i32
      %dma_start3A_2128 = tpu.memref_slice %dma_start3A_2126[%dma_start3A_2117, %dma_start3A_2127] : memref<8x128xi32, #tpu.memory_space<vmem>> -> memref<1x128xi32, #tpu.memory_space<vmem>>
      %dma_start3A_2129 = tpu.memref_squeeze %dma_start3A_2128 : memref<1x128xi32, #tpu.memory_space<vmem>> -> memref<128xi32, #tpu.memory_space<vmem>>
      %dma_start3A_2130 = arith.constant 0 : i32
      %dma_start3A_2131 = arith.constant 0 : i32
      %dma_start3A_2132 = tpu.memref_slice %arg2[%dma_start3A_2130, %dma_start3A_2131] : memref<800000x128xf32, #tpu.memory_space<hbm>> -> memref<800000x128xf32, #tpu.memory_space<hbm>>
      tpu.enqueue_indirect_dma source(%dma_start3A_2132 : memref<800000x128xf32, #tpu.memory_space<hbm>>) target(%dma_start3A_2122 : memref<128x128xf32, #tpu.memory_space<vmem>>) offsets(%dma_start3A_2129 : memref<128xi32, #tpu.memory_space<vmem>>) semaphore(%arg20 : memref<!tpu.dma_semaphore, #tpu.memory_space<semaphore_mem>>) {add = true}
      %dma_start3A_2133 = arith.constant 3 : i32
      %dma_start3A_2134 = arith.constant 2 : i32
      %dma_start3A_2135 = arith.constant 3 : i32
      %dma_start3A_2136 = arith.constant 0 : i32
      %dma_start3A_2137 = arith.constant 0 : i32
      %dma_start3A_2138 = tpu.memref_slice %arg6[%dma_start3A_2135, %dma_start3A_2136, %dma_start3A_2137] : memref<5x128x128xf32, #tpu.memory_space<vmem>> -> memref<1x128x128xf32, #tpu.memory_space<vmem>>
      %dma_start3A_2139 = tpu.memref_squeeze %dma_start3A_2138 : memref<1x128x128xf32, #tpu.memory_space<vmem>> -> memref<128x128xf32, #tpu.memory_space<vmem>>
      %dma_start3A_2140 = arith.constant 0 : i32
      %dma_start3A_2141 = arith.constant 0 : i32
      %dma_start3A_2142 = tpu.memref_slice %arg5[%dma_start3A_2133, %dma_start3A_2140, %dma_start3A_2141] : memref<5x8x128xi32, #tpu.memory_space<vmem>> -> memref<1x8x128xi32, #tpu.memory_space<vmem>>
      %dma_start3A_2143 = tpu.memref_squeeze %dma_start3A_2142 : memref<1x8x128xi32, #tpu.memory_space<vmem>> -> memref<8x128xi32, #tpu.memory_space<vmem>>
      %dma_start3A_2144 = arith.constant 0 : i32
      %dma_start3A_2145 = tpu.memref_slice %dma_start3A_2143[%dma_start3A_2134, %dma_start3A_2144] : memref<8x128xi32, #tpu.memory_space<vmem>> -> memref<1x128xi32, #tpu.memory_space<vmem>>
      %dma_start3A_2146 = tpu.memref_squeeze %dma_start3A_2145 : memref<1x128xi32, #tpu.memory_space<vmem>> -> memref<128xi32, #tpu.memory_space<vmem>>
      %dma_start3A_2147 = arith.constant 0 : i32
      %dma_start3A_2148 = arith.constant 0 : i32
      %dma_start3A_2149 = tpu.memref_slice %arg2[%dma_start3A_2147, %dma_start3A_2148] : memref<800000x128xf32, #tpu.memory_space<hbm>> -> memref<800000x128xf32, #tpu.memory_space<hbm>>
      tpu.enqueue_indirect_dma source(%dma_start3A_2149 : memref<800000x128xf32, #tpu.memory_space<hbm>>) target(%dma_start3A_2139 : memref<128x128xf32, #tpu.memory_space<vmem>>) offsets(%dma_start3A_2146 : memref<128xi32, #tpu.memory_space<vmem>>) semaphore(%arg20 : memref<!tpu.dma_semaphore, #tpu.memory_space<semaphore_mem>>) {add = true}
      %dma_start3A_2150 = arith.constant 3 : i32
      %dma_start3A_2151 = arith.constant 3 : i32
      %dma_start3A_2152 = arith.constant 3 : i32
      %dma_start3A_2153 = arith.constant 0 : i32
      %dma_start3A_2154 = arith.constant 0 : i32
      %dma_start3A_2155 = tpu.memref_slice %arg6[%dma_start3A_2152, %dma_start3A_2153, %dma_start3A_2154] : memref<5x128x128xf32, #tpu.memory_space<vmem>> -> memref<1x128x128xf32, #tpu.memory_space<vmem>>
      %dma_start3A_2156 = tpu.memref_squeeze %dma_start3A_2155 : memref<1x128x128xf32, #tpu.memory_space<vmem>> -> memref<128x128xf32, #tpu.memory_space<vmem>>
      %dma_start3A_2157 = arith.constant 0 : i32
      %dma_start3A_2158 = arith.constant 0 : i32
      %dma_start3A_2159 = tpu.memref_slice %arg5[%dma_start3A_2150, %dma_start3A_2157, %dma_start3A_2158] : memref<5x8x128xi32, #tpu.memory_space<vmem>> -> memref<1x8x128xi32, #tpu.memory_space<vmem>>
      %dma_start3A_2160 = tpu.memref_squeeze %dma_start3A_2159 : memref<1x8x128xi32, #tpu.memory_space<vmem>> -> memref<8x128xi32, #tpu.memory_space<vmem>>
      %dma_start3A_2161 = arith.constant 0 : i32
      %dma_start3A_2162 = tpu.memref_slice %dma_start3A_2160[%dma_start3A_2151, %dma_start3A_2161] : memref<8x128xi32, #tpu.memory_space<vmem>> -> memref<1x128xi32, #tpu.memory_space<vmem>>
      %dma_start3A_2163 = tpu.memref_squeeze %dma_start3A_2162 : memref<1x128xi32, #tpu.memory_space<vmem>> -> memref<128xi32, #tpu.memory_space<vmem>>
      %dma_start3A_2164 = arith.constant 0 : i32
      %dma_start3A_2165 = arith.constant 0 : i32
      %dma_start3A_2166 = tpu.memref_slice %arg2[%dma_start3A_2164, %dma_start3A_2165] : memref<800000x128xf32, #tpu.memory_space<hbm>> -> memref<800000x128xf32, #tpu.memory_space<hbm>>
      tpu.enqueue_indirect_dma source(%dma_start3A_2166 : memref<800000x128xf32, #tpu.memory_space<hbm>>) target(%dma_start3A_2156 : memref<128x128xf32, #tpu.memory_space<vmem>>) offsets(%dma_start3A_2163 : memref<128xi32, #tpu.memory_space<vmem>>) semaphore(%arg20 : memref<!tpu.dma_semaphore, #tpu.memory_space<semaphore_mem>>) {add = true}
      %dma_start3A_2167 = arith.constant 3 : i32
      %dma_start3A_2168 = arith.constant 4 : i32
      %dma_start3A_2169 = arith.constant 3 : i32
      %dma_start3A_2170 = arith.constant 0 : i32
      %dma_start3A_2171 = arith.constant 0 : i32
      %dma_start3A_2172 = tpu.memref_slice %arg6[%dma_start3A_2169, %dma_start3A_2170, %dma_start3A_2171] : memref<5x128x128xf32, #tpu.memory_space<vmem>> -> memref<1x128x128xf32, #tpu.memory_space<vmem>>
      %dma_start3A_2173 = tpu.memref_squeeze %dma_start3A_2172 : memref<1x128x128xf32, #tpu.memory_space<vmem>> -> memref<128x128xf32, #tpu.memory_space<vmem>>
      %dma_start3A_2174 = arith.constant 0 : i32
      %dma_start3A_2175 = arith.constant 0 : i32
      %dma_start3A_2176 = tpu.memref_slice %arg5[%dma_start3A_2167, %dma_start3A_2174, %dma_start3A_2175] : memref<5x8x128xi32, #tpu.memory_space<vmem>> -> memref<1x8x128xi32, #tpu.memory_space<vmem>>
      %dma_start3A_2177 = tpu.memref_squeeze %dma_start3A_2176 : memref<1x8x128xi32, #tpu.memory_space<vmem>> -> memref<8x128xi32, #tpu.memory_space<vmem>>
      %dma_start3A_2178 = arith.constant 0 : i32
      %dma_start3A_2179 = tpu.memref_slice %dma_start3A_2177[%dma_start3A_2168, %dma_start3A_2178] : memref<8x128xi32, #tpu.memory_space<vmem>> -> memref<1x128xi32, #tpu.memory_space<vmem>>
      %dma_start3A_2180 = tpu.memref_squeeze %dma_start3A_2179 : memref<1x128xi32, #tpu.memory_space<vmem>> -> memref<128xi32, #tpu.memory_space<vmem>>
      %dma_start3A_2181 = arith.constant 0 : i32
      %dma_start3A_2182 = arith.constant 0 : i32
      %dma_start3A_2183 = tpu.memref_slice %arg2[%dma_start3A_2181, %dma_start3A_2182] : memref<800000x128xf32, #tpu.memory_space<hbm>> -> memref<800000x128xf32, #tpu.memory_space<hbm>>
      tpu.enqueue_indirect_dma source(%dma_start3A_2183 : memref<800000x128xf32, #tpu.memory_space<hbm>>) target(%dma_start3A_2173 : memref<128x128xf32, #tpu.memory_space<vmem>>) offsets(%dma_start3A_2180 : memref<128xi32, #tpu.memory_space<vmem>>) semaphore(%arg20 : memref<!tpu.dma_semaphore, #tpu.memory_space<semaphore_mem>>) {add = true}
      %dma_start3A_2184 = arith.constant 3 : i32
      %dma_start3A_2185 = arith.constant 5 : i32
      %dma_start3A_2186 = arith.constant 3 : i32
      %dma_start3A_2187 = arith.constant 0 : i32
      %dma_start3A_2188 = arith.constant 0 : i32
      %dma_start3A_2189 = tpu.memref_slice %arg6[%dma_start3A_2186, %dma_start3A_2187, %dma_start3A_2188] : memref<5x128x128xf32, #tpu.memory_space<vmem>> -> memref<1x128x128xf32, #tpu.memory_space<vmem>>
      %dma_start3A_2190 = tpu.memref_squeeze %dma_start3A_2189 : memref<1x128x128xf32, #tpu.memory_space<vmem>> -> memref<128x128xf32, #tpu.memory_space<vmem>>
      %dma_start3A_2191 = arith.constant 0 : i32
      %dma_start3A_2192 = arith.constant 0 : i32
      %dma_start3A_2193 = tpu.memref_slice %arg5[%dma_start3A_2184, %dma_start3A_2191, %dma_start3A_2192] : memref<5x8x128xi32, #tpu.memory_space<vmem>> -> memref<1x8x128xi32, #tpu.memory_space<vmem>>
      %dma_start3A_2194 = tpu.memref_squeeze %dma_start3A_2193 : memref<1x8x128xi32, #tpu.memory_space<vmem>> -> memref<8x128xi32, #tpu.memory_space<vmem>>
      %dma_start3A_2195 = arith.constant 0 : i32
      %dma_start3A_2196 = tpu.memref_slice %dma_start3A_2194[%dma_start3A_2185, %dma_start3A_2195] : memref<8x128xi32, #tpu.memory_space<vmem>> -> memref<1x128xi32, #tpu.memory_space<vmem>>
      %dma_start3A_2197 = tpu.memref_squeeze %dma_start3A_2196 : memref<1x128xi32, #tpu.memory_space<vmem>> -> memref<128xi32, #tpu.memory_space<vmem>>
      %dma_start3A_2198 = arith.constant 0 : i32
      %dma_start3A_2199 = arith.constant 0 : i32
      %dma_start3A_2200 = tpu.memref_slice %arg2[%dma_start3A_2198, %dma_start3A_2199] : memref<800000x128xf32, #tpu.memory_space<hbm>> -> memref<800000x128xf32, #tpu.memory_space<hbm>>
      tpu.enqueue_indirect_dma source(%dma_start3A_2200 : memref<800000x128xf32, #tpu.memory_space<hbm>>) target(%dma_start3A_2190 : memref<128x128xf32, #tpu.memory_space<vmem>>) offsets(%dma_start3A_2197 : memref<128xi32, #tpu.memory_space<vmem>>) semaphore(%arg20 : memref<!tpu.dma_semaphore, #tpu.memory_space<semaphore_mem>>) {add = true}
      %dma_start3A_2201 = arith.constant 3 : i32
      %dma_start3A_2202 = arith.constant 6 : i32
      %dma_start3A_2203 = arith.constant 3 : i32
      %dma_start3A_2204 = arith.constant 0 : i32
      %dma_start3A_2205 = arith.constant 0 : i32
      %dma_start3A_2206 = tpu.memref_slice %arg6[%dma_start3A_2203, %dma_start3A_2204, %dma_start3A_2205] : memref<5x128x128xf32, #tpu.memory_space<vmem>> -> memref<1x128x128xf32, #tpu.memory_space<vmem>>
      %dma_start3A_2207 = tpu.memref_squeeze %dma_start3A_2206 : memref<1x128x128xf32, #tpu.memory_space<vmem>> -> memref<128x128xf32, #tpu.memory_space<vmem>>
      %dma_start3A_2208 = arith.constant 0 : i32
      %dma_start3A_2209 = arith.constant 0 : i32
      %dma_start3A_2210 = tpu.memref_slice %arg5[%dma_start3A_2201, %dma_start3A_2208, %dma_start3A_2209] : memref<5x8x128xi32, #tpu.memory_space<vmem>> -> memref<1x8x128xi32, #tpu.memory_space<vmem>>
      %dma_start3A_2211 = tpu.memref_squeeze %dma_start3A_2210 : memref<1x8x128xi32, #tpu.memory_space<vmem>> -> memref<8x128xi32, #tpu.memory_space<vmem>>
      %dma_start3A_2212 = arith.constant 0 : i32
      %dma_start3A_2213 = tpu.memref_slice %dma_start3A_2211[%dma_start3A_2202, %dma_start3A_2212] : memref<8x128xi32, #tpu.memory_space<vmem>> -> memref<1x128xi32, #tpu.memory_space<vmem>>
      %dma_start3A_2214 = tpu.memref_squeeze %dma_start3A_2213 : memref<1x128xi32, #tpu.memory_space<vmem>> -> memref<128xi32, #tpu.memory_space<vmem>>
      %dma_start3A_2215 = arith.constant 0 : i32
      %dma_start3A_2216 = arith.constant 0 : i32
      %dma_start3A_2217 = tpu.memref_slice %arg2[%dma_start3A_2215, %dma_start3A_2216] : memref<800000x128xf32, #tpu.memory_space<hbm>> -> memref<800000x128xf32, #tpu.memory_space<hbm>>
      tpu.enqueue_indirect_dma source(%dma_start3A_2217 : memref<800000x128xf32, #tpu.memory_space<hbm>>) target(%dma_start3A_2207 : memref<128x128xf32, #tpu.memory_space<vmem>>) offsets(%dma_start3A_2214 : memref<128xi32, #tpu.memory_space<vmem>>) semaphore(%arg20 : memref<!tpu.dma_semaphore, #tpu.memory_space<semaphore_mem>>) {add = true}
      %dma_start3A_2218 = arith.constant 3 : i32
      %dma_start3A_2219 = arith.constant 7 : i32
      %dma_start3A_2220 = arith.constant 3 : i32
      %dma_start3A_2221 = arith.constant 0 : i32
      %dma_start3A_2222 = arith.constant 0 : i32
      %dma_start3A_2223 = tpu.memref_slice %arg6[%dma_start3A_2220, %dma_start3A_2221, %dma_start3A_2222] : memref<5x128x128xf32, #tpu.memory_space<vmem>> -> memref<1x128x128xf32, #tpu.memory_space<vmem>>
      %dma_start3A_2224 = tpu.memref_squeeze %dma_start3A_2223 : memref<1x128x128xf32, #tpu.memory_space<vmem>> -> memref<128x128xf32, #tpu.memory_space<vmem>>
      %dma_start3A_2225 = arith.constant 0 : i32
      %dma_start3A_2226 = arith.constant 0 : i32
      %dma_start3A_2227 = tpu.memref_slice %arg5[%dma_start3A_2218, %dma_start3A_2225, %dma_start3A_2226] : memref<5x8x128xi32, #tpu.memory_space<vmem>> -> memref<1x8x128xi32, #tpu.memory_space<vmem>>
      %dma_start3A_2228 = tpu.memref_squeeze %dma_start3A_2227 : memref<1x8x128xi32, #tpu.memory_space<vmem>> -> memref<8x128xi32, #tpu.memory_space<vmem>>
      %dma_start3A_2229 = arith.constant 0 : i32
      %dma_start3A_2230 = tpu.memref_slice %dma_start3A_2228[%dma_start3A_2219, %dma_start3A_2229] : memref<8x128xi32, #tpu.memory_space<vmem>> -> memref<1x128xi32, #tpu.memory_space<vmem>>
      %dma_start3A_2231 = tpu.memref_squeeze %dma_start3A_2230 : memref<1x128xi32, #tpu.memory_space<vmem>> -> memref<128xi32, #tpu.memory_space<vmem>>
      %dma_start3A_2232 = arith.constant 0 : i32
      %dma_start3A_2233 = arith.constant 0 : i32
      %dma_start3A_2234 = tpu.memref_slice %arg2[%dma_start3A_2232, %dma_start3A_2233] : memref<800000x128xf32, #tpu.memory_space<hbm>> -> memref<800000x128xf32, #tpu.memory_space<hbm>>
      tpu.enqueue_indirect_dma source(%dma_start3A_2234 : memref<800000x128xf32, #tpu.memory_space<hbm>>) target(%dma_start3A_2224 : memref<128x128xf32, #tpu.memory_space<vmem>>) offsets(%dma_start3A_2231 : memref<128xi32, #tpu.memory_space<vmem>>) semaphore(%arg20 : memref<!tpu.dma_semaphore, #tpu.memory_space<semaphore_mem>>) {add = true}
      %dma_wait3A_2235 = arith.constant 4 : i32
      %dma_wait3A_2236 = arith.constant 0 : i32
      %dma_wait3A_2237 = arith.constant 4 : i32
      %dma_wait3A_2238 = arith.constant 0 : i32
      %dma_wait3A_2239 = arith.constant 0 : i32
      %dma_wait3A_2240 = tpu.memref_slice %arg6[%dma_wait3A_2237, %dma_wait3A_2238, %dma_wait3A_2239] : memref<5x128x128xf32, #tpu.memory_space<vmem>> -> memref<1x128x128xf32, #tpu.memory_space<vmem>>
      %dma_wait3A_2241 = tpu.memref_squeeze %dma_wait3A_2240 : memref<1x128x128xf32, #tpu.memory_space<vmem>> -> memref<128x128xf32, #tpu.memory_space<vmem>>
      %dma_wait3A_2242 = arith.constant 0 : i32
      %dma_wait3A_2243 = arith.constant 0 : i32
      %dma_wait3A_2244 = tpu.memref_slice %arg5[%dma_wait3A_2235, %dma_wait3A_2242, %dma_wait3A_2243] : memref<5x8x128xi32, #tpu.memory_space<vmem>> -> memref<1x8x128xi32, #tpu.memory_space<vmem>>
      %dma_wait3A_2245 = tpu.memref_squeeze %dma_wait3A_2244 : memref<1x8x128xi32, #tpu.memory_space<vmem>> -> memref<8x128xi32, #tpu.memory_space<vmem>>
      %dma_wait3A_2246 = arith.constant 0 : i32
      %dma_wait3A_2247 = tpu.memref_slice %dma_wait3A_2245[%dma_wait3A_2236, %dma_wait3A_2246] : memref<8x128xi32, #tpu.memory_space<vmem>> -> memref<1x128xi32, #tpu.memory_space<vmem>>
      %dma_wait3A_2248 = tpu.memref_squeeze %dma_wait3A_2247 : memref<1x128xi32, #tpu.memory_space<vmem>> -> memref<128xi32, #tpu.memory_space<vmem>>
      %dma_wait3A_2249 = arith.constant 0 : i32
      %dma_wait3A_2250 = arith.constant 0 : i32
      %dma_wait3A_2251 = tpu.memref_slice %arg2[%dma_wait3A_2249, %dma_wait3A_2250] : memref<800000x128xf32, #tpu.memory_space<hbm>> -> memref<800000x128xf32, #tpu.memory_space<hbm>>
      tpu.wait_indirect_dma semaphore(%arg16 : memref<!tpu.dma_semaphore, #tpu.memory_space<semaphore_mem>>) src(%dma_wait3A_2251 : memref<800000x128xf32, #tpu.memory_space<hbm>>) dst(%dma_wait3A_2241 : memref<128x128xf32, #tpu.memory_space<vmem>>)
      %dma_start3A_2252 = arith.constant 4 : i32
      %dma_start3A_2253 = arith.constant 1 : i32
      %dma_start3A_2254 = arith.constant 4 : i32
      %dma_start3A_2255 = arith.constant 0 : i32
      %dma_start3A_2256 = arith.constant 0 : i32
      %dma_start3A_2257 = tpu.memref_slice %arg6[%dma_start3A_2254, %dma_start3A_2255, %dma_start3A_2256] : memref<5x128x128xf32, #tpu.memory_space<vmem>> -> memref<1x128x128xf32, #tpu.memory_space<vmem>>
      %dma_start3A_2258 = tpu.memref_squeeze %dma_start3A_2257 : memref<1x128x128xf32, #tpu.memory_space<vmem>> -> memref<128x128xf32, #tpu.memory_space<vmem>>
      %dma_start3A_2259 = arith.constant 0 : i32
      %dma_start3A_2260 = arith.constant 0 : i32
      %dma_start3A_2261 = tpu.memref_slice %arg5[%dma_start3A_2252, %dma_start3A_2259, %dma_start3A_2260] : memref<5x8x128xi32, #tpu.memory_space<vmem>> -> memref<1x8x128xi32, #tpu.memory_space<vmem>>
      %dma_start3A_2262 = tpu.memref_squeeze %dma_start3A_2261 : memref<1x8x128xi32, #tpu.memory_space<vmem>> -> memref<8x128xi32, #tpu.memory_space<vmem>>
      %dma_start3A_2263 = arith.constant 0 : i32
      %dma_start3A_2264 = tpu.memref_slice %dma_start3A_2262[%dma_start3A_2253, %dma_start3A_2263] : memref<8x128xi32, #tpu.memory_space<vmem>> -> memref<1x128xi32, #tpu.memory_space<vmem>>
      %dma_start3A_2265 = tpu.memref_squeeze %dma_start3A_2264 : memref<1x128xi32, #tpu.memory_space<vmem>> -> memref<128xi32, #tpu.memory_space<vmem>>
      %dma_start3A_2266 = arith.constant 0 : i32
      %dma_start3A_2267 = arith.constant 0 : i32
      %dma_start3A_2268 = tpu.memref_slice %arg2[%dma_start3A_2266, %dma_start3A_2267] : memref<800000x128xf32, #tpu.memory_space<hbm>> -> memref<800000x128xf32, #tpu.memory_space<hbm>>
      tpu.enqueue_indirect_dma source(%dma_start3A_2268 : memref<800000x128xf32, #tpu.memory_space<hbm>>) target(%dma_start3A_2258 : memref<128x128xf32, #tpu.memory_space<vmem>>) offsets(%dma_start3A_2265 : memref<128xi32, #tpu.memory_space<vmem>>) semaphore(%arg21 : memref<!tpu.dma_semaphore, #tpu.memory_space<semaphore_mem>>) {add = true}
      %dma_start3A_2269 = arith.constant 4 : i32
      %dma_start3A_2270 = arith.constant 2 : i32
      %dma_start3A_2271 = arith.constant 4 : i32
      %dma_start3A_2272 = arith.constant 0 : i32
      %dma_start3A_2273 = arith.constant 0 : i32
      %dma_start3A_2274 = tpu.memref_slice %arg6[%dma_start3A_2271, %dma_start3A_2272, %dma_start3A_2273] : memref<5x128x128xf32, #tpu.memory_space<vmem>> -> memref<1x128x128xf32, #tpu.memory_space<vmem>>
      %dma_start3A_2275 = tpu.memref_squeeze %dma_start3A_2274 : memref<1x128x128xf32, #tpu.memory_space<vmem>> -> memref<128x128xf32, #tpu.memory_space<vmem>>
      %dma_start3A_2276 = arith.constant 0 : i32
      %dma_start3A_2277 = arith.constant 0 : i32
      %dma_start3A_2278 = tpu.memref_slice %arg5[%dma_start3A_2269, %dma_start3A_2276, %dma_start3A_2277] : memref<5x8x128xi32, #tpu.memory_space<vmem>> -> memref<1x8x128xi32, #tpu.memory_space<vmem>>
      %dma_start3A_2279 = tpu.memref_squeeze %dma_start3A_2278 : memref<1x8x128xi32, #tpu.memory_space<vmem>> -> memref<8x128xi32, #tpu.memory_space<vmem>>
      %dma_start3A_2280 = arith.constant 0 : i32
      %dma_start3A_2281 = tpu.memref_slice %dma_start3A_2279[%dma_start3A_2270, %dma_start3A_2280] : memref<8x128xi32, #tpu.memory_space<vmem>> -> memref<1x128xi32, #tpu.memory_space<vmem>>
      %dma_start3A_2282 = tpu.memref_squeeze %dma_start3A_2281 : memref<1x128xi32, #tpu.memory_space<vmem>> -> memref<128xi32, #tpu.memory_space<vmem>>
      %dma_start3A_2283 = arith.constant 0 : i32
      %dma_start3A_2284 = arith.constant 0 : i32
      %dma_start3A_2285 = tpu.memref_slice %arg2[%dma_start3A_2283, %dma_start3A_2284] : memref<800000x128xf32, #tpu.memory_space<hbm>> -> memref<800000x128xf32, #tpu.memory_space<hbm>>
      tpu.enqueue_indirect_dma source(%dma_start3A_2285 : memref<800000x128xf32, #tpu.memory_space<hbm>>) target(%dma_start3A_2275 : memref<128x128xf32, #tpu.memory_space<vmem>>) offsets(%dma_start3A_2282 : memref<128xi32, #tpu.memory_space<vmem>>) semaphore(%arg21 : memref<!tpu.dma_semaphore, #tpu.memory_space<semaphore_mem>>) {add = true}
      %dma_start3A_2286 = arith.constant 4 : i32
      %dma_start3A_2287 = arith.constant 3 : i32
      %dma_start3A_2288 = arith.constant 4 : i32
      %dma_start3A_2289 = arith.constant 0 : i32
      %dma_start3A_2290 = arith.constant 0 : i32
      %dma_start3A_2291 = tpu.memref_slice %arg6[%dma_start3A_2288, %dma_start3A_2289, %dma_start3A_2290] : memref<5x128x128xf32, #tpu.memory_space<vmem>> -> memref<1x128x128xf32, #tpu.memory_space<vmem>>
      %dma_start3A_2292 = tpu.memref_squeeze %dma_start3A_2291 : memref<1x128x128xf32, #tpu.memory_space<vmem>> -> memref<128x128xf32, #tpu.memory_space<vmem>>
      %dma_start3A_2293 = arith.constant 0 : i32
      %dma_start3A_2294 = arith.constant 0 : i32
      %dma_start3A_2295 = tpu.memref_slice %arg5[%dma_start3A_2286, %dma_start3A_2293, %dma_start3A_2294] : memref<5x8x128xi32, #tpu.memory_space<vmem>> -> memref<1x8x128xi32, #tpu.memory_space<vmem>>
      %dma_start3A_2296 = tpu.memref_squeeze %dma_start3A_2295 : memref<1x8x128xi32, #tpu.memory_space<vmem>> -> memref<8x128xi32, #tpu.memory_space<vmem>>
      %dma_start3A_2297 = arith.constant 0 : i32
      %dma_start3A_2298 = tpu.memref_slice %dma_start3A_2296[%dma_start3A_2287, %dma_start3A_2297] : memref<8x128xi32, #tpu.memory_space<vmem>> -> memref<1x128xi32, #tpu.memory_space<vmem>>
      %dma_start3A_2299 = tpu.memref_squeeze %dma_start3A_2298 : memref<1x128xi32, #tpu.memory_space<vmem>> -> memref<128xi32, #tpu.memory_space<vmem>>
      %dma_start3A_2300 = arith.constant 0 : i32
      %dma_start3A_2301 = arith.constant 0 : i32
      %dma_start3A_2302 = tpu.memref_slice %arg2[%dma_start3A_2300, %dma_start3A_2301] : memref<800000x128xf32, #tpu.memory_space<hbm>> -> memref<800000x128xf32, #tpu.memory_space<hbm>>
      tpu.enqueue_indirect_dma source(%dma_start3A_2302 : memref<800000x128xf32, #tpu.memory_space<hbm>>) target(%dma_start3A_2292 : memref<128x128xf32, #tpu.memory_space<vmem>>) offsets(%dma_start3A_2299 : memref<128xi32, #tpu.memory_space<vmem>>) semaphore(%arg21 : memref<!tpu.dma_semaphore, #tpu.memory_space<semaphore_mem>>) {add = true}
      %dma_start3A_2303 = arith.constant 4 : i32
      %dma_start3A_2304 = arith.constant 4 : i32
      %dma_start3A_2305 = arith.constant 4 : i32
      %dma_start3A_2306 = arith.constant 0 : i32
      %dma_start3A_2307 = arith.constant 0 : i32
      %dma_start3A_2308 = tpu.memref_slice %arg6[%dma_start3A_2305, %dma_start3A_2306, %dma_start3A_2307] : memref<5x128x128xf32, #tpu.memory_space<vmem>> -> memref<1x128x128xf32, #tpu.memory_space<vmem>>
      %dma_start3A_2309 = tpu.memref_squeeze %dma_start3A_2308 : memref<1x128x128xf32, #tpu.memory_space<vmem>> -> memref<128x128xf32, #tpu.memory_space<vmem>>
      %dma_start3A_2310 = arith.constant 0 : i32
      %dma_start3A_2311 = arith.constant 0 : i32
      %dma_start3A_2312 = tpu.memref_slice %arg5[%dma_start3A_2303, %dma_start3A_2310, %dma_start3A_2311] : memref<5x8x128xi32, #tpu.memory_space<vmem>> -> memref<1x8x128xi32, #tpu.memory_space<vmem>>
      %dma_start3A_2313 = tpu.memref_squeeze %dma_start3A_2312 : memref<1x8x128xi32, #tpu.memory_space<vmem>> -> memref<8x128xi32, #tpu.memory_space<vmem>>
      %dma_start3A_2314 = arith.constant 0 : i32
      %dma_start3A_2315 = tpu.memref_slice %dma_start3A_2313[%dma_start3A_2304, %dma_start3A_2314] : memref<8x128xi32, #tpu.memory_space<vmem>> -> memref<1x128xi32, #tpu.memory_space<vmem>>
      %dma_start3A_2316 = tpu.memref_squeeze %dma_start3A_2315 : memref<1x128xi32, #tpu.memory_space<vmem>> -> memref<128xi32, #tpu.memory_space<vmem>>
      %dma_start3A_2317 = arith.constant 0 : i32
      %dma_start3A_2318 = arith.constant 0 : i32
      %dma_start3A_2319 = tpu.memref_slice %arg2[%dma_start3A_2317, %dma_start3A_2318] : memref<800000x128xf32, #tpu.memory_space<hbm>> -> memref<800000x128xf32, #tpu.memory_space<hbm>>
      tpu.enqueue_indirect_dma source(%dma_start3A_2319 : memref<800000x128xf32, #tpu.memory_space<hbm>>) target(%dma_start3A_2309 : memref<128x128xf32, #tpu.memory_space<vmem>>) offsets(%dma_start3A_2316 : memref<128xi32, #tpu.memory_space<vmem>>) semaphore(%arg21 : memref<!tpu.dma_semaphore, #tpu.memory_space<semaphore_mem>>) {add = true}
      %dma_start3A_2320 = arith.constant 4 : i32
      %dma_start3A_2321 = arith.constant 5 : i32
      %dma_start3A_2322 = arith.constant 4 : i32
      %dma_start3A_2323 = arith.constant 0 : i32
      %dma_start3A_2324 = arith.constant 0 : i32
      %dma_start3A_2325 = tpu.memref_slice %arg6[%dma_start3A_2322, %dma_start3A_2323, %dma_start3A_2324] : memref<5x128x128xf32, #tpu.memory_space<vmem>> -> memref<1x128x128xf32, #tpu.memory_space<vmem>>
      %dma_start3A_2326 = tpu.memref_squeeze %dma_start3A_2325 : memref<1x128x128xf32, #tpu.memory_space<vmem>> -> memref<128x128xf32, #tpu.memory_space<vmem>>
      %dma_start3A_2327 = arith.constant 0 : i32
      %dma_start3A_2328 = arith.constant 0 : i32
      %dma_start3A_2329 = tpu.memref_slice %arg5[%dma_start3A_2320, %dma_start3A_2327, %dma_start3A_2328] : memref<5x8x128xi32, #tpu.memory_space<vmem>> -> memref<1x8x128xi32, #tpu.memory_space<vmem>>
      %dma_start3A_2330 = tpu.memref_squeeze %dma_start3A_2329 : memref<1x8x128xi32, #tpu.memory_space<vmem>> -> memref<8x128xi32, #tpu.memory_space<vmem>>
      %dma_start3A_2331 = arith.constant 0 : i32
      %dma_start3A_2332 = tpu.memref_slice %dma_start3A_2330[%dma_start3A_2321, %dma_start3A_2331] : memref<8x128xi32, #tpu.memory_space<vmem>> -> memref<1x128xi32, #tpu.memory_space<vmem>>
      %dma_start3A_2333 = tpu.memref_squeeze %dma_start3A_2332 : memref<1x128xi32, #tpu.memory_space<vmem>> -> memref<128xi32, #tpu.memory_space<vmem>>
      %dma_start3A_2334 = arith.constant 0 : i32
      %dma_start3A_2335 = arith.constant 0 : i32
      %dma_start3A_2336 = tpu.memref_slice %arg2[%dma_start3A_2334, %dma_start3A_2335] : memref<800000x128xf32, #tpu.memory_space<hbm>> -> memref<800000x128xf32, #tpu.memory_space<hbm>>
      tpu.enqueue_indirect_dma source(%dma_start3A_2336 : memref<800000x128xf32, #tpu.memory_space<hbm>>) target(%dma_start3A_2326 : memref<128x128xf32, #tpu.memory_space<vmem>>) offsets(%dma_start3A_2333 : memref<128xi32, #tpu.memory_space<vmem>>) semaphore(%arg21 : memref<!tpu.dma_semaphore, #tpu.memory_space<semaphore_mem>>) {add = true}
      %dma_start3A_2337 = arith.constant 4 : i32
      %dma_start3A_2338 = arith.constant 6 : i32
      %dma_start3A_2339 = arith.constant 4 : i32
      %dma_start3A_2340 = arith.constant 0 : i32
      %dma_start3A_2341 = arith.constant 0 : i32
      %dma_start3A_2342 = tpu.memref_slice %arg6[%dma_start3A_2339, %dma_start3A_2340, %dma_start3A_2341] : memref<5x128x128xf32, #tpu.memory_space<vmem>> -> memref<1x128x128xf32, #tpu.memory_space<vmem>>
      %dma_start3A_2343 = tpu.memref_squeeze %dma_start3A_2342 : memref<1x128x128xf32, #tpu.memory_space<vmem>> -> memref<128x128xf32, #tpu.memory_space<vmem>>
      %dma_start3A_2344 = arith.constant 0 : i32
      %dma_start3A_2345 = arith.constant 0 : i32
      %dma_start3A_2346 = tpu.memref_slice %arg5[%dma_start3A_2337, %dma_start3A_2344, %dma_start3A_2345] : memref<5x8x128xi32, #tpu.memory_space<vmem>> -> memref<1x8x128xi32, #tpu.memory_space<vmem>>
      %dma_start3A_2347 = tpu.memref_squeeze %dma_start3A_2346 : memref<1x8x128xi32, #tpu.memory_space<vmem>> -> memref<8x128xi32, #tpu.memory_space<vmem>>
      %dma_start3A_2348 = arith.constant 0 : i32
      %dma_start3A_2349 = tpu.memref_slice %dma_start3A_2347[%dma_start3A_2338, %dma_start3A_2348] : memref<8x128xi32, #tpu.memory_space<vmem>> -> memref<1x128xi32, #tpu.memory_space<vmem>>
      %dma_start3A_2350 = tpu.memref_squeeze %dma_start3A_2349 : memref<1x128xi32, #tpu.memory_space<vmem>> -> memref<128xi32, #tpu.memory_space<vmem>>
      %dma_start3A_2351 = arith.constant 0 : i32
      %dma_start3A_2352 = arith.constant 0 : i32
      %dma_start3A_2353 = tpu.memref_slice %arg2[%dma_start3A_2351, %dma_start3A_2352] : memref<800000x128xf32, #tpu.memory_space<hbm>> -> memref<800000x128xf32, #tpu.memory_space<hbm>>
      tpu.enqueue_indirect_dma source(%dma_start3A_2353 : memref<800000x128xf32, #tpu.memory_space<hbm>>) target(%dma_start3A_2343 : memref<128x128xf32, #tpu.memory_space<vmem>>) offsets(%dma_start3A_2350 : memref<128xi32, #tpu.memory_space<vmem>>) semaphore(%arg21 : memref<!tpu.dma_semaphore, #tpu.memory_space<semaphore_mem>>) {add = true}
      %dma_start3A_2354 = arith.constant 4 : i32
      %dma_start3A_2355 = arith.constant 7 : i32
      %dma_start3A_2356 = arith.constant 4 : i32
      %dma_start3A_2357 = arith.constant 0 : i32
      %dma_start3A_2358 = arith.constant 0 : i32
      %dma_start3A_2359 = tpu.memref_slice %arg6[%dma_start3A_2356, %dma_start3A_2357, %dma_start3A_2358] : memref<5x128x128xf32, #tpu.memory_space<vmem>> -> memref<1x128x128xf32, #tpu.memory_space<vmem>>
      %dma_start3A_2360 = tpu.memref_squeeze %dma_start3A_2359 : memref<1x128x128xf32, #tpu.memory_space<vmem>> -> memref<128x128xf32, #tpu.memory_space<vmem>>
      %dma_start3A_2361 = arith.constant 0 : i32
      %dma_start3A_2362 = arith.constant 0 : i32
      %dma_start3A_2363 = tpu.memref_slice %arg5[%dma_start3A_2354, %dma_start3A_2361, %dma_start3A_2362] : memref<5x8x128xi32, #tpu.memory_space<vmem>> -> memref<1x8x128xi32, #tpu.memory_space<vmem>>
      %dma_start3A_2364 = tpu.memref_squeeze %dma_start3A_2363 : memref<1x8x128xi32, #tpu.memory_space<vmem>> -> memref<8x128xi32, #tpu.memory_space<vmem>>
      %dma_start3A_2365 = arith.constant 0 : i32
      %dma_start3A_2366 = tpu.memref_slice %dma_start3A_2364[%dma_start3A_2355, %dma_start3A_2365] : memref<8x128xi32, #tpu.memory_space<vmem>> -> memref<1x128xi32, #tpu.memory_space<vmem>>
      %dma_start3A_2367 = tpu.memref_squeeze %dma_start3A_2366 : memref<1x128xi32, #tpu.memory_space<vmem>> -> memref<128xi32, #tpu.memory_space<vmem>>
      %dma_start3A_2368 = arith.constant 0 : i32
      %dma_start3A_2369 = arith.constant 0 : i32
      %dma_start3A_2370 = tpu.memref_slice %arg2[%dma_start3A_2368, %dma_start3A_2369] : memref<800000x128xf32, #tpu.memory_space<hbm>> -> memref<800000x128xf32, #tpu.memory_space<hbm>>
      tpu.enqueue_indirect_dma source(%dma_start3A_2370 : memref<800000x128xf32, #tpu.memory_space<hbm>>) target(%dma_start3A_2360 : memref<128x128xf32, #tpu.memory_space<vmem>>) offsets(%dma_start3A_2367 : memref<128xi32, #tpu.memory_space<vmem>>) semaphore(%arg21 : memref<!tpu.dma_semaphore, #tpu.memory_space<semaphore_mem>>) {add = true}
      %add3A_2371 = arith.constant 0 : i32
      %add3A_2372 = arith.addi %mul3A_1690, %add3A_2371 : i32
      %dma_wait3A_2373 = arith.constant 0 : i32
      %dma_wait3A_2374 = arith.constant 1 : i32
      %dma_wait3A_2375 = arith.constant 0 : i32
      %dma_wait3A_2376 = arith.constant 0 : i32
      %dma_wait3A_2377 = arith.constant 0 : i32
      %dma_wait3A_2378 = tpu.memref_slice %arg6[%dma_wait3A_2375, %dma_wait3A_2376, %dma_wait3A_2377] : memref<5x128x128xf32, #tpu.memory_space<vmem>> -> memref<1x128x128xf32, #tpu.memory_space<vmem>>
      %dma_wait3A_2379 = tpu.memref_squeeze %dma_wait3A_2378 : memref<1x128x128xf32, #tpu.memory_space<vmem>> -> memref<128x128xf32, #tpu.memory_space<vmem>>
      %dma_wait3A_2380 = arith.constant 0 : i32
      %dma_wait3A_2381 = arith.constant 0 : i32
      %dma_wait3A_2382 = tpu.memref_slice %arg5[%dma_wait3A_2373, %dma_wait3A_2380, %dma_wait3A_2381] : memref<5x8x128xi32, #tpu.memory_space<vmem>> -> memref<1x8x128xi32, #tpu.memory_space<vmem>>
      %dma_wait3A_2383 = tpu.memref_squeeze %dma_wait3A_2382 : memref<1x8x128xi32, #tpu.memory_space<vmem>> -> memref<8x128xi32, #tpu.memory_space<vmem>>
      %dma_wait3A_2384 = arith.constant 0 : i32
      %dma_wait3A_2385 = tpu.memref_slice %dma_wait3A_2383[%dma_wait3A_2374, %dma_wait3A_2384] : memref<8x128xi32, #tpu.memory_space<vmem>> -> memref<1x128xi32, #tpu.memory_space<vmem>>
      %dma_wait3A_2386 = tpu.memref_squeeze %dma_wait3A_2385 : memref<1x128xi32, #tpu.memory_space<vmem>> -> memref<128xi32, #tpu.memory_space<vmem>>
      %dma_wait3A_2387 = arith.constant 0 : i32
      %dma_wait3A_2388 = arith.constant 0 : i32
      %dma_wait3A_2389 = tpu.memref_slice %arg2[%dma_wait3A_2387, %dma_wait3A_2388] : memref<800000x128xf32, #tpu.memory_space<hbm>> -> memref<800000x128xf32, #tpu.memory_space<hbm>>
      tpu.wait_indirect_dma semaphore(%arg17 : memref<!tpu.dma_semaphore, #tpu.memory_space<semaphore_mem>>) src(%dma_wait3A_2389 : memref<800000x128xf32, #tpu.memory_space<hbm>>) dst(%dma_wait3A_2379 : memref<128x128xf32, #tpu.memory_space<vmem>>)
      %dma_wait3A_2390 = arith.constant 0 : i32
      %dma_wait3A_2391 = arith.constant 2 : i32
      %dma_wait3A_2392 = arith.constant 0 : i32
      %dma_wait3A_2393 = arith.constant 0 : i32
      %dma_wait3A_2394 = arith.constant 0 : i32
      %dma_wait3A_2395 = tpu.memref_slice %arg6[%dma_wait3A_2392, %dma_wait3A_2393, %dma_wait3A_2394] : memref<5x128x128xf32, #tpu.memory_space<vmem>> -> memref<1x128x128xf32, #tpu.memory_space<vmem>>
      %dma_wait3A_2396 = tpu.memref_squeeze %dma_wait3A_2395 : memref<1x128x128xf32, #tpu.memory_space<vmem>> -> memref<128x128xf32, #tpu.memory_space<vmem>>
      %dma_wait3A_2397 = arith.constant 0 : i32
      %dma_wait3A_2398 = arith.constant 0 : i32
      %dma_wait3A_2399 = tpu.memref_slice %arg5[%dma_wait3A_2390, %dma_wait3A_2397, %dma_wait3A_2398] : memref<5x8x128xi32, #tpu.memory_space<vmem>> -> memref<1x8x128xi32, #tpu.memory_space<vmem>>
      %dma_wait3A_2400 = tpu.memref_squeeze %dma_wait3A_2399 : memref<1x8x128xi32, #tpu.memory_space<vmem>> -> memref<8x128xi32, #tpu.memory_space<vmem>>
      %dma_wait3A_2401 = arith.constant 0 : i32
      %dma_wait3A_2402 = tpu.memref_slice %dma_wait3A_2400[%dma_wait3A_2391, %dma_wait3A_2401] : memref<8x128xi32, #tpu.memory_space<vmem>> -> memref<1x128xi32, #tpu.memory_space<vmem>>
      %dma_wait3A_2403 = tpu.memref_squeeze %dma_wait3A_2402 : memref<1x128xi32, #tpu.memory_space<vmem>> -> memref<128xi32, #tpu.memory_space<vmem>>
      %dma_wait3A_2404 = arith.constant 0 : i32
      %dma_wait3A_2405 = arith.constant 0 : i32
      %dma_wait3A_2406 = tpu.memref_slice %arg2[%dma_wait3A_2404, %dma_wait3A_2405] : memref<800000x128xf32, #tpu.memory_space<hbm>> -> memref<800000x128xf32, #tpu.memory_space<hbm>>
      tpu.wait_indirect_dma semaphore(%arg17 : memref<!tpu.dma_semaphore, #tpu.memory_space<semaphore_mem>>) src(%dma_wait3A_2406 : memref<800000x128xf32, #tpu.memory_space<hbm>>) dst(%dma_wait3A_2396 : memref<128x128xf32, #tpu.memory_space<vmem>>)
      %dma_wait3A_2407 = arith.constant 0 : i32
      %dma_wait3A_2408 = arith.constant 3 : i32
      %dma_wait3A_2409 = arith.constant 0 : i32
      %dma_wait3A_2410 = arith.constant 0 : i32
      %dma_wait3A_2411 = arith.constant 0 : i32
      %dma_wait3A_2412 = tpu.memref_slice %arg6[%dma_wait3A_2409, %dma_wait3A_2410, %dma_wait3A_2411] : memref<5x128x128xf32, #tpu.memory_space<vmem>> -> memref<1x128x128xf32, #tpu.memory_space<vmem>>
      %dma_wait3A_2413 = tpu.memref_squeeze %dma_wait3A_2412 : memref<1x128x128xf32, #tpu.memory_space<vmem>> -> memref<128x128xf32, #tpu.memory_space<vmem>>
      %dma_wait3A_2414 = arith.constant 0 : i32
      %dma_wait3A_2415 = arith.constant 0 : i32
      %dma_wait3A_2416 = tpu.memref_slice %arg5[%dma_wait3A_2407, %dma_wait3A_2414, %dma_wait3A_2415] : memref<5x8x128xi32, #tpu.memory_space<vmem>> -> memref<1x8x128xi32, #tpu.memory_space<vmem>>
      %dma_wait3A_2417 = tpu.memref_squeeze %dma_wait3A_2416 : memref<1x8x128xi32, #tpu.memory_space<vmem>> -> memref<8x128xi32, #tpu.memory_space<vmem>>
      %dma_wait3A_2418 = arith.constant 0 : i32
      %dma_wait3A_2419 = tpu.memref_slice %dma_wait3A_2417[%dma_wait3A_2408, %dma_wait3A_2418] : memref<8x128xi32, #tpu.memory_space<vmem>> -> memref<1x128xi32, #tpu.memory_space<vmem>>
      %dma_wait3A_2420 = tpu.memref_squeeze %dma_wait3A_2419 : memref<1x128xi32, #tpu.memory_space<vmem>> -> memref<128xi32, #tpu.memory_space<vmem>>
      %dma_wait3A_2421 = arith.constant 0 : i32
      %dma_wait3A_2422 = arith.constant 0 : i32
      %dma_wait3A_2423 = tpu.memref_slice %arg2[%dma_wait3A_2421, %dma_wait3A_2422] : memref<800000x128xf32, #tpu.memory_space<hbm>> -> memref<800000x128xf32, #tpu.memory_space<hbm>>
      tpu.wait_indirect_dma semaphore(%arg17 : memref<!tpu.dma_semaphore, #tpu.memory_space<semaphore_mem>>) src(%dma_wait3A_2423 : memref<800000x128xf32, #tpu.memory_space<hbm>>) dst(%dma_wait3A_2413 : memref<128x128xf32, #tpu.memory_space<vmem>>)
      %dma_wait3A_2424 = arith.constant 0 : i32
      %dma_wait3A_2425 = arith.constant 4 : i32
      %dma_wait3A_2426 = arith.constant 0 : i32
      %dma_wait3A_2427 = arith.constant 0 : i32
      %dma_wait3A_2428 = arith.constant 0 : i32
      %dma_wait3A_2429 = tpu.memref_slice %arg6[%dma_wait3A_2426, %dma_wait3A_2427, %dma_wait3A_2428] : memref<5x128x128xf32, #tpu.memory_space<vmem>> -> memref<1x128x128xf32, #tpu.memory_space<vmem>>
      %dma_wait3A_2430 = tpu.memref_squeeze %dma_wait3A_2429 : memref<1x128x128xf32, #tpu.memory_space<vmem>> -> memref<128x128xf32, #tpu.memory_space<vmem>>
      %dma_wait3A_2431 = arith.constant 0 : i32
      %dma_wait3A_2432 = arith.constant 0 : i32
      %dma_wait3A_2433 = tpu.memref_slice %arg5[%dma_wait3A_2424, %dma_wait3A_2431, %dma_wait3A_2432] : memref<5x8x128xi32, #tpu.memory_space<vmem>> -> memref<1x8x128xi32, #tpu.memory_space<vmem>>
      %dma_wait3A_2434 = tpu.memref_squeeze %dma_wait3A_2433 : memref<1x8x128xi32, #tpu.memory_space<vmem>> -> memref<8x128xi32, #tpu.memory_space<vmem>>
      %dma_wait3A_2435 = arith.constant 0 : i32
      %dma_wait3A_2436 = tpu.memref_slice %dma_wait3A_2434[%dma_wait3A_2425, %dma_wait3A_2435] : memref<8x128xi32, #tpu.memory_space<vmem>> -> memref<1x128xi32, #tpu.memory_space<vmem>>
      %dma_wait3A_2437 = tpu.memref_squeeze %dma_wait3A_2436 : memref<1x128xi32, #tpu.memory_space<vmem>> -> memref<128xi32, #tpu.memory_space<vmem>>
      %dma_wait3A_2438 = arith.constant 0 : i32
      %dma_wait3A_2439 = arith.constant 0 : i32
      %dma_wait3A_2440 = tpu.memref_slice %arg2[%dma_wait3A_2438, %dma_wait3A_2439] : memref<800000x128xf32, #tpu.memory_space<hbm>> -> memref<800000x128xf32, #tpu.memory_space<hbm>>
      tpu.wait_indirect_dma semaphore(%arg17 : memref<!tpu.dma_semaphore, #tpu.memory_space<semaphore_mem>>) src(%dma_wait3A_2440 : memref<800000x128xf32, #tpu.memory_space<hbm>>) dst(%dma_wait3A_2430 : memref<128x128xf32, #tpu.memory_space<vmem>>)
      %dma_wait3A_2441 = arith.constant 0 : i32
      %dma_wait3A_2442 = arith.constant 5 : i32
      %dma_wait3A_2443 = arith.constant 0 : i32
      %dma_wait3A_2444 = arith.constant 0 : i32
      %dma_wait3A_2445 = arith.constant 0 : i32
      %dma_wait3A_2446 = tpu.memref_slice %arg6[%dma_wait3A_2443, %dma_wait3A_2444, %dma_wait3A_2445] : memref<5x128x128xf32, #tpu.memory_space<vmem>> -> memref<1x128x128xf32, #tpu.memory_space<vmem>>
      %dma_wait3A_2447 = tpu.memref_squeeze %dma_wait3A_2446 : memref<1x128x128xf32, #tpu.memory_space<vmem>> -> memref<128x128xf32, #tpu.memory_space<vmem>>
      %dma_wait3A_2448 = arith.constant 0 : i32
      %dma_wait3A_2449 = arith.constant 0 : i32
      %dma_wait3A_2450 = tpu.memref_slice %arg5[%dma_wait3A_2441, %dma_wait3A_2448, %dma_wait3A_2449] : memref<5x8x128xi32, #tpu.memory_space<vmem>> -> memref<1x8x128xi32, #tpu.memory_space<vmem>>
      %dma_wait3A_2451 = tpu.memref_squeeze %dma_wait3A_2450 : memref<1x8x128xi32, #tpu.memory_space<vmem>> -> memref<8x128xi32, #tpu.memory_space<vmem>>
      %dma_wait3A_2452 = arith.constant 0 : i32
      %dma_wait3A_2453 = tpu.memref_slice %dma_wait3A_2451[%dma_wait3A_2442, %dma_wait3A_2452] : memref<8x128xi32, #tpu.memory_space<vmem>> -> memref<1x128xi32, #tpu.memory_space<vmem>>
      %dma_wait3A_2454 = tpu.memref_squeeze %dma_wait3A_2453 : memref<1x128xi32, #tpu.memory_space<vmem>> -> memref<128xi32, #tpu.memory_space<vmem>>
      %dma_wait3A_2455 = arith.constant 0 : i32
      %dma_wait3A_2456 = arith.constant 0 : i32
      %dma_wait3A_2457 = tpu.memref_slice %arg2[%dma_wait3A_2455, %dma_wait3A_2456] : memref<800000x128xf32, #tpu.memory_space<hbm>> -> memref<800000x128xf32, #tpu.memory_space<hbm>>
      tpu.wait_indirect_dma semaphore(%arg17 : memref<!tpu.dma_semaphore, #tpu.memory_space<semaphore_mem>>) src(%dma_wait3A_2457 : memref<800000x128xf32, #tpu.memory_space<hbm>>) dst(%dma_wait3A_2447 : memref<128x128xf32, #tpu.memory_space<vmem>>)
      %dma_wait3A_2458 = arith.constant 0 : i32
      %dma_wait3A_2459 = arith.constant 6 : i32
      %dma_wait3A_2460 = arith.constant 0 : i32
      %dma_wait3A_2461 = arith.constant 0 : i32
      %dma_wait3A_2462 = arith.constant 0 : i32
      %dma_wait3A_2463 = tpu.memref_slice %arg6[%dma_wait3A_2460, %dma_wait3A_2461, %dma_wait3A_2462] : memref<5x128x128xf32, #tpu.memory_space<vmem>> -> memref<1x128x128xf32, #tpu.memory_space<vmem>>
      %dma_wait3A_2464 = tpu.memref_squeeze %dma_wait3A_2463 : memref<1x128x128xf32, #tpu.memory_space<vmem>> -> memref<128x128xf32, #tpu.memory_space<vmem>>
      %dma_wait3A_2465 = arith.constant 0 : i32
      %dma_wait3A_2466 = arith.constant 0 : i32
      %dma_wait3A_2467 = tpu.memref_slice %arg5[%dma_wait3A_2458, %dma_wait3A_2465, %dma_wait3A_2466] : memref<5x8x128xi32, #tpu.memory_space<vmem>> -> memref<1x8x128xi32, #tpu.memory_space<vmem>>
      %dma_wait3A_2468 = tpu.memref_squeeze %dma_wait3A_2467 : memref<1x8x128xi32, #tpu.memory_space<vmem>> -> memref<8x128xi32, #tpu.memory_space<vmem>>
      %dma_wait3A_2469 = arith.constant 0 : i32
      %dma_wait3A_2470 = tpu.memref_slice %dma_wait3A_2468[%dma_wait3A_2459, %dma_wait3A_2469] : memref<8x128xi32, #tpu.memory_space<vmem>> -> memref<1x128xi32, #tpu.memory_space<vmem>>
      %dma_wait3A_2471 = tpu.memref_squeeze %dma_wait3A_2470 : memref<1x128xi32, #tpu.memory_space<vmem>> -> memref<128xi32, #tpu.memory_space<vmem>>
      %dma_wait3A_2472 = arith.constant 0 : i32
      %dma_wait3A_2473 = arith.constant 0 : i32
      %dma_wait3A_2474 = tpu.memref_slice %arg2[%dma_wait3A_2472, %dma_wait3A_2473] : memref<800000x128xf32, #tpu.memory_space<hbm>> -> memref<800000x128xf32, #tpu.memory_space<hbm>>
      tpu.wait_indirect_dma semaphore(%arg17 : memref<!tpu.dma_semaphore, #tpu.memory_space<semaphore_mem>>) src(%dma_wait3A_2474 : memref<800000x128xf32, #tpu.memory_space<hbm>>) dst(%dma_wait3A_2464 : memref<128x128xf32, #tpu.memory_space<vmem>>)
      %dma_wait3A_2475 = arith.constant 0 : i32
      %dma_wait3A_2476 = arith.constant 7 : i32
      %dma_wait3A_2477 = arith.constant 0 : i32
      %dma_wait3A_2478 = arith.constant 0 : i32
      %dma_wait3A_2479 = arith.constant 0 : i32
      %dma_wait3A_2480 = tpu.memref_slice %arg6[%dma_wait3A_2477, %dma_wait3A_2478, %dma_wait3A_2479] : memref<5x128x128xf32, #tpu.memory_space<vmem>> -> memref<1x128x128xf32, #tpu.memory_space<vmem>>
      %dma_wait3A_2481 = tpu.memref_squeeze %dma_wait3A_2480 : memref<1x128x128xf32, #tpu.memory_space<vmem>> -> memref<128x128xf32, #tpu.memory_space<vmem>>
      %dma_wait3A_2482 = arith.constant 0 : i32
      %dma_wait3A_2483 = arith.constant 0 : i32
      %dma_wait3A_2484 = tpu.memref_slice %arg5[%dma_wait3A_2475, %dma_wait3A_2482, %dma_wait3A_2483] : memref<5x8x128xi32, #tpu.memory_space<vmem>> -> memref<1x8x128xi32, #tpu.memory_space<vmem>>
      %dma_wait3A_2485 = tpu.memref_squeeze %dma_wait3A_2484 : memref<1x8x128xi32, #tpu.memory_space<vmem>> -> memref<8x128xi32, #tpu.memory_space<vmem>>
      %dma_wait3A_2486 = arith.constant 0 : i32
      %dma_wait3A_2487 = tpu.memref_slice %dma_wait3A_2485[%dma_wait3A_2476, %dma_wait3A_2486] : memref<8x128xi32, #tpu.memory_space<vmem>> -> memref<1x128xi32, #tpu.memory_space<vmem>>
      %dma_wait3A_2488 = tpu.memref_squeeze %dma_wait3A_2487 : memref<1x128xi32, #tpu.memory_space<vmem>> -> memref<128xi32, #tpu.memory_space<vmem>>
      %dma_wait3A_2489 = arith.constant 0 : i32
      %dma_wait3A_2490 = arith.constant 0 : i32
      %dma_wait3A_2491 = tpu.memref_slice %arg2[%dma_wait3A_2489, %dma_wait3A_2490] : memref<800000x128xf32, #tpu.memory_space<hbm>> -> memref<800000x128xf32, #tpu.memory_space<hbm>>
      tpu.wait_indirect_dma semaphore(%arg17 : memref<!tpu.dma_semaphore, #tpu.memory_space<semaphore_mem>>) src(%dma_wait3A_2491 : memref<800000x128xf32, #tpu.memory_space<hbm>>) dst(%dma_wait3A_2481 : memref<128x128xf32, #tpu.memory_space<vmem>>)
      %mul3A_2492 = arith.constant 128 : i32
      %mul3A_2493 = arith.muli %add3A_2372, %mul3A_2492 : i32
      %add3A_2494 = arith.addi %mul3A_4, %mul3A_2493 : i32
      %dma_start3A_2495 = arith.constant 0 : i32
      %dma_start3A_2496 = arith.constant 0 : i32
      %dma_start3A_2497 = arith.constant 0 : i32
      %dma_start3A_2498 = tpu.memref_slice %arg6[%dma_start3A_2495, %dma_start3A_2496, %dma_start3A_2497] : memref<5x128x128xf32, #tpu.memory_space<vmem>> -> memref<1x128x128xf32, #tpu.memory_space<vmem>>
      %dma_start3A_2499 = tpu.memref_squeeze %dma_start3A_2498 : memref<1x128x128xf32, #tpu.memory_space<vmem>> -> memref<128x128xf32, #tpu.memory_space<vmem>>
      %dma_start3A_2500 = arith.constant 0 : i32
      %dma_start3A_2501 = tpu.memref_slice %arg4[%add3A_2494, %dma_start3A_2500] : memref<204800x128xf32, #tpu.memory_space<hbm>> -> memref<128x128xf32, #tpu.memory_space<hbm>>
      %dma_start3A_2502 = arith.constant 0 : i32
      %dma_start3A_2503 = tpu.memref_slice %arg4[%add3A_2494, %dma_start3A_2502] : memref<204800x128xf32, #tpu.memory_space<hbm>> -> memref<128x128xf32, #tpu.memory_space<hbm>>
      %dma_start3A_2504 = arith.constant 0 : i32
      %dma_start3A_2505 = arith.constant 0 : i32
      %dma_start3A_2506 = tpu.memref_slice %arg6[%dma_start3A_2495, %dma_start3A_2504, %dma_start3A_2505] : memref<5x128x128xf32, #tpu.memory_space<vmem>> -> memref<1x128x128xf32, #tpu.memory_space<vmem>>
      %dma_start3A_2507 = tpu.memref_squeeze %dma_start3A_2506 : memref<1x128x128xf32, #tpu.memory_space<vmem>> -> memref<128x128xf32, #tpu.memory_space<vmem>>
      tpu.enqueue_dma source(%dma_start3A_2507 : memref<128x128xf32, #tpu.memory_space<vmem>>) target(%dma_start3A_2503 : memref<128x128xf32, #tpu.memory_space<hbm>>) target_semaphore(%arg22 : memref<!tpu.dma_semaphore, #tpu.memory_space<semaphore_mem>>)
      %add3A_2508 = arith.constant 1 : i32
      %add3A_2509 = arith.addi %mul3A_1690, %add3A_2508 : i32
      %dma_wait3A_2510 = arith.constant 1 : i32
      %dma_wait3A_2511 = arith.constant 1 : i32
      %dma_wait3A_2512 = arith.constant 1 : i32
      %dma_wait3A_2513 = arith.constant 0 : i32
      %dma_wait3A_2514 = arith.constant 0 : i32
      %dma_wait3A_2515 = tpu.memref_slice %arg6[%dma_wait3A_2512, %dma_wait3A_2513, %dma_wait3A_2514] : memref<5x128x128xf32, #tpu.memory_space<vmem>> -> memref<1x128x128xf32, #tpu.memory_space<vmem>>
      %dma_wait3A_2516 = tpu.memref_squeeze %dma_wait3A_2515 : memref<1x128x128xf32, #tpu.memory_space<vmem>> -> memref<128x128xf32, #tpu.memory_space<vmem>>
      %dma_wait3A_2517 = arith.constant 0 : i32
      %dma_wait3A_2518 = arith.constant 0 : i32
      %dma_wait3A_2519 = tpu.memref_slice %arg5[%dma_wait3A_2510, %dma_wait3A_2517, %dma_wait3A_2518] : memref<5x8x128xi32, #tpu.memory_space<vmem>> -> memref<1x8x128xi32, #tpu.memory_space<vmem>>
      %dma_wait3A_2520 = tpu.memref_squeeze %dma_wait3A_2519 : memref<1x8x128xi32, #tpu.memory_space<vmem>> -> memref<8x128xi32, #tpu.memory_space<vmem>>
      %dma_wait3A_2521 = arith.constant 0 : i32
      %dma_wait3A_2522 = tpu.memref_slice %dma_wait3A_2520[%dma_wait3A_2511, %dma_wait3A_2521] : memref<8x128xi32, #tpu.memory_space<vmem>> -> memref<1x128xi32, #tpu.memory_space<vmem>>
      %dma_wait3A_2523 = tpu.memref_squeeze %dma_wait3A_2522 : memref<1x128xi32, #tpu.memory_space<vmem>> -> memref<128xi32, #tpu.memory_space<vmem>>
      %dma_wait3A_2524 = arith.constant 0 : i32
      %dma_wait3A_2525 = arith.constant 0 : i32
      %dma_wait3A_2526 = tpu.memref_slice %arg2[%dma_wait3A_2524, %dma_wait3A_2525] : memref<800000x128xf32, #tpu.memory_space<hbm>> -> memref<800000x128xf32, #tpu.memory_space<hbm>>
      tpu.wait_indirect_dma semaphore(%arg18 : memref<!tpu.dma_semaphore, #tpu.memory_space<semaphore_mem>>) src(%dma_wait3A_2526 : memref<800000x128xf32, #tpu.memory_space<hbm>>) dst(%dma_wait3A_2516 : memref<128x128xf32, #tpu.memory_space<vmem>>)
      %dma_wait3A_2527 = arith.constant 1 : i32
      %dma_wait3A_2528 = arith.constant 2 : i32
      %dma_wait3A_2529 = arith.constant 1 : i32
      %dma_wait3A_2530 = arith.constant 0 : i32
      %dma_wait3A_2531 = arith.constant 0 : i32
      %dma_wait3A_2532 = tpu.memref_slice %arg6[%dma_wait3A_2529, %dma_wait3A_2530, %dma_wait3A_2531] : memref<5x128x128xf32, #tpu.memory_space<vmem>> -> memref<1x128x128xf32, #tpu.memory_space<vmem>>
      %dma_wait3A_2533 = tpu.memref_squeeze %dma_wait3A_2532 : memref<1x128x128xf32, #tpu.memory_space<vmem>> -> memref<128x128xf32, #tpu.memory_space<vmem>>
      %dma_wait3A_2534 = arith.constant 0 : i32
      %dma_wait3A_2535 = arith.constant 0 : i32
      %dma_wait3A_2536 = tpu.memref_slice %arg5[%dma_wait3A_2527, %dma_wait3A_2534, %dma_wait3A_2535] : memref<5x8x128xi32, #tpu.memory_space<vmem>> -> memref<1x8x128xi32, #tpu.memory_space<vmem>>
      %dma_wait3A_2537 = tpu.memref_squeeze %dma_wait3A_2536 : memref<1x8x128xi32, #tpu.memory_space<vmem>> -> memref<8x128xi32, #tpu.memory_space<vmem>>
      %dma_wait3A_2538 = arith.constant 0 : i32
      %dma_wait3A_2539 = tpu.memref_slice %dma_wait3A_2537[%dma_wait3A_2528, %dma_wait3A_2538] : memref<8x128xi32, #tpu.memory_space<vmem>> -> memref<1x128xi32, #tpu.memory_space<vmem>>
      %dma_wait3A_2540 = tpu.memref_squeeze %dma_wait3A_2539 : memref<1x128xi32, #tpu.memory_space<vmem>> -> memref<128xi32, #tpu.memory_space<vmem>>
      %dma_wait3A_2541 = arith.constant 0 : i32
      %dma_wait3A_2542 = arith.constant 0 : i32
      %dma_wait3A_2543 = tpu.memref_slice %arg2[%dma_wait3A_2541, %dma_wait3A_2542] : memref<800000x128xf32, #tpu.memory_space<hbm>> -> memref<800000x128xf32, #tpu.memory_space<hbm>>
      tpu.wait_indirect_dma semaphore(%arg18 : memref<!tpu.dma_semaphore, #tpu.memory_space<semaphore_mem>>) src(%dma_wait3A_2543 : memref<800000x128xf32, #tpu.memory_space<hbm>>) dst(%dma_wait3A_2533 : memref<128x128xf32, #tpu.memory_space<vmem>>)
      %dma_wait3A_2544 = arith.constant 1 : i32
      %dma_wait3A_2545 = arith.constant 3 : i32
      %dma_wait3A_2546 = arith.constant 1 : i32
      %dma_wait3A_2547 = arith.constant 0 : i32
      %dma_wait3A_2548 = arith.constant 0 : i32
      %dma_wait3A_2549 = tpu.memref_slice %arg6[%dma_wait3A_2546, %dma_wait3A_2547, %dma_wait3A_2548] : memref<5x128x128xf32, #tpu.memory_space<vmem>> -> memref<1x128x128xf32, #tpu.memory_space<vmem>>
      %dma_wait3A_2550 = tpu.memref_squeeze %dma_wait3A_2549 : memref<1x128x128xf32, #tpu.memory_space<vmem>> -> memref<128x128xf32, #tpu.memory_space<vmem>>
      %dma_wait3A_2551 = arith.constant 0 : i32
      %dma_wait3A_2552 = arith.constant 0 : i32
      %dma_wait3A_2553 = tpu.memref_slice %arg5[%dma_wait3A_2544, %dma_wait3A_2551, %dma_wait3A_2552] : memref<5x8x128xi32, #tpu.memory_space<vmem>> -> memref<1x8x128xi32, #tpu.memory_space<vmem>>
      %dma_wait3A_2554 = tpu.memref_squeeze %dma_wait3A_2553 : memref<1x8x128xi32, #tpu.memory_space<vmem>> -> memref<8x128xi32, #tpu.memory_space<vmem>>
      %dma_wait3A_2555 = arith.constant 0 : i32
      %dma_wait3A_2556 = tpu.memref_slice %dma_wait3A_2554[%dma_wait3A_2545, %dma_wait3A_2555] : memref<8x128xi32, #tpu.memory_space<vmem>> -> memref<1x128xi32, #tpu.memory_space<vmem>>
      %dma_wait3A_2557 = tpu.memref_squeeze %dma_wait3A_2556 : memref<1x128xi32, #tpu.memory_space<vmem>> -> memref<128xi32, #tpu.memory_space<vmem>>
      %dma_wait3A_2558 = arith.constant 0 : i32
      %dma_wait3A_2559 = arith.constant 0 : i32
      %dma_wait3A_2560 = tpu.memref_slice %arg2[%dma_wait3A_2558, %dma_wait3A_2559] : memref<800000x128xf32, #tpu.memory_space<hbm>> -> memref<800000x128xf32, #tpu.memory_space<hbm>>
      tpu.wait_indirect_dma semaphore(%arg18 : memref<!tpu.dma_semaphore, #tpu.memory_space<semaphore_mem>>) src(%dma_wait3A_2560 : memref<800000x128xf32, #tpu.memory_space<hbm>>) dst(%dma_wait3A_2550 : memref<128x128xf32, #tpu.memory_space<vmem>>)
      %dma_wait3A_2561 = arith.constant 1 : i32
      %dma_wait3A_2562 = arith.constant 4 : i32
      %dma_wait3A_2563 = arith.constant 1 : i32
      %dma_wait3A_2564 = arith.constant 0 : i32
      %dma_wait3A_2565 = arith.constant 0 : i32
      %dma_wait3A_2566 = tpu.memref_slice %arg6[%dma_wait3A_2563, %dma_wait3A_2564, %dma_wait3A_2565] : memref<5x128x128xf32, #tpu.memory_space<vmem>> -> memref<1x128x128xf32, #tpu.memory_space<vmem>>
      %dma_wait3A_2567 = tpu.memref_squeeze %dma_wait3A_2566 : memref<1x128x128xf32, #tpu.memory_space<vmem>> -> memref<128x128xf32, #tpu.memory_space<vmem>>
      %dma_wait3A_2568 = arith.constant 0 : i32
      %dma_wait3A_2569 = arith.constant 0 : i32
      %dma_wait3A_2570 = tpu.memref_slice %arg5[%dma_wait3A_2561, %dma_wait3A_2568, %dma_wait3A_2569] : memref<5x8x128xi32, #tpu.memory_space<vmem>> -> memref<1x8x128xi32, #tpu.memory_space<vmem>>
      %dma_wait3A_2571 = tpu.memref_squeeze %dma_wait3A_2570 : memref<1x8x128xi32, #tpu.memory_space<vmem>> -> memref<8x128xi32, #tpu.memory_space<vmem>>
      %dma_wait3A_2572 = arith.constant 0 : i32
      %dma_wait3A_2573 = tpu.memref_slice %dma_wait3A_2571[%dma_wait3A_2562, %dma_wait3A_2572] : memref<8x128xi32, #tpu.memory_space<vmem>> -> memref<1x128xi32, #tpu.memory_space<vmem>>
      %dma_wait3A_2574 = tpu.memref_squeeze %dma_wait3A_2573 : memref<1x128xi32, #tpu.memory_space<vmem>> -> memref<128xi32, #tpu.memory_space<vmem>>
      %dma_wait3A_2575 = arith.constant 0 : i32
      %dma_wait3A_2576 = arith.constant 0 : i32
      %dma_wait3A_2577 = tpu.memref_slice %arg2[%dma_wait3A_2575, %dma_wait3A_2576] : memref<800000x128xf32, #tpu.memory_space<hbm>> -> memref<800000x128xf32, #tpu.memory_space<hbm>>
      tpu.wait_indirect_dma semaphore(%arg18 : memref<!tpu.dma_semaphore, #tpu.memory_space<semaphore_mem>>) src(%dma_wait3A_2577 : memref<800000x128xf32, #tpu.memory_space<hbm>>) dst(%dma_wait3A_2567 : memref<128x128xf32, #tpu.memory_space<vmem>>)
      %dma_wait3A_2578 = arith.constant 1 : i32
      %dma_wait3A_2579 = arith.constant 5 : i32
      %dma_wait3A_2580 = arith.constant 1 : i32
      %dma_wait3A_2581 = arith.constant 0 : i32
      %dma_wait3A_2582 = arith.constant 0 : i32
      %dma_wait3A_2583 = tpu.memref_slice %arg6[%dma_wait3A_2580, %dma_wait3A_2581, %dma_wait3A_2582] : memref<5x128x128xf32, #tpu.memory_space<vmem>> -> memref<1x128x128xf32, #tpu.memory_space<vmem>>
      %dma_wait3A_2584 = tpu.memref_squeeze %dma_wait3A_2583 : memref<1x128x128xf32, #tpu.memory_space<vmem>> -> memref<128x128xf32, #tpu.memory_space<vmem>>
      %dma_wait3A_2585 = arith.constant 0 : i32
      %dma_wait3A_2586 = arith.constant 0 : i32
      %dma_wait3A_2587 = tpu.memref_slice %arg5[%dma_wait3A_2578, %dma_wait3A_2585, %dma_wait3A_2586] : memref<5x8x128xi32, #tpu.memory_space<vmem>> -> memref<1x8x128xi32, #tpu.memory_space<vmem>>
      %dma_wait3A_2588 = tpu.memref_squeeze %dma_wait3A_2587 : memref<1x8x128xi32, #tpu.memory_space<vmem>> -> memref<8x128xi32, #tpu.memory_space<vmem>>
      %dma_wait3A_2589 = arith.constant 0 : i32
      %dma_wait3A_2590 = tpu.memref_slice %dma_wait3A_2588[%dma_wait3A_2579, %dma_wait3A_2589] : memref<8x128xi32, #tpu.memory_space<vmem>> -> memref<1x128xi32, #tpu.memory_space<vmem>>
      %dma_wait3A_2591 = tpu.memref_squeeze %dma_wait3A_2590 : memref<1x128xi32, #tpu.memory_space<vmem>> -> memref<128xi32, #tpu.memory_space<vmem>>
      %dma_wait3A_2592 = arith.constant 0 : i32
      %dma_wait3A_2593 = arith.constant 0 : i32
      %dma_wait3A_2594 = tpu.memref_slice %arg2[%dma_wait3A_2592, %dma_wait3A_2593] : memref<800000x128xf32, #tpu.memory_space<hbm>> -> memref<800000x128xf32, #tpu.memory_space<hbm>>
      tpu.wait_indirect_dma semaphore(%arg18 : memref<!tpu.dma_semaphore, #tpu.memory_space<semaphore_mem>>) src(%dma_wait3A_2594 : memref<800000x128xf32, #tpu.memory_space<hbm>>) dst(%dma_wait3A_2584 : memref<128x128xf32, #tpu.memory_space<vmem>>)
      %dma_wait3A_2595 = arith.constant 1 : i32
      %dma_wait3A_2596 = arith.constant 6 : i32
      %dma_wait3A_2597 = arith.constant 1 : i32
      %dma_wait3A_2598 = arith.constant 0 : i32
      %dma_wait3A_2599 = arith.constant 0 : i32
      %dma_wait3A_2600 = tpu.memref_slice %arg6[%dma_wait3A_2597, %dma_wait3A_2598, %dma_wait3A_2599] : memref<5x128x128xf32, #tpu.memory_space<vmem>> -> memref<1x128x128xf32, #tpu.memory_space<vmem>>
      %dma_wait3A_2601 = tpu.memref_squeeze %dma_wait3A_2600 : memref<1x128x128xf32, #tpu.memory_space<vmem>> -> memref<128x128xf32, #tpu.memory_space<vmem>>
      %dma_wait3A_2602 = arith.constant 0 : i32
      %dma_wait3A_2603 = arith.constant 0 : i32
      %dma_wait3A_2604 = tpu.memref_slice %arg5[%dma_wait3A_2595, %dma_wait3A_2602, %dma_wait3A_2603] : memref<5x8x128xi32, #tpu.memory_space<vmem>> -> memref<1x8x128xi32, #tpu.memory_space<vmem>>
      %dma_wait3A_2605 = tpu.memref_squeeze %dma_wait3A_2604 : memref<1x8x128xi32, #tpu.memory_space<vmem>> -> memref<8x128xi32, #tpu.memory_space<vmem>>
      %dma_wait3A_2606 = arith.constant 0 : i32
      %dma_wait3A_2607 = tpu.memref_slice %dma_wait3A_2605[%dma_wait3A_2596, %dma_wait3A_2606] : memref<8x128xi32, #tpu.memory_space<vmem>> -> memref<1x128xi32, #tpu.memory_space<vmem>>
      %dma_wait3A_2608 = tpu.memref_squeeze %dma_wait3A_2607 : memref<1x128xi32, #tpu.memory_space<vmem>> -> memref<128xi32, #tpu.memory_space<vmem>>
      %dma_wait3A_2609 = arith.constant 0 : i32
      %dma_wait3A_2610 = arith.constant 0 : i32
      %dma_wait3A_2611 = tpu.memref_slice %arg2[%dma_wait3A_2609, %dma_wait3A_2610] : memref<800000x128xf32, #tpu.memory_space<hbm>> -> memref<800000x128xf32, #tpu.memory_space<hbm>>
      tpu.wait_indirect_dma semaphore(%arg18 : memref<!tpu.dma_semaphore, #tpu.memory_space<semaphore_mem>>) src(%dma_wait3A_2611 : memref<800000x128xf32, #tpu.memory_space<hbm>>) dst(%dma_wait3A_2601 : memref<128x128xf32, #tpu.memory_space<vmem>>)
      %dma_wait3A_2612 = arith.constant 1 : i32
      %dma_wait3A_2613 = arith.constant 7 : i32
      %dma_wait3A_2614 = arith.constant 1 : i32
      %dma_wait3A_2615 = arith.constant 0 : i32
      %dma_wait3A_2616 = arith.constant 0 : i32
      %dma_wait3A_2617 = tpu.memref_slice %arg6[%dma_wait3A_2614, %dma_wait3A_2615, %dma_wait3A_2616] : memref<5x128x128xf32, #tpu.memory_space<vmem>> -> memref<1x128x128xf32, #tpu.memory_space<vmem>>
      %dma_wait3A_2618 = tpu.memref_squeeze %dma_wait3A_2617 : memref<1x128x128xf32, #tpu.memory_space<vmem>> -> memref<128x128xf32, #tpu.memory_space<vmem>>
      %dma_wait3A_2619 = arith.constant 0 : i32
      %dma_wait3A_2620 = arith.constant 0 : i32
      %dma_wait3A_2621 = tpu.memref_slice %arg5[%dma_wait3A_2612, %dma_wait3A_2619, %dma_wait3A_2620] : memref<5x8x128xi32, #tpu.memory_space<vmem>> -> memref<1x8x128xi32, #tpu.memory_space<vmem>>
      %dma_wait3A_2622 = tpu.memref_squeeze %dma_wait3A_2621 : memref<1x8x128xi32, #tpu.memory_space<vmem>> -> memref<8x128xi32, #tpu.memory_space<vmem>>
      %dma_wait3A_2623 = arith.constant 0 : i32
      %dma_wait3A_2624 = tpu.memref_slice %dma_wait3A_2622[%dma_wait3A_2613, %dma_wait3A_2623] : memref<8x128xi32, #tpu.memory_space<vmem>> -> memref<1x128xi32, #tpu.memory_space<vmem>>
      %dma_wait3A_2625 = tpu.memref_squeeze %dma_wait3A_2624 : memref<1x128xi32, #tpu.memory_space<vmem>> -> memref<128xi32, #tpu.memory_space<vmem>>
      %dma_wait3A_2626 = arith.constant 0 : i32
      %dma_wait3A_2627 = arith.constant 0 : i32
      %dma_wait3A_2628 = tpu.memref_slice %arg2[%dma_wait3A_2626, %dma_wait3A_2627] : memref<800000x128xf32, #tpu.memory_space<hbm>> -> memref<800000x128xf32, #tpu.memory_space<hbm>>
      tpu.wait_indirect_dma semaphore(%arg18 : memref<!tpu.dma_semaphore, #tpu.memory_space<semaphore_mem>>) src(%dma_wait3A_2628 : memref<800000x128xf32, #tpu.memory_space<hbm>>) dst(%dma_wait3A_2618 : memref<128x128xf32, #tpu.memory_space<vmem>>)
      %mul3A_2629 = arith.constant 128 : i32
      %mul3A_2630 = arith.muli %add3A_2509, %mul3A_2629 : i32
      %add3A_2631 = arith.addi %mul3A_4, %mul3A_2630 : i32
      %dma_start3A_2632 = arith.constant 1 : i32
      %dma_start3A_2633 = arith.constant 0 : i32
      %dma_start3A_2634 = arith.constant 0 : i32
      %dma_start3A_2635 = tpu.memref_slice %arg6[%dma_start3A_2632, %dma_start3A_2633, %dma_start3A_2634] : memref<5x128x128xf32, #tpu.memory_space<vmem>> -> memref<1x128x128xf32, #tpu.memory_space<vmem>>
      %dma_start3A_2636 = tpu.memref_squeeze %dma_start3A_2635 : memref<1x128x128xf32, #tpu.memory_space<vmem>> -> memref<128x128xf32, #tpu.memory_space<vmem>>
      %dma_start3A_2637 = arith.constant 0 : i32
      %dma_start3A_2638 = tpu.memref_slice %arg4[%add3A_2631, %dma_start3A_2637] : memref<204800x128xf32, #tpu.memory_space<hbm>> -> memref<128x128xf32, #tpu.memory_space<hbm>>
      %dma_start3A_2639 = arith.constant 0 : i32
      %dma_start3A_2640 = tpu.memref_slice %arg4[%add3A_2631, %dma_start3A_2639] : memref<204800x128xf32, #tpu.memory_space<hbm>> -> memref<128x128xf32, #tpu.memory_space<hbm>>
      %dma_start3A_2641 = arith.constant 0 : i32
      %dma_start3A_2642 = arith.constant 0 : i32
      %dma_start3A_2643 = tpu.memref_slice %arg6[%dma_start3A_2632, %dma_start3A_2641, %dma_start3A_2642] : memref<5x128x128xf32, #tpu.memory_space<vmem>> -> memref<1x128x128xf32, #tpu.memory_space<vmem>>
      %dma_start3A_2644 = tpu.memref_squeeze %dma_start3A_2643 : memref<1x128x128xf32, #tpu.memory_space<vmem>> -> memref<128x128xf32, #tpu.memory_space<vmem>>
      tpu.enqueue_dma source(%dma_start3A_2644 : memref<128x128xf32, #tpu.memory_space<vmem>>) target(%dma_start3A_2640 : memref<128x128xf32, #tpu.memory_space<hbm>>) target_semaphore(%arg23 : memref<!tpu.dma_semaphore, #tpu.memory_space<semaphore_mem>>)
      %add3A_2645 = arith.constant 2 : i32
      %add3A_2646 = arith.addi %mul3A_1690, %add3A_2645 : i32
      %dma_wait3A_2647 = arith.constant 2 : i32
      %dma_wait3A_2648 = arith.constant 1 : i32
      %dma_wait3A_2649 = arith.constant 2 : i32
      %dma_wait3A_2650 = arith.constant 0 : i32
      %dma_wait3A_2651 = arith.constant 0 : i32
      %dma_wait3A_2652 = tpu.memref_slice %arg6[%dma_wait3A_2649, %dma_wait3A_2650, %dma_wait3A_2651] : memref<5x128x128xf32, #tpu.memory_space<vmem>> -> memref<1x128x128xf32, #tpu.memory_space<vmem>>
      %dma_wait3A_2653 = tpu.memref_squeeze %dma_wait3A_2652 : memref<1x128x128xf32, #tpu.memory_space<vmem>> -> memref<128x128xf32, #tpu.memory_space<vmem>>
      %dma_wait3A_2654 = arith.constant 0 : i32
      %dma_wait3A_2655 = arith.constant 0 : i32
      %dma_wait3A_2656 = tpu.memref_slice %arg5[%dma_wait3A_2647, %dma_wait3A_2654, %dma_wait3A_2655] : memref<5x8x128xi32, #tpu.memory_space<vmem>> -> memref<1x8x128xi32, #tpu.memory_space<vmem>>
      %dma_wait3A_2657 = tpu.memref_squeeze %dma_wait3A_2656 : memref<1x8x128xi32, #tpu.memory_space<vmem>> -> memref<8x128xi32, #tpu.memory_space<vmem>>
      %dma_wait3A_2658 = arith.constant 0 : i32
      %dma_wait3A_2659 = tpu.memref_slice %dma_wait3A_2657[%dma_wait3A_2648, %dma_wait3A_2658] : memref<8x128xi32, #tpu.memory_space<vmem>> -> memref<1x128xi32, #tpu.memory_space<vmem>>
      %dma_wait3A_2660 = tpu.memref_squeeze %dma_wait3A_2659 : memref<1x128xi32, #tpu.memory_space<vmem>> -> memref<128xi32, #tpu.memory_space<vmem>>
      %dma_wait3A_2661 = arith.constant 0 : i32
      %dma_wait3A_2662 = arith.constant 0 : i32
      %dma_wait3A_2663 = tpu.memref_slice %arg2[%dma_wait3A_2661, %dma_wait3A_2662] : memref<800000x128xf32, #tpu.memory_space<hbm>> -> memref<800000x128xf32, #tpu.memory_space<hbm>>
      tpu.wait_indirect_dma semaphore(%arg19 : memref<!tpu.dma_semaphore, #tpu.memory_space<semaphore_mem>>) src(%dma_wait3A_2663 : memref<800000x128xf32, #tpu.memory_space<hbm>>) dst(%dma_wait3A_2653 : memref<128x128xf32, #tpu.memory_space<vmem>>)
      %dma_wait3A_2664 = arith.constant 2 : i32
      %dma_wait3A_2665 = arith.constant 2 : i32
      %dma_wait3A_2666 = arith.constant 2 : i32
      %dma_wait3A_2667 = arith.constant 0 : i32
      %dma_wait3A_2668 = arith.constant 0 : i32
      %dma_wait3A_2669 = tpu.memref_slice %arg6[%dma_wait3A_2666, %dma_wait3A_2667, %dma_wait3A_2668] : memref<5x128x128xf32, #tpu.memory_space<vmem>> -> memref<1x128x128xf32, #tpu.memory_space<vmem>>
      %dma_wait3A_2670 = tpu.memref_squeeze %dma_wait3A_2669 : memref<1x128x128xf32, #tpu.memory_space<vmem>> -> memref<128x128xf32, #tpu.memory_space<vmem>>
      %dma_wait3A_2671 = arith.constant 0 : i32
      %dma_wait3A_2672 = arith.constant 0 : i32
      %dma_wait3A_2673 = tpu.memref_slice %arg5[%dma_wait3A_2664, %dma_wait3A_2671, %dma_wait3A_2672] : memref<5x8x128xi32, #tpu.memory_space<vmem>> -> memref<1x8x128xi32, #tpu.memory_space<vmem>>
      %dma_wait3A_2674 = tpu.memref_squeeze %dma_wait3A_2673 : memref<1x8x128xi32, #tpu.memory_space<vmem>> -> memref<8x128xi32, #tpu.memory_space<vmem>>
      %dma_wait3A_2675 = arith.constant 0 : i32
      %dma_wait3A_2676 = tpu.memref_slice %dma_wait3A_2674[%dma_wait3A_2665, %dma_wait3A_2675] : memref<8x128xi32, #tpu.memory_space<vmem>> -> memref<1x128xi32, #tpu.memory_space<vmem>>
      %dma_wait3A_2677 = tpu.memref_squeeze %dma_wait3A_2676 : memref<1x128xi32, #tpu.memory_space<vmem>> -> memref<128xi32, #tpu.memory_space<vmem>>
      %dma_wait3A_2678 = arith.constant 0 : i32
      %dma_wait3A_2679 = arith.constant 0 : i32
      %dma_wait3A_2680 = tpu.memref_slice %arg2[%dma_wait3A_2678, %dma_wait3A_2679] : memref<800000x128xf32, #tpu.memory_space<hbm>> -> memref<800000x128xf32, #tpu.memory_space<hbm>>
      tpu.wait_indirect_dma semaphore(%arg19 : memref<!tpu.dma_semaphore, #tpu.memory_space<semaphore_mem>>) src(%dma_wait3A_2680 : memref<800000x128xf32, #tpu.memory_space<hbm>>) dst(%dma_wait3A_2670 : memref<128x128xf32, #tpu.memory_space<vmem>>)
      %dma_wait3A_2681 = arith.constant 2 : i32
      %dma_wait3A_2682 = arith.constant 3 : i32
      %dma_wait3A_2683 = arith.constant 2 : i32
      %dma_wait3A_2684 = arith.constant 0 : i32
      %dma_wait3A_2685 = arith.constant 0 : i32
      %dma_wait3A_2686 = tpu.memref_slice %arg6[%dma_wait3A_2683, %dma_wait3A_2684, %dma_wait3A_2685] : memref<5x128x128xf32, #tpu.memory_space<vmem>> -> memref<1x128x128xf32, #tpu.memory_space<vmem>>
      %dma_wait3A_2687 = tpu.memref_squeeze %dma_wait3A_2686 : memref<1x128x128xf32, #tpu.memory_space<vmem>> -> memref<128x128xf32, #tpu.memory_space<vmem>>
      %dma_wait3A_2688 = arith.constant 0 : i32
      %dma_wait3A_2689 = arith.constant 0 : i32
      %dma_wait3A_2690 = tpu.memref_slice %arg5[%dma_wait3A_2681, %dma_wait3A_2688, %dma_wait3A_2689] : memref<5x8x128xi32, #tpu.memory_space<vmem>> -> memref<1x8x128xi32, #tpu.memory_space<vmem>>
      %dma_wait3A_2691 = tpu.memref_squeeze %dma_wait3A_2690 : memref<1x8x128xi32, #tpu.memory_space<vmem>> -> memref<8x128xi32, #tpu.memory_space<vmem>>
      %dma_wait3A_2692 = arith.constant 0 : i32
      %dma_wait3A_2693 = tpu.memref_slice %dma_wait3A_2691[%dma_wait3A_2682, %dma_wait3A_2692] : memref<8x128xi32, #tpu.memory_space<vmem>> -> memref<1x128xi32, #tpu.memory_space<vmem>>
      %dma_wait3A_2694 = tpu.memref_squeeze %dma_wait3A_2693 : memref<1x128xi32, #tpu.memory_space<vmem>> -> memref<128xi32, #tpu.memory_space<vmem>>
      %dma_wait3A_2695 = arith.constant 0 : i32
      %dma_wait3A_2696 = arith.constant 0 : i32
      %dma_wait3A_2697 = tpu.memref_slice %arg2[%dma_wait3A_2695, %dma_wait3A_2696] : memref<800000x128xf32, #tpu.memory_space<hbm>> -> memref<800000x128xf32, #tpu.memory_space<hbm>>
      tpu.wait_indirect_dma semaphore(%arg19 : memref<!tpu.dma_semaphore, #tpu.memory_space<semaphore_mem>>) src(%dma_wait3A_2697 : memref<800000x128xf32, #tpu.memory_space<hbm>>) dst(%dma_wait3A_2687 : memref<128x128xf32, #tpu.memory_space<vmem>>)
      %dma_wait3A_2698 = arith.constant 2 : i32
      %dma_wait3A_2699 = arith.constant 4 : i32
      %dma_wait3A_2700 = arith.constant 2 : i32
      %dma_wait3A_2701 = arith.constant 0 : i32
      %dma_wait3A_2702 = arith.constant 0 : i32
      %dma_wait3A_2703 = tpu.memref_slice %arg6[%dma_wait3A_2700, %dma_wait3A_2701, %dma_wait3A_2702] : memref<5x128x128xf32, #tpu.memory_space<vmem>> -> memref<1x128x128xf32, #tpu.memory_space<vmem>>
      %dma_wait3A_2704 = tpu.memref_squeeze %dma_wait3A_2703 : memref<1x128x128xf32, #tpu.memory_space<vmem>> -> memref<128x128xf32, #tpu.memory_space<vmem>>
      %dma_wait3A_2705 = arith.constant 0 : i32
      %dma_wait3A_2706 = arith.constant 0 : i32
      %dma_wait3A_2707 = tpu.memref_slice %arg5[%dma_wait3A_2698, %dma_wait3A_2705, %dma_wait3A_2706] : memref<5x8x128xi32, #tpu.memory_space<vmem>> -> memref<1x8x128xi32, #tpu.memory_space<vmem>>
      %dma_wait3A_2708 = tpu.memref_squeeze %dma_wait3A_2707 : memref<1x8x128xi32, #tpu.memory_space<vmem>> -> memref<8x128xi32, #tpu.memory_space<vmem>>
      %dma_wait3A_2709 = arith.constant 0 : i32
      %dma_wait3A_2710 = tpu.memref_slice %dma_wait3A_2708[%dma_wait3A_2699, %dma_wait3A_2709] : memref<8x128xi32, #tpu.memory_space<vmem>> -> memref<1x128xi32, #tpu.memory_space<vmem>>
      %dma_wait3A_2711 = tpu.memref_squeeze %dma_wait3A_2710 : memref<1x128xi32, #tpu.memory_space<vmem>> -> memref<128xi32, #tpu.memory_space<vmem>>
      %dma_wait3A_2712 = arith.constant 0 : i32
      %dma_wait3A_2713 = arith.constant 0 : i32
      %dma_wait3A_2714 = tpu.memref_slice %arg2[%dma_wait3A_2712, %dma_wait3A_2713] : memref<800000x128xf32, #tpu.memory_space<hbm>> -> memref<800000x128xf32, #tpu.memory_space<hbm>>
      tpu.wait_indirect_dma semaphore(%arg19 : memref<!tpu.dma_semaphore, #tpu.memory_space<semaphore_mem>>) src(%dma_wait3A_2714 : memref<800000x128xf32, #tpu.memory_space<hbm>>) dst(%dma_wait3A_2704 : memref<128x128xf32, #tpu.memory_space<vmem>>)
      %dma_wait3A_2715 = arith.constant 2 : i32
      %dma_wait3A_2716 = arith.constant 5 : i32
      %dma_wait3A_2717 = arith.constant 2 : i32
      %dma_wait3A_2718 = arith.constant 0 : i32
      %dma_wait3A_2719 = arith.constant 0 : i32
      %dma_wait3A_2720 = tpu.memref_slice %arg6[%dma_wait3A_2717, %dma_wait3A_2718, %dma_wait3A_2719] : memref<5x128x128xf32, #tpu.memory_space<vmem>> -> memref<1x128x128xf32, #tpu.memory_space<vmem>>
      %dma_wait3A_2721 = tpu.memref_squeeze %dma_wait3A_2720 : memref<1x128x128xf32, #tpu.memory_space<vmem>> -> memref<128x128xf32, #tpu.memory_space<vmem>>
      %dma_wait3A_2722 = arith.constant 0 : i32
      %dma_wait3A_2723 = arith.constant 0 : i32
      %dma_wait3A_2724 = tpu.memref_slice %arg5[%dma_wait3A_2715, %dma_wait3A_2722, %dma_wait3A_2723] : memref<5x8x128xi32, #tpu.memory_space<vmem>> -> memref<1x8x128xi32, #tpu.memory_space<vmem>>
      %dma_wait3A_2725 = tpu.memref_squeeze %dma_wait3A_2724 : memref<1x8x128xi32, #tpu.memory_space<vmem>> -> memref<8x128xi32, #tpu.memory_space<vmem>>
      %dma_wait3A_2726 = arith.constant 0 : i32
      %dma_wait3A_2727 = tpu.memref_slice %dma_wait3A_2725[%dma_wait3A_2716, %dma_wait3A_2726] : memref<8x128xi32, #tpu.memory_space<vmem>> -> memref<1x128xi32, #tpu.memory_space<vmem>>
      %dma_wait3A_2728 = tpu.memref_squeeze %dma_wait3A_2727 : memref<1x128xi32, #tpu.memory_space<vmem>> -> memref<128xi32, #tpu.memory_space<vmem>>
      %dma_wait3A_2729 = arith.constant 0 : i32
      %dma_wait3A_2730 = arith.constant 0 : i32
      %dma_wait3A_2731 = tpu.memref_slice %arg2[%dma_wait3A_2729, %dma_wait3A_2730] : memref<800000x128xf32, #tpu.memory_space<hbm>> -> memref<800000x128xf32, #tpu.memory_space<hbm>>
      tpu.wait_indirect_dma semaphore(%arg19 : memref<!tpu.dma_semaphore, #tpu.memory_space<semaphore_mem>>) src(%dma_wait3A_2731 : memref<800000x128xf32, #tpu.memory_space<hbm>>) dst(%dma_wait3A_2721 : memref<128x128xf32, #tpu.memory_space<vmem>>)
      %dma_wait3A_2732 = arith.constant 2 : i32
      %dma_wait3A_2733 = arith.constant 6 : i32
      %dma_wait3A_2734 = arith.constant 2 : i32
      %dma_wait3A_2735 = arith.constant 0 : i32
      %dma_wait3A_2736 = arith.constant 0 : i32
      %dma_wait3A_2737 = tpu.memref_slice %arg6[%dma_wait3A_2734, %dma_wait3A_2735, %dma_wait3A_2736] : memref<5x128x128xf32, #tpu.memory_space<vmem>> -> memref<1x128x128xf32, #tpu.memory_space<vmem>>
      %dma_wait3A_2738 = tpu.memref_squeeze %dma_wait3A_2737 : memref<1x128x128xf32, #tpu.memory_space<vmem>> -> memref<128x128xf32, #tpu.memory_space<vmem>>
      %dma_wait3A_2739 = arith.constant 0 : i32
      %dma_wait3A_2740 = arith.constant 0 : i32
      %dma_wait3A_2741 = tpu.memref_slice %arg5[%dma_wait3A_2732, %dma_wait3A_2739, %dma_wait3A_2740] : memref<5x8x128xi32, #tpu.memory_space<vmem>> -> memref<1x8x128xi32, #tpu.memory_space<vmem>>
      %dma_wait3A_2742 = tpu.memref_squeeze %dma_wait3A_2741 : memref<1x8x128xi32, #tpu.memory_space<vmem>> -> memref<8x128xi32, #tpu.memory_space<vmem>>
      %dma_wait3A_2743 = arith.constant 0 : i32
      %dma_wait3A_2744 = tpu.memref_slice %dma_wait3A_2742[%dma_wait3A_2733, %dma_wait3A_2743] : memref<8x128xi32, #tpu.memory_space<vmem>> -> memref<1x128xi32, #tpu.memory_space<vmem>>
      %dma_wait3A_2745 = tpu.memref_squeeze %dma_wait3A_2744 : memref<1x128xi32, #tpu.memory_space<vmem>> -> memref<128xi32, #tpu.memory_space<vmem>>
      %dma_wait3A_2746 = arith.constant 0 : i32
      %dma_wait3A_2747 = arith.constant 0 : i32
      %dma_wait3A_2748 = tpu.memref_slice %arg2[%dma_wait3A_2746, %dma_wait3A_2747] : memref<800000x128xf32, #tpu.memory_space<hbm>> -> memref<800000x128xf32, #tpu.memory_space<hbm>>
      tpu.wait_indirect_dma semaphore(%arg19 : memref<!tpu.dma_semaphore, #tpu.memory_space<semaphore_mem>>) src(%dma_wait3A_2748 : memref<800000x128xf32, #tpu.memory_space<hbm>>) dst(%dma_wait3A_2738 : memref<128x128xf32, #tpu.memory_space<vmem>>)
      %dma_wait3A_2749 = arith.constant 2 : i32
      %dma_wait3A_2750 = arith.constant 7 : i32
      %dma_wait3A_2751 = arith.constant 2 : i32
      %dma_wait3A_2752 = arith.constant 0 : i32
      %dma_wait3A_2753 = arith.constant 0 : i32
      %dma_wait3A_2754 = tpu.memref_slice %arg6[%dma_wait3A_2751, %dma_wait3A_2752, %dma_wait3A_2753] : memref<5x128x128xf32, #tpu.memory_space<vmem>> -> memref<1x128x128xf32, #tpu.memory_space<vmem>>
      %dma_wait3A_2755 = tpu.memref_squeeze %dma_wait3A_2754 : memref<1x128x128xf32, #tpu.memory_space<vmem>> -> memref<128x128xf32, #tpu.memory_space<vmem>>
      %dma_wait3A_2756 = arith.constant 0 : i32
      %dma_wait3A_2757 = arith.constant 0 : i32
      %dma_wait3A_2758 = tpu.memref_slice %arg5[%dma_wait3A_2749, %dma_wait3A_2756, %dma_wait3A_2757] : memref<5x8x128xi32, #tpu.memory_space<vmem>> -> memref<1x8x128xi32, #tpu.memory_space<vmem>>
      %dma_wait3A_2759 = tpu.memref_squeeze %dma_wait3A_2758 : memref<1x8x128xi32, #tpu.memory_space<vmem>> -> memref<8x128xi32, #tpu.memory_space<vmem>>
      %dma_wait3A_2760 = arith.constant 0 : i32
      %dma_wait3A_2761 = tpu.memref_slice %dma_wait3A_2759[%dma_wait3A_2750, %dma_wait3A_2760] : memref<8x128xi32, #tpu.memory_space<vmem>> -> memref<1x128xi32, #tpu.memory_space<vmem>>
      %dma_wait3A_2762 = tpu.memref_squeeze %dma_wait3A_2761 : memref<1x128xi32, #tpu.memory_space<vmem>> -> memref<128xi32, #tpu.memory_space<vmem>>
      %dma_wait3A_2763 = arith.constant 0 : i32
      %dma_wait3A_2764 = arith.constant 0 : i32
      %dma_wait3A_2765 = tpu.memref_slice %arg2[%dma_wait3A_2763, %dma_wait3A_2764] : memref<800000x128xf32, #tpu.memory_space<hbm>> -> memref<800000x128xf32, #tpu.memory_space<hbm>>
      tpu.wait_indirect_dma semaphore(%arg19 : memref<!tpu.dma_semaphore, #tpu.memory_space<semaphore_mem>>) src(%dma_wait3A_2765 : memref<800000x128xf32, #tpu.memory_space<hbm>>) dst(%dma_wait3A_2755 : memref<128x128xf32, #tpu.memory_space<vmem>>)
      %mul3A_2766 = arith.constant 128 : i32
      %mul3A_2767 = arith.muli %add3A_2646, %mul3A_2766 : i32
      %add3A_2768 = arith.addi %mul3A_4, %mul3A_2767 : i32
      %dma_start3A_2769 = arith.constant 2 : i32
      %dma_start3A_2770 = arith.constant 0 : i32
      %dma_start3A_2771 = arith.constant 0 : i32
      %dma_start3A_2772 = tpu.memref_slice %arg6[%dma_start3A_2769, %dma_start3A_2770, %dma_start3A_2771] : memref<5x128x128xf32, #tpu.memory_space<vmem>> -> memref<1x128x128xf32, #tpu.memory_space<vmem>>
      %dma_start3A_2773 = tpu.memref_squeeze %dma_start3A_2772 : memref<1x128x128xf32, #tpu.memory_space<vmem>> -> memref<128x128xf32, #tpu.memory_space<vmem>>
      %dma_start3A_2774 = arith.constant 0 : i32
      %dma_start3A_2775 = tpu.memref_slice %arg4[%add3A_2768, %dma_start3A_2774] : memref<204800x128xf32, #tpu.memory_space<hbm>> -> memref<128x128xf32, #tpu.memory_space<hbm>>
      %dma_start3A_2776 = arith.constant 0 : i32
      %dma_start3A_2777 = tpu.memref_slice %arg4[%add3A_2768, %dma_start3A_2776] : memref<204800x128xf32, #tpu.memory_space<hbm>> -> memref<128x128xf32, #tpu.memory_space<hbm>>
      %dma_start3A_2778 = arith.constant 0 : i32
      %dma_start3A_2779 = arith.constant 0 : i32
      %dma_start3A_2780 = tpu.memref_slice %arg6[%dma_start3A_2769, %dma_start3A_2778, %dma_start3A_2779] : memref<5x128x128xf32, #tpu.memory_space<vmem>> -> memref<1x128x128xf32, #tpu.memory_space<vmem>>
      %dma_start3A_2781 = tpu.memref_squeeze %dma_start3A_2780 : memref<1x128x128xf32, #tpu.memory_space<vmem>> -> memref<128x128xf32, #tpu.memory_space<vmem>>
      tpu.enqueue_dma source(%dma_start3A_2781 : memref<128x128xf32, #tpu.memory_space<vmem>>) target(%dma_start3A_2777 : memref<128x128xf32, #tpu.memory_space<hbm>>) target_semaphore(%arg24 : memref<!tpu.dma_semaphore, #tpu.memory_space<semaphore_mem>>)
      %add3A_2782 = arith.constant 3 : i32
      %add3A_2783 = arith.addi %mul3A_1690, %add3A_2782 : i32
      %dma_wait3A_2784 = arith.constant 3 : i32
      %dma_wait3A_2785 = arith.constant 1 : i32
      %dma_wait3A_2786 = arith.constant 3 : i32
      %dma_wait3A_2787 = arith.constant 0 : i32
      %dma_wait3A_2788 = arith.constant 0 : i32
      %dma_wait3A_2789 = tpu.memref_slice %arg6[%dma_wait3A_2786, %dma_wait3A_2787, %dma_wait3A_2788] : memref<5x128x128xf32, #tpu.memory_space<vmem>> -> memref<1x128x128xf32, #tpu.memory_space<vmem>>
      %dma_wait3A_2790 = tpu.memref_squeeze %dma_wait3A_2789 : memref<1x128x128xf32, #tpu.memory_space<vmem>> -> memref<128x128xf32, #tpu.memory_space<vmem>>
      %dma_wait3A_2791 = arith.constant 0 : i32
      %dma_wait3A_2792 = arith.constant 0 : i32
      %dma_wait3A_2793 = tpu.memref_slice %arg5[%dma_wait3A_2784, %dma_wait3A_2791, %dma_wait3A_2792] : memref<5x8x128xi32, #tpu.memory_space<vmem>> -> memref<1x8x128xi32, #tpu.memory_space<vmem>>
      %dma_wait3A_2794 = tpu.memref_squeeze %dma_wait3A_2793 : memref<1x8x128xi32, #tpu.memory_space<vmem>> -> memref<8x128xi32, #tpu.memory_space<vmem>>
      %dma_wait3A_2795 = arith.constant 0 : i32
      %dma_wait3A_2796 = tpu.memref_slice %dma_wait3A_2794[%dma_wait3A_2785, %dma_wait3A_2795] : memref<8x128xi32, #tpu.memory_space<vmem>> -> memref<1x128xi32, #tpu.memory_space<vmem>>
      %dma_wait3A_2797 = tpu.memref_squeeze %dma_wait3A_2796 : memref<1x128xi32, #tpu.memory_space<vmem>> -> memref<128xi32, #tpu.memory_space<vmem>>
      %dma_wait3A_2798 = arith.constant 0 : i32
      %dma_wait3A_2799 = arith.constant 0 : i32
      %dma_wait3A_2800 = tpu.memref_slice %arg2[%dma_wait3A_2798, %dma_wait3A_2799] : memref<800000x128xf32, #tpu.memory_space<hbm>> -> memref<800000x128xf32, #tpu.memory_space<hbm>>
      tpu.wait_indirect_dma semaphore(%arg20 : memref<!tpu.dma_semaphore, #tpu.memory_space<semaphore_mem>>) src(%dma_wait3A_2800 : memref<800000x128xf32, #tpu.memory_space<hbm>>) dst(%dma_wait3A_2790 : memref<128x128xf32, #tpu.memory_space<vmem>>)
      %dma_wait3A_2801 = arith.constant 3 : i32
      %dma_wait3A_2802 = arith.constant 2 : i32
      %dma_wait3A_2803 = arith.constant 3 : i32
      %dma_wait3A_2804 = arith.constant 0 : i32
      %dma_wait3A_2805 = arith.constant 0 : i32
      %dma_wait3A_2806 = tpu.memref_slice %arg6[%dma_wait3A_2803, %dma_wait3A_2804, %dma_wait3A_2805] : memref<5x128x128xf32, #tpu.memory_space<vmem>> -> memref<1x128x128xf32, #tpu.memory_space<vmem>>
      %dma_wait3A_2807 = tpu.memref_squeeze %dma_wait3A_2806 : memref<1x128x128xf32, #tpu.memory_space<vmem>> -> memref<128x128xf32, #tpu.memory_space<vmem>>
      %dma_wait3A_2808 = arith.constant 0 : i32
      %dma_wait3A_2809 = arith.constant 0 : i32
      %dma_wait3A_2810 = tpu.memref_slice %arg5[%dma_wait3A_2801, %dma_wait3A_2808, %dma_wait3A_2809] : memref<5x8x128xi32, #tpu.memory_space<vmem>> -> memref<1x8x128xi32, #tpu.memory_space<vmem>>
      %dma_wait3A_2811 = tpu.memref_squeeze %dma_wait3A_2810 : memref<1x8x128xi32, #tpu.memory_space<vmem>> -> memref<8x128xi32, #tpu.memory_space<vmem>>
      %dma_wait3A_2812 = arith.constant 0 : i32
      %dma_wait3A_2813 = tpu.memref_slice %dma_wait3A_2811[%dma_wait3A_2802, %dma_wait3A_2812] : memref<8x128xi32, #tpu.memory_space<vmem>> -> memref<1x128xi32, #tpu.memory_space<vmem>>
      %dma_wait3A_2814 = tpu.memref_squeeze %dma_wait3A_2813 : memref<1x128xi32, #tpu.memory_space<vmem>> -> memref<128xi32, #tpu.memory_space<vmem>>
      %dma_wait3A_2815 = arith.constant 0 : i32
      %dma_wait3A_2816 = arith.constant 0 : i32
      %dma_wait3A_2817 = tpu.memref_slice %arg2[%dma_wait3A_2815, %dma_wait3A_2816] : memref<800000x128xf32, #tpu.memory_space<hbm>> -> memref<800000x128xf32, #tpu.memory_space<hbm>>
      tpu.wait_indirect_dma semaphore(%arg20 : memref<!tpu.dma_semaphore, #tpu.memory_space<semaphore_mem>>) src(%dma_wait3A_2817 : memref<800000x128xf32, #tpu.memory_space<hbm>>) dst(%dma_wait3A_2807 : memref<128x128xf32, #tpu.memory_space<vmem>>)
      %dma_wait3A_2818 = arith.constant 3 : i32
      %dma_wait3A_2819 = arith.constant 3 : i32
      %dma_wait3A_2820 = arith.constant 3 : i32
      %dma_wait3A_2821 = arith.constant 0 : i32
      %dma_wait3A_2822 = arith.constant 0 : i32
      %dma_wait3A_2823 = tpu.memref_slice %arg6[%dma_wait3A_2820, %dma_wait3A_2821, %dma_wait3A_2822] : memref<5x128x128xf32, #tpu.memory_space<vmem>> -> memref<1x128x128xf32, #tpu.memory_space<vmem>>
      %dma_wait3A_2824 = tpu.memref_squeeze %dma_wait3A_2823 : memref<1x128x128xf32, #tpu.memory_space<vmem>> -> memref<128x128xf32, #tpu.memory_space<vmem>>
      %dma_wait3A_2825 = arith.constant 0 : i32
      %dma_wait3A_2826 = arith.constant 0 : i32
      %dma_wait3A_2827 = tpu.memref_slice %arg5[%dma_wait3A_2818, %dma_wait3A_2825, %dma_wait3A_2826] : memref<5x8x128xi32, #tpu.memory_space<vmem>> -> memref<1x8x128xi32, #tpu.memory_space<vmem>>
      %dma_wait3A_2828 = tpu.memref_squeeze %dma_wait3A_2827 : memref<1x8x128xi32, #tpu.memory_space<vmem>> -> memref<8x128xi32, #tpu.memory_space<vmem>>
      %dma_wait3A_2829 = arith.constant 0 : i32
      %dma_wait3A_2830 = tpu.memref_slice %dma_wait3A_2828[%dma_wait3A_2819, %dma_wait3A_2829] : memref<8x128xi32, #tpu.memory_space<vmem>> -> memref<1x128xi32, #tpu.memory_space<vmem>>
      %dma_wait3A_2831 = tpu.memref_squeeze %dma_wait3A_2830 : memref<1x128xi32, #tpu.memory_space<vmem>> -> memref<128xi32, #tpu.memory_space<vmem>>
      %dma_wait3A_2832 = arith.constant 0 : i32
      %dma_wait3A_2833 = arith.constant 0 : i32
      %dma_wait3A_2834 = tpu.memref_slice %arg2[%dma_wait3A_2832, %dma_wait3A_2833] : memref<800000x128xf32, #tpu.memory_space<hbm>> -> memref<800000x128xf32, #tpu.memory_space<hbm>>
      tpu.wait_indirect_dma semaphore(%arg20 : memref<!tpu.dma_semaphore, #tpu.memory_space<semaphore_mem>>) src(%dma_wait3A_2834 : memref<800000x128xf32, #tpu.memory_space<hbm>>) dst(%dma_wait3A_2824 : memref<128x128xf32, #tpu.memory_space<vmem>>)
      %dma_wait3A_2835 = arith.constant 3 : i32
      %dma_wait3A_2836 = arith.constant 4 : i32
      %dma_wait3A_2837 = arith.constant 3 : i32
      %dma_wait3A_2838 = arith.constant 0 : i32
      %dma_wait3A_2839 = arith.constant 0 : i32
      %dma_wait3A_2840 = tpu.memref_slice %arg6[%dma_wait3A_2837, %dma_wait3A_2838, %dma_wait3A_2839] : memref<5x128x128xf32, #tpu.memory_space<vmem>> -> memref<1x128x128xf32, #tpu.memory_space<vmem>>
      %dma_wait3A_2841 = tpu.memref_squeeze %dma_wait3A_2840 : memref<1x128x128xf32, #tpu.memory_space<vmem>> -> memref<128x128xf32, #tpu.memory_space<vmem>>
      %dma_wait3A_2842 = arith.constant 0 : i32
      %dma_wait3A_2843 = arith.constant 0 : i32
      %dma_wait3A_2844 = tpu.memref_slice %arg5[%dma_wait3A_2835, %dma_wait3A_2842, %dma_wait3A_2843] : memref<5x8x128xi32, #tpu.memory_space<vmem>> -> memref<1x8x128xi32, #tpu.memory_space<vmem>>
      %dma_wait3A_2845 = tpu.memref_squeeze %dma_wait3A_2844 : memref<1x8x128xi32, #tpu.memory_space<vmem>> -> memref<8x128xi32, #tpu.memory_space<vmem>>
      %dma_wait3A_2846 = arith.constant 0 : i32
      %dma_wait3A_2847 = tpu.memref_slice %dma_wait3A_2845[%dma_wait3A_2836, %dma_wait3A_2846] : memref<8x128xi32, #tpu.memory_space<vmem>> -> memref<1x128xi32, #tpu.memory_space<vmem>>
      %dma_wait3A_2848 = tpu.memref_squeeze %dma_wait3A_2847 : memref<1x128xi32, #tpu.memory_space<vmem>> -> memref<128xi32, #tpu.memory_space<vmem>>
      %dma_wait3A_2849 = arith.constant 0 : i32
      %dma_wait3A_2850 = arith.constant 0 : i32
      %dma_wait3A_2851 = tpu.memref_slice %arg2[%dma_wait3A_2849, %dma_wait3A_2850] : memref<800000x128xf32, #tpu.memory_space<hbm>> -> memref<800000x128xf32, #tpu.memory_space<hbm>>
      tpu.wait_indirect_dma semaphore(%arg20 : memref<!tpu.dma_semaphore, #tpu.memory_space<semaphore_mem>>) src(%dma_wait3A_2851 : memref<800000x128xf32, #tpu.memory_space<hbm>>) dst(%dma_wait3A_2841 : memref<128x128xf32, #tpu.memory_space<vmem>>)
      %dma_wait3A_2852 = arith.constant 3 : i32
      %dma_wait3A_2853 = arith.constant 5 : i32
      %dma_wait3A_2854 = arith.constant 3 : i32
      %dma_wait3A_2855 = arith.constant 0 : i32
      %dma_wait3A_2856 = arith.constant 0 : i32
      %dma_wait3A_2857 = tpu.memref_slice %arg6[%dma_wait3A_2854, %dma_wait3A_2855, %dma_wait3A_2856] : memref<5x128x128xf32, #tpu.memory_space<vmem>> -> memref<1x128x128xf32, #tpu.memory_space<vmem>>
      %dma_wait3A_2858 = tpu.memref_squeeze %dma_wait3A_2857 : memref<1x128x128xf32, #tpu.memory_space<vmem>> -> memref<128x128xf32, #tpu.memory_space<vmem>>
      %dma_wait3A_2859 = arith.constant 0 : i32
      %dma_wait3A_2860 = arith.constant 0 : i32
      %dma_wait3A_2861 = tpu.memref_slice %arg5[%dma_wait3A_2852, %dma_wait3A_2859, %dma_wait3A_2860] : memref<5x8x128xi32, #tpu.memory_space<vmem>> -> memref<1x8x128xi32, #tpu.memory_space<vmem>>
      %dma_wait3A_2862 = tpu.memref_squeeze %dma_wait3A_2861 : memref<1x8x128xi32, #tpu.memory_space<vmem>> -> memref<8x128xi32, #tpu.memory_space<vmem>>
      %dma_wait3A_2863 = arith.constant 0 : i32
      %dma_wait3A_2864 = tpu.memref_slice %dma_wait3A_2862[%dma_wait3A_2853, %dma_wait3A_2863] : memref<8x128xi32, #tpu.memory_space<vmem>> -> memref<1x128xi32, #tpu.memory_space<vmem>>
      %dma_wait3A_2865 = tpu.memref_squeeze %dma_wait3A_2864 : memref<1x128xi32, #tpu.memory_space<vmem>> -> memref<128xi32, #tpu.memory_space<vmem>>
      %dma_wait3A_2866 = arith.constant 0 : i32
      %dma_wait3A_2867 = arith.constant 0 : i32
      %dma_wait3A_2868 = tpu.memref_slice %arg2[%dma_wait3A_2866, %dma_wait3A_2867] : memref<800000x128xf32, #tpu.memory_space<hbm>> -> memref<800000x128xf32, #tpu.memory_space<hbm>>
      tpu.wait_indirect_dma semaphore(%arg20 : memref<!tpu.dma_semaphore, #tpu.memory_space<semaphore_mem>>) src(%dma_wait3A_2868 : memref<800000x128xf32, #tpu.memory_space<hbm>>) dst(%dma_wait3A_2858 : memref<128x128xf32, #tpu.memory_space<vmem>>)
      %dma_wait3A_2869 = arith.constant 3 : i32
      %dma_wait3A_2870 = arith.constant 6 : i32
      %dma_wait3A_2871 = arith.constant 3 : i32
      %dma_wait3A_2872 = arith.constant 0 : i32
      %dma_wait3A_2873 = arith.constant 0 : i32
      %dma_wait3A_2874 = tpu.memref_slice %arg6[%dma_wait3A_2871, %dma_wait3A_2872, %dma_wait3A_2873] : memref<5x128x128xf32, #tpu.memory_space<vmem>> -> memref<1x128x128xf32, #tpu.memory_space<vmem>>
      %dma_wait3A_2875 = tpu.memref_squeeze %dma_wait3A_2874 : memref<1x128x128xf32, #tpu.memory_space<vmem>> -> memref<128x128xf32, #tpu.memory_space<vmem>>
      %dma_wait3A_2876 = arith.constant 0 : i32
      %dma_wait3A_2877 = arith.constant 0 : i32
      %dma_wait3A_2878 = tpu.memref_slice %arg5[%dma_wait3A_2869, %dma_wait3A_2876, %dma_wait3A_2877] : memref<5x8x128xi32, #tpu.memory_space<vmem>> -> memref<1x8x128xi32, #tpu.memory_space<vmem>>
      %dma_wait3A_2879 = tpu.memref_squeeze %dma_wait3A_2878 : memref<1x8x128xi32, #tpu.memory_space<vmem>> -> memref<8x128xi32, #tpu.memory_space<vmem>>
      %dma_wait3A_2880 = arith.constant 0 : i32
      %dma_wait3A_2881 = tpu.memref_slice %dma_wait3A_2879[%dma_wait3A_2870, %dma_wait3A_2880] : memref<8x128xi32, #tpu.memory_space<vmem>> -> memref<1x128xi32, #tpu.memory_space<vmem>>
      %dma_wait3A_2882 = tpu.memref_squeeze %dma_wait3A_2881 : memref<1x128xi32, #tpu.memory_space<vmem>> -> memref<128xi32, #tpu.memory_space<vmem>>
      %dma_wait3A_2883 = arith.constant 0 : i32
      %dma_wait3A_2884 = arith.constant 0 : i32
      %dma_wait3A_2885 = tpu.memref_slice %arg2[%dma_wait3A_2883, %dma_wait3A_2884] : memref<800000x128xf32, #tpu.memory_space<hbm>> -> memref<800000x128xf32, #tpu.memory_space<hbm>>
      tpu.wait_indirect_dma semaphore(%arg20 : memref<!tpu.dma_semaphore, #tpu.memory_space<semaphore_mem>>) src(%dma_wait3A_2885 : memref<800000x128xf32, #tpu.memory_space<hbm>>) dst(%dma_wait3A_2875 : memref<128x128xf32, #tpu.memory_space<vmem>>)
      %dma_wait3A_2886 = arith.constant 3 : i32
      %dma_wait3A_2887 = arith.constant 7 : i32
      %dma_wait3A_2888 = arith.constant 3 : i32
      %dma_wait3A_2889 = arith.constant 0 : i32
      %dma_wait3A_2890 = arith.constant 0 : i32
      %dma_wait3A_2891 = tpu.memref_slice %arg6[%dma_wait3A_2888, %dma_wait3A_2889, %dma_wait3A_2890] : memref<5x128x128xf32, #tpu.memory_space<vmem>> -> memref<1x128x128xf32, #tpu.memory_space<vmem>>
      %dma_wait3A_2892 = tpu.memref_squeeze %dma_wait3A_2891 : memref<1x128x128xf32, #tpu.memory_space<vmem>> -> memref<128x128xf32, #tpu.memory_space<vmem>>
      %dma_wait3A_2893 = arith.constant 0 : i32
      %dma_wait3A_2894 = arith.constant 0 : i32
      %dma_wait3A_2895 = tpu.memref_slice %arg5[%dma_wait3A_2886, %dma_wait3A_2893, %dma_wait3A_2894] : memref<5x8x128xi32, #tpu.memory_space<vmem>> -> memref<1x8x128xi32, #tpu.memory_space<vmem>>
      %dma_wait3A_2896 = tpu.memref_squeeze %dma_wait3A_2895 : memref<1x8x128xi32, #tpu.memory_space<vmem>> -> memref<8x128xi32, #tpu.memory_space<vmem>>
      %dma_wait3A_2897 = arith.constant 0 : i32
      %dma_wait3A_2898 = tpu.memref_slice %dma_wait3A_2896[%dma_wait3A_2887, %dma_wait3A_2897] : memref<8x128xi32, #tpu.memory_space<vmem>> -> memref<1x128xi32, #tpu.memory_space<vmem>>
      %dma_wait3A_2899 = tpu.memref_squeeze %dma_wait3A_2898 : memref<1x128xi32, #tpu.memory_space<vmem>> -> memref<128xi32, #tpu.memory_space<vmem>>
      %dma_wait3A_2900 = arith.constant 0 : i32
      %dma_wait3A_2901 = arith.constant 0 : i32
      %dma_wait3A_2902 = tpu.memref_slice %arg2[%dma_wait3A_2900, %dma_wait3A_2901] : memref<800000x128xf32, #tpu.memory_space<hbm>> -> memref<800000x128xf32, #tpu.memory_space<hbm>>
      tpu.wait_indirect_dma semaphore(%arg20 : memref<!tpu.dma_semaphore, #tpu.memory_space<semaphore_mem>>) src(%dma_wait3A_2902 : memref<800000x128xf32, #tpu.memory_space<hbm>>) dst(%dma_wait3A_2892 : memref<128x128xf32, #tpu.memory_space<vmem>>)
      %mul3A_2903 = arith.constant 128 : i32
      %mul3A_2904 = arith.muli %add3A_2783, %mul3A_2903 : i32
      %add3A_2905 = arith.addi %mul3A_4, %mul3A_2904 : i32
      %dma_start3A_2906 = arith.constant 3 : i32
      %dma_start3A_2907 = arith.constant 0 : i32
      %dma_start3A_2908 = arith.constant 0 : i32
      %dma_start3A_2909 = tpu.memref_slice %arg6[%dma_start3A_2906, %dma_start3A_2907, %dma_start3A_2908] : memref<5x128x128xf32, #tpu.memory_space<vmem>> -> memref<1x128x128xf32, #tpu.memory_space<vmem>>
      %dma_start3A_2910 = tpu.memref_squeeze %dma_start3A_2909 : memref<1x128x128xf32, #tpu.memory_space<vmem>> -> memref<128x128xf32, #tpu.memory_space<vmem>>
      %dma_start3A_2911 = arith.constant 0 : i32
      %dma_start3A_2912 = tpu.memref_slice %arg4[%add3A_2905, %dma_start3A_2911] : memref<204800x128xf32, #tpu.memory_space<hbm>> -> memref<128x128xf32, #tpu.memory_space<hbm>>
      %dma_start3A_2913 = arith.constant 0 : i32
      %dma_start3A_2914 = tpu.memref_slice %arg4[%add3A_2905, %dma_start3A_2913] : memref<204800x128xf32, #tpu.memory_space<hbm>> -> memref<128x128xf32, #tpu.memory_space<hbm>>
      %dma_start3A_2915 = arith.constant 0 : i32
      %dma_start3A_2916 = arith.constant 0 : i32
      %dma_start3A_2917 = tpu.memref_slice %arg6[%dma_start3A_2906, %dma_start3A_2915, %dma_start3A_2916] : memref<5x128x128xf32, #tpu.memory_space<vmem>> -> memref<1x128x128xf32, #tpu.memory_space<vmem>>
      %dma_start3A_2918 = tpu.memref_squeeze %dma_start3A_2917 : memref<1x128x128xf32, #tpu.memory_space<vmem>> -> memref<128x128xf32, #tpu.memory_space<vmem>>
      tpu.enqueue_dma source(%dma_start3A_2918 : memref<128x128xf32, #tpu.memory_space<vmem>>) target(%dma_start3A_2914 : memref<128x128xf32, #tpu.memory_space<hbm>>) target_semaphore(%arg25 : memref<!tpu.dma_semaphore, #tpu.memory_space<semaphore_mem>>)
      %add3A_2919 = arith.constant 4 : i32
      %add3A_2920 = arith.addi %mul3A_1690, %add3A_2919 : i32
      %dma_wait3A_2921 = arith.constant 4 : i32
      %dma_wait3A_2922 = arith.constant 1 : i32
      %dma_wait3A_2923 = arith.constant 4 : i32
      %dma_wait3A_2924 = arith.constant 0 : i32
      %dma_wait3A_2925 = arith.constant 0 : i32
      %dma_wait3A_2926 = tpu.memref_slice %arg6[%dma_wait3A_2923, %dma_wait3A_2924, %dma_wait3A_2925] : memref<5x128x128xf32, #tpu.memory_space<vmem>> -> memref<1x128x128xf32, #tpu.memory_space<vmem>>
      %dma_wait3A_2927 = tpu.memref_squeeze %dma_wait3A_2926 : memref<1x128x128xf32, #tpu.memory_space<vmem>> -> memref<128x128xf32, #tpu.memory_space<vmem>>
      %dma_wait3A_2928 = arith.constant 0 : i32
      %dma_wait3A_2929 = arith.constant 0 : i32
      %dma_wait3A_2930 = tpu.memref_slice %arg5[%dma_wait3A_2921, %dma_wait3A_2928, %dma_wait3A_2929] : memref<5x8x128xi32, #tpu.memory_space<vmem>> -> memref<1x8x128xi32, #tpu.memory_space<vmem>>
      %dma_wait3A_2931 = tpu.memref_squeeze %dma_wait3A_2930 : memref<1x8x128xi32, #tpu.memory_space<vmem>> -> memref<8x128xi32, #tpu.memory_space<vmem>>
      %dma_wait3A_2932 = arith.constant 0 : i32
      %dma_wait3A_2933 = tpu.memref_slice %dma_wait3A_2931[%dma_wait3A_2922, %dma_wait3A_2932] : memref<8x128xi32, #tpu.memory_space<vmem>> -> memref<1x128xi32, #tpu.memory_space<vmem>>
      %dma_wait3A_2934 = tpu.memref_squeeze %dma_wait3A_2933 : memref<1x128xi32, #tpu.memory_space<vmem>> -> memref<128xi32, #tpu.memory_space<vmem>>
      %dma_wait3A_2935 = arith.constant 0 : i32
      %dma_wait3A_2936 = arith.constant 0 : i32
      %dma_wait3A_2937 = tpu.memref_slice %arg2[%dma_wait3A_2935, %dma_wait3A_2936] : memref<800000x128xf32, #tpu.memory_space<hbm>> -> memref<800000x128xf32, #tpu.memory_space<hbm>>
      tpu.wait_indirect_dma semaphore(%arg21 : memref<!tpu.dma_semaphore, #tpu.memory_space<semaphore_mem>>) src(%dma_wait3A_2937 : memref<800000x128xf32, #tpu.memory_space<hbm>>) dst(%dma_wait3A_2927 : memref<128x128xf32, #tpu.memory_space<vmem>>)
      %dma_wait3A_2938 = arith.constant 4 : i32
      %dma_wait3A_2939 = arith.constant 2 : i32
      %dma_wait3A_2940 = arith.constant 4 : i32
      %dma_wait3A_2941 = arith.constant 0 : i32
      %dma_wait3A_2942 = arith.constant 0 : i32
      %dma_wait3A_2943 = tpu.memref_slice %arg6[%dma_wait3A_2940, %dma_wait3A_2941, %dma_wait3A_2942] : memref<5x128x128xf32, #tpu.memory_space<vmem>> -> memref<1x128x128xf32, #tpu.memory_space<vmem>>
      %dma_wait3A_2944 = tpu.memref_squeeze %dma_wait3A_2943 : memref<1x128x128xf32, #tpu.memory_space<vmem>> -> memref<128x128xf32, #tpu.memory_space<vmem>>
      %dma_wait3A_2945 = arith.constant 0 : i32
      %dma_wait3A_2946 = arith.constant 0 : i32
      %dma_wait3A_2947 = tpu.memref_slice %arg5[%dma_wait3A_2938, %dma_wait3A_2945, %dma_wait3A_2946] : memref<5x8x128xi32, #tpu.memory_space<vmem>> -> memref<1x8x128xi32, #tpu.memory_space<vmem>>
      %dma_wait3A_2948 = tpu.memref_squeeze %dma_wait3A_2947 : memref<1x8x128xi32, #tpu.memory_space<vmem>> -> memref<8x128xi32, #tpu.memory_space<vmem>>
      %dma_wait3A_2949 = arith.constant 0 : i32
      %dma_wait3A_2950 = tpu.memref_slice %dma_wait3A_2948[%dma_wait3A_2939, %dma_wait3A_2949] : memref<8x128xi32, #tpu.memory_space<vmem>> -> memref<1x128xi32, #tpu.memory_space<vmem>>
      %dma_wait3A_2951 = tpu.memref_squeeze %dma_wait3A_2950 : memref<1x128xi32, #tpu.memory_space<vmem>> -> memref<128xi32, #tpu.memory_space<vmem>>
      %dma_wait3A_2952 = arith.constant 0 : i32
      %dma_wait3A_2953 = arith.constant 0 : i32
      %dma_wait3A_2954 = tpu.memref_slice %arg2[%dma_wait3A_2952, %dma_wait3A_2953] : memref<800000x128xf32, #tpu.memory_space<hbm>> -> memref<800000x128xf32, #tpu.memory_space<hbm>>
      tpu.wait_indirect_dma semaphore(%arg21 : memref<!tpu.dma_semaphore, #tpu.memory_space<semaphore_mem>>) src(%dma_wait3A_2954 : memref<800000x128xf32, #tpu.memory_space<hbm>>) dst(%dma_wait3A_2944 : memref<128x128xf32, #tpu.memory_space<vmem>>)
      %dma_wait3A_2955 = arith.constant 4 : i32
      %dma_wait3A_2956 = arith.constant 3 : i32
      %dma_wait3A_2957 = arith.constant 4 : i32
      %dma_wait3A_2958 = arith.constant 0 : i32
      %dma_wait3A_2959 = arith.constant 0 : i32
      %dma_wait3A_2960 = tpu.memref_slice %arg6[%dma_wait3A_2957, %dma_wait3A_2958, %dma_wait3A_2959] : memref<5x128x128xf32, #tpu.memory_space<vmem>> -> memref<1x128x128xf32, #tpu.memory_space<vmem>>
      %dma_wait3A_2961 = tpu.memref_squeeze %dma_wait3A_2960 : memref<1x128x128xf32, #tpu.memory_space<vmem>> -> memref<128x128xf32, #tpu.memory_space<vmem>>
      %dma_wait3A_2962 = arith.constant 0 : i32
      %dma_wait3A_2963 = arith.constant 0 : i32
      %dma_wait3A_2964 = tpu.memref_slice %arg5[%dma_wait3A_2955, %dma_wait3A_2962, %dma_wait3A_2963] : memref<5x8x128xi32, #tpu.memory_space<vmem>> -> memref<1x8x128xi32, #tpu.memory_space<vmem>>
      %dma_wait3A_2965 = tpu.memref_squeeze %dma_wait3A_2964 : memref<1x8x128xi32, #tpu.memory_space<vmem>> -> memref<8x128xi32, #tpu.memory_space<vmem>>
      %dma_wait3A_2966 = arith.constant 0 : i32
      %dma_wait3A_2967 = tpu.memref_slice %dma_wait3A_2965[%dma_wait3A_2956, %dma_wait3A_2966] : memref<8x128xi32, #tpu.memory_space<vmem>> -> memref<1x128xi32, #tpu.memory_space<vmem>>
      %dma_wait3A_2968 = tpu.memref_squeeze %dma_wait3A_2967 : memref<1x128xi32, #tpu.memory_space<vmem>> -> memref<128xi32, #tpu.memory_space<vmem>>
      %dma_wait3A_2969 = arith.constant 0 : i32
      %dma_wait3A_2970 = arith.constant 0 : i32
      %dma_wait3A_2971 = tpu.memref_slice %arg2[%dma_wait3A_2969, %dma_wait3A_2970] : memref<800000x128xf32, #tpu.memory_space<hbm>> -> memref<800000x128xf32, #tpu.memory_space<hbm>>
      tpu.wait_indirect_dma semaphore(%arg21 : memref<!tpu.dma_semaphore, #tpu.memory_space<semaphore_mem>>) src(%dma_wait3A_2971 : memref<800000x128xf32, #tpu.memory_space<hbm>>) dst(%dma_wait3A_2961 : memref<128x128xf32, #tpu.memory_space<vmem>>)
      %dma_wait3A_2972 = arith.constant 4 : i32
      %dma_wait3A_2973 = arith.constant 4 : i32
      %dma_wait3A_2974 = arith.constant 4 : i32
      %dma_wait3A_2975 = arith.constant 0 : i32
      %dma_wait3A_2976 = arith.constant 0 : i32
      %dma_wait3A_2977 = tpu.memref_slice %arg6[%dma_wait3A_2974, %dma_wait3A_2975, %dma_wait3A_2976] : memref<5x128x128xf32, #tpu.memory_space<vmem>> -> memref<1x128x128xf32, #tpu.memory_space<vmem>>
      %dma_wait3A_2978 = tpu.memref_squeeze %dma_wait3A_2977 : memref<1x128x128xf32, #tpu.memory_space<vmem>> -> memref<128x128xf32, #tpu.memory_space<vmem>>
      %dma_wait3A_2979 = arith.constant 0 : i32
      %dma_wait3A_2980 = arith.constant 0 : i32
      %dma_wait3A_2981 = tpu.memref_slice %arg5[%dma_wait3A_2972, %dma_wait3A_2979, %dma_wait3A_2980] : memref<5x8x128xi32, #tpu.memory_space<vmem>> -> memref<1x8x128xi32, #tpu.memory_space<vmem>>
      %dma_wait3A_2982 = tpu.memref_squeeze %dma_wait3A_2981 : memref<1x8x128xi32, #tpu.memory_space<vmem>> -> memref<8x128xi32, #tpu.memory_space<vmem>>
      %dma_wait3A_2983 = arith.constant 0 : i32
      %dma_wait3A_2984 = tpu.memref_slice %dma_wait3A_2982[%dma_wait3A_2973, %dma_wait3A_2983] : memref<8x128xi32, #tpu.memory_space<vmem>> -> memref<1x128xi32, #tpu.memory_space<vmem>>
      %dma_wait3A_2985 = tpu.memref_squeeze %dma_wait3A_2984 : memref<1x128xi32, #tpu.memory_space<vmem>> -> memref<128xi32, #tpu.memory_space<vmem>>
      %dma_wait3A_2986 = arith.constant 0 : i32
      %dma_wait3A_2987 = arith.constant 0 : i32
      %dma_wait3A_2988 = tpu.memref_slice %arg2[%dma_wait3A_2986, %dma_wait3A_2987] : memref<800000x128xf32, #tpu.memory_space<hbm>> -> memref<800000x128xf32, #tpu.memory_space<hbm>>
      tpu.wait_indirect_dma semaphore(%arg21 : memref<!tpu.dma_semaphore, #tpu.memory_space<semaphore_mem>>) src(%dma_wait3A_2988 : memref<800000x128xf32, #tpu.memory_space<hbm>>) dst(%dma_wait3A_2978 : memref<128x128xf32, #tpu.memory_space<vmem>>)
      %dma_wait3A_2989 = arith.constant 4 : i32
      %dma_wait3A_2990 = arith.constant 5 : i32
      %dma_wait3A_2991 = arith.constant 4 : i32
      %dma_wait3A_2992 = arith.constant 0 : i32
      %dma_wait3A_2993 = arith.constant 0 : i32
      %dma_wait3A_2994 = tpu.memref_slice %arg6[%dma_wait3A_2991, %dma_wait3A_2992, %dma_wait3A_2993] : memref<5x128x128xf32, #tpu.memory_space<vmem>> -> memref<1x128x128xf32, #tpu.memory_space<vmem>>
      %dma_wait3A_2995 = tpu.memref_squeeze %dma_wait3A_2994 : memref<1x128x128xf32, #tpu.memory_space<vmem>> -> memref<128x128xf32, #tpu.memory_space<vmem>>
      %dma_wait3A_2996 = arith.constant 0 : i32
      %dma_wait3A_2997 = arith.constant 0 : i32
      %dma_wait3A_2998 = tpu.memref_slice %arg5[%dma_wait3A_2989, %dma_wait3A_2996, %dma_wait3A_2997] : memref<5x8x128xi32, #tpu.memory_space<vmem>> -> memref<1x8x128xi32, #tpu.memory_space<vmem>>
      %dma_wait3A_2999 = tpu.memref_squeeze %dma_wait3A_2998 : memref<1x8x128xi32, #tpu.memory_space<vmem>> -> memref<8x128xi32, #tpu.memory_space<vmem>>
      %dma_wait3A_3000 = arith.constant 0 : i32
      %dma_wait3A_3001 = tpu.memref_slice %dma_wait3A_2999[%dma_wait3A_2990, %dma_wait3A_3000] : memref<8x128xi32, #tpu.memory_space<vmem>> -> memref<1x128xi32, #tpu.memory_space<vmem>>
      %dma_wait3A_3002 = tpu.memref_squeeze %dma_wait3A_3001 : memref<1x128xi32, #tpu.memory_space<vmem>> -> memref<128xi32, #tpu.memory_space<vmem>>
      %dma_wait3A_3003 = arith.constant 0 : i32
      %dma_wait3A_3004 = arith.constant 0 : i32
      %dma_wait3A_3005 = tpu.memref_slice %arg2[%dma_wait3A_3003, %dma_wait3A_3004] : memref<800000x128xf32, #tpu.memory_space<hbm>> -> memref<800000x128xf32, #tpu.memory_space<hbm>>
      tpu.wait_indirect_dma semaphore(%arg21 : memref<!tpu.dma_semaphore, #tpu.memory_space<semaphore_mem>>) src(%dma_wait3A_3005 : memref<800000x128xf32, #tpu.memory_space<hbm>>) dst(%dma_wait3A_2995 : memref<128x128xf32, #tpu.memory_space<vmem>>)
      %dma_wait3A_3006 = arith.constant 4 : i32
      %dma_wait3A_3007 = arith.constant 6 : i32
      %dma_wait3A_3008 = arith.constant 4 : i32
      %dma_wait3A_3009 = arith.constant 0 : i32
      %dma_wait3A_3010 = arith.constant 0 : i32
      %dma_wait3A_3011 = tpu.memref_slice %arg6[%dma_wait3A_3008, %dma_wait3A_3009, %dma_wait3A_3010] : memref<5x128x128xf32, #tpu.memory_space<vmem>> -> memref<1x128x128xf32, #tpu.memory_space<vmem>>
      %dma_wait3A_3012 = tpu.memref_squeeze %dma_wait3A_3011 : memref<1x128x128xf32, #tpu.memory_space<vmem>> -> memref<128x128xf32, #tpu.memory_space<vmem>>
      %dma_wait3A_3013 = arith.constant 0 : i32
      %dma_wait3A_3014 = arith.constant 0 : i32
      %dma_wait3A_3015 = tpu.memref_slice %arg5[%dma_wait3A_3006, %dma_wait3A_3013, %dma_wait3A_3014] : memref<5x8x128xi32, #tpu.memory_space<vmem>> -> memref<1x8x128xi32, #tpu.memory_space<vmem>>
      %dma_wait3A_3016 = tpu.memref_squeeze %dma_wait3A_3015 : memref<1x8x128xi32, #tpu.memory_space<vmem>> -> memref<8x128xi32, #tpu.memory_space<vmem>>
      %dma_wait3A_3017 = arith.constant 0 : i32
      %dma_wait3A_3018 = tpu.memref_slice %dma_wait3A_3016[%dma_wait3A_3007, %dma_wait3A_3017] : memref<8x128xi32, #tpu.memory_space<vmem>> -> memref<1x128xi32, #tpu.memory_space<vmem>>
      %dma_wait3A_3019 = tpu.memref_squeeze %dma_wait3A_3018 : memref<1x128xi32, #tpu.memory_space<vmem>> -> memref<128xi32, #tpu.memory_space<vmem>>
      %dma_wait3A_3020 = arith.constant 0 : i32
      %dma_wait3A_3021 = arith.constant 0 : i32
      %dma_wait3A_3022 = tpu.memref_slice %arg2[%dma_wait3A_3020, %dma_wait3A_3021] : memref<800000x128xf32, #tpu.memory_space<hbm>> -> memref<800000x128xf32, #tpu.memory_space<hbm>>
      tpu.wait_indirect_dma semaphore(%arg21 : memref<!tpu.dma_semaphore, #tpu.memory_space<semaphore_mem>>) src(%dma_wait3A_3022 : memref<800000x128xf32, #tpu.memory_space<hbm>>) dst(%dma_wait3A_3012 : memref<128x128xf32, #tpu.memory_space<vmem>>)
      %dma_wait3A_3023 = arith.constant 4 : i32
      %dma_wait3A_3024 = arith.constant 7 : i32
      %dma_wait3A_3025 = arith.constant 4 : i32
      %dma_wait3A_3026 = arith.constant 0 : i32
      %dma_wait3A_3027 = arith.constant 0 : i32
      %dma_wait3A_3028 = tpu.memref_slice %arg6[%dma_wait3A_3025, %dma_wait3A_3026, %dma_wait3A_3027] : memref<5x128x128xf32, #tpu.memory_space<vmem>> -> memref<1x128x128xf32, #tpu.memory_space<vmem>>
      %dma_wait3A_3029 = tpu.memref_squeeze %dma_wait3A_3028 : memref<1x128x128xf32, #tpu.memory_space<vmem>> -> memref<128x128xf32, #tpu.memory_space<vmem>>
      %dma_wait3A_3030 = arith.constant 0 : i32
      %dma_wait3A_3031 = arith.constant 0 : i32
      %dma_wait3A_3032 = tpu.memref_slice %arg5[%dma_wait3A_3023, %dma_wait3A_3030, %dma_wait3A_3031] : memref<5x8x128xi32, #tpu.memory_space<vmem>> -> memref<1x8x128xi32, #tpu.memory_space<vmem>>
      %dma_wait3A_3033 = tpu.memref_squeeze %dma_wait3A_3032 : memref<1x8x128xi32, #tpu.memory_space<vmem>> -> memref<8x128xi32, #tpu.memory_space<vmem>>
      %dma_wait3A_3034 = arith.constant 0 : i32
      %dma_wait3A_3035 = tpu.memref_slice %dma_wait3A_3033[%dma_wait3A_3024, %dma_wait3A_3034] : memref<8x128xi32, #tpu.memory_space<vmem>> -> memref<1x128xi32, #tpu.memory_space<vmem>>
      %dma_wait3A_3036 = tpu.memref_squeeze %dma_wait3A_3035 : memref<1x128xi32, #tpu.memory_space<vmem>> -> memref<128xi32, #tpu.memory_space<vmem>>
      %dma_wait3A_3037 = arith.constant 0 : i32
      %dma_wait3A_3038 = arith.constant 0 : i32
      %dma_wait3A_3039 = tpu.memref_slice %arg2[%dma_wait3A_3037, %dma_wait3A_3038] : memref<800000x128xf32, #tpu.memory_space<hbm>> -> memref<800000x128xf32, #tpu.memory_space<hbm>>
      tpu.wait_indirect_dma semaphore(%arg21 : memref<!tpu.dma_semaphore, #tpu.memory_space<semaphore_mem>>) src(%dma_wait3A_3039 : memref<800000x128xf32, #tpu.memory_space<hbm>>) dst(%dma_wait3A_3029 : memref<128x128xf32, #tpu.memory_space<vmem>>)
      %mul3A_3040 = arith.constant 128 : i32
      %mul3A_3041 = arith.muli %add3A_2920, %mul3A_3040 : i32
      %add3A_3042 = arith.addi %mul3A_4, %mul3A_3041 : i32
      %dma_start3A_3043 = arith.constant 4 : i32
      %dma_start3A_3044 = arith.constant 0 : i32
      %dma_start3A_3045 = arith.constant 0 : i32
      %dma_start3A_3046 = tpu.memref_slice %arg6[%dma_start3A_3043, %dma_start3A_3044, %dma_start3A_3045] : memref<5x128x128xf32, #tpu.memory_space<vmem>> -> memref<1x128x128xf32, #tpu.memory_space<vmem>>
      %dma_start3A_3047 = tpu.memref_squeeze %dma_start3A_3046 : memref<1x128x128xf32, #tpu.memory_space<vmem>> -> memref<128x128xf32, #tpu.memory_space<vmem>>
      %dma_start3A_3048 = arith.constant 0 : i32
      %dma_start3A_3049 = tpu.memref_slice %arg4[%add3A_3042, %dma_start3A_3048] : memref<204800x128xf32, #tpu.memory_space<hbm>> -> memref<128x128xf32, #tpu.memory_space<hbm>>
      %dma_start3A_3050 = arith.constant 0 : i32
      %dma_start3A_3051 = tpu.memref_slice %arg4[%add3A_3042, %dma_start3A_3050] : memref<204800x128xf32, #tpu.memory_space<hbm>> -> memref<128x128xf32, #tpu.memory_space<hbm>>
      %dma_start3A_3052 = arith.constant 0 : i32
      %dma_start3A_3053 = arith.constant 0 : i32
      %dma_start3A_3054 = tpu.memref_slice %arg6[%dma_start3A_3043, %dma_start3A_3052, %dma_start3A_3053] : memref<5x128x128xf32, #tpu.memory_space<vmem>> -> memref<1x128x128xf32, #tpu.memory_space<vmem>>
      %dma_start3A_3055 = tpu.memref_squeeze %dma_start3A_3054 : memref<1x128x128xf32, #tpu.memory_space<vmem>> -> memref<128x128xf32, #tpu.memory_space<vmem>>
      tpu.enqueue_dma source(%dma_start3A_3055 : memref<128x128xf32, #tpu.memory_space<vmem>>) target(%dma_start3A_3051 : memref<128x128xf32, #tpu.memory_space<hbm>>) target_semaphore(%arg26 : memref<!tpu.dma_semaphore, #tpu.memory_space<semaphore_mem>>)
      %dma_wait3A_3056 = arith.constant 0 : i32
      %dma_wait3A_3057 = arith.constant 0 : i32
      %dma_wait3A_3058 = arith.constant 0 : i32
      %dma_wait3A_3059 = tpu.memref_slice %arg6[%dma_wait3A_3056, %dma_wait3A_3057, %dma_wait3A_3058] : memref<5x128x128xf32, #tpu.memory_space<vmem>> -> memref<1x128x128xf32, #tpu.memory_space<vmem>>
      %dma_wait3A_3060 = tpu.memref_squeeze %dma_wait3A_3059 : memref<1x128x128xf32, #tpu.memory_space<vmem>> -> memref<128x128xf32, #tpu.memory_space<vmem>>
      %dma_wait3A_3061 = arith.constant 0 : i32
      %dma_wait3A_3062 = tpu.memref_slice %arg4[%mul3A_4, %dma_wait3A_3061] : memref<204800x128xf32, #tpu.memory_space<hbm>> -> memref<128x128xf32, #tpu.memory_space<hbm>>
      %dma_wait3A_3063 = arith.constant 0 : i32
      %dma_wait3A_3064 = tpu.memref_slice %arg4[%mul3A_4, %dma_wait3A_3063] : memref<204800x128xf32, #tpu.memory_space<hbm>> -> memref<128x128xf32, #tpu.memory_space<hbm>>
      %dma_wait3A_3065 = arith.constant 0 : i32
      %dma_wait3A_3066 = arith.constant 0 : i32
      %dma_wait3A_3067 = tpu.memref_slice %arg6[%dma_wait3A_3056, %dma_wait3A_3065, %dma_wait3A_3066] : memref<5x128x128xf32, #tpu.memory_space<vmem>> -> memref<1x128x128xf32, #tpu.memory_space<vmem>>
      %dma_wait3A_3068 = tpu.memref_squeeze %dma_wait3A_3067 : memref<1x128x128xf32, #tpu.memory_space<vmem>> -> memref<128x128xf32, #tpu.memory_space<vmem>>
      tpu.wait_dma2 semaphore(%arg22 : memref<!tpu.dma_semaphore, #tpu.memory_space<semaphore_mem>>) src(%dma_wait3A_3068 : memref<128x128xf32, #tpu.memory_space<vmem>>) dst(%dma_wait3A_3064 : memref<128x128xf32, #tpu.memory_space<hbm>>)
      %add3A_3069 = arith.constant 5 : i32
      %add3A_3070 = arith.addi %mul3A_1690, %add3A_3069 : i32
      %add3A_3071 = arith.constant 0 : i32
      %add3A_3072 = arith.addi %add3A_3070, %add3A_3071 : i32
      %add3A_3073 = arith.addi %mul3A_2, %add3A_3072 : i32
      %dma_start3A_3074 = arith.constant 0 : i32
      %dma_start3A_3075 = arith.constant 0 : i32
      %dma_start3A_3076 = arith.constant 0 : i32
      %dma_start3A_3077 = tpu.memref_slice %arg5[%dma_start3A_3074, %dma_start3A_3075, %dma_start3A_3076] : memref<5x8x128xi32, #tpu.memory_space<vmem>> -> memref<1x8x128xi32, #tpu.memory_space<vmem>>
      %dma_start3A_3078 = tpu.memref_squeeze %dma_start3A_3077 : memref<1x8x128xi32, #tpu.memory_space<vmem>> -> memref<8x128xi32, #tpu.memory_space<vmem>>
      %dma_start3A_3079 = arith.constant 0 : i32
      %dma_start3A_3080 = arith.constant 0 : i32
      %dma_start3A_3081 = tpu.memref_slice %arg3[%add3A_3073, %dma_start3A_3079, %dma_start3A_3080] : memref<1600x8x128xi32, #tpu.memory_space<hbm>> -> memref<1x8x128xi32, #tpu.memory_space<hbm>>
      %dma_start3A_3082 = tpu.memref_squeeze %dma_start3A_3081 : memref<1x8x128xi32, #tpu.memory_space<hbm>> -> memref<8x128xi32, #tpu.memory_space<hbm>>
      %dma_start3A_3083 = arith.constant 0 : i32
      %dma_start3A_3084 = arith.constant 0 : i32
      %dma_start3A_3085 = tpu.memref_slice %arg5[%dma_start3A_3074, %dma_start3A_3083, %dma_start3A_3084] : memref<5x8x128xi32, #tpu.memory_space<vmem>> -> memref<1x8x128xi32, #tpu.memory_space<vmem>>
      %dma_start3A_3086 = tpu.memref_squeeze %dma_start3A_3085 : memref<1x8x128xi32, #tpu.memory_space<vmem>> -> memref<8x128xi32, #tpu.memory_space<vmem>>
      %dma_start3A_3087 = arith.constant 0 : i32
      %dma_start3A_3088 = arith.constant 0 : i32
      %dma_start3A_3089 = tpu.memref_slice %arg3[%add3A_3073, %dma_start3A_3087, %dma_start3A_3088] : memref<1600x8x128xi32, #tpu.memory_space<hbm>> -> memref<1x8x128xi32, #tpu.memory_space<hbm>>
      %dma_start3A_3090 = tpu.memref_squeeze %dma_start3A_3089 : memref<1x8x128xi32, #tpu.memory_space<hbm>> -> memref<8x128xi32, #tpu.memory_space<hbm>>
      tpu.enqueue_dma source(%dma_start3A_3090 : memref<8x128xi32, #tpu.memory_space<hbm>>) target(%dma_start3A_3086 : memref<8x128xi32, #tpu.memory_space<vmem>>) target_semaphore(%arg7 : memref<!tpu.dma_semaphore, #tpu.memory_space<semaphore_mem>>)
      %dma_wait3A_3091 = arith.constant 1 : i32
      %dma_wait3A_3092 = arith.constant 0 : i32
      %dma_wait3A_3093 = arith.constant 0 : i32
      %dma_wait3A_3094 = tpu.memref_slice %arg6[%dma_wait3A_3091, %dma_wait3A_3092, %dma_wait3A_3093] : memref<5x128x128xf32, #tpu.memory_space<vmem>> -> memref<1x128x128xf32, #tpu.memory_space<vmem>>
      %dma_wait3A_3095 = tpu.memref_squeeze %dma_wait3A_3094 : memref<1x128x128xf32, #tpu.memory_space<vmem>> -> memref<128x128xf32, #tpu.memory_space<vmem>>
      %dma_wait3A_3096 = arith.constant 0 : i32
      %dma_wait3A_3097 = tpu.memref_slice %arg4[%mul3A_4, %dma_wait3A_3096] : memref<204800x128xf32, #tpu.memory_space<hbm>> -> memref<128x128xf32, #tpu.memory_space<hbm>>
      %dma_wait3A_3098 = arith.constant 0 : i32
      %dma_wait3A_3099 = tpu.memref_slice %arg4[%mul3A_4, %dma_wait3A_3098] : memref<204800x128xf32, #tpu.memory_space<hbm>> -> memref<128x128xf32, #tpu.memory_space<hbm>>
      %dma_wait3A_3100 = arith.constant 0 : i32
      %dma_wait3A_3101 = arith.constant 0 : i32
      %dma_wait3A_3102 = tpu.memref_slice %arg6[%dma_wait3A_3091, %dma_wait3A_3100, %dma_wait3A_3101] : memref<5x128x128xf32, #tpu.memory_space<vmem>> -> memref<1x128x128xf32, #tpu.memory_space<vmem>>
      %dma_wait3A_3103 = tpu.memref_squeeze %dma_wait3A_3102 : memref<1x128x128xf32, #tpu.memory_space<vmem>> -> memref<128x128xf32, #tpu.memory_space<vmem>>
      tpu.wait_dma2 semaphore(%arg23 : memref<!tpu.dma_semaphore, #tpu.memory_space<semaphore_mem>>) src(%dma_wait3A_3103 : memref<128x128xf32, #tpu.memory_space<vmem>>) dst(%dma_wait3A_3099 : memref<128x128xf32, #tpu.memory_space<hbm>>)
      %add3A_3104 = arith.constant 5 : i32
      %add3A_3105 = arith.addi %mul3A_1690, %add3A_3104 : i32
      %add3A_3106 = arith.constant 1 : i32
      %add3A_3107 = arith.addi %add3A_3105, %add3A_3106 : i32
      %add3A_3108 = arith.addi %mul3A_2, %add3A_3107 : i32
      %dma_start3A_3109 = arith.constant 1 : i32
      %dma_start3A_3110 = arith.constant 0 : i32
      %dma_start3A_3111 = arith.constant 0 : i32
      %dma_start3A_3112 = tpu.memref_slice %arg5[%dma_start3A_3109, %dma_start3A_3110, %dma_start3A_3111] : memref<5x8x128xi32, #tpu.memory_space<vmem>> -> memref<1x8x128xi32, #tpu.memory_space<vmem>>
      %dma_start3A_3113 = tpu.memref_squeeze %dma_start3A_3112 : memref<1x8x128xi32, #tpu.memory_space<vmem>> -> memref<8x128xi32, #tpu.memory_space<vmem>>
      %dma_start3A_3114 = arith.constant 0 : i32
      %dma_start3A_3115 = arith.constant 0 : i32
      %dma_start3A_3116 = tpu.memref_slice %arg3[%add3A_3108, %dma_start3A_3114, %dma_start3A_3115] : memref<1600x8x128xi32, #tpu.memory_space<hbm>> -> memref<1x8x128xi32, #tpu.memory_space<hbm>>
      %dma_start3A_3117 = tpu.memref_squeeze %dma_start3A_3116 : memref<1x8x128xi32, #tpu.memory_space<hbm>> -> memref<8x128xi32, #tpu.memory_space<hbm>>
      %dma_start3A_3118 = arith.constant 0 : i32
      %dma_start3A_3119 = arith.constant 0 : i32
      %dma_start3A_3120 = tpu.memref_slice %arg5[%dma_start3A_3109, %dma_start3A_3118, %dma_start3A_3119] : memref<5x8x128xi32, #tpu.memory_space<vmem>> -> memref<1x8x128xi32, #tpu.memory_space<vmem>>
      %dma_start3A_3121 = tpu.memref_squeeze %dma_start3A_3120 : memref<1x8x128xi32, #tpu.memory_space<vmem>> -> memref<8x128xi32, #tpu.memory_space<vmem>>
      %dma_start3A_3122 = arith.constant 0 : i32
      %dma_start3A_3123 = arith.constant 0 : i32
      %dma_start3A_3124 = tpu.memref_slice %arg3[%add3A_3108, %dma_start3A_3122, %dma_start3A_3123] : memref<1600x8x128xi32, #tpu.memory_space<hbm>> -> memref<1x8x128xi32, #tpu.memory_space<hbm>>
      %dma_start3A_3125 = tpu.memref_squeeze %dma_start3A_3124 : memref<1x8x128xi32, #tpu.memory_space<hbm>> -> memref<8x128xi32, #tpu.memory_space<hbm>>
      tpu.enqueue_dma source(%dma_start3A_3125 : memref<8x128xi32, #tpu.memory_space<hbm>>) target(%dma_start3A_3121 : memref<8x128xi32, #tpu.memory_space<vmem>>) target_semaphore(%arg8 : memref<!tpu.dma_semaphore, #tpu.memory_space<semaphore_mem>>)
      %dma_wait3A_3126 = arith.constant 2 : i32
      %dma_wait3A_3127 = arith.constant 0 : i32
      %dma_wait3A_3128 = arith.constant 0 : i32
      %dma_wait3A_3129 = tpu.memref_slice %arg6[%dma_wait3A_3126, %dma_wait3A_3127, %dma_wait3A_3128] : memref<5x128x128xf32, #tpu.memory_space<vmem>> -> memref<1x128x128xf32, #tpu.memory_space<vmem>>
      %dma_wait3A_3130 = tpu.memref_squeeze %dma_wait3A_3129 : memref<1x128x128xf32, #tpu.memory_space<vmem>> -> memref<128x128xf32, #tpu.memory_space<vmem>>
      %dma_wait3A_3131 = arith.constant 0 : i32
      %dma_wait3A_3132 = tpu.memref_slice %arg4[%mul3A_4, %dma_wait3A_3131] : memref<204800x128xf32, #tpu.memory_space<hbm>> -> memref<128x128xf32, #tpu.memory_space<hbm>>
      %dma_wait3A_3133 = arith.constant 0 : i32
      %dma_wait3A_3134 = tpu.memref_slice %arg4[%mul3A_4, %dma_wait3A_3133] : memref<204800x128xf32, #tpu.memory_space<hbm>> -> memref<128x128xf32, #tpu.memory_space<hbm>>
      %dma_wait3A_3135 = arith.constant 0 : i32
      %dma_wait3A_3136 = arith.constant 0 : i32
      %dma_wait3A_3137 = tpu.memref_slice %arg6[%dma_wait3A_3126, %dma_wait3A_3135, %dma_wait3A_3136] : memref<5x128x128xf32, #tpu.memory_space<vmem>> -> memref<1x128x128xf32, #tpu.memory_space<vmem>>
      %dma_wait3A_3138 = tpu.memref_squeeze %dma_wait3A_3137 : memref<1x128x128xf32, #tpu.memory_space<vmem>> -> memref<128x128xf32, #tpu.memory_space<vmem>>
      tpu.wait_dma2 semaphore(%arg24 : memref<!tpu.dma_semaphore, #tpu.memory_space<semaphore_mem>>) src(%dma_wait3A_3138 : memref<128x128xf32, #tpu.memory_space<vmem>>) dst(%dma_wait3A_3134 : memref<128x128xf32, #tpu.memory_space<hbm>>)
      %add3A_3139 = arith.constant 5 : i32
      %add3A_3140 = arith.addi %mul3A_1690, %add3A_3139 : i32
      %add3A_3141 = arith.constant 2 : i32
      %add3A_3142 = arith.addi %add3A_3140, %add3A_3141 : i32
      %add3A_3143 = arith.addi %mul3A_2, %add3A_3142 : i32
      %dma_start3A_3144 = arith.constant 2 : i32
      %dma_start3A_3145 = arith.constant 0 : i32
      %dma_start3A_3146 = arith.constant 0 : i32
      %dma_start3A_3147 = tpu.memref_slice %arg5[%dma_start3A_3144, %dma_start3A_3145, %dma_start3A_3146] : memref<5x8x128xi32, #tpu.memory_space<vmem>> -> memref<1x8x128xi32, #tpu.memory_space<vmem>>
      %dma_start3A_3148 = tpu.memref_squeeze %dma_start3A_3147 : memref<1x8x128xi32, #tpu.memory_space<vmem>> -> memref<8x128xi32, #tpu.memory_space<vmem>>
      %dma_start3A_3149 = arith.constant 0 : i32
      %dma_start3A_3150 = arith.constant 0 : i32
      %dma_start3A_3151 = tpu.memref_slice %arg3[%add3A_3143, %dma_start3A_3149, %dma_start3A_3150] : memref<1600x8x128xi32, #tpu.memory_space<hbm>> -> memref<1x8x128xi32, #tpu.memory_space<hbm>>
      %dma_start3A_3152 = tpu.memref_squeeze %dma_start3A_3151 : memref<1x8x128xi32, #tpu.memory_space<hbm>> -> memref<8x128xi32, #tpu.memory_space<hbm>>
      %dma_start3A_3153 = arith.constant 0 : i32
      %dma_start3A_3154 = arith.constant 0 : i32
      %dma_start3A_3155 = tpu.memref_slice %arg5[%dma_start3A_3144, %dma_start3A_3153, %dma_start3A_3154] : memref<5x8x128xi32, #tpu.memory_space<vmem>> -> memref<1x8x128xi32, #tpu.memory_space<vmem>>
      %dma_start3A_3156 = tpu.memref_squeeze %dma_start3A_3155 : memref<1x8x128xi32, #tpu.memory_space<vmem>> -> memref<8x128xi32, #tpu.memory_space<vmem>>
      %dma_start3A_3157 = arith.constant 0 : i32
      %dma_start3A_3158 = arith.constant 0 : i32
      %dma_start3A_3159 = tpu.memref_slice %arg3[%add3A_3143, %dma_start3A_3157, %dma_start3A_3158] : memref<1600x8x128xi32, #tpu.memory_space<hbm>> -> memref<1x8x128xi32, #tpu.memory_space<hbm>>
      %dma_start3A_3160 = tpu.memref_squeeze %dma_start3A_3159 : memref<1x8x128xi32, #tpu.memory_space<hbm>> -> memref<8x128xi32, #tpu.memory_space<hbm>>
      tpu.enqueue_dma source(%dma_start3A_3160 : memref<8x128xi32, #tpu.memory_space<hbm>>) target(%dma_start3A_3156 : memref<8x128xi32, #tpu.memory_space<vmem>>) target_semaphore(%arg9 : memref<!tpu.dma_semaphore, #tpu.memory_space<semaphore_mem>>)
      %dma_wait3A_3161 = arith.constant 3 : i32
      %dma_wait3A_3162 = arith.constant 0 : i32
      %dma_wait3A_3163 = arith.constant 0 : i32
      %dma_wait3A_3164 = tpu.memref_slice %arg6[%dma_wait3A_3161, %dma_wait3A_3162, %dma_wait3A_3163] : memref<5x128x128xf32, #tpu.memory_space<vmem>> -> memref<1x128x128xf32, #tpu.memory_space<vmem>>
      %dma_wait3A_3165 = tpu.memref_squeeze %dma_wait3A_3164 : memref<1x128x128xf32, #tpu.memory_space<vmem>> -> memref<128x128xf32, #tpu.memory_space<vmem>>
      %dma_wait3A_3166 = arith.constant 0 : i32
      %dma_wait3A_3167 = tpu.memref_slice %arg4[%mul3A_4, %dma_wait3A_3166] : memref<204800x128xf32, #tpu.memory_space<hbm>> -> memref<128x128xf32, #tpu.memory_space<hbm>>
      %dma_wait3A_3168 = arith.constant 0 : i32
      %dma_wait3A_3169 = tpu.memref_slice %arg4[%mul3A_4, %dma_wait3A_3168] : memref<204800x128xf32, #tpu.memory_space<hbm>> -> memref<128x128xf32, #tpu.memory_space<hbm>>
      %dma_wait3A_3170 = arith.constant 0 : i32
      %dma_wait3A_3171 = arith.constant 0 : i32
      %dma_wait3A_3172 = tpu.memref_slice %arg6[%dma_wait3A_3161, %dma_wait3A_3170, %dma_wait3A_3171] : memref<5x128x128xf32, #tpu.memory_space<vmem>> -> memref<1x128x128xf32, #tpu.memory_space<vmem>>
      %dma_wait3A_3173 = tpu.memref_squeeze %dma_wait3A_3172 : memref<1x128x128xf32, #tpu.memory_space<vmem>> -> memref<128x128xf32, #tpu.memory_space<vmem>>
      tpu.wait_dma2 semaphore(%arg25 : memref<!tpu.dma_semaphore, #tpu.memory_space<semaphore_mem>>) src(%dma_wait3A_3173 : memref<128x128xf32, #tpu.memory_space<vmem>>) dst(%dma_wait3A_3169 : memref<128x128xf32, #tpu.memory_space<hbm>>)
      %add3A_3174 = arith.constant 5 : i32
      %add3A_3175 = arith.addi %mul3A_1690, %add3A_3174 : i32
      %add3A_3176 = arith.constant 3 : i32
      %add3A_3177 = arith.addi %add3A_3175, %add3A_3176 : i32
      %add3A_3178 = arith.addi %mul3A_2, %add3A_3177 : i32
      %dma_start3A_3179 = arith.constant 3 : i32
      %dma_start3A_3180 = arith.constant 0 : i32
      %dma_start3A_3181 = arith.constant 0 : i32
      %dma_start3A_3182 = tpu.memref_slice %arg5[%dma_start3A_3179, %dma_start3A_3180, %dma_start3A_3181] : memref<5x8x128xi32, #tpu.memory_space<vmem>> -> memref<1x8x128xi32, #tpu.memory_space<vmem>>
      %dma_start3A_3183 = tpu.memref_squeeze %dma_start3A_3182 : memref<1x8x128xi32, #tpu.memory_space<vmem>> -> memref<8x128xi32, #tpu.memory_space<vmem>>
      %dma_start3A_3184 = arith.constant 0 : i32
      %dma_start3A_3185 = arith.constant 0 : i32
      %dma_start3A_3186 = tpu.memref_slice %arg3[%add3A_3178, %dma_start3A_3184, %dma_start3A_3185] : memref<1600x8x128xi32, #tpu.memory_space<hbm>> -> memref<1x8x128xi32, #tpu.memory_space<hbm>>
      %dma_start3A_3187 = tpu.memref_squeeze %dma_start3A_3186 : memref<1x8x128xi32, #tpu.memory_space<hbm>> -> memref<8x128xi32, #tpu.memory_space<hbm>>
      %dma_start3A_3188 = arith.constant 0 : i32
      %dma_start3A_3189 = arith.constant 0 : i32
      %dma_start3A_3190 = tpu.memref_slice %arg5[%dma_start3A_3179, %dma_start3A_3188, %dma_start3A_3189] : memref<5x8x128xi32, #tpu.memory_space<vmem>> -> memref<1x8x128xi32, #tpu.memory_space<vmem>>
      %dma_start3A_3191 = tpu.memref_squeeze %dma_start3A_3190 : memref<1x8x128xi32, #tpu.memory_space<vmem>> -> memref<8x128xi32, #tpu.memory_space<vmem>>
      %dma_start3A_3192 = arith.constant 0 : i32
      %dma_start3A_3193 = arith.constant 0 : i32
      %dma_start3A_3194 = tpu.memref_slice %arg3[%add3A_3178, %dma_start3A_3192, %dma_start3A_3193] : memref<1600x8x128xi32, #tpu.memory_space<hbm>> -> memref<1x8x128xi32, #tpu.memory_space<hbm>>
      %dma_start3A_3195 = tpu.memref_squeeze %dma_start3A_3194 : memref<1x8x128xi32, #tpu.memory_space<hbm>> -> memref<8x128xi32, #tpu.memory_space<hbm>>
      tpu.enqueue_dma source(%dma_start3A_3195 : memref<8x128xi32, #tpu.memory_space<hbm>>) target(%dma_start3A_3191 : memref<8x128xi32, #tpu.memory_space<vmem>>) target_semaphore(%arg10 : memref<!tpu.dma_semaphore, #tpu.memory_space<semaphore_mem>>)
      %dma_wait3A_3196 = arith.constant 4 : i32
      %dma_wait3A_3197 = arith.constant 0 : i32
      %dma_wait3A_3198 = arith.constant 0 : i32
      %dma_wait3A_3199 = tpu.memref_slice %arg6[%dma_wait3A_3196, %dma_wait3A_3197, %dma_wait3A_3198] : memref<5x128x128xf32, #tpu.memory_space<vmem>> -> memref<1x128x128xf32, #tpu.memory_space<vmem>>
      %dma_wait3A_3200 = tpu.memref_squeeze %dma_wait3A_3199 : memref<1x128x128xf32, #tpu.memory_space<vmem>> -> memref<128x128xf32, #tpu.memory_space<vmem>>
      %dma_wait3A_3201 = arith.constant 0 : i32
      %dma_wait3A_3202 = tpu.memref_slice %arg4[%mul3A_4, %dma_wait3A_3201] : memref<204800x128xf32, #tpu.memory_space<hbm>> -> memref<128x128xf32, #tpu.memory_space<hbm>>
      %dma_wait3A_3203 = arith.constant 0 : i32
      %dma_wait3A_3204 = tpu.memref_slice %arg4[%mul3A_4, %dma_wait3A_3203] : memref<204800x128xf32, #tpu.memory_space<hbm>> -> memref<128x128xf32, #tpu.memory_space<hbm>>
      %dma_wait3A_3205 = arith.constant 0 : i32
      %dma_wait3A_3206 = arith.constant 0 : i32
      %dma_wait3A_3207 = tpu.memref_slice %arg6[%dma_wait3A_3196, %dma_wait3A_3205, %dma_wait3A_3206] : memref<5x128x128xf32, #tpu.memory_space<vmem>> -> memref<1x128x128xf32, #tpu.memory_space<vmem>>
      %dma_wait3A_3208 = tpu.memref_squeeze %dma_wait3A_3207 : memref<1x128x128xf32, #tpu.memory_space<vmem>> -> memref<128x128xf32, #tpu.memory_space<vmem>>
      tpu.wait_dma2 semaphore(%arg26 : memref<!tpu.dma_semaphore, #tpu.memory_space<semaphore_mem>>) src(%dma_wait3A_3208 : memref<128x128xf32, #tpu.memory_space<vmem>>) dst(%dma_wait3A_3204 : memref<128x128xf32, #tpu.memory_space<hbm>>)
      %add3A_3209 = arith.constant 5 : i32
      %add3A_3210 = arith.addi %mul3A_1690, %add3A_3209 : i32
      %add3A_3211 = arith.constant 4 : i32
      %add3A_3212 = arith.addi %add3A_3210, %add3A_3211 : i32
      %add3A_3213 = arith.addi %mul3A_2, %add3A_3212 : i32
      %dma_start3A_3214 = arith.constant 4 : i32
      %dma_start3A_3215 = arith.constant 0 : i32
      %dma_start3A_3216 = arith.constant 0 : i32
      %dma_start3A_3217 = tpu.memref_slice %arg5[%dma_start3A_3214, %dma_start3A_3215, %dma_start3A_3216] : memref<5x8x128xi32, #tpu.memory_space<vmem>> -> memref<1x8x128xi32, #tpu.memory_space<vmem>>
      %dma_start3A_3218 = tpu.memref_squeeze %dma_start3A_3217 : memref<1x8x128xi32, #tpu.memory_space<vmem>> -> memref<8x128xi32, #tpu.memory_space<vmem>>
      %dma_start3A_3219 = arith.constant 0 : i32
      %dma_start3A_3220 = arith.constant 0 : i32
      %dma_start3A_3221 = tpu.memref_slice %arg3[%add3A_3213, %dma_start3A_3219, %dma_start3A_3220] : memref<1600x8x128xi32, #tpu.memory_space<hbm>> -> memref<1x8x128xi32, #tpu.memory_space<hbm>>
      %dma_start3A_3222 = tpu.memref_squeeze %dma_start3A_3221 : memref<1x8x128xi32, #tpu.memory_space<hbm>> -> memref<8x128xi32, #tpu.memory_space<hbm>>
      %dma_start3A_3223 = arith.constant 0 : i32
      %dma_start3A_3224 = arith.constant 0 : i32
      %dma_start3A_3225 = tpu.memref_slice %arg5[%dma_start3A_3214, %dma_start3A_3223, %dma_start3A_3224] : memref<5x8x128xi32, #tpu.memory_space<vmem>> -> memref<1x8x128xi32, #tpu.memory_space<vmem>>
      %dma_start3A_3226 = tpu.memref_squeeze %dma_start3A_3225 : memref<1x8x128xi32, #tpu.memory_space<vmem>> -> memref<8x128xi32, #tpu.memory_space<vmem>>
      %dma_start3A_3227 = arith.constant 0 : i32
      %dma_start3A_3228 = arith.constant 0 : i32
      %dma_start3A_3229 = tpu.memref_slice %arg3[%add3A_3213, %dma_start3A_3227, %dma_start3A_3228] : memref<1600x8x128xi32, #tpu.memory_space<hbm>> -> memref<1x8x128xi32, #tpu.memory_space<hbm>>
      %dma_start3A_3230 = tpu.memref_squeeze %dma_start3A_3229 : memref<1x8x128xi32, #tpu.memory_space<hbm>> -> memref<8x128xi32, #tpu.memory_space<hbm>>
      tpu.enqueue_dma source(%dma_start3A_3230 : memref<8x128xi32, #tpu.memory_space<hbm>>) target(%dma_start3A_3226 : memref<8x128xi32, #tpu.memory_space<vmem>>) target_semaphore(%arg11 : memref<!tpu.dma_semaphore, #tpu.memory_space<semaphore_mem>>)
      %dma_wait3A_3231 = arith.constant 0 : i32
      %dma_wait3A_3232 = arith.constant 0 : i32
      %dma_wait3A_3233 = arith.constant 0 : i32
      %dma_wait3A_3234 = tpu.memref_slice %arg5[%dma_wait3A_3231, %dma_wait3A_3232, %dma_wait3A_3233] : memref<5x8x128xi32, #tpu.memory_space<vmem>> -> memref<1x8x128xi32, #tpu.memory_space<vmem>>
      %dma_wait3A_3235 = tpu.memref_squeeze %dma_wait3A_3234 : memref<1x8x128xi32, #tpu.memory_space<vmem>> -> memref<8x128xi32, #tpu.memory_space<vmem>>
      %dma_wait3A_3236 = arith.constant 0 : i32
      %dma_wait3A_3237 = arith.constant 0 : i32
      %dma_wait3A_3238 = tpu.memref_slice %arg3[%mul3A_2, %dma_wait3A_3236, %dma_wait3A_3237] : memref<1600x8x128xi32, #tpu.memory_space<hbm>> -> memref<1x8x128xi32, #tpu.memory_space<hbm>>
      %dma_wait3A_3239 = tpu.memref_squeeze %dma_wait3A_3238 : memref<1x8x128xi32, #tpu.memory_space<hbm>> -> memref<8x128xi32, #tpu.memory_space<hbm>>
      %dma_wait3A_3240 = arith.constant 0 : i32
      %dma_wait3A_3241 = arith.constant 0 : i32
      %dma_wait3A_3242 = tpu.memref_slice %arg5[%dma_wait3A_3231, %dma_wait3A_3240, %dma_wait3A_3241] : memref<5x8x128xi32, #tpu.memory_space<vmem>> -> memref<1x8x128xi32, #tpu.memory_space<vmem>>
      %dma_wait3A_3243 = tpu.memref_squeeze %dma_wait3A_3242 : memref<1x8x128xi32, #tpu.memory_space<vmem>> -> memref<8x128xi32, #tpu.memory_space<vmem>>
      %dma_wait3A_3244 = arith.constant 0 : i32
      %dma_wait3A_3245 = arith.constant 0 : i32
      %dma_wait3A_3246 = tpu.memref_slice %arg3[%mul3A_2, %dma_wait3A_3244, %dma_wait3A_3245] : memref<1600x8x128xi32, #tpu.memory_space<hbm>> -> memref<1x8x128xi32, #tpu.memory_space<hbm>>
      %dma_wait3A_3247 = tpu.memref_squeeze %dma_wait3A_3246 : memref<1x8x128xi32, #tpu.memory_space<hbm>> -> memref<8x128xi32, #tpu.memory_space<hbm>>
      tpu.wait_dma2 semaphore(%arg7 : memref<!tpu.dma_semaphore, #tpu.memory_space<semaphore_mem>>) src(%dma_wait3A_3247 : memref<8x128xi32, #tpu.memory_space<hbm>>) dst(%dma_wait3A_3243 : memref<8x128xi32, #tpu.memory_space<vmem>>)
      %dma_start3A_3248 = arith.constant 0 : i32
      %dma_start3A_3249 = arith.constant 0 : i32
      %dma_start3A_3250 = arith.constant 0 : i32
      %dma_start3A_3251 = arith.constant 0 : i32
      %dma_start3A_3252 = arith.constant 0 : i32
      %dma_start3A_3253 = tpu.memref_slice %arg6[%dma_start3A_3250, %dma_start3A_3251, %dma_start3A_3252] : memref<5x128x128xf32, #tpu.memory_space<vmem>> -> memref<1x128x128xf32, #tpu.memory_space<vmem>>
      %dma_start3A_3254 = tpu.memref_squeeze %dma_start3A_3253 : memref<1x128x128xf32, #tpu.memory_space<vmem>> -> memref<128x128xf32, #tpu.memory_space<vmem>>
      %dma_start3A_3255 = arith.constant 0 : i32
      %dma_start3A_3256 = arith.constant 0 : i32
      %dma_start3A_3257 = tpu.memref_slice %arg5[%dma_start3A_3248, %dma_start3A_3255, %dma_start3A_3256] : memref<5x8x128xi32, #tpu.memory_space<vmem>> -> memref<1x8x128xi32, #tpu.memory_space<vmem>>
      %dma_start3A_3258 = tpu.memref_squeeze %dma_start3A_3257 : memref<1x8x128xi32, #tpu.memory_space<vmem>> -> memref<8x128xi32, #tpu.memory_space<vmem>>
      %dma_start3A_3259 = arith.constant 0 : i32
      %dma_start3A_3260 = tpu.memref_slice %dma_start3A_3258[%dma_start3A_3249, %dma_start3A_3259] : memref<8x128xi32, #tpu.memory_space<vmem>> -> memref<1x128xi32, #tpu.memory_space<vmem>>
      %dma_start3A_3261 = tpu.memref_squeeze %dma_start3A_3260 : memref<1x128xi32, #tpu.memory_space<vmem>> -> memref<128xi32, #tpu.memory_space<vmem>>
      %dma_start3A_3262 = arith.constant 0 : i32
      %dma_start3A_3263 = arith.constant 0 : i32
      %dma_start3A_3264 = tpu.memref_slice %arg2[%dma_start3A_3262, %dma_start3A_3263] : memref<800000x128xf32, #tpu.memory_space<hbm>> -> memref<800000x128xf32, #tpu.memory_space<hbm>>
      tpu.enqueue_indirect_dma source(%dma_start3A_3264 : memref<800000x128xf32, #tpu.memory_space<hbm>>) target(%dma_start3A_3254 : memref<128x128xf32, #tpu.memory_space<vmem>>) offsets(%dma_start3A_3261 : memref<128xi32, #tpu.memory_space<vmem>>) semaphore(%arg12 : memref<!tpu.dma_semaphore, #tpu.memory_space<semaphore_mem>>)
      %dma_wait3A_3265 = arith.constant 1 : i32
      %dma_wait3A_3266 = arith.constant 0 : i32
      %dma_wait3A_3267 = arith.constant 0 : i32
      %dma_wait3A_3268 = tpu.memref_slice %arg5[%dma_wait3A_3265, %dma_wait3A_3266, %dma_wait3A_3267] : memref<5x8x128xi32, #tpu.memory_space<vmem>> -> memref<1x8x128xi32, #tpu.memory_space<vmem>>
      %dma_wait3A_3269 = tpu.memref_squeeze %dma_wait3A_3268 : memref<1x8x128xi32, #tpu.memory_space<vmem>> -> memref<8x128xi32, #tpu.memory_space<vmem>>
      %dma_wait3A_3270 = arith.constant 0 : i32
      %dma_wait3A_3271 = arith.constant 0 : i32
      %dma_wait3A_3272 = tpu.memref_slice %arg3[%mul3A_2, %dma_wait3A_3270, %dma_wait3A_3271] : memref<1600x8x128xi32, #tpu.memory_space<hbm>> -> memref<1x8x128xi32, #tpu.memory_space<hbm>>
      %dma_wait3A_3273 = tpu.memref_squeeze %dma_wait3A_3272 : memref<1x8x128xi32, #tpu.memory_space<hbm>> -> memref<8x128xi32, #tpu.memory_space<hbm>>
      %dma_wait3A_3274 = arith.constant 0 : i32
      %dma_wait3A_3275 = arith.constant 0 : i32
      %dma_wait3A_3276 = tpu.memref_slice %arg5[%dma_wait3A_3265, %dma_wait3A_3274, %dma_wait3A_3275] : memref<5x8x128xi32, #tpu.memory_space<vmem>> -> memref<1x8x128xi32, #tpu.memory_space<vmem>>
      %dma_wait3A_3277 = tpu.memref_squeeze %dma_wait3A_3276 : memref<1x8x128xi32, #tpu.memory_space<vmem>> -> memref<8x128xi32, #tpu.memory_space<vmem>>
      %dma_wait3A_3278 = arith.constant 0 : i32
      %dma_wait3A_3279 = arith.constant 0 : i32
      %dma_wait3A_3280 = tpu.memref_slice %arg3[%mul3A_2, %dma_wait3A_3278, %dma_wait3A_3279] : memref<1600x8x128xi32, #tpu.memory_space<hbm>> -> memref<1x8x128xi32, #tpu.memory_space<hbm>>
      %dma_wait3A_3281 = tpu.memref_squeeze %dma_wait3A_3280 : memref<1x8x128xi32, #tpu.memory_space<hbm>> -> memref<8x128xi32, #tpu.memory_space<hbm>>
      tpu.wait_dma2 semaphore(%arg8 : memref<!tpu.dma_semaphore, #tpu.memory_space<semaphore_mem>>) src(%dma_wait3A_3281 : memref<8x128xi32, #tpu.memory_space<hbm>>) dst(%dma_wait3A_3277 : memref<8x128xi32, #tpu.memory_space<vmem>>)
      %dma_start3A_3282 = arith.constant 1 : i32
      %dma_start3A_3283 = arith.constant 0 : i32
      %dma_start3A_3284 = arith.constant 1 : i32
      %dma_start3A_3285 = arith.constant 0 : i32
      %dma_start3A_3286 = arith.constant 0 : i32
      %dma_start3A_3287 = tpu.memref_slice %arg6[%dma_start3A_3284, %dma_start3A_3285, %dma_start3A_3286] : memref<5x128x128xf32, #tpu.memory_space<vmem>> -> memref<1x128x128xf32, #tpu.memory_space<vmem>>
      %dma_start3A_3288 = tpu.memref_squeeze %dma_start3A_3287 : memref<1x128x128xf32, #tpu.memory_space<vmem>> -> memref<128x128xf32, #tpu.memory_space<vmem>>
      %dma_start3A_3289 = arith.constant 0 : i32
      %dma_start3A_3290 = arith.constant 0 : i32
      %dma_start3A_3291 = tpu.memref_slice %arg5[%dma_start3A_3282, %dma_start3A_3289, %dma_start3A_3290] : memref<5x8x128xi32, #tpu.memory_space<vmem>> -> memref<1x8x128xi32, #tpu.memory_space<vmem>>
      %dma_start3A_3292 = tpu.memref_squeeze %dma_start3A_3291 : memref<1x8x128xi32, #tpu.memory_space<vmem>> -> memref<8x128xi32, #tpu.memory_space<vmem>>
      %dma_start3A_3293 = arith.constant 0 : i32
      %dma_start3A_3294 = tpu.memref_slice %dma_start3A_3292[%dma_start3A_3283, %dma_start3A_3293] : memref<8x128xi32, #tpu.memory_space<vmem>> -> memref<1x128xi32, #tpu.memory_space<vmem>>
      %dma_start3A_3295 = tpu.memref_squeeze %dma_start3A_3294 : memref<1x128xi32, #tpu.memory_space<vmem>> -> memref<128xi32, #tpu.memory_space<vmem>>
      %dma_start3A_3296 = arith.constant 0 : i32
      %dma_start3A_3297 = arith.constant 0 : i32
      %dma_start3A_3298 = tpu.memref_slice %arg2[%dma_start3A_3296, %dma_start3A_3297] : memref<800000x128xf32, #tpu.memory_space<hbm>> -> memref<800000x128xf32, #tpu.memory_space<hbm>>
      tpu.enqueue_indirect_dma source(%dma_start3A_3298 : memref<800000x128xf32, #tpu.memory_space<hbm>>) target(%dma_start3A_3288 : memref<128x128xf32, #tpu.memory_space<vmem>>) offsets(%dma_start3A_3295 : memref<128xi32, #tpu.memory_space<vmem>>) semaphore(%arg13 : memref<!tpu.dma_semaphore, #tpu.memory_space<semaphore_mem>>)
      %dma_wait3A_3299 = arith.constant 2 : i32
      %dma_wait3A_3300 = arith.constant 0 : i32
      %dma_wait3A_3301 = arith.constant 0 : i32
      %dma_wait3A_3302 = tpu.memref_slice %arg5[%dma_wait3A_3299, %dma_wait3A_3300, %dma_wait3A_3301] : memref<5x8x128xi32, #tpu.memory_space<vmem>> -> memref<1x8x128xi32, #tpu.memory_space<vmem>>
      %dma_wait3A_3303 = tpu.memref_squeeze %dma_wait3A_3302 : memref<1x8x128xi32, #tpu.memory_space<vmem>> -> memref<8x128xi32, #tpu.memory_space<vmem>>
      %dma_wait3A_3304 = arith.constant 0 : i32
      %dma_wait3A_3305 = arith.constant 0 : i32
      %dma_wait3A_3306 = tpu.memref_slice %arg3[%mul3A_2, %dma_wait3A_3304, %dma_wait3A_3305] : memref<1600x8x128xi32, #tpu.memory_space<hbm>> -> memref<1x8x128xi32, #tpu.memory_space<hbm>>
      %dma_wait3A_3307 = tpu.memref_squeeze %dma_wait3A_3306 : memref<1x8x128xi32, #tpu.memory_space<hbm>> -> memref<8x128xi32, #tpu.memory_space<hbm>>
      %dma_wait3A_3308 = arith.constant 0 : i32
      %dma_wait3A_3309 = arith.constant 0 : i32
      %dma_wait3A_3310 = tpu.memref_slice %arg5[%dma_wait3A_3299, %dma_wait3A_3308, %dma_wait3A_3309] : memref<5x8x128xi32, #tpu.memory_space<vmem>> -> memref<1x8x128xi32, #tpu.memory_space<vmem>>
      %dma_wait3A_3311 = tpu.memref_squeeze %dma_wait3A_3310 : memref<1x8x128xi32, #tpu.memory_space<vmem>> -> memref<8x128xi32, #tpu.memory_space<vmem>>
      %dma_wait3A_3312 = arith.constant 0 : i32
      %dma_wait3A_3313 = arith.constant 0 : i32
      %dma_wait3A_3314 = tpu.memref_slice %arg3[%mul3A_2, %dma_wait3A_3312, %dma_wait3A_3313] : memref<1600x8x128xi32, #tpu.memory_space<hbm>> -> memref<1x8x128xi32, #tpu.memory_space<hbm>>
      %dma_wait3A_3315 = tpu.memref_squeeze %dma_wait3A_3314 : memref<1x8x128xi32, #tpu.memory_space<hbm>> -> memref<8x128xi32, #tpu.memory_space<hbm>>
      tpu.wait_dma2 semaphore(%arg9 : memref<!tpu.dma_semaphore, #tpu.memory_space<semaphore_mem>>) src(%dma_wait3A_3315 : memref<8x128xi32, #tpu.memory_space<hbm>>) dst(%dma_wait3A_3311 : memref<8x128xi32, #tpu.memory_space<vmem>>)
      %dma_start3A_3316 = arith.constant 2 : i32
      %dma_start3A_3317 = arith.constant 0 : i32
      %dma_start3A_3318 = arith.constant 2 : i32
      %dma_start3A_3319 = arith.constant 0 : i32
      %dma_start3A_3320 = arith.constant 0 : i32
      %dma_start3A_3321 = tpu.memref_slice %arg6[%dma_start3A_3318, %dma_start3A_3319, %dma_start3A_3320] : memref<5x128x128xf32, #tpu.memory_space<vmem>> -> memref<1x128x128xf32, #tpu.memory_space<vmem>>
      %dma_start3A_3322 = tpu.memref_squeeze %dma_start3A_3321 : memref<1x128x128xf32, #tpu.memory_space<vmem>> -> memref<128x128xf32, #tpu.memory_space<vmem>>
      %dma_start3A_3323 = arith.constant 0 : i32
      %dma_start3A_3324 = arith.constant 0 : i32
      %dma_start3A_3325 = tpu.memref_slice %arg5[%dma_start3A_3316, %dma_start3A_3323, %dma_start3A_3324] : memref<5x8x128xi32, #tpu.memory_space<vmem>> -> memref<1x8x128xi32, #tpu.memory_space<vmem>>
      %dma_start3A_3326 = tpu.memref_squeeze %dma_start3A_3325 : memref<1x8x128xi32, #tpu.memory_space<vmem>> -> memref<8x128xi32, #tpu.memory_space<vmem>>
      %dma_start3A_3327 = arith.constant 0 : i32
      %dma_start3A_3328 = tpu.memref_slice %dma_start3A_3326[%dma_start3A_3317, %dma_start3A_3327] : memref<8x128xi32, #tpu.memory_space<vmem>> -> memref<1x128xi32, #tpu.memory_space<vmem>>
      %dma_start3A_3329 = tpu.memref_squeeze %dma_start3A_3328 : memref<1x128xi32, #tpu.memory_space<vmem>> -> memref<128xi32, #tpu.memory_space<vmem>>
      %dma_start3A_3330 = arith.constant 0 : i32
      %dma_start3A_3331 = arith.constant 0 : i32
      %dma_start3A_3332 = tpu.memref_slice %arg2[%dma_start3A_3330, %dma_start3A_3331] : memref<800000x128xf32, #tpu.memory_space<hbm>> -> memref<800000x128xf32, #tpu.memory_space<hbm>>
      tpu.enqueue_indirect_dma source(%dma_start3A_3332 : memref<800000x128xf32, #tpu.memory_space<hbm>>) target(%dma_start3A_3322 : memref<128x128xf32, #tpu.memory_space<vmem>>) offsets(%dma_start3A_3329 : memref<128xi32, #tpu.memory_space<vmem>>) semaphore(%arg14 : memref<!tpu.dma_semaphore, #tpu.memory_space<semaphore_mem>>)
      %dma_wait3A_3333 = arith.constant 3 : i32
      %dma_wait3A_3334 = arith.constant 0 : i32
      %dma_wait3A_3335 = arith.constant 0 : i32
      %dma_wait3A_3336 = tpu.memref_slice %arg5[%dma_wait3A_3333, %dma_wait3A_3334, %dma_wait3A_3335] : memref<5x8x128xi32, #tpu.memory_space<vmem>> -> memref<1x8x128xi32, #tpu.memory_space<vmem>>
      %dma_wait3A_3337 = tpu.memref_squeeze %dma_wait3A_3336 : memref<1x8x128xi32, #tpu.memory_space<vmem>> -> memref<8x128xi32, #tpu.memory_space<vmem>>
      %dma_wait3A_3338 = arith.constant 0 : i32
      %dma_wait3A_3339 = arith.constant 0 : i32
      %dma_wait3A_3340 = tpu.memref_slice %arg3[%mul3A_2, %dma_wait3A_3338, %dma_wait3A_3339] : memref<1600x8x128xi32, #tpu.memory_space<hbm>> -> memref<1x8x128xi32, #tpu.memory_space<hbm>>
      %dma_wait3A_3341 = tpu.memref_squeeze %dma_wait3A_3340 : memref<1x8x128xi32, #tpu.memory_space<hbm>> -> memref<8x128xi32, #tpu.memory_space<hbm>>
      %dma_wait3A_3342 = arith.constant 0 : i32
      %dma_wait3A_3343 = arith.constant 0 : i32
      %dma_wait3A_3344 = tpu.memref_slice %arg5[%dma_wait3A_3333, %dma_wait3A_3342, %dma_wait3A_3343] : memref<5x8x128xi32, #tpu.memory_space<vmem>> -> memref<1x8x128xi32, #tpu.memory_space<vmem>>
      %dma_wait3A_3345 = tpu.memref_squeeze %dma_wait3A_3344 : memref<1x8x128xi32, #tpu.memory_space<vmem>> -> memref<8x128xi32, #tpu.memory_space<vmem>>
      %dma_wait3A_3346 = arith.constant 0 : i32
      %dma_wait3A_3347 = arith.constant 0 : i32
      %dma_wait3A_3348 = tpu.memref_slice %arg3[%mul3A_2, %dma_wait3A_3346, %dma_wait3A_3347] : memref<1600x8x128xi32, #tpu.memory_space<hbm>> -> memref<1x8x128xi32, #tpu.memory_space<hbm>>
      %dma_wait3A_3349 = tpu.memref_squeeze %dma_wait3A_3348 : memref<1x8x128xi32, #tpu.memory_space<hbm>> -> memref<8x128xi32, #tpu.memory_space<hbm>>
      tpu.wait_dma2 semaphore(%arg10 : memref<!tpu.dma_semaphore, #tpu.memory_space<semaphore_mem>>) src(%dma_wait3A_3349 : memref<8x128xi32, #tpu.memory_space<hbm>>) dst(%dma_wait3A_3345 : memref<8x128xi32, #tpu.memory_space<vmem>>)
      %dma_start3A_3350 = arith.constant 3 : i32
      %dma_start3A_3351 = arith.constant 0 : i32
      %dma_start3A_3352 = arith.constant 3 : i32
      %dma_start3A_3353 = arith.constant 0 : i32
      %dma_start3A_3354 = arith.constant 0 : i32
      %dma_start3A_3355 = tpu.memref_slice %arg6[%dma_start3A_3352, %dma_start3A_3353, %dma_start3A_3354] : memref<5x128x128xf32, #tpu.memory_space<vmem>> -> memref<1x128x128xf32, #tpu.memory_space<vmem>>
      %dma_start3A_3356 = tpu.memref_squeeze %dma_start3A_3355 : memref<1x128x128xf32, #tpu.memory_space<vmem>> -> memref<128x128xf32, #tpu.memory_space<vmem>>
      %dma_start3A_3357 = arith.constant 0 : i32
      %dma_start3A_3358 = arith.constant 0 : i32
      %dma_start3A_3359 = tpu.memref_slice %arg5[%dma_start3A_3350, %dma_start3A_3357, %dma_start3A_3358] : memref<5x8x128xi32, #tpu.memory_space<vmem>> -> memref<1x8x128xi32, #tpu.memory_space<vmem>>
      %dma_start3A_3360 = tpu.memref_squeeze %dma_start3A_3359 : memref<1x8x128xi32, #tpu.memory_space<vmem>> -> memref<8x128xi32, #tpu.memory_space<vmem>>
      %dma_start3A_3361 = arith.constant 0 : i32
      %dma_start3A_3362 = tpu.memref_slice %dma_start3A_3360[%dma_start3A_3351, %dma_start3A_3361] : memref<8x128xi32, #tpu.memory_space<vmem>> -> memref<1x128xi32, #tpu.memory_space<vmem>>
      %dma_start3A_3363 = tpu.memref_squeeze %dma_start3A_3362 : memref<1x128xi32, #tpu.memory_space<vmem>> -> memref<128xi32, #tpu.memory_space<vmem>>
      %dma_start3A_3364 = arith.constant 0 : i32
      %dma_start3A_3365 = arith.constant 0 : i32
      %dma_start3A_3366 = tpu.memref_slice %arg2[%dma_start3A_3364, %dma_start3A_3365] : memref<800000x128xf32, #tpu.memory_space<hbm>> -> memref<800000x128xf32, #tpu.memory_space<hbm>>
      tpu.enqueue_indirect_dma source(%dma_start3A_3366 : memref<800000x128xf32, #tpu.memory_space<hbm>>) target(%dma_start3A_3356 : memref<128x128xf32, #tpu.memory_space<vmem>>) offsets(%dma_start3A_3363 : memref<128xi32, #tpu.memory_space<vmem>>) semaphore(%arg15 : memref<!tpu.dma_semaphore, #tpu.memory_space<semaphore_mem>>)
      %dma_wait3A_3367 = arith.constant 4 : i32
      %dma_wait3A_3368 = arith.constant 0 : i32
      %dma_wait3A_3369 = arith.constant 0 : i32
      %dma_wait3A_3370 = tpu.memref_slice %arg5[%dma_wait3A_3367, %dma_wait3A_3368, %dma_wait3A_3369] : memref<5x8x128xi32, #tpu.memory_space<vmem>> -> memref<1x8x128xi32, #tpu.memory_space<vmem>>
      %dma_wait3A_3371 = tpu.memref_squeeze %dma_wait3A_3370 : memref<1x8x128xi32, #tpu.memory_space<vmem>> -> memref<8x128xi32, #tpu.memory_space<vmem>>
      %dma_wait3A_3372 = arith.constant 0 : i32
      %dma_wait3A_3373 = arith.constant 0 : i32
      %dma_wait3A_3374 = tpu.memref_slice %arg3[%mul3A_2, %dma_wait3A_3372, %dma_wait3A_3373] : memref<1600x8x128xi32, #tpu.memory_space<hbm>> -> memref<1x8x128xi32, #tpu.memory_space<hbm>>
      %dma_wait3A_3375 = tpu.memref_squeeze %dma_wait3A_3374 : memref<1x8x128xi32, #tpu.memory_space<hbm>> -> memref<8x128xi32, #tpu.memory_space<hbm>>
      %dma_wait3A_3376 = arith.constant 0 : i32
      %dma_wait3A_3377 = arith.constant 0 : i32
      %dma_wait3A_3378 = tpu.memref_slice %arg5[%dma_wait3A_3367, %dma_wait3A_3376, %dma_wait3A_3377] : memref<5x8x128xi32, #tpu.memory_space<vmem>> -> memref<1x8x128xi32, #tpu.memory_space<vmem>>
      %dma_wait3A_3379 = tpu.memref_squeeze %dma_wait3A_3378 : memref<1x8x128xi32, #tpu.memory_space<vmem>> -> memref<8x128xi32, #tpu.memory_space<vmem>>
      %dma_wait3A_3380 = arith.constant 0 : i32
      %dma_wait3A_3381 = arith.constant 0 : i32
      %dma_wait3A_3382 = tpu.memref_slice %arg3[%mul3A_2, %dma_wait3A_3380, %dma_wait3A_3381] : memref<1600x8x128xi32, #tpu.memory_space<hbm>> -> memref<1x8x128xi32, #tpu.memory_space<hbm>>
      %dma_wait3A_3383 = tpu.memref_squeeze %dma_wait3A_3382 : memref<1x8x128xi32, #tpu.memory_space<hbm>> -> memref<8x128xi32, #tpu.memory_space<hbm>>
      tpu.wait_dma2 semaphore(%arg11 : memref<!tpu.dma_semaphore, #tpu.memory_space<semaphore_mem>>) src(%dma_wait3A_3383 : memref<8x128xi32, #tpu.memory_space<hbm>>) dst(%dma_wait3A_3379 : memref<8x128xi32, #tpu.memory_space<vmem>>)
      %dma_start3A_3384 = arith.constant 4 : i32
      %dma_start3A_3385 = arith.constant 0 : i32
      %dma_start3A_3386 = arith.constant 4 : i32
      %dma_start3A_3387 = arith.constant 0 : i32
      %dma_start3A_3388 = arith.constant 0 : i32
      %dma_start3A_3389 = tpu.memref_slice %arg6[%dma_start3A_3386, %dma_start3A_3387, %dma_start3A_3388] : memref<5x128x128xf32, #tpu.memory_space<vmem>> -> memref<1x128x128xf32, #tpu.memory_space<vmem>>
      %dma_start3A_3390 = tpu.memref_squeeze %dma_start3A_3389 : memref<1x128x128xf32, #tpu.memory_space<vmem>> -> memref<128x128xf32, #tpu.memory_space<vmem>>
      %dma_start3A_3391 = arith.constant 0 : i32
      %dma_start3A_3392 = arith.constant 0 : i32
      %dma_start3A_3393 = tpu.memref_slice %arg5[%dma_start3A_3384, %dma_start3A_3391, %dma_start3A_3392] : memref<5x8x128xi32, #tpu.memory_space<vmem>> -> memref<1x8x128xi32, #tpu.memory_space<vmem>>
      %dma_start3A_3394 = tpu.memref_squeeze %dma_start3A_3393 : memref<1x8x128xi32, #tpu.memory_space<vmem>> -> memref<8x128xi32, #tpu.memory_space<vmem>>
      %dma_start3A_3395 = arith.constant 0 : i32
      %dma_start3A_3396 = tpu.memref_slice %dma_start3A_3394[%dma_start3A_3385, %dma_start3A_3395] : memref<8x128xi32, #tpu.memory_space<vmem>> -> memref<1x128xi32, #tpu.memory_space<vmem>>
      %dma_start3A_3397 = tpu.memref_squeeze %dma_start3A_3396 : memref<1x128xi32, #tpu.memory_space<vmem>> -> memref<128xi32, #tpu.memory_space<vmem>>
      %dma_start3A_3398 = arith.constant 0 : i32
      %dma_start3A_3399 = arith.constant 0 : i32
      %dma_start3A_3400 = tpu.memref_slice %arg2[%dma_start3A_3398, %dma_start3A_3399] : memref<800000x128xf32, #tpu.memory_space<hbm>> -> memref<800000x128xf32, #tpu.memory_space<hbm>>
      tpu.enqueue_indirect_dma source(%dma_start3A_3400 : memref<800000x128xf32, #tpu.memory_space<hbm>>) target(%dma_start3A_3390 : memref<128x128xf32, #tpu.memory_space<vmem>>) offsets(%dma_start3A_3397 : memref<128xi32, #tpu.memory_space<vmem>>) semaphore(%arg16 : memref<!tpu.dma_semaphore, #tpu.memory_space<semaphore_mem>>)
    }
    %scan3A_272 = arith.constant 9 : i32
    %dma_wait3A_273 = arith.constant 0 : i32
    %dma_wait3A_274 = arith.constant 0 : i32
    %dma_wait3A_275 = arith.constant 0 : i32
    %dma_wait3A_276 = arith.constant 0 : i32
    %dma_wait3A_277 = arith.constant 0 : i32
    %dma_wait3A_278 = tpu.memref_slice %arg6[%dma_wait3A_275, %dma_wait3A_276, %dma_wait3A_277] : memref<5x128x128xf32, #tpu.memory_space<vmem>> -> memref<1x128x128xf32, #tpu.memory_space<vmem>>
    %dma_wait3A_279 = tpu.memref_squeeze %dma_wait3A_278 : memref<1x128x128xf32, #tpu.memory_space<vmem>> -> memref<128x128xf32, #tpu.memory_space<vmem>>
    %dma_wait3A_280 = arith.constant 0 : i32
    %dma_wait3A_281 = arith.constant 0 : i32
    %dma_wait3A_282 = tpu.memref_slice %arg5[%dma_wait3A_273, %dma_wait3A_280, %dma_wait3A_281] : memref<5x8x128xi32, #tpu.memory_space<vmem>> -> memref<1x8x128xi32, #tpu.memory_space<vmem>>
    %dma_wait3A_283 = tpu.memref_squeeze %dma_wait3A_282 : memref<1x8x128xi32, #tpu.memory_space<vmem>> -> memref<8x128xi32, #tpu.memory_space<vmem>>
    %dma_wait3A_284 = arith.constant 0 : i32
    %dma_wait3A_285 = tpu.memref_slice %dma_wait3A_283[%dma_wait3A_274, %dma_wait3A_284] : memref<8x128xi32, #tpu.memory_space<vmem>> -> memref<1x128xi32, #tpu.memory_space<vmem>>
    %dma_wait3A_286 = tpu.memref_squeeze %dma_wait3A_285 : memref<1x128xi32, #tpu.memory_space<vmem>> -> memref<128xi32, #tpu.memory_space<vmem>>
    %dma_wait3A_287 = arith.constant 0 : i32
    %dma_wait3A_288 = arith.constant 0 : i32
    %dma_wait3A_289 = tpu.memref_slice %arg2[%dma_wait3A_287, %dma_wait3A_288] : memref<800000x128xf32, #tpu.memory_space<hbm>> -> memref<800000x128xf32, #tpu.memory_space<hbm>>
    tpu.wait_indirect_dma semaphore(%arg12 : memref<!tpu.dma_semaphore, #tpu.memory_space<semaphore_mem>>) src(%dma_wait3A_289 : memref<800000x128xf32, #tpu.memory_space<hbm>>) dst(%dma_wait3A_279 : memref<128x128xf32, #tpu.memory_space<vmem>>)
    %dma_start3A_290 = arith.constant 0 : i32
    %dma_start3A_291 = arith.constant 1 : i32
    %dma_start3A_292 = arith.constant 0 : i32
    %dma_start3A_293 = arith.constant 0 : i32
    %dma_start3A_294 = arith.constant 0 : i32
    %dma_start3A_295 = tpu.memref_slice %arg6[%dma_start3A_292, %dma_start3A_293, %dma_start3A_294] : memref<5x128x128xf32, #tpu.memory_space<vmem>> -> memref<1x128x128xf32, #tpu.memory_space<vmem>>
    %dma_start3A_296 = tpu.memref_squeeze %dma_start3A_295 : memref<1x128x128xf32, #tpu.memory_space<vmem>> -> memref<128x128xf32, #tpu.memory_space<vmem>>
    %dma_start3A_297 = arith.constant 0 : i32
    %dma_start3A_298 = arith.constant 0 : i32
    %dma_start3A_299 = tpu.memref_slice %arg5[%dma_start3A_290, %dma_start3A_297, %dma_start3A_298] : memref<5x8x128xi32, #tpu.memory_space<vmem>> -> memref<1x8x128xi32, #tpu.memory_space<vmem>>
    %dma_start3A_300 = tpu.memref_squeeze %dma_start3A_299 : memref<1x8x128xi32, #tpu.memory_space<vmem>> -> memref<8x128xi32, #tpu.memory_space<vmem>>
    %dma_start3A_301 = arith.constant 0 : i32
    %dma_start3A_302 = tpu.memref_slice %dma_start3A_300[%dma_start3A_291, %dma_start3A_301] : memref<8x128xi32, #tpu.memory_space<vmem>> -> memref<1x128xi32, #tpu.memory_space<vmem>>
    %dma_start3A_303 = tpu.memref_squeeze %dma_start3A_302 : memref<1x128xi32, #tpu.memory_space<vmem>> -> memref<128xi32, #tpu.memory_space<vmem>>
    %dma_start3A_304 = arith.constant 0 : i32
    %dma_start3A_305 = arith.constant 0 : i32
    %dma_start3A_306 = tpu.memref_slice %arg2[%dma_start3A_304, %dma_start3A_305] : memref<800000x128xf32, #tpu.memory_space<hbm>> -> memref<800000x128xf32, #tpu.memory_space<hbm>>
    tpu.enqueue_indirect_dma source(%dma_start3A_306 : memref<800000x128xf32, #tpu.memory_space<hbm>>) target(%dma_start3A_296 : memref<128x128xf32, #tpu.memory_space<vmem>>) offsets(%dma_start3A_303 : memref<128xi32, #tpu.memory_space<vmem>>) semaphore(%arg17 : memref<!tpu.dma_semaphore, #tpu.memory_space<semaphore_mem>>) {add = true}
    %dma_start3A_307 = arith.constant 0 : i32
    %dma_start3A_308 = arith.constant 2 : i32
    %dma_start3A_309 = arith.constant 0 : i32
    %dma_start3A_310 = arith.constant 0 : i32
    %dma_start3A_311 = arith.constant 0 : i32
    %dma_start3A_312 = tpu.memref_slice %arg6[%dma_start3A_309, %dma_start3A_310, %dma_start3A_311] : memref<5x128x128xf32, #tpu.memory_space<vmem>> -> memref<1x128x128xf32, #tpu.memory_space<vmem>>
    %dma_start3A_313 = tpu.memref_squeeze %dma_start3A_312 : memref<1x128x128xf32, #tpu.memory_space<vmem>> -> memref<128x128xf32, #tpu.memory_space<vmem>>
    %dma_start3A_314 = arith.constant 0 : i32
    %dma_start3A_315 = arith.constant 0 : i32
    %dma_start3A_316 = tpu.memref_slice %arg5[%dma_start3A_307, %dma_start3A_314, %dma_start3A_315] : memref<5x8x128xi32, #tpu.memory_space<vmem>> -> memref<1x8x128xi32, #tpu.memory_space<vmem>>
    %dma_start3A_317 = tpu.memref_squeeze %dma_start3A_316 : memref<1x8x128xi32, #tpu.memory_space<vmem>> -> memref<8x128xi32, #tpu.memory_space<vmem>>
    %dma_start3A_318 = arith.constant 0 : i32
    %dma_start3A_319 = tpu.memref_slice %dma_start3A_317[%dma_start3A_308, %dma_start3A_318] : memref<8x128xi32, #tpu.memory_space<vmem>> -> memref<1x128xi32, #tpu.memory_space<vmem>>
    %dma_start3A_320 = tpu.memref_squeeze %dma_start3A_319 : memref<1x128xi32, #tpu.memory_space<vmem>> -> memref<128xi32, #tpu.memory_space<vmem>>
    %dma_start3A_321 = arith.constant 0 : i32
    %dma_start3A_322 = arith.constant 0 : i32
    %dma_start3A_323 = tpu.memref_slice %arg2[%dma_start3A_321, %dma_start3A_322] : memref<800000x128xf32, #tpu.memory_space<hbm>> -> memref<800000x128xf32, #tpu.memory_space<hbm>>
    tpu.enqueue_indirect_dma source(%dma_start3A_323 : memref<800000x128xf32, #tpu.memory_space<hbm>>) target(%dma_start3A_313 : memref<128x128xf32, #tpu.memory_space<vmem>>) offsets(%dma_start3A_320 : memref<128xi32, #tpu.memory_space<vmem>>) semaphore(%arg17 : memref<!tpu.dma_semaphore, #tpu.memory_space<semaphore_mem>>) {add = true}
    %dma_start3A_324 = arith.constant 0 : i32
    %dma_start3A_325 = arith.constant 3 : i32
    %dma_start3A_326 = arith.constant 0 : i32
    %dma_start3A_327 = arith.constant 0 : i32
    %dma_start3A_328 = arith.constant 0 : i32
    %dma_start3A_329 = tpu.memref_slice %arg6[%dma_start3A_326, %dma_start3A_327, %dma_start3A_328] : memref<5x128x128xf32, #tpu.memory_space<vmem>> -> memref<1x128x128xf32, #tpu.memory_space<vmem>>
    %dma_start3A_330 = tpu.memref_squeeze %dma_start3A_329 : memref<1x128x128xf32, #tpu.memory_space<vmem>> -> memref<128x128xf32, #tpu.memory_space<vmem>>
    %dma_start3A_331 = arith.constant 0 : i32
    %dma_start3A_332 = arith.constant 0 : i32
    %dma_start3A_333 = tpu.memref_slice %arg5[%dma_start3A_324, %dma_start3A_331, %dma_start3A_332] : memref<5x8x128xi32, #tpu.memory_space<vmem>> -> memref<1x8x128xi32, #tpu.memory_space<vmem>>
    %dma_start3A_334 = tpu.memref_squeeze %dma_start3A_333 : memref<1x8x128xi32, #tpu.memory_space<vmem>> -> memref<8x128xi32, #tpu.memory_space<vmem>>
    %dma_start3A_335 = arith.constant 0 : i32
    %dma_start3A_336 = tpu.memref_slice %dma_start3A_334[%dma_start3A_325, %dma_start3A_335] : memref<8x128xi32, #tpu.memory_space<vmem>> -> memref<1x128xi32, #tpu.memory_space<vmem>>
    %dma_start3A_337 = tpu.memref_squeeze %dma_start3A_336 : memref<1x128xi32, #tpu.memory_space<vmem>> -> memref<128xi32, #tpu.memory_space<vmem>>
    %dma_start3A_338 = arith.constant 0 : i32
    %dma_start3A_339 = arith.constant 0 : i32
    %dma_start3A_340 = tpu.memref_slice %arg2[%dma_start3A_338, %dma_start3A_339] : memref<800000x128xf32, #tpu.memory_space<hbm>> -> memref<800000x128xf32, #tpu.memory_space<hbm>>
    tpu.enqueue_indirect_dma source(%dma_start3A_340 : memref<800000x128xf32, #tpu.memory_space<hbm>>) target(%dma_start3A_330 : memref<128x128xf32, #tpu.memory_space<vmem>>) offsets(%dma_start3A_337 : memref<128xi32, #tpu.memory_space<vmem>>) semaphore(%arg17 : memref<!tpu.dma_semaphore, #tpu.memory_space<semaphore_mem>>) {add = true}
    %dma_start3A_341 = arith.constant 0 : i32
    %dma_start3A_342 = arith.constant 4 : i32
    %dma_start3A_343 = arith.constant 0 : i32
    %dma_start3A_344 = arith.constant 0 : i32
    %dma_start3A_345 = arith.constant 0 : i32
    %dma_start3A_346 = tpu.memref_slice %arg6[%dma_start3A_343, %dma_start3A_344, %dma_start3A_345] : memref<5x128x128xf32, #tpu.memory_space<vmem>> -> memref<1x128x128xf32, #tpu.memory_space<vmem>>
    %dma_start3A_347 = tpu.memref_squeeze %dma_start3A_346 : memref<1x128x128xf32, #tpu.memory_space<vmem>> -> memref<128x128xf32, #tpu.memory_space<vmem>>
    %dma_start3A_348 = arith.constant 0 : i32
    %dma_start3A_349 = arith.constant 0 : i32
    %dma_start3A_350 = tpu.memref_slice %arg5[%dma_start3A_341, %dma_start3A_348, %dma_start3A_349] : memref<5x8x128xi32, #tpu.memory_space<vmem>> -> memref<1x8x128xi32, #tpu.memory_space<vmem>>
    %dma_start3A_351 = tpu.memref_squeeze %dma_start3A_350 : memref<1x8x128xi32, #tpu.memory_space<vmem>> -> memref<8x128xi32, #tpu.memory_space<vmem>>
    %dma_start3A_352 = arith.constant 0 : i32
    %dma_start3A_353 = tpu.memref_slice %dma_start3A_351[%dma_start3A_342, %dma_start3A_352] : memref<8x128xi32, #tpu.memory_space<vmem>> -> memref<1x128xi32, #tpu.memory_space<vmem>>
    %dma_start3A_354 = tpu.memref_squeeze %dma_start3A_353 : memref<1x128xi32, #tpu.memory_space<vmem>> -> memref<128xi32, #tpu.memory_space<vmem>>
    %dma_start3A_355 = arith.constant 0 : i32
    %dma_start3A_356 = arith.constant 0 : i32
    %dma_start3A_357 = tpu.memref_slice %arg2[%dma_start3A_355, %dma_start3A_356] : memref<800000x128xf32, #tpu.memory_space<hbm>> -> memref<800000x128xf32, #tpu.memory_space<hbm>>
    tpu.enqueue_indirect_dma source(%dma_start3A_357 : memref<800000x128xf32, #tpu.memory_space<hbm>>) target(%dma_start3A_347 : memref<128x128xf32, #tpu.memory_space<vmem>>) offsets(%dma_start3A_354 : memref<128xi32, #tpu.memory_space<vmem>>) semaphore(%arg17 : memref<!tpu.dma_semaphore, #tpu.memory_space<semaphore_mem>>) {add = true}
    %dma_start3A_358 = arith.constant 0 : i32
    %dma_start3A_359 = arith.constant 5 : i32
    %dma_start3A_360 = arith.constant 0 : i32
    %dma_start3A_361 = arith.constant 0 : i32
    %dma_start3A_362 = arith.constant 0 : i32
    %dma_start3A_363 = tpu.memref_slice %arg6[%dma_start3A_360, %dma_start3A_361, %dma_start3A_362] : memref<5x128x128xf32, #tpu.memory_space<vmem>> -> memref<1x128x128xf32, #tpu.memory_space<vmem>>
    %dma_start3A_364 = tpu.memref_squeeze %dma_start3A_363 : memref<1x128x128xf32, #tpu.memory_space<vmem>> -> memref<128x128xf32, #tpu.memory_space<vmem>>
    %dma_start3A_365 = arith.constant 0 : i32
    %dma_start3A_366 = arith.constant 0 : i32
    %dma_start3A_367 = tpu.memref_slice %arg5[%dma_start3A_358, %dma_start3A_365, %dma_start3A_366] : memref<5x8x128xi32, #tpu.memory_space<vmem>> -> memref<1x8x128xi32, #tpu.memory_space<vmem>>
    %dma_start3A_368 = tpu.memref_squeeze %dma_start3A_367 : memref<1x8x128xi32, #tpu.memory_space<vmem>> -> memref<8x128xi32, #tpu.memory_space<vmem>>
    %dma_start3A_369 = arith.constant 0 : i32
    %dma_start3A_370 = tpu.memref_slice %dma_start3A_368[%dma_start3A_359, %dma_start3A_369] : memref<8x128xi32, #tpu.memory_space<vmem>> -> memref<1x128xi32, #tpu.memory_space<vmem>>
    %dma_start3A_371 = tpu.memref_squeeze %dma_start3A_370 : memref<1x128xi32, #tpu.memory_space<vmem>> -> memref<128xi32, #tpu.memory_space<vmem>>
    %dma_start3A_372 = arith.constant 0 : i32
    %dma_start3A_373 = arith.constant 0 : i32
    %dma_start3A_374 = tpu.memref_slice %arg2[%dma_start3A_372, %dma_start3A_373] : memref<800000x128xf32, #tpu.memory_space<hbm>> -> memref<800000x128xf32, #tpu.memory_space<hbm>>
    tpu.enqueue_indirect_dma source(%dma_start3A_374 : memref<800000x128xf32, #tpu.memory_space<hbm>>) target(%dma_start3A_364 : memref<128x128xf32, #tpu.memory_space<vmem>>) offsets(%dma_start3A_371 : memref<128xi32, #tpu.memory_space<vmem>>) semaphore(%arg17 : memref<!tpu.dma_semaphore, #tpu.memory_space<semaphore_mem>>) {add = true}
    %dma_start3A_375 = arith.constant 0 : i32
    %dma_start3A_376 = arith.constant 6 : i32
    %dma_start3A_377 = arith.constant 0 : i32
    %dma_start3A_378 = arith.constant 0 : i32
    %dma_start3A_379 = arith.constant 0 : i32
    %dma_start3A_380 = tpu.memref_slice %arg6[%dma_start3A_377, %dma_start3A_378, %dma_start3A_379] : memref<5x128x128xf32, #tpu.memory_space<vmem>> -> memref<1x128x128xf32, #tpu.memory_space<vmem>>
    %dma_start3A_381 = tpu.memref_squeeze %dma_start3A_380 : memref<1x128x128xf32, #tpu.memory_space<vmem>> -> memref<128x128xf32, #tpu.memory_space<vmem>>
    %dma_start3A_382 = arith.constant 0 : i32
    %dma_start3A_383 = arith.constant 0 : i32
    %dma_start3A_384 = tpu.memref_slice %arg5[%dma_start3A_375, %dma_start3A_382, %dma_start3A_383] : memref<5x8x128xi32, #tpu.memory_space<vmem>> -> memref<1x8x128xi32, #tpu.memory_space<vmem>>
    %dma_start3A_385 = tpu.memref_squeeze %dma_start3A_384 : memref<1x8x128xi32, #tpu.memory_space<vmem>> -> memref<8x128xi32, #tpu.memory_space<vmem>>
    %dma_start3A_386 = arith.constant 0 : i32
    %dma_start3A_387 = tpu.memref_slice %dma_start3A_385[%dma_start3A_376, %dma_start3A_386] : memref<8x128xi32, #tpu.memory_space<vmem>> -> memref<1x128xi32, #tpu.memory_space<vmem>>
    %dma_start3A_388 = tpu.memref_squeeze %dma_start3A_387 : memref<1x128xi32, #tpu.memory_space<vmem>> -> memref<128xi32, #tpu.memory_space<vmem>>
    %dma_start3A_389 = arith.constant 0 : i32
    %dma_start3A_390 = arith.constant 0 : i32
    %dma_start3A_391 = tpu.memref_slice %arg2[%dma_start3A_389, %dma_start3A_390] : memref<800000x128xf32, #tpu.memory_space<hbm>> -> memref<800000x128xf32, #tpu.memory_space<hbm>>
    tpu.enqueue_indirect_dma source(%dma_start3A_391 : memref<800000x128xf32, #tpu.memory_space<hbm>>) target(%dma_start3A_381 : memref<128x128xf32, #tpu.memory_space<vmem>>) offsets(%dma_start3A_388 : memref<128xi32, #tpu.memory_space<vmem>>) semaphore(%arg17 : memref<!tpu.dma_semaphore, #tpu.memory_space<semaphore_mem>>) {add = true}
    %dma_start3A_392 = arith.constant 0 : i32
    %dma_start3A_393 = arith.constant 7 : i32
    %dma_start3A_394 = arith.constant 0 : i32
    %dma_start3A_395 = arith.constant 0 : i32
    %dma_start3A_396 = arith.constant 0 : i32
    %dma_start3A_397 = tpu.memref_slice %arg6[%dma_start3A_394, %dma_start3A_395, %dma_start3A_396] : memref<5x128x128xf32, #tpu.memory_space<vmem>> -> memref<1x128x128xf32, #tpu.memory_space<vmem>>
    %dma_start3A_398 = tpu.memref_squeeze %dma_start3A_397 : memref<1x128x128xf32, #tpu.memory_space<vmem>> -> memref<128x128xf32, #tpu.memory_space<vmem>>
    %dma_start3A_399 = arith.constant 0 : i32
    %dma_start3A_400 = arith.constant 0 : i32
    %dma_start3A_401 = tpu.memref_slice %arg5[%dma_start3A_392, %dma_start3A_399, %dma_start3A_400] : memref<5x8x128xi32, #tpu.memory_space<vmem>> -> memref<1x8x128xi32, #tpu.memory_space<vmem>>
    %dma_start3A_402 = tpu.memref_squeeze %dma_start3A_401 : memref<1x8x128xi32, #tpu.memory_space<vmem>> -> memref<8x128xi32, #tpu.memory_space<vmem>>
    %dma_start3A_403 = arith.constant 0 : i32
    %dma_start3A_404 = tpu.memref_slice %dma_start3A_402[%dma_start3A_393, %dma_start3A_403] : memref<8x128xi32, #tpu.memory_space<vmem>> -> memref<1x128xi32, #tpu.memory_space<vmem>>
    %dma_start3A_405 = tpu.memref_squeeze %dma_start3A_404 : memref<1x128xi32, #tpu.memory_space<vmem>> -> memref<128xi32, #tpu.memory_space<vmem>>
    %dma_start3A_406 = arith.constant 0 : i32
    %dma_start3A_407 = arith.constant 0 : i32
    %dma_start3A_408 = tpu.memref_slice %arg2[%dma_start3A_406, %dma_start3A_407] : memref<800000x128xf32, #tpu.memory_space<hbm>> -> memref<800000x128xf32, #tpu.memory_space<hbm>>
    tpu.enqueue_indirect_dma source(%dma_start3A_408 : memref<800000x128xf32, #tpu.memory_space<hbm>>) target(%dma_start3A_398 : memref<128x128xf32, #tpu.memory_space<vmem>>) offsets(%dma_start3A_405 : memref<128xi32, #tpu.memory_space<vmem>>) semaphore(%arg17 : memref<!tpu.dma_semaphore, #tpu.memory_space<semaphore_mem>>) {add = true}
    %dma_wait3A_409 = arith.constant 1 : i32
    %dma_wait3A_410 = arith.constant 0 : i32
    %dma_wait3A_411 = arith.constant 1 : i32
    %dma_wait3A_412 = arith.constant 0 : i32
    %dma_wait3A_413 = arith.constant 0 : i32
    %dma_wait3A_414 = tpu.memref_slice %arg6[%dma_wait3A_411, %dma_wait3A_412, %dma_wait3A_413] : memref<5x128x128xf32, #tpu.memory_space<vmem>> -> memref<1x128x128xf32, #tpu.memory_space<vmem>>
    %dma_wait3A_415 = tpu.memref_squeeze %dma_wait3A_414 : memref<1x128x128xf32, #tpu.memory_space<vmem>> -> memref<128x128xf32, #tpu.memory_space<vmem>>
    %dma_wait3A_416 = arith.constant 0 : i32
    %dma_wait3A_417 = arith.constant 0 : i32
    %dma_wait3A_418 = tpu.memref_slice %arg5[%dma_wait3A_409, %dma_wait3A_416, %dma_wait3A_417] : memref<5x8x128xi32, #tpu.memory_space<vmem>> -> memref<1x8x128xi32, #tpu.memory_space<vmem>>
    %dma_wait3A_419 = tpu.memref_squeeze %dma_wait3A_418 : memref<1x8x128xi32, #tpu.memory_space<vmem>> -> memref<8x128xi32, #tpu.memory_space<vmem>>
    %dma_wait3A_420 = arith.constant 0 : i32
    %dma_wait3A_421 = tpu.memref_slice %dma_wait3A_419[%dma_wait3A_410, %dma_wait3A_420] : memref<8x128xi32, #tpu.memory_space<vmem>> -> memref<1x128xi32, #tpu.memory_space<vmem>>
    %dma_wait3A_422 = tpu.memref_squeeze %dma_wait3A_421 : memref<1x128xi32, #tpu.memory_space<vmem>> -> memref<128xi32, #tpu.memory_space<vmem>>
    %dma_wait3A_423 = arith.constant 0 : i32
    %dma_wait3A_424 = arith.constant 0 : i32
    %dma_wait3A_425 = tpu.memref_slice %arg2[%dma_wait3A_423, %dma_wait3A_424] : memref<800000x128xf32, #tpu.memory_space<hbm>> -> memref<800000x128xf32, #tpu.memory_space<hbm>>
    tpu.wait_indirect_dma semaphore(%arg13 : memref<!tpu.dma_semaphore, #tpu.memory_space<semaphore_mem>>) src(%dma_wait3A_425 : memref<800000x128xf32, #tpu.memory_space<hbm>>) dst(%dma_wait3A_415 : memref<128x128xf32, #tpu.memory_space<vmem>>)
    %dma_start3A_426 = arith.constant 1 : i32
    %dma_start3A_427 = arith.constant 1 : i32
    %dma_start3A_428 = arith.constant 1 : i32
    %dma_start3A_429 = arith.constant 0 : i32
    %dma_start3A_430 = arith.constant 0 : i32
    %dma_start3A_431 = tpu.memref_slice %arg6[%dma_start3A_428, %dma_start3A_429, %dma_start3A_430] : memref<5x128x128xf32, #tpu.memory_space<vmem>> -> memref<1x128x128xf32, #tpu.memory_space<vmem>>
    %dma_start3A_432 = tpu.memref_squeeze %dma_start3A_431 : memref<1x128x128xf32, #tpu.memory_space<vmem>> -> memref<128x128xf32, #tpu.memory_space<vmem>>
    %dma_start3A_433 = arith.constant 0 : i32
    %dma_start3A_434 = arith.constant 0 : i32
    %dma_start3A_435 = tpu.memref_slice %arg5[%dma_start3A_426, %dma_start3A_433, %dma_start3A_434] : memref<5x8x128xi32, #tpu.memory_space<vmem>> -> memref<1x8x128xi32, #tpu.memory_space<vmem>>
    %dma_start3A_436 = tpu.memref_squeeze %dma_start3A_435 : memref<1x8x128xi32, #tpu.memory_space<vmem>> -> memref<8x128xi32, #tpu.memory_space<vmem>>
    %dma_start3A_437 = arith.constant 0 : i32
    %dma_start3A_438 = tpu.memref_slice %dma_start3A_436[%dma_start3A_427, %dma_start3A_437] : memref<8x128xi32, #tpu.memory_space<vmem>> -> memref<1x128xi32, #tpu.memory_space<vmem>>
    %dma_start3A_439 = tpu.memref_squeeze %dma_start3A_438 : memref<1x128xi32, #tpu.memory_space<vmem>> -> memref<128xi32, #tpu.memory_space<vmem>>
    %dma_start3A_440 = arith.constant 0 : i32
    %dma_start3A_441 = arith.constant 0 : i32
    %dma_start3A_442 = tpu.memref_slice %arg2[%dma_start3A_440, %dma_start3A_441] : memref<800000x128xf32, #tpu.memory_space<hbm>> -> memref<800000x128xf32, #tpu.memory_space<hbm>>
    tpu.enqueue_indirect_dma source(%dma_start3A_442 : memref<800000x128xf32, #tpu.memory_space<hbm>>) target(%dma_start3A_432 : memref<128x128xf32, #tpu.memory_space<vmem>>) offsets(%dma_start3A_439 : memref<128xi32, #tpu.memory_space<vmem>>) semaphore(%arg18 : memref<!tpu.dma_semaphore, #tpu.memory_space<semaphore_mem>>) {add = true}
    %dma_start3A_443 = arith.constant 1 : i32
    %dma_start3A_444 = arith.constant 2 : i32
    %dma_start3A_445 = arith.constant 1 : i32
    %dma_start3A_446 = arith.constant 0 : i32
    %dma_start3A_447 = arith.constant 0 : i32
    %dma_start3A_448 = tpu.memref_slice %arg6[%dma_start3A_445, %dma_start3A_446, %dma_start3A_447] : memref<5x128x128xf32, #tpu.memory_space<vmem>> -> memref<1x128x128xf32, #tpu.memory_space<vmem>>
    %dma_start3A_449 = tpu.memref_squeeze %dma_start3A_448 : memref<1x128x128xf32, #tpu.memory_space<vmem>> -> memref<128x128xf32, #tpu.memory_space<vmem>>
    %dma_start3A_450 = arith.constant 0 : i32
    %dma_start3A_451 = arith.constant 0 : i32
    %dma_start3A_452 = tpu.memref_slice %arg5[%dma_start3A_443, %dma_start3A_450, %dma_start3A_451] : memref<5x8x128xi32, #tpu.memory_space<vmem>> -> memref<1x8x128xi32, #tpu.memory_space<vmem>>
    %dma_start3A_453 = tpu.memref_squeeze %dma_start3A_452 : memref<1x8x128xi32, #tpu.memory_space<vmem>> -> memref<8x128xi32, #tpu.memory_space<vmem>>
    %dma_start3A_454 = arith.constant 0 : i32
    %dma_start3A_455 = tpu.memref_slice %dma_start3A_453[%dma_start3A_444, %dma_start3A_454] : memref<8x128xi32, #tpu.memory_space<vmem>> -> memref<1x128xi32, #tpu.memory_space<vmem>>
    %dma_start3A_456 = tpu.memref_squeeze %dma_start3A_455 : memref<1x128xi32, #tpu.memory_space<vmem>> -> memref<128xi32, #tpu.memory_space<vmem>>
    %dma_start3A_457 = arith.constant 0 : i32
    %dma_start3A_458 = arith.constant 0 : i32
    %dma_start3A_459 = tpu.memref_slice %arg2[%dma_start3A_457, %dma_start3A_458] : memref<800000x128xf32, #tpu.memory_space<hbm>> -> memref<800000x128xf32, #tpu.memory_space<hbm>>
    tpu.enqueue_indirect_dma source(%dma_start3A_459 : memref<800000x128xf32, #tpu.memory_space<hbm>>) target(%dma_start3A_449 : memref<128x128xf32, #tpu.memory_space<vmem>>) offsets(%dma_start3A_456 : memref<128xi32, #tpu.memory_space<vmem>>) semaphore(%arg18 : memref<!tpu.dma_semaphore, #tpu.memory_space<semaphore_mem>>) {add = true}
    %dma_start3A_460 = arith.constant 1 : i32
    %dma_start3A_461 = arith.constant 3 : i32
    %dma_start3A_462 = arith.constant 1 : i32
    %dma_start3A_463 = arith.constant 0 : i32
    %dma_start3A_464 = arith.constant 0 : i32
    %dma_start3A_465 = tpu.memref_slice %arg6[%dma_start3A_462, %dma_start3A_463, %dma_start3A_464] : memref<5x128x128xf32, #tpu.memory_space<vmem>> -> memref<1x128x128xf32, #tpu.memory_space<vmem>>
    %dma_start3A_466 = tpu.memref_squeeze %dma_start3A_465 : memref<1x128x128xf32, #tpu.memory_space<vmem>> -> memref<128x128xf32, #tpu.memory_space<vmem>>
    %dma_start3A_467 = arith.constant 0 : i32
    %dma_start3A_468 = arith.constant 0 : i32
    %dma_start3A_469 = tpu.memref_slice %arg5[%dma_start3A_460, %dma_start3A_467, %dma_start3A_468] : memref<5x8x128xi32, #tpu.memory_space<vmem>> -> memref<1x8x128xi32, #tpu.memory_space<vmem>>
    %dma_start3A_470 = tpu.memref_squeeze %dma_start3A_469 : memref<1x8x128xi32, #tpu.memory_space<vmem>> -> memref<8x128xi32, #tpu.memory_space<vmem>>
    %dma_start3A_471 = arith.constant 0 : i32
    %dma_start3A_472 = tpu.memref_slice %dma_start3A_470[%dma_start3A_461, %dma_start3A_471] : memref<8x128xi32, #tpu.memory_space<vmem>> -> memref<1x128xi32, #tpu.memory_space<vmem>>
    %dma_start3A_473 = tpu.memref_squeeze %dma_start3A_472 : memref<1x128xi32, #tpu.memory_space<vmem>> -> memref<128xi32, #tpu.memory_space<vmem>>
    %dma_start3A_474 = arith.constant 0 : i32
    %dma_start3A_475 = arith.constant 0 : i32
    %dma_start3A_476 = tpu.memref_slice %arg2[%dma_start3A_474, %dma_start3A_475] : memref<800000x128xf32, #tpu.memory_space<hbm>> -> memref<800000x128xf32, #tpu.memory_space<hbm>>
    tpu.enqueue_indirect_dma source(%dma_start3A_476 : memref<800000x128xf32, #tpu.memory_space<hbm>>) target(%dma_start3A_466 : memref<128x128xf32, #tpu.memory_space<vmem>>) offsets(%dma_start3A_473 : memref<128xi32, #tpu.memory_space<vmem>>) semaphore(%arg18 : memref<!tpu.dma_semaphore, #tpu.memory_space<semaphore_mem>>) {add = true}
    %dma_start3A_477 = arith.constant 1 : i32
    %dma_start3A_478 = arith.constant 4 : i32
    %dma_start3A_479 = arith.constant 1 : i32
    %dma_start3A_480 = arith.constant 0 : i32
    %dma_start3A_481 = arith.constant 0 : i32
    %dma_start3A_482 = tpu.memref_slice %arg6[%dma_start3A_479, %dma_start3A_480, %dma_start3A_481] : memref<5x128x128xf32, #tpu.memory_space<vmem>> -> memref<1x128x128xf32, #tpu.memory_space<vmem>>
    %dma_start3A_483 = tpu.memref_squeeze %dma_start3A_482 : memref<1x128x128xf32, #tpu.memory_space<vmem>> -> memref<128x128xf32, #tpu.memory_space<vmem>>
    %dma_start3A_484 = arith.constant 0 : i32
    %dma_start3A_485 = arith.constant 0 : i32
    %dma_start3A_486 = tpu.memref_slice %arg5[%dma_start3A_477, %dma_start3A_484, %dma_start3A_485] : memref<5x8x128xi32, #tpu.memory_space<vmem>> -> memref<1x8x128xi32, #tpu.memory_space<vmem>>
    %dma_start3A_487 = tpu.memref_squeeze %dma_start3A_486 : memref<1x8x128xi32, #tpu.memory_space<vmem>> -> memref<8x128xi32, #tpu.memory_space<vmem>>
    %dma_start3A_488 = arith.constant 0 : i32
    %dma_start3A_489 = tpu.memref_slice %dma_start3A_487[%dma_start3A_478, %dma_start3A_488] : memref<8x128xi32, #tpu.memory_space<vmem>> -> memref<1x128xi32, #tpu.memory_space<vmem>>
    %dma_start3A_490 = tpu.memref_squeeze %dma_start3A_489 : memref<1x128xi32, #tpu.memory_space<vmem>> -> memref<128xi32, #tpu.memory_space<vmem>>
    %dma_start3A_491 = arith.constant 0 : i32
    %dma_start3A_492 = arith.constant 0 : i32
    %dma_start3A_493 = tpu.memref_slice %arg2[%dma_start3A_491, %dma_start3A_492] : memref<800000x128xf32, #tpu.memory_space<hbm>> -> memref<800000x128xf32, #tpu.memory_space<hbm>>
    tpu.enqueue_indirect_dma source(%dma_start3A_493 : memref<800000x128xf32, #tpu.memory_space<hbm>>) target(%dma_start3A_483 : memref<128x128xf32, #tpu.memory_space<vmem>>) offsets(%dma_start3A_490 : memref<128xi32, #tpu.memory_space<vmem>>) semaphore(%arg18 : memref<!tpu.dma_semaphore, #tpu.memory_space<semaphore_mem>>) {add = true}
    %dma_start3A_494 = arith.constant 1 : i32
    %dma_start3A_495 = arith.constant 5 : i32
    %dma_start3A_496 = arith.constant 1 : i32
    %dma_start3A_497 = arith.constant 0 : i32
    %dma_start3A_498 = arith.constant 0 : i32
    %dma_start3A_499 = tpu.memref_slice %arg6[%dma_start3A_496, %dma_start3A_497, %dma_start3A_498] : memref<5x128x128xf32, #tpu.memory_space<vmem>> -> memref<1x128x128xf32, #tpu.memory_space<vmem>>
    %dma_start3A_500 = tpu.memref_squeeze %dma_start3A_499 : memref<1x128x128xf32, #tpu.memory_space<vmem>> -> memref<128x128xf32, #tpu.memory_space<vmem>>
    %dma_start3A_501 = arith.constant 0 : i32
    %dma_start3A_502 = arith.constant 0 : i32
    %dma_start3A_503 = tpu.memref_slice %arg5[%dma_start3A_494, %dma_start3A_501, %dma_start3A_502] : memref<5x8x128xi32, #tpu.memory_space<vmem>> -> memref<1x8x128xi32, #tpu.memory_space<vmem>>
    %dma_start3A_504 = tpu.memref_squeeze %dma_start3A_503 : memref<1x8x128xi32, #tpu.memory_space<vmem>> -> memref<8x128xi32, #tpu.memory_space<vmem>>
    %dma_start3A_505 = arith.constant 0 : i32
    %dma_start3A_506 = tpu.memref_slice %dma_start3A_504[%dma_start3A_495, %dma_start3A_505] : memref<8x128xi32, #tpu.memory_space<vmem>> -> memref<1x128xi32, #tpu.memory_space<vmem>>
    %dma_start3A_507 = tpu.memref_squeeze %dma_start3A_506 : memref<1x128xi32, #tpu.memory_space<vmem>> -> memref<128xi32, #tpu.memory_space<vmem>>
    %dma_start3A_508 = arith.constant 0 : i32
    %dma_start3A_509 = arith.constant 0 : i32
    %dma_start3A_510 = tpu.memref_slice %arg2[%dma_start3A_508, %dma_start3A_509] : memref<800000x128xf32, #tpu.memory_space<hbm>> -> memref<800000x128xf32, #tpu.memory_space<hbm>>
    tpu.enqueue_indirect_dma source(%dma_start3A_510 : memref<800000x128xf32, #tpu.memory_space<hbm>>) target(%dma_start3A_500 : memref<128x128xf32, #tpu.memory_space<vmem>>) offsets(%dma_start3A_507 : memref<128xi32, #tpu.memory_space<vmem>>) semaphore(%arg18 : memref<!tpu.dma_semaphore, #tpu.memory_space<semaphore_mem>>) {add = true}
    %dma_start3A_511 = arith.constant 1 : i32
    %dma_start3A_512 = arith.constant 6 : i32
    %dma_start3A_513 = arith.constant 1 : i32
    %dma_start3A_514 = arith.constant 0 : i32
    %dma_start3A_515 = arith.constant 0 : i32
    %dma_start3A_516 = tpu.memref_slice %arg6[%dma_start3A_513, %dma_start3A_514, %dma_start3A_515] : memref<5x128x128xf32, #tpu.memory_space<vmem>> -> memref<1x128x128xf32, #tpu.memory_space<vmem>>
    %dma_start3A_517 = tpu.memref_squeeze %dma_start3A_516 : memref<1x128x128xf32, #tpu.memory_space<vmem>> -> memref<128x128xf32, #tpu.memory_space<vmem>>
    %dma_start3A_518 = arith.constant 0 : i32
    %dma_start3A_519 = arith.constant 0 : i32
    %dma_start3A_520 = tpu.memref_slice %arg5[%dma_start3A_511, %dma_start3A_518, %dma_start3A_519] : memref<5x8x128xi32, #tpu.memory_space<vmem>> -> memref<1x8x128xi32, #tpu.memory_space<vmem>>
    %dma_start3A_521 = tpu.memref_squeeze %dma_start3A_520 : memref<1x8x128xi32, #tpu.memory_space<vmem>> -> memref<8x128xi32, #tpu.memory_space<vmem>>
    %dma_start3A_522 = arith.constant 0 : i32
    %dma_start3A_523 = tpu.memref_slice %dma_start3A_521[%dma_start3A_512, %dma_start3A_522] : memref<8x128xi32, #tpu.memory_space<vmem>> -> memref<1x128xi32, #tpu.memory_space<vmem>>
    %dma_start3A_524 = tpu.memref_squeeze %dma_start3A_523 : memref<1x128xi32, #tpu.memory_space<vmem>> -> memref<128xi32, #tpu.memory_space<vmem>>
    %dma_start3A_525 = arith.constant 0 : i32
    %dma_start3A_526 = arith.constant 0 : i32
    %dma_start3A_527 = tpu.memref_slice %arg2[%dma_start3A_525, %dma_start3A_526] : memref<800000x128xf32, #tpu.memory_space<hbm>> -> memref<800000x128xf32, #tpu.memory_space<hbm>>
    tpu.enqueue_indirect_dma source(%dma_start3A_527 : memref<800000x128xf32, #tpu.memory_space<hbm>>) target(%dma_start3A_517 : memref<128x128xf32, #tpu.memory_space<vmem>>) offsets(%dma_start3A_524 : memref<128xi32, #tpu.memory_space<vmem>>) semaphore(%arg18 : memref<!tpu.dma_semaphore, #tpu.memory_space<semaphore_mem>>) {add = true}
    %dma_start3A_528 = arith.constant 1 : i32
    %dma_start3A_529 = arith.constant 7 : i32
    %dma_start3A_530 = arith.constant 1 : i32
    %dma_start3A_531 = arith.constant 0 : i32
    %dma_start3A_532 = arith.constant 0 : i32
    %dma_start3A_533 = tpu.memref_slice %arg6[%dma_start3A_530, %dma_start3A_531, %dma_start3A_532] : memref<5x128x128xf32, #tpu.memory_space<vmem>> -> memref<1x128x128xf32, #tpu.memory_space<vmem>>
    %dma_start3A_534 = tpu.memref_squeeze %dma_start3A_533 : memref<1x128x128xf32, #tpu.memory_space<vmem>> -> memref<128x128xf32, #tpu.memory_space<vmem>>
    %dma_start3A_535 = arith.constant 0 : i32
    %dma_start3A_536 = arith.constant 0 : i32
    %dma_start3A_537 = tpu.memref_slice %arg5[%dma_start3A_528, %dma_start3A_535, %dma_start3A_536] : memref<5x8x128xi32, #tpu.memory_space<vmem>> -> memref<1x8x128xi32, #tpu.memory_space<vmem>>
    %dma_start3A_538 = tpu.memref_squeeze %dma_start3A_537 : memref<1x8x128xi32, #tpu.memory_space<vmem>> -> memref<8x128xi32, #tpu.memory_space<vmem>>
    %dma_start3A_539 = arith.constant 0 : i32
    %dma_start3A_540 = tpu.memref_slice %dma_start3A_538[%dma_start3A_529, %dma_start3A_539] : memref<8x128xi32, #tpu.memory_space<vmem>> -> memref<1x128xi32, #tpu.memory_space<vmem>>
    %dma_start3A_541 = tpu.memref_squeeze %dma_start3A_540 : memref<1x128xi32, #tpu.memory_space<vmem>> -> memref<128xi32, #tpu.memory_space<vmem>>
    %dma_start3A_542 = arith.constant 0 : i32
    %dma_start3A_543 = arith.constant 0 : i32
    %dma_start3A_544 = tpu.memref_slice %arg2[%dma_start3A_542, %dma_start3A_543] : memref<800000x128xf32, #tpu.memory_space<hbm>> -> memref<800000x128xf32, #tpu.memory_space<hbm>>
    tpu.enqueue_indirect_dma source(%dma_start3A_544 : memref<800000x128xf32, #tpu.memory_space<hbm>>) target(%dma_start3A_534 : memref<128x128xf32, #tpu.memory_space<vmem>>) offsets(%dma_start3A_541 : memref<128xi32, #tpu.memory_space<vmem>>) semaphore(%arg18 : memref<!tpu.dma_semaphore, #tpu.memory_space<semaphore_mem>>) {add = true}
    %dma_wait3A_545 = arith.constant 2 : i32
    %dma_wait3A_546 = arith.constant 0 : i32
    %dma_wait3A_547 = arith.constant 2 : i32
    %dma_wait3A_548 = arith.constant 0 : i32
    %dma_wait3A_549 = arith.constant 0 : i32
    %dma_wait3A_550 = tpu.memref_slice %arg6[%dma_wait3A_547, %dma_wait3A_548, %dma_wait3A_549] : memref<5x128x128xf32, #tpu.memory_space<vmem>> -> memref<1x128x128xf32, #tpu.memory_space<vmem>>
    %dma_wait3A_551 = tpu.memref_squeeze %dma_wait3A_550 : memref<1x128x128xf32, #tpu.memory_space<vmem>> -> memref<128x128xf32, #tpu.memory_space<vmem>>
    %dma_wait3A_552 = arith.constant 0 : i32
    %dma_wait3A_553 = arith.constant 0 : i32
    %dma_wait3A_554 = tpu.memref_slice %arg5[%dma_wait3A_545, %dma_wait3A_552, %dma_wait3A_553] : memref<5x8x128xi32, #tpu.memory_space<vmem>> -> memref<1x8x128xi32, #tpu.memory_space<vmem>>
    %dma_wait3A_555 = tpu.memref_squeeze %dma_wait3A_554 : memref<1x8x128xi32, #tpu.memory_space<vmem>> -> memref<8x128xi32, #tpu.memory_space<vmem>>
    %dma_wait3A_556 = arith.constant 0 : i32
    %dma_wait3A_557 = tpu.memref_slice %dma_wait3A_555[%dma_wait3A_546, %dma_wait3A_556] : memref<8x128xi32, #tpu.memory_space<vmem>> -> memref<1x128xi32, #tpu.memory_space<vmem>>
    %dma_wait3A_558 = tpu.memref_squeeze %dma_wait3A_557 : memref<1x128xi32, #tpu.memory_space<vmem>> -> memref<128xi32, #tpu.memory_space<vmem>>
    %dma_wait3A_559 = arith.constant 0 : i32
    %dma_wait3A_560 = arith.constant 0 : i32
    %dma_wait3A_561 = tpu.memref_slice %arg2[%dma_wait3A_559, %dma_wait3A_560] : memref<800000x128xf32, #tpu.memory_space<hbm>> -> memref<800000x128xf32, #tpu.memory_space<hbm>>
    tpu.wait_indirect_dma semaphore(%arg14 : memref<!tpu.dma_semaphore, #tpu.memory_space<semaphore_mem>>) src(%dma_wait3A_561 : memref<800000x128xf32, #tpu.memory_space<hbm>>) dst(%dma_wait3A_551 : memref<128x128xf32, #tpu.memory_space<vmem>>)
    %dma_start3A_562 = arith.constant 2 : i32
    %dma_start3A_563 = arith.constant 1 : i32
    %dma_start3A_564 = arith.constant 2 : i32
    %dma_start3A_565 = arith.constant 0 : i32
    %dma_start3A_566 = arith.constant 0 : i32
    %dma_start3A_567 = tpu.memref_slice %arg6[%dma_start3A_564, %dma_start3A_565, %dma_start3A_566] : memref<5x128x128xf32, #tpu.memory_space<vmem>> -> memref<1x128x128xf32, #tpu.memory_space<vmem>>
    %dma_start3A_568 = tpu.memref_squeeze %dma_start3A_567 : memref<1x128x128xf32, #tpu.memory_space<vmem>> -> memref<128x128xf32, #tpu.memory_space<vmem>>
    %dma_start3A_569 = arith.constant 0 : i32
    %dma_start3A_570 = arith.constant 0 : i32
    %dma_start3A_571 = tpu.memref_slice %arg5[%dma_start3A_562, %dma_start3A_569, %dma_start3A_570] : memref<5x8x128xi32, #tpu.memory_space<vmem>> -> memref<1x8x128xi32, #tpu.memory_space<vmem>>
    %dma_start3A_572 = tpu.memref_squeeze %dma_start3A_571 : memref<1x8x128xi32, #tpu.memory_space<vmem>> -> memref<8x128xi32, #tpu.memory_space<vmem>>
    %dma_start3A_573 = arith.constant 0 : i32
    %dma_start3A_574 = tpu.memref_slice %dma_start3A_572[%dma_start3A_563, %dma_start3A_573] : memref<8x128xi32, #tpu.memory_space<vmem>> -> memref<1x128xi32, #tpu.memory_space<vmem>>
    %dma_start3A_575 = tpu.memref_squeeze %dma_start3A_574 : memref<1x128xi32, #tpu.memory_space<vmem>> -> memref<128xi32, #tpu.memory_space<vmem>>
    %dma_start3A_576 = arith.constant 0 : i32
    %dma_start3A_577 = arith.constant 0 : i32
    %dma_start3A_578 = tpu.memref_slice %arg2[%dma_start3A_576, %dma_start3A_577] : memref<800000x128xf32, #tpu.memory_space<hbm>> -> memref<800000x128xf32, #tpu.memory_space<hbm>>
    tpu.enqueue_indirect_dma source(%dma_start3A_578 : memref<800000x128xf32, #tpu.memory_space<hbm>>) target(%dma_start3A_568 : memref<128x128xf32, #tpu.memory_space<vmem>>) offsets(%dma_start3A_575 : memref<128xi32, #tpu.memory_space<vmem>>) semaphore(%arg19 : memref<!tpu.dma_semaphore, #tpu.memory_space<semaphore_mem>>) {add = true}
    %dma_start3A_579 = arith.constant 2 : i32
    %dma_start3A_580 = arith.constant 2 : i32
    %dma_start3A_581 = arith.constant 2 : i32
    %dma_start3A_582 = arith.constant 0 : i32
    %dma_start3A_583 = arith.constant 0 : i32
    %dma_start3A_584 = tpu.memref_slice %arg6[%dma_start3A_581, %dma_start3A_582, %dma_start3A_583] : memref<5x128x128xf32, #tpu.memory_space<vmem>> -> memref<1x128x128xf32, #tpu.memory_space<vmem>>
    %dma_start3A_585 = tpu.memref_squeeze %dma_start3A_584 : memref<1x128x128xf32, #tpu.memory_space<vmem>> -> memref<128x128xf32, #tpu.memory_space<vmem>>
    %dma_start3A_586 = arith.constant 0 : i32
    %dma_start3A_587 = arith.constant 0 : i32
    %dma_start3A_588 = tpu.memref_slice %arg5[%dma_start3A_579, %dma_start3A_586, %dma_start3A_587] : memref<5x8x128xi32, #tpu.memory_space<vmem>> -> memref<1x8x128xi32, #tpu.memory_space<vmem>>
    %dma_start3A_589 = tpu.memref_squeeze %dma_start3A_588 : memref<1x8x128xi32, #tpu.memory_space<vmem>> -> memref<8x128xi32, #tpu.memory_space<vmem>>
    %dma_start3A_590 = arith.constant 0 : i32
    %dma_start3A_591 = tpu.memref_slice %dma_start3A_589[%dma_start3A_580, %dma_start3A_590] : memref<8x128xi32, #tpu.memory_space<vmem>> -> memref<1x128xi32, #tpu.memory_space<vmem>>
    %dma_start3A_592 = tpu.memref_squeeze %dma_start3A_591 : memref<1x128xi32, #tpu.memory_space<vmem>> -> memref<128xi32, #tpu.memory_space<vmem>>
    %dma_start3A_593 = arith.constant 0 : i32
    %dma_start3A_594 = arith.constant 0 : i32
    %dma_start3A_595 = tpu.memref_slice %arg2[%dma_start3A_593, %dma_start3A_594] : memref<800000x128xf32, #tpu.memory_space<hbm>> -> memref<800000x128xf32, #tpu.memory_space<hbm>>
    tpu.enqueue_indirect_dma source(%dma_start3A_595 : memref<800000x128xf32, #tpu.memory_space<hbm>>) target(%dma_start3A_585 : memref<128x128xf32, #tpu.memory_space<vmem>>) offsets(%dma_start3A_592 : memref<128xi32, #tpu.memory_space<vmem>>) semaphore(%arg19 : memref<!tpu.dma_semaphore, #tpu.memory_space<semaphore_mem>>) {add = true}
    %dma_start3A_596 = arith.constant 2 : i32
    %dma_start3A_597 = arith.constant 3 : i32
    %dma_start3A_598 = arith.constant 2 : i32
    %dma_start3A_599 = arith.constant 0 : i32
    %dma_start3A_600 = arith.constant 0 : i32
    %dma_start3A_601 = tpu.memref_slice %arg6[%dma_start3A_598, %dma_start3A_599, %dma_start3A_600] : memref<5x128x128xf32, #tpu.memory_space<vmem>> -> memref<1x128x128xf32, #tpu.memory_space<vmem>>
    %dma_start3A_602 = tpu.memref_squeeze %dma_start3A_601 : memref<1x128x128xf32, #tpu.memory_space<vmem>> -> memref<128x128xf32, #tpu.memory_space<vmem>>
    %dma_start3A_603 = arith.constant 0 : i32
    %dma_start3A_604 = arith.constant 0 : i32
    %dma_start3A_605 = tpu.memref_slice %arg5[%dma_start3A_596, %dma_start3A_603, %dma_start3A_604] : memref<5x8x128xi32, #tpu.memory_space<vmem>> -> memref<1x8x128xi32, #tpu.memory_space<vmem>>
    %dma_start3A_606 = tpu.memref_squeeze %dma_start3A_605 : memref<1x8x128xi32, #tpu.memory_space<vmem>> -> memref<8x128xi32, #tpu.memory_space<vmem>>
    %dma_start3A_607 = arith.constant 0 : i32
    %dma_start3A_608 = tpu.memref_slice %dma_start3A_606[%dma_start3A_597, %dma_start3A_607] : memref<8x128xi32, #tpu.memory_space<vmem>> -> memref<1x128xi32, #tpu.memory_space<vmem>>
    %dma_start3A_609 = tpu.memref_squeeze %dma_start3A_608 : memref<1x128xi32, #tpu.memory_space<vmem>> -> memref<128xi32, #tpu.memory_space<vmem>>
    %dma_start3A_610 = arith.constant 0 : i32
    %dma_start3A_611 = arith.constant 0 : i32
    %dma_start3A_612 = tpu.memref_slice %arg2[%dma_start3A_610, %dma_start3A_611] : memref<800000x128xf32, #tpu.memory_space<hbm>> -> memref<800000x128xf32, #tpu.memory_space<hbm>>
    tpu.enqueue_indirect_dma source(%dma_start3A_612 : memref<800000x128xf32, #tpu.memory_space<hbm>>) target(%dma_start3A_602 : memref<128x128xf32, #tpu.memory_space<vmem>>) offsets(%dma_start3A_609 : memref<128xi32, #tpu.memory_space<vmem>>) semaphore(%arg19 : memref<!tpu.dma_semaphore, #tpu.memory_space<semaphore_mem>>) {add = true}
    %dma_start3A_613 = arith.constant 2 : i32
    %dma_start3A_614 = arith.constant 4 : i32
    %dma_start3A_615 = arith.constant 2 : i32
    %dma_start3A_616 = arith.constant 0 : i32
    %dma_start3A_617 = arith.constant 0 : i32
    %dma_start3A_618 = tpu.memref_slice %arg6[%dma_start3A_615, %dma_start3A_616, %dma_start3A_617] : memref<5x128x128xf32, #tpu.memory_space<vmem>> -> memref<1x128x128xf32, #tpu.memory_space<vmem>>
    %dma_start3A_619 = tpu.memref_squeeze %dma_start3A_618 : memref<1x128x128xf32, #tpu.memory_space<vmem>> -> memref<128x128xf32, #tpu.memory_space<vmem>>
    %dma_start3A_620 = arith.constant 0 : i32
    %dma_start3A_621 = arith.constant 0 : i32
    %dma_start3A_622 = tpu.memref_slice %arg5[%dma_start3A_613, %dma_start3A_620, %dma_start3A_621] : memref<5x8x128xi32, #tpu.memory_space<vmem>> -> memref<1x8x128xi32, #tpu.memory_space<vmem>>
    %dma_start3A_623 = tpu.memref_squeeze %dma_start3A_622 : memref<1x8x128xi32, #tpu.memory_space<vmem>> -> memref<8x128xi32, #tpu.memory_space<vmem>>
    %dma_start3A_624 = arith.constant 0 : i32
    %dma_start3A_625 = tpu.memref_slice %dma_start3A_623[%dma_start3A_614, %dma_start3A_624] : memref<8x128xi32, #tpu.memory_space<vmem>> -> memref<1x128xi32, #tpu.memory_space<vmem>>
    %dma_start3A_626 = tpu.memref_squeeze %dma_start3A_625 : memref<1x128xi32, #tpu.memory_space<vmem>> -> memref<128xi32, #tpu.memory_space<vmem>>
    %dma_start3A_627 = arith.constant 0 : i32
    %dma_start3A_628 = arith.constant 0 : i32
    %dma_start3A_629 = tpu.memref_slice %arg2[%dma_start3A_627, %dma_start3A_628] : memref<800000x128xf32, #tpu.memory_space<hbm>> -> memref<800000x128xf32, #tpu.memory_space<hbm>>
    tpu.enqueue_indirect_dma source(%dma_start3A_629 : memref<800000x128xf32, #tpu.memory_space<hbm>>) target(%dma_start3A_619 : memref<128x128xf32, #tpu.memory_space<vmem>>) offsets(%dma_start3A_626 : memref<128xi32, #tpu.memory_space<vmem>>) semaphore(%arg19 : memref<!tpu.dma_semaphore, #tpu.memory_space<semaphore_mem>>) {add = true}
    %dma_start3A_630 = arith.constant 2 : i32
    %dma_start3A_631 = arith.constant 5 : i32
    %dma_start3A_632 = arith.constant 2 : i32
    %dma_start3A_633 = arith.constant 0 : i32
    %dma_start3A_634 = arith.constant 0 : i32
    %dma_start3A_635 = tpu.memref_slice %arg6[%dma_start3A_632, %dma_start3A_633, %dma_start3A_634] : memref<5x128x128xf32, #tpu.memory_space<vmem>> -> memref<1x128x128xf32, #tpu.memory_space<vmem>>
    %dma_start3A_636 = tpu.memref_squeeze %dma_start3A_635 : memref<1x128x128xf32, #tpu.memory_space<vmem>> -> memref<128x128xf32, #tpu.memory_space<vmem>>
    %dma_start3A_637 = arith.constant 0 : i32
    %dma_start3A_638 = arith.constant 0 : i32
    %dma_start3A_639 = tpu.memref_slice %arg5[%dma_start3A_630, %dma_start3A_637, %dma_start3A_638] : memref<5x8x128xi32, #tpu.memory_space<vmem>> -> memref<1x8x128xi32, #tpu.memory_space<vmem>>
    %dma_start3A_640 = tpu.memref_squeeze %dma_start3A_639 : memref<1x8x128xi32, #tpu.memory_space<vmem>> -> memref<8x128xi32, #tpu.memory_space<vmem>>
    %dma_start3A_641 = arith.constant 0 : i32
    %dma_start3A_642 = tpu.memref_slice %dma_start3A_640[%dma_start3A_631, %dma_start3A_641] : memref<8x128xi32, #tpu.memory_space<vmem>> -> memref<1x128xi32, #tpu.memory_space<vmem>>
    %dma_start3A_643 = tpu.memref_squeeze %dma_start3A_642 : memref<1x128xi32, #tpu.memory_space<vmem>> -> memref<128xi32, #tpu.memory_space<vmem>>
    %dma_start3A_644 = arith.constant 0 : i32
    %dma_start3A_645 = arith.constant 0 : i32
    %dma_start3A_646 = tpu.memref_slice %arg2[%dma_start3A_644, %dma_start3A_645] : memref<800000x128xf32, #tpu.memory_space<hbm>> -> memref<800000x128xf32, #tpu.memory_space<hbm>>
    tpu.enqueue_indirect_dma source(%dma_start3A_646 : memref<800000x128xf32, #tpu.memory_space<hbm>>) target(%dma_start3A_636 : memref<128x128xf32, #tpu.memory_space<vmem>>) offsets(%dma_start3A_643 : memref<128xi32, #tpu.memory_space<vmem>>) semaphore(%arg19 : memref<!tpu.dma_semaphore, #tpu.memory_space<semaphore_mem>>) {add = true}
    %dma_start3A_647 = arith.constant 2 : i32
    %dma_start3A_648 = arith.constant 6 : i32
    %dma_start3A_649 = arith.constant 2 : i32
    %dma_start3A_650 = arith.constant 0 : i32
    %dma_start3A_651 = arith.constant 0 : i32
    %dma_start3A_652 = tpu.memref_slice %arg6[%dma_start3A_649, %dma_start3A_650, %dma_start3A_651] : memref<5x128x128xf32, #tpu.memory_space<vmem>> -> memref<1x128x128xf32, #tpu.memory_space<vmem>>
    %dma_start3A_653 = tpu.memref_squeeze %dma_start3A_652 : memref<1x128x128xf32, #tpu.memory_space<vmem>> -> memref<128x128xf32, #tpu.memory_space<vmem>>
    %dma_start3A_654 = arith.constant 0 : i32
    %dma_start3A_655 = arith.constant 0 : i32
    %dma_start3A_656 = tpu.memref_slice %arg5[%dma_start3A_647, %dma_start3A_654, %dma_start3A_655] : memref<5x8x128xi32, #tpu.memory_space<vmem>> -> memref<1x8x128xi32, #tpu.memory_space<vmem>>
    %dma_start3A_657 = tpu.memref_squeeze %dma_start3A_656 : memref<1x8x128xi32, #tpu.memory_space<vmem>> -> memref<8x128xi32, #tpu.memory_space<vmem>>
    %dma_start3A_658 = arith.constant 0 : i32
    %dma_start3A_659 = tpu.memref_slice %dma_start3A_657[%dma_start3A_648, %dma_start3A_658] : memref<8x128xi32, #tpu.memory_space<vmem>> -> memref<1x128xi32, #tpu.memory_space<vmem>>
    %dma_start3A_660 = tpu.memref_squeeze %dma_start3A_659 : memref<1x128xi32, #tpu.memory_space<vmem>> -> memref<128xi32, #tpu.memory_space<vmem>>
    %dma_start3A_661 = arith.constant 0 : i32
    %dma_start3A_662 = arith.constant 0 : i32
    %dma_start3A_663 = tpu.memref_slice %arg2[%dma_start3A_661, %dma_start3A_662] : memref<800000x128xf32, #tpu.memory_space<hbm>> -> memref<800000x128xf32, #tpu.memory_space<hbm>>
    tpu.enqueue_indirect_dma source(%dma_start3A_663 : memref<800000x128xf32, #tpu.memory_space<hbm>>) target(%dma_start3A_653 : memref<128x128xf32, #tpu.memory_space<vmem>>) offsets(%dma_start3A_660 : memref<128xi32, #tpu.memory_space<vmem>>) semaphore(%arg19 : memref<!tpu.dma_semaphore, #tpu.memory_space<semaphore_mem>>) {add = true}
    %dma_start3A_664 = arith.constant 2 : i32
    %dma_start3A_665 = arith.constant 7 : i32
    %dma_start3A_666 = arith.constant 2 : i32
    %dma_start3A_667 = arith.constant 0 : i32
    %dma_start3A_668 = arith.constant 0 : i32
    %dma_start3A_669 = tpu.memref_slice %arg6[%dma_start3A_666, %dma_start3A_667, %dma_start3A_668] : memref<5x128x128xf32, #tpu.memory_space<vmem>> -> memref<1x128x128xf32, #tpu.memory_space<vmem>>
    %dma_start3A_670 = tpu.memref_squeeze %dma_start3A_669 : memref<1x128x128xf32, #tpu.memory_space<vmem>> -> memref<128x128xf32, #tpu.memory_space<vmem>>
    %dma_start3A_671 = arith.constant 0 : i32
    %dma_start3A_672 = arith.constant 0 : i32
    %dma_start3A_673 = tpu.memref_slice %arg5[%dma_start3A_664, %dma_start3A_671, %dma_start3A_672] : memref<5x8x128xi32, #tpu.memory_space<vmem>> -> memref<1x8x128xi32, #tpu.memory_space<vmem>>
    %dma_start3A_674 = tpu.memref_squeeze %dma_start3A_673 : memref<1x8x128xi32, #tpu.memory_space<vmem>> -> memref<8x128xi32, #tpu.memory_space<vmem>>
    %dma_start3A_675 = arith.constant 0 : i32
    %dma_start3A_676 = tpu.memref_slice %dma_start3A_674[%dma_start3A_665, %dma_start3A_675] : memref<8x128xi32, #tpu.memory_space<vmem>> -> memref<1x128xi32, #tpu.memory_space<vmem>>
    %dma_start3A_677 = tpu.memref_squeeze %dma_start3A_676 : memref<1x128xi32, #tpu.memory_space<vmem>> -> memref<128xi32, #tpu.memory_space<vmem>>
    %dma_start3A_678 = arith.constant 0 : i32
    %dma_start3A_679 = arith.constant 0 : i32
    %dma_start3A_680 = tpu.memref_slice %arg2[%dma_start3A_678, %dma_start3A_679] : memref<800000x128xf32, #tpu.memory_space<hbm>> -> memref<800000x128xf32, #tpu.memory_space<hbm>>
    tpu.enqueue_indirect_dma source(%dma_start3A_680 : memref<800000x128xf32, #tpu.memory_space<hbm>>) target(%dma_start3A_670 : memref<128x128xf32, #tpu.memory_space<vmem>>) offsets(%dma_start3A_677 : memref<128xi32, #tpu.memory_space<vmem>>) semaphore(%arg19 : memref<!tpu.dma_semaphore, #tpu.memory_space<semaphore_mem>>) {add = true}
    %dma_wait3A_681 = arith.constant 3 : i32
    %dma_wait3A_682 = arith.constant 0 : i32
    %dma_wait3A_683 = arith.constant 3 : i32
    %dma_wait3A_684 = arith.constant 0 : i32
    %dma_wait3A_685 = arith.constant 0 : i32
    %dma_wait3A_686 = tpu.memref_slice %arg6[%dma_wait3A_683, %dma_wait3A_684, %dma_wait3A_685] : memref<5x128x128xf32, #tpu.memory_space<vmem>> -> memref<1x128x128xf32, #tpu.memory_space<vmem>>
    %dma_wait3A_687 = tpu.memref_squeeze %dma_wait3A_686 : memref<1x128x128xf32, #tpu.memory_space<vmem>> -> memref<128x128xf32, #tpu.memory_space<vmem>>
    %dma_wait3A_688 = arith.constant 0 : i32
    %dma_wait3A_689 = arith.constant 0 : i32
    %dma_wait3A_690 = tpu.memref_slice %arg5[%dma_wait3A_681, %dma_wait3A_688, %dma_wait3A_689] : memref<5x8x128xi32, #tpu.memory_space<vmem>> -> memref<1x8x128xi32, #tpu.memory_space<vmem>>
    %dma_wait3A_691 = tpu.memref_squeeze %dma_wait3A_690 : memref<1x8x128xi32, #tpu.memory_space<vmem>> -> memref<8x128xi32, #tpu.memory_space<vmem>>
    %dma_wait3A_692 = arith.constant 0 : i32
    %dma_wait3A_693 = tpu.memref_slice %dma_wait3A_691[%dma_wait3A_682, %dma_wait3A_692] : memref<8x128xi32, #tpu.memory_space<vmem>> -> memref<1x128xi32, #tpu.memory_space<vmem>>
    %dma_wait3A_694 = tpu.memref_squeeze %dma_wait3A_693 : memref<1x128xi32, #tpu.memory_space<vmem>> -> memref<128xi32, #tpu.memory_space<vmem>>
    %dma_wait3A_695 = arith.constant 0 : i32
    %dma_wait3A_696 = arith.constant 0 : i32
    %dma_wait3A_697 = tpu.memref_slice %arg2[%dma_wait3A_695, %dma_wait3A_696] : memref<800000x128xf32, #tpu.memory_space<hbm>> -> memref<800000x128xf32, #tpu.memory_space<hbm>>
    tpu.wait_indirect_dma semaphore(%arg15 : memref<!tpu.dma_semaphore, #tpu.memory_space<semaphore_mem>>) src(%dma_wait3A_697 : memref<800000x128xf32, #tpu.memory_space<hbm>>) dst(%dma_wait3A_687 : memref<128x128xf32, #tpu.memory_space<vmem>>)
    %dma_start3A_698 = arith.constant 3 : i32
    %dma_start3A_699 = arith.constant 1 : i32
    %dma_start3A_700 = arith.constant 3 : i32
    %dma_start3A_701 = arith.constant 0 : i32
    %dma_start3A_702 = arith.constant 0 : i32
    %dma_start3A_703 = tpu.memref_slice %arg6[%dma_start3A_700, %dma_start3A_701, %dma_start3A_702] : memref<5x128x128xf32, #tpu.memory_space<vmem>> -> memref<1x128x128xf32, #tpu.memory_space<vmem>>
    %dma_start3A_704 = tpu.memref_squeeze %dma_start3A_703 : memref<1x128x128xf32, #tpu.memory_space<vmem>> -> memref<128x128xf32, #tpu.memory_space<vmem>>
    %dma_start3A_705 = arith.constant 0 : i32
    %dma_start3A_706 = arith.constant 0 : i32
    %dma_start3A_707 = tpu.memref_slice %arg5[%dma_start3A_698, %dma_start3A_705, %dma_start3A_706] : memref<5x8x128xi32, #tpu.memory_space<vmem>> -> memref<1x8x128xi32, #tpu.memory_space<vmem>>
    %dma_start3A_708 = tpu.memref_squeeze %dma_start3A_707 : memref<1x8x128xi32, #tpu.memory_space<vmem>> -> memref<8x128xi32, #tpu.memory_space<vmem>>
    %dma_start3A_709 = arith.constant 0 : i32
    %dma_start3A_710 = tpu.memref_slice %dma_start3A_708[%dma_start3A_699, %dma_start3A_709] : memref<8x128xi32, #tpu.memory_space<vmem>> -> memref<1x128xi32, #tpu.memory_space<vmem>>
    %dma_start3A_711 = tpu.memref_squeeze %dma_start3A_710 : memref<1x128xi32, #tpu.memory_space<vmem>> -> memref<128xi32, #tpu.memory_space<vmem>>
    %dma_start3A_712 = arith.constant 0 : i32
    %dma_start3A_713 = arith.constant 0 : i32
    %dma_start3A_714 = tpu.memref_slice %arg2[%dma_start3A_712, %dma_start3A_713] : memref<800000x128xf32, #tpu.memory_space<hbm>> -> memref<800000x128xf32, #tpu.memory_space<hbm>>
    tpu.enqueue_indirect_dma source(%dma_start3A_714 : memref<800000x128xf32, #tpu.memory_space<hbm>>) target(%dma_start3A_704 : memref<128x128xf32, #tpu.memory_space<vmem>>) offsets(%dma_start3A_711 : memref<128xi32, #tpu.memory_space<vmem>>) semaphore(%arg20 : memref<!tpu.dma_semaphore, #tpu.memory_space<semaphore_mem>>) {add = true}
    %dma_start3A_715 = arith.constant 3 : i32
    %dma_start3A_716 = arith.constant 2 : i32
    %dma_start3A_717 = arith.constant 3 : i32
    %dma_start3A_718 = arith.constant 0 : i32
    %dma_start3A_719 = arith.constant 0 : i32
    %dma_start3A_720 = tpu.memref_slice %arg6[%dma_start3A_717, %dma_start3A_718, %dma_start3A_719] : memref<5x128x128xf32, #tpu.memory_space<vmem>> -> memref<1x128x128xf32, #tpu.memory_space<vmem>>
    %dma_start3A_721 = tpu.memref_squeeze %dma_start3A_720 : memref<1x128x128xf32, #tpu.memory_space<vmem>> -> memref<128x128xf32, #tpu.memory_space<vmem>>
    %dma_start3A_722 = arith.constant 0 : i32
    %dma_start3A_723 = arith.constant 0 : i32
    %dma_start3A_724 = tpu.memref_slice %arg5[%dma_start3A_715, %dma_start3A_722, %dma_start3A_723] : memref<5x8x128xi32, #tpu.memory_space<vmem>> -> memref<1x8x128xi32, #tpu.memory_space<vmem>>
    %dma_start3A_725 = tpu.memref_squeeze %dma_start3A_724 : memref<1x8x128xi32, #tpu.memory_space<vmem>> -> memref<8x128xi32, #tpu.memory_space<vmem>>
    %dma_start3A_726 = arith.constant 0 : i32
    %dma_start3A_727 = tpu.memref_slice %dma_start3A_725[%dma_start3A_716, %dma_start3A_726] : memref<8x128xi32, #tpu.memory_space<vmem>> -> memref<1x128xi32, #tpu.memory_space<vmem>>
    %dma_start3A_728 = tpu.memref_squeeze %dma_start3A_727 : memref<1x128xi32, #tpu.memory_space<vmem>> -> memref<128xi32, #tpu.memory_space<vmem>>
    %dma_start3A_729 = arith.constant 0 : i32
    %dma_start3A_730 = arith.constant 0 : i32
    %dma_start3A_731 = tpu.memref_slice %arg2[%dma_start3A_729, %dma_start3A_730] : memref<800000x128xf32, #tpu.memory_space<hbm>> -> memref<800000x128xf32, #tpu.memory_space<hbm>>
    tpu.enqueue_indirect_dma source(%dma_start3A_731 : memref<800000x128xf32, #tpu.memory_space<hbm>>) target(%dma_start3A_721 : memref<128x128xf32, #tpu.memory_space<vmem>>) offsets(%dma_start3A_728 : memref<128xi32, #tpu.memory_space<vmem>>) semaphore(%arg20 : memref<!tpu.dma_semaphore, #tpu.memory_space<semaphore_mem>>) {add = true}
    %dma_start3A_732 = arith.constant 3 : i32
    %dma_start3A_733 = arith.constant 3 : i32
    %dma_start3A_734 = arith.constant 3 : i32
    %dma_start3A_735 = arith.constant 0 : i32
    %dma_start3A_736 = arith.constant 0 : i32
    %dma_start3A_737 = tpu.memref_slice %arg6[%dma_start3A_734, %dma_start3A_735, %dma_start3A_736] : memref<5x128x128xf32, #tpu.memory_space<vmem>> -> memref<1x128x128xf32, #tpu.memory_space<vmem>>
    %dma_start3A_738 = tpu.memref_squeeze %dma_start3A_737 : memref<1x128x128xf32, #tpu.memory_space<vmem>> -> memref<128x128xf32, #tpu.memory_space<vmem>>
    %dma_start3A_739 = arith.constant 0 : i32
    %dma_start3A_740 = arith.constant 0 : i32
    %dma_start3A_741 = tpu.memref_slice %arg5[%dma_start3A_732, %dma_start3A_739, %dma_start3A_740] : memref<5x8x128xi32, #tpu.memory_space<vmem>> -> memref<1x8x128xi32, #tpu.memory_space<vmem>>
    %dma_start3A_742 = tpu.memref_squeeze %dma_start3A_741 : memref<1x8x128xi32, #tpu.memory_space<vmem>> -> memref<8x128xi32, #tpu.memory_space<vmem>>
    %dma_start3A_743 = arith.constant 0 : i32
    %dma_start3A_744 = tpu.memref_slice %dma_start3A_742[%dma_start3A_733, %dma_start3A_743] : memref<8x128xi32, #tpu.memory_space<vmem>> -> memref<1x128xi32, #tpu.memory_space<vmem>>
    %dma_start3A_745 = tpu.memref_squeeze %dma_start3A_744 : memref<1x128xi32, #tpu.memory_space<vmem>> -> memref<128xi32, #tpu.memory_space<vmem>>
    %dma_start3A_746 = arith.constant 0 : i32
    %dma_start3A_747 = arith.constant 0 : i32
    %dma_start3A_748 = tpu.memref_slice %arg2[%dma_start3A_746, %dma_start3A_747] : memref<800000x128xf32, #tpu.memory_space<hbm>> -> memref<800000x128xf32, #tpu.memory_space<hbm>>
    tpu.enqueue_indirect_dma source(%dma_start3A_748 : memref<800000x128xf32, #tpu.memory_space<hbm>>) target(%dma_start3A_738 : memref<128x128xf32, #tpu.memory_space<vmem>>) offsets(%dma_start3A_745 : memref<128xi32, #tpu.memory_space<vmem>>) semaphore(%arg20 : memref<!tpu.dma_semaphore, #tpu.memory_space<semaphore_mem>>) {add = true}
    %dma_start3A_749 = arith.constant 3 : i32
    %dma_start3A_750 = arith.constant 4 : i32
    %dma_start3A_751 = arith.constant 3 : i32
    %dma_start3A_752 = arith.constant 0 : i32
    %dma_start3A_753 = arith.constant 0 : i32
    %dma_start3A_754 = tpu.memref_slice %arg6[%dma_start3A_751, %dma_start3A_752, %dma_start3A_753] : memref<5x128x128xf32, #tpu.memory_space<vmem>> -> memref<1x128x128xf32, #tpu.memory_space<vmem>>
    %dma_start3A_755 = tpu.memref_squeeze %dma_start3A_754 : memref<1x128x128xf32, #tpu.memory_space<vmem>> -> memref<128x128xf32, #tpu.memory_space<vmem>>
    %dma_start3A_756 = arith.constant 0 : i32
    %dma_start3A_757 = arith.constant 0 : i32
    %dma_start3A_758 = tpu.memref_slice %arg5[%dma_start3A_749, %dma_start3A_756, %dma_start3A_757] : memref<5x8x128xi32, #tpu.memory_space<vmem>> -> memref<1x8x128xi32, #tpu.memory_space<vmem>>
    %dma_start3A_759 = tpu.memref_squeeze %dma_start3A_758 : memref<1x8x128xi32, #tpu.memory_space<vmem>> -> memref<8x128xi32, #tpu.memory_space<vmem>>
    %dma_start3A_760 = arith.constant 0 : i32
    %dma_start3A_761 = tpu.memref_slice %dma_start3A_759[%dma_start3A_750, %dma_start3A_760] : memref<8x128xi32, #tpu.memory_space<vmem>> -> memref<1x128xi32, #tpu.memory_space<vmem>>
    %dma_start3A_762 = tpu.memref_squeeze %dma_start3A_761 : memref<1x128xi32, #tpu.memory_space<vmem>> -> memref<128xi32, #tpu.memory_space<vmem>>
    %dma_start3A_763 = arith.constant 0 : i32
    %dma_start3A_764 = arith.constant 0 : i32
    %dma_start3A_765 = tpu.memref_slice %arg2[%dma_start3A_763, %dma_start3A_764] : memref<800000x128xf32, #tpu.memory_space<hbm>> -> memref<800000x128xf32, #tpu.memory_space<hbm>>
    tpu.enqueue_indirect_dma source(%dma_start3A_765 : memref<800000x128xf32, #tpu.memory_space<hbm>>) target(%dma_start3A_755 : memref<128x128xf32, #tpu.memory_space<vmem>>) offsets(%dma_start3A_762 : memref<128xi32, #tpu.memory_space<vmem>>) semaphore(%arg20 : memref<!tpu.dma_semaphore, #tpu.memory_space<semaphore_mem>>) {add = true}
    %dma_start3A_766 = arith.constant 3 : i32
    %dma_start3A_767 = arith.constant 5 : i32
    %dma_start3A_768 = arith.constant 3 : i32
    %dma_start3A_769 = arith.constant 0 : i32
    %dma_start3A_770 = arith.constant 0 : i32
    %dma_start3A_771 = tpu.memref_slice %arg6[%dma_start3A_768, %dma_start3A_769, %dma_start3A_770] : memref<5x128x128xf32, #tpu.memory_space<vmem>> -> memref<1x128x128xf32, #tpu.memory_space<vmem>>
    %dma_start3A_772 = tpu.memref_squeeze %dma_start3A_771 : memref<1x128x128xf32, #tpu.memory_space<vmem>> -> memref<128x128xf32, #tpu.memory_space<vmem>>
    %dma_start3A_773 = arith.constant 0 : i32
    %dma_start3A_774 = arith.constant 0 : i32
    %dma_start3A_775 = tpu.memref_slice %arg5[%dma_start3A_766, %dma_start3A_773, %dma_start3A_774] : memref<5x8x128xi32, #tpu.memory_space<vmem>> -> memref<1x8x128xi32, #tpu.memory_space<vmem>>
    %dma_start3A_776 = tpu.memref_squeeze %dma_start3A_775 : memref<1x8x128xi32, #tpu.memory_space<vmem>> -> memref<8x128xi32, #tpu.memory_space<vmem>>
    %dma_start3A_777 = arith.constant 0 : i32
    %dma_start3A_778 = tpu.memref_slice %dma_start3A_776[%dma_start3A_767, %dma_start3A_777] : memref<8x128xi32, #tpu.memory_space<vmem>> -> memref<1x128xi32, #tpu.memory_space<vmem>>
    %dma_start3A_779 = tpu.memref_squeeze %dma_start3A_778 : memref<1x128xi32, #tpu.memory_space<vmem>> -> memref<128xi32, #tpu.memory_space<vmem>>
    %dma_start3A_780 = arith.constant 0 : i32
    %dma_start3A_781 = arith.constant 0 : i32
    %dma_start3A_782 = tpu.memref_slice %arg2[%dma_start3A_780, %dma_start3A_781] : memref<800000x128xf32, #tpu.memory_space<hbm>> -> memref<800000x128xf32, #tpu.memory_space<hbm>>
    tpu.enqueue_indirect_dma source(%dma_start3A_782 : memref<800000x128xf32, #tpu.memory_space<hbm>>) target(%dma_start3A_772 : memref<128x128xf32, #tpu.memory_space<vmem>>) offsets(%dma_start3A_779 : memref<128xi32, #tpu.memory_space<vmem>>) semaphore(%arg20 : memref<!tpu.dma_semaphore, #tpu.memory_space<semaphore_mem>>) {add = true}
    %dma_start3A_783 = arith.constant 3 : i32
    %dma_start3A_784 = arith.constant 6 : i32
    %dma_start3A_785 = arith.constant 3 : i32
    %dma_start3A_786 = arith.constant 0 : i32
    %dma_start3A_787 = arith.constant 0 : i32
    %dma_start3A_788 = tpu.memref_slice %arg6[%dma_start3A_785, %dma_start3A_786, %dma_start3A_787] : memref<5x128x128xf32, #tpu.memory_space<vmem>> -> memref<1x128x128xf32, #tpu.memory_space<vmem>>
    %dma_start3A_789 = tpu.memref_squeeze %dma_start3A_788 : memref<1x128x128xf32, #tpu.memory_space<vmem>> -> memref<128x128xf32, #tpu.memory_space<vmem>>
    %dma_start3A_790 = arith.constant 0 : i32
    %dma_start3A_791 = arith.constant 0 : i32
    %dma_start3A_792 = tpu.memref_slice %arg5[%dma_start3A_783, %dma_start3A_790, %dma_start3A_791] : memref<5x8x128xi32, #tpu.memory_space<vmem>> -> memref<1x8x128xi32, #tpu.memory_space<vmem>>
    %dma_start3A_793 = tpu.memref_squeeze %dma_start3A_792 : memref<1x8x128xi32, #tpu.memory_space<vmem>> -> memref<8x128xi32, #tpu.memory_space<vmem>>
    %dma_start3A_794 = arith.constant 0 : i32
    %dma_start3A_795 = tpu.memref_slice %dma_start3A_793[%dma_start3A_784, %dma_start3A_794] : memref<8x128xi32, #tpu.memory_space<vmem>> -> memref<1x128xi32, #tpu.memory_space<vmem>>
    %dma_start3A_796 = tpu.memref_squeeze %dma_start3A_795 : memref<1x128xi32, #tpu.memory_space<vmem>> -> memref<128xi32, #tpu.memory_space<vmem>>
    %dma_start3A_797 = arith.constant 0 : i32
    %dma_start3A_798 = arith.constant 0 : i32
    %dma_start3A_799 = tpu.memref_slice %arg2[%dma_start3A_797, %dma_start3A_798] : memref<800000x128xf32, #tpu.memory_space<hbm>> -> memref<800000x128xf32, #tpu.memory_space<hbm>>
    tpu.enqueue_indirect_dma source(%dma_start3A_799 : memref<800000x128xf32, #tpu.memory_space<hbm>>) target(%dma_start3A_789 : memref<128x128xf32, #tpu.memory_space<vmem>>) offsets(%dma_start3A_796 : memref<128xi32, #tpu.memory_space<vmem>>) semaphore(%arg20 : memref<!tpu.dma_semaphore, #tpu.memory_space<semaphore_mem>>) {add = true}
    %dma_start3A_800 = arith.constant 3 : i32
    %dma_start3A_801 = arith.constant 7 : i32
    %dma_start3A_802 = arith.constant 3 : i32
    %dma_start3A_803 = arith.constant 0 : i32
    %dma_start3A_804 = arith.constant 0 : i32
    %dma_start3A_805 = tpu.memref_slice %arg6[%dma_start3A_802, %dma_start3A_803, %dma_start3A_804] : memref<5x128x128xf32, #tpu.memory_space<vmem>> -> memref<1x128x128xf32, #tpu.memory_space<vmem>>
    %dma_start3A_806 = tpu.memref_squeeze %dma_start3A_805 : memref<1x128x128xf32, #tpu.memory_space<vmem>> -> memref<128x128xf32, #tpu.memory_space<vmem>>
    %dma_start3A_807 = arith.constant 0 : i32
    %dma_start3A_808 = arith.constant 0 : i32
    %dma_start3A_809 = tpu.memref_slice %arg5[%dma_start3A_800, %dma_start3A_807, %dma_start3A_808] : memref<5x8x128xi32, #tpu.memory_space<vmem>> -> memref<1x8x128xi32, #tpu.memory_space<vmem>>
    %dma_start3A_810 = tpu.memref_squeeze %dma_start3A_809 : memref<1x8x128xi32, #tpu.memory_space<vmem>> -> memref<8x128xi32, #tpu.memory_space<vmem>>
    %dma_start3A_811 = arith.constant 0 : i32
    %dma_start3A_812 = tpu.memref_slice %dma_start3A_810[%dma_start3A_801, %dma_start3A_811] : memref<8x128xi32, #tpu.memory_space<vmem>> -> memref<1x128xi32, #tpu.memory_space<vmem>>
    %dma_start3A_813 = tpu.memref_squeeze %dma_start3A_812 : memref<1x128xi32, #tpu.memory_space<vmem>> -> memref<128xi32, #tpu.memory_space<vmem>>
    %dma_start3A_814 = arith.constant 0 : i32
    %dma_start3A_815 = arith.constant 0 : i32
    %dma_start3A_816 = tpu.memref_slice %arg2[%dma_start3A_814, %dma_start3A_815] : memref<800000x128xf32, #tpu.memory_space<hbm>> -> memref<800000x128xf32, #tpu.memory_space<hbm>>
    tpu.enqueue_indirect_dma source(%dma_start3A_816 : memref<800000x128xf32, #tpu.memory_space<hbm>>) target(%dma_start3A_806 : memref<128x128xf32, #tpu.memory_space<vmem>>) offsets(%dma_start3A_813 : memref<128xi32, #tpu.memory_space<vmem>>) semaphore(%arg20 : memref<!tpu.dma_semaphore, #tpu.memory_space<semaphore_mem>>) {add = true}
    %dma_wait3A_817 = arith.constant 4 : i32
    %dma_wait3A_818 = arith.constant 0 : i32
    %dma_wait3A_819 = arith.constant 4 : i32
    %dma_wait3A_820 = arith.constant 0 : i32
    %dma_wait3A_821 = arith.constant 0 : i32
    %dma_wait3A_822 = tpu.memref_slice %arg6[%dma_wait3A_819, %dma_wait3A_820, %dma_wait3A_821] : memref<5x128x128xf32, #tpu.memory_space<vmem>> -> memref<1x128x128xf32, #tpu.memory_space<vmem>>
    %dma_wait3A_823 = tpu.memref_squeeze %dma_wait3A_822 : memref<1x128x128xf32, #tpu.memory_space<vmem>> -> memref<128x128xf32, #tpu.memory_space<vmem>>
    %dma_wait3A_824 = arith.constant 0 : i32
    %dma_wait3A_825 = arith.constant 0 : i32
    %dma_wait3A_826 = tpu.memref_slice %arg5[%dma_wait3A_817, %dma_wait3A_824, %dma_wait3A_825] : memref<5x8x128xi32, #tpu.memory_space<vmem>> -> memref<1x8x128xi32, #tpu.memory_space<vmem>>
    %dma_wait3A_827 = tpu.memref_squeeze %dma_wait3A_826 : memref<1x8x128xi32, #tpu.memory_space<vmem>> -> memref<8x128xi32, #tpu.memory_space<vmem>>
    %dma_wait3A_828 = arith.constant 0 : i32
    %dma_wait3A_829 = tpu.memref_slice %dma_wait3A_827[%dma_wait3A_818, %dma_wait3A_828] : memref<8x128xi32, #tpu.memory_space<vmem>> -> memref<1x128xi32, #tpu.memory_space<vmem>>
    %dma_wait3A_830 = tpu.memref_squeeze %dma_wait3A_829 : memref<1x128xi32, #tpu.memory_space<vmem>> -> memref<128xi32, #tpu.memory_space<vmem>>
    %dma_wait3A_831 = arith.constant 0 : i32
    %dma_wait3A_832 = arith.constant 0 : i32
    %dma_wait3A_833 = tpu.memref_slice %arg2[%dma_wait3A_831, %dma_wait3A_832] : memref<800000x128xf32, #tpu.memory_space<hbm>> -> memref<800000x128xf32, #tpu.memory_space<hbm>>
    tpu.wait_indirect_dma semaphore(%arg16 : memref<!tpu.dma_semaphore, #tpu.memory_space<semaphore_mem>>) src(%dma_wait3A_833 : memref<800000x128xf32, #tpu.memory_space<hbm>>) dst(%dma_wait3A_823 : memref<128x128xf32, #tpu.memory_space<vmem>>)
    %dma_start3A_834 = arith.constant 4 : i32
    %dma_start3A_835 = arith.constant 1 : i32
    %dma_start3A_836 = arith.constant 4 : i32
    %dma_start3A_837 = arith.constant 0 : i32
    %dma_start3A_838 = arith.constant 0 : i32
    %dma_start3A_839 = tpu.memref_slice %arg6[%dma_start3A_836, %dma_start3A_837, %dma_start3A_838] : memref<5x128x128xf32, #tpu.memory_space<vmem>> -> memref<1x128x128xf32, #tpu.memory_space<vmem>>
    %dma_start3A_840 = tpu.memref_squeeze %dma_start3A_839 : memref<1x128x128xf32, #tpu.memory_space<vmem>> -> memref<128x128xf32, #tpu.memory_space<vmem>>
    %dma_start3A_841 = arith.constant 0 : i32
    %dma_start3A_842 = arith.constant 0 : i32
    %dma_start3A_843 = tpu.memref_slice %arg5[%dma_start3A_834, %dma_start3A_841, %dma_start3A_842] : memref<5x8x128xi32, #tpu.memory_space<vmem>> -> memref<1x8x128xi32, #tpu.memory_space<vmem>>
    %dma_start3A_844 = tpu.memref_squeeze %dma_start3A_843 : memref<1x8x128xi32, #tpu.memory_space<vmem>> -> memref<8x128xi32, #tpu.memory_space<vmem>>
    %dma_start3A_845 = arith.constant 0 : i32
    %dma_start3A_846 = tpu.memref_slice %dma_start3A_844[%dma_start3A_835, %dma_start3A_845] : memref<8x128xi32, #tpu.memory_space<vmem>> -> memref<1x128xi32, #tpu.memory_space<vmem>>
    %dma_start3A_847 = tpu.memref_squeeze %dma_start3A_846 : memref<1x128xi32, #tpu.memory_space<vmem>> -> memref<128xi32, #tpu.memory_space<vmem>>
    %dma_start3A_848 = arith.constant 0 : i32
    %dma_start3A_849 = arith.constant 0 : i32
    %dma_start3A_850 = tpu.memref_slice %arg2[%dma_start3A_848, %dma_start3A_849] : memref<800000x128xf32, #tpu.memory_space<hbm>> -> memref<800000x128xf32, #tpu.memory_space<hbm>>
    tpu.enqueue_indirect_dma source(%dma_start3A_850 : memref<800000x128xf32, #tpu.memory_space<hbm>>) target(%dma_start3A_840 : memref<128x128xf32, #tpu.memory_space<vmem>>) offsets(%dma_start3A_847 : memref<128xi32, #tpu.memory_space<vmem>>) semaphore(%arg21 : memref<!tpu.dma_semaphore, #tpu.memory_space<semaphore_mem>>) {add = true}
    %dma_start3A_851 = arith.constant 4 : i32
    %dma_start3A_852 = arith.constant 2 : i32
    %dma_start3A_853 = arith.constant 4 : i32
    %dma_start3A_854 = arith.constant 0 : i32
    %dma_start3A_855 = arith.constant 0 : i32
    %dma_start3A_856 = tpu.memref_slice %arg6[%dma_start3A_853, %dma_start3A_854, %dma_start3A_855] : memref<5x128x128xf32, #tpu.memory_space<vmem>> -> memref<1x128x128xf32, #tpu.memory_space<vmem>>
    %dma_start3A_857 = tpu.memref_squeeze %dma_start3A_856 : memref<1x128x128xf32, #tpu.memory_space<vmem>> -> memref<128x128xf32, #tpu.memory_space<vmem>>
    %dma_start3A_858 = arith.constant 0 : i32
    %dma_start3A_859 = arith.constant 0 : i32
    %dma_start3A_860 = tpu.memref_slice %arg5[%dma_start3A_851, %dma_start3A_858, %dma_start3A_859] : memref<5x8x128xi32, #tpu.memory_space<vmem>> -> memref<1x8x128xi32, #tpu.memory_space<vmem>>
    %dma_start3A_861 = tpu.memref_squeeze %dma_start3A_860 : memref<1x8x128xi32, #tpu.memory_space<vmem>> -> memref<8x128xi32, #tpu.memory_space<vmem>>
    %dma_start3A_862 = arith.constant 0 : i32
    %dma_start3A_863 = tpu.memref_slice %dma_start3A_861[%dma_start3A_852, %dma_start3A_862] : memref<8x128xi32, #tpu.memory_space<vmem>> -> memref<1x128xi32, #tpu.memory_space<vmem>>
    %dma_start3A_864 = tpu.memref_squeeze %dma_start3A_863 : memref<1x128xi32, #tpu.memory_space<vmem>> -> memref<128xi32, #tpu.memory_space<vmem>>
    %dma_start3A_865 = arith.constant 0 : i32
    %dma_start3A_866 = arith.constant 0 : i32
    %dma_start3A_867 = tpu.memref_slice %arg2[%dma_start3A_865, %dma_start3A_866] : memref<800000x128xf32, #tpu.memory_space<hbm>> -> memref<800000x128xf32, #tpu.memory_space<hbm>>
    tpu.enqueue_indirect_dma source(%dma_start3A_867 : memref<800000x128xf32, #tpu.memory_space<hbm>>) target(%dma_start3A_857 : memref<128x128xf32, #tpu.memory_space<vmem>>) offsets(%dma_start3A_864 : memref<128xi32, #tpu.memory_space<vmem>>) semaphore(%arg21 : memref<!tpu.dma_semaphore, #tpu.memory_space<semaphore_mem>>) {add = true}
    %dma_start3A_868 = arith.constant 4 : i32
    %dma_start3A_869 = arith.constant 3 : i32
    %dma_start3A_870 = arith.constant 4 : i32
    %dma_start3A_871 = arith.constant 0 : i32
    %dma_start3A_872 = arith.constant 0 : i32
    %dma_start3A_873 = tpu.memref_slice %arg6[%dma_start3A_870, %dma_start3A_871, %dma_start3A_872] : memref<5x128x128xf32, #tpu.memory_space<vmem>> -> memref<1x128x128xf32, #tpu.memory_space<vmem>>
    %dma_start3A_874 = tpu.memref_squeeze %dma_start3A_873 : memref<1x128x128xf32, #tpu.memory_space<vmem>> -> memref<128x128xf32, #tpu.memory_space<vmem>>
    %dma_start3A_875 = arith.constant 0 : i32
    %dma_start3A_876 = arith.constant 0 : i32
    %dma_start3A_877 = tpu.memref_slice %arg5[%dma_start3A_868, %dma_start3A_875, %dma_start3A_876] : memref<5x8x128xi32, #tpu.memory_space<vmem>> -> memref<1x8x128xi32, #tpu.memory_space<vmem>>
    %dma_start3A_878 = tpu.memref_squeeze %dma_start3A_877 : memref<1x8x128xi32, #tpu.memory_space<vmem>> -> memref<8x128xi32, #tpu.memory_space<vmem>>
    %dma_start3A_879 = arith.constant 0 : i32
    %dma_start3A_880 = tpu.memref_slice %dma_start3A_878[%dma_start3A_869, %dma_start3A_879] : memref<8x128xi32, #tpu.memory_space<vmem>> -> memref<1x128xi32, #tpu.memory_space<vmem>>
    %dma_start3A_881 = tpu.memref_squeeze %dma_start3A_880 : memref<1x128xi32, #tpu.memory_space<vmem>> -> memref<128xi32, #tpu.memory_space<vmem>>
    %dma_start3A_882 = arith.constant 0 : i32
    %dma_start3A_883 = arith.constant 0 : i32
    %dma_start3A_884 = tpu.memref_slice %arg2[%dma_start3A_882, %dma_start3A_883] : memref<800000x128xf32, #tpu.memory_space<hbm>> -> memref<800000x128xf32, #tpu.memory_space<hbm>>
    tpu.enqueue_indirect_dma source(%dma_start3A_884 : memref<800000x128xf32, #tpu.memory_space<hbm>>) target(%dma_start3A_874 : memref<128x128xf32, #tpu.memory_space<vmem>>) offsets(%dma_start3A_881 : memref<128xi32, #tpu.memory_space<vmem>>) semaphore(%arg21 : memref<!tpu.dma_semaphore, #tpu.memory_space<semaphore_mem>>) {add = true}
    %dma_start3A_885 = arith.constant 4 : i32
    %dma_start3A_886 = arith.constant 4 : i32
    %dma_start3A_887 = arith.constant 4 : i32
    %dma_start3A_888 = arith.constant 0 : i32
    %dma_start3A_889 = arith.constant 0 : i32
    %dma_start3A_890 = tpu.memref_slice %arg6[%dma_start3A_887, %dma_start3A_888, %dma_start3A_889] : memref<5x128x128xf32, #tpu.memory_space<vmem>> -> memref<1x128x128xf32, #tpu.memory_space<vmem>>
    %dma_start3A_891 = tpu.memref_squeeze %dma_start3A_890 : memref<1x128x128xf32, #tpu.memory_space<vmem>> -> memref<128x128xf32, #tpu.memory_space<vmem>>
    %dma_start3A_892 = arith.constant 0 : i32
    %dma_start3A_893 = arith.constant 0 : i32
    %dma_start3A_894 = tpu.memref_slice %arg5[%dma_start3A_885, %dma_start3A_892, %dma_start3A_893] : memref<5x8x128xi32, #tpu.memory_space<vmem>> -> memref<1x8x128xi32, #tpu.memory_space<vmem>>
    %dma_start3A_895 = tpu.memref_squeeze %dma_start3A_894 : memref<1x8x128xi32, #tpu.memory_space<vmem>> -> memref<8x128xi32, #tpu.memory_space<vmem>>
    %dma_start3A_896 = arith.constant 0 : i32
    %dma_start3A_897 = tpu.memref_slice %dma_start3A_895[%dma_start3A_886, %dma_start3A_896] : memref<8x128xi32, #tpu.memory_space<vmem>> -> memref<1x128xi32, #tpu.memory_space<vmem>>
    %dma_start3A_898 = tpu.memref_squeeze %dma_start3A_897 : memref<1x128xi32, #tpu.memory_space<vmem>> -> memref<128xi32, #tpu.memory_space<vmem>>
    %dma_start3A_899 = arith.constant 0 : i32
    %dma_start3A_900 = arith.constant 0 : i32
    %dma_start3A_901 = tpu.memref_slice %arg2[%dma_start3A_899, %dma_start3A_900] : memref<800000x128xf32, #tpu.memory_space<hbm>> -> memref<800000x128xf32, #tpu.memory_space<hbm>>
    tpu.enqueue_indirect_dma source(%dma_start3A_901 : memref<800000x128xf32, #tpu.memory_space<hbm>>) target(%dma_start3A_891 : memref<128x128xf32, #tpu.memory_space<vmem>>) offsets(%dma_start3A_898 : memref<128xi32, #tpu.memory_space<vmem>>) semaphore(%arg21 : memref<!tpu.dma_semaphore, #tpu.memory_space<semaphore_mem>>) {add = true}
    %dma_start3A_902 = arith.constant 4 : i32
    %dma_start3A_903 = arith.constant 5 : i32
    %dma_start3A_904 = arith.constant 4 : i32
    %dma_start3A_905 = arith.constant 0 : i32
    %dma_start3A_906 = arith.constant 0 : i32
    %dma_start3A_907 = tpu.memref_slice %arg6[%dma_start3A_904, %dma_start3A_905, %dma_start3A_906] : memref<5x128x128xf32, #tpu.memory_space<vmem>> -> memref<1x128x128xf32, #tpu.memory_space<vmem>>
    %dma_start3A_908 = tpu.memref_squeeze %dma_start3A_907 : memref<1x128x128xf32, #tpu.memory_space<vmem>> -> memref<128x128xf32, #tpu.memory_space<vmem>>
    %dma_start3A_909 = arith.constant 0 : i32
    %dma_start3A_910 = arith.constant 0 : i32
    %dma_start3A_911 = tpu.memref_slice %arg5[%dma_start3A_902, %dma_start3A_909, %dma_start3A_910] : memref<5x8x128xi32, #tpu.memory_space<vmem>> -> memref<1x8x128xi32, #tpu.memory_space<vmem>>
    %dma_start3A_912 = tpu.memref_squeeze %dma_start3A_911 : memref<1x8x128xi32, #tpu.memory_space<vmem>> -> memref<8x128xi32, #tpu.memory_space<vmem>>
    %dma_start3A_913 = arith.constant 0 : i32
    %dma_start3A_914 = tpu.memref_slice %dma_start3A_912[%dma_start3A_903, %dma_start3A_913] : memref<8x128xi32, #tpu.memory_space<vmem>> -> memref<1x128xi32, #tpu.memory_space<vmem>>
    %dma_start3A_915 = tpu.memref_squeeze %dma_start3A_914 : memref<1x128xi32, #tpu.memory_space<vmem>> -> memref<128xi32, #tpu.memory_space<vmem>>
    %dma_start3A_916 = arith.constant 0 : i32
    %dma_start3A_917 = arith.constant 0 : i32
    %dma_start3A_918 = tpu.memref_slice %arg2[%dma_start3A_916, %dma_start3A_917] : memref<800000x128xf32, #tpu.memory_space<hbm>> -> memref<800000x128xf32, #tpu.memory_space<hbm>>
    tpu.enqueue_indirect_dma source(%dma_start3A_918 : memref<800000x128xf32, #tpu.memory_space<hbm>>) target(%dma_start3A_908 : memref<128x128xf32, #tpu.memory_space<vmem>>) offsets(%dma_start3A_915 : memref<128xi32, #tpu.memory_space<vmem>>) semaphore(%arg21 : memref<!tpu.dma_semaphore, #tpu.memory_space<semaphore_mem>>) {add = true}
    %dma_start3A_919 = arith.constant 4 : i32
    %dma_start3A_920 = arith.constant 6 : i32
    %dma_start3A_921 = arith.constant 4 : i32
    %dma_start3A_922 = arith.constant 0 : i32
    %dma_start3A_923 = arith.constant 0 : i32
    %dma_start3A_924 = tpu.memref_slice %arg6[%dma_start3A_921, %dma_start3A_922, %dma_start3A_923] : memref<5x128x128xf32, #tpu.memory_space<vmem>> -> memref<1x128x128xf32, #tpu.memory_space<vmem>>
    %dma_start3A_925 = tpu.memref_squeeze %dma_start3A_924 : memref<1x128x128xf32, #tpu.memory_space<vmem>> -> memref<128x128xf32, #tpu.memory_space<vmem>>
    %dma_start3A_926 = arith.constant 0 : i32
    %dma_start3A_927 = arith.constant 0 : i32
    %dma_start3A_928 = tpu.memref_slice %arg5[%dma_start3A_919, %dma_start3A_926, %dma_start3A_927] : memref<5x8x128xi32, #tpu.memory_space<vmem>> -> memref<1x8x128xi32, #tpu.memory_space<vmem>>
    %dma_start3A_929 = tpu.memref_squeeze %dma_start3A_928 : memref<1x8x128xi32, #tpu.memory_space<vmem>> -> memref<8x128xi32, #tpu.memory_space<vmem>>
    %dma_start3A_930 = arith.constant 0 : i32
    %dma_start3A_931 = tpu.memref_slice %dma_start3A_929[%dma_start3A_920, %dma_start3A_930] : memref<8x128xi32, #tpu.memory_space<vmem>> -> memref<1x128xi32, #tpu.memory_space<vmem>>
    %dma_start3A_932 = tpu.memref_squeeze %dma_start3A_931 : memref<1x128xi32, #tpu.memory_space<vmem>> -> memref<128xi32, #tpu.memory_space<vmem>>
    %dma_start3A_933 = arith.constant 0 : i32
    %dma_start3A_934 = arith.constant 0 : i32
    %dma_start3A_935 = tpu.memref_slice %arg2[%dma_start3A_933, %dma_start3A_934] : memref<800000x128xf32, #tpu.memory_space<hbm>> -> memref<800000x128xf32, #tpu.memory_space<hbm>>
    tpu.enqueue_indirect_dma source(%dma_start3A_935 : memref<800000x128xf32, #tpu.memory_space<hbm>>) target(%dma_start3A_925 : memref<128x128xf32, #tpu.memory_space<vmem>>) offsets(%dma_start3A_932 : memref<128xi32, #tpu.memory_space<vmem>>) semaphore(%arg21 : memref<!tpu.dma_semaphore, #tpu.memory_space<semaphore_mem>>) {add = true}
    %dma_start3A_936 = arith.constant 4 : i32
    %dma_start3A_937 = arith.constant 7 : i32
    %dma_start3A_938 = arith.constant 4 : i32
    %dma_start3A_939 = arith.constant 0 : i32
    %dma_start3A_940 = arith.constant 0 : i32
    %dma_start3A_941 = tpu.memref_slice %arg6[%dma_start3A_938, %dma_start3A_939, %dma_start3A_940] : memref<5x128x128xf32, #tpu.memory_space<vmem>> -> memref<1x128x128xf32, #tpu.memory_space<vmem>>
    %dma_start3A_942 = tpu.memref_squeeze %dma_start3A_941 : memref<1x128x128xf32, #tpu.memory_space<vmem>> -> memref<128x128xf32, #tpu.memory_space<vmem>>
    %dma_start3A_943 = arith.constant 0 : i32
    %dma_start3A_944 = arith.constant 0 : i32
    %dma_start3A_945 = tpu.memref_slice %arg5[%dma_start3A_936, %dma_start3A_943, %dma_start3A_944] : memref<5x8x128xi32, #tpu.memory_space<vmem>> -> memref<1x8x128xi32, #tpu.memory_space<vmem>>
    %dma_start3A_946 = tpu.memref_squeeze %dma_start3A_945 : memref<1x8x128xi32, #tpu.memory_space<vmem>> -> memref<8x128xi32, #tpu.memory_space<vmem>>
    %dma_start3A_947 = arith.constant 0 : i32
    %dma_start3A_948 = tpu.memref_slice %dma_start3A_946[%dma_start3A_937, %dma_start3A_947] : memref<8x128xi32, #tpu.memory_space<vmem>> -> memref<1x128xi32, #tpu.memory_space<vmem>>
    %dma_start3A_949 = tpu.memref_squeeze %dma_start3A_948 : memref<1x128xi32, #tpu.memory_space<vmem>> -> memref<128xi32, #tpu.memory_space<vmem>>
    %dma_start3A_950 = arith.constant 0 : i32
    %dma_start3A_951 = arith.constant 0 : i32
    %dma_start3A_952 = tpu.memref_slice %arg2[%dma_start3A_950, %dma_start3A_951] : memref<800000x128xf32, #tpu.memory_space<hbm>> -> memref<800000x128xf32, #tpu.memory_space<hbm>>
    tpu.enqueue_indirect_dma source(%dma_start3A_952 : memref<800000x128xf32, #tpu.memory_space<hbm>>) target(%dma_start3A_942 : memref<128x128xf32, #tpu.memory_space<vmem>>) offsets(%dma_start3A_949 : memref<128xi32, #tpu.memory_space<vmem>>) semaphore(%arg21 : memref<!tpu.dma_semaphore, #tpu.memory_space<semaphore_mem>>) {add = true}
    %dma_wait3A_953 = arith.constant 0 : i32
    %dma_wait3A_954 = arith.constant 1 : i32
    %dma_wait3A_955 = arith.constant 0 : i32
    %dma_wait3A_956 = arith.constant 0 : i32
    %dma_wait3A_957 = arith.constant 0 : i32
    %dma_wait3A_958 = tpu.memref_slice %arg6[%dma_wait3A_955, %dma_wait3A_956, %dma_wait3A_957] : memref<5x128x128xf32, #tpu.memory_space<vmem>> -> memref<1x128x128xf32, #tpu.memory_space<vmem>>
    %dma_wait3A_959 = tpu.memref_squeeze %dma_wait3A_958 : memref<1x128x128xf32, #tpu.memory_space<vmem>> -> memref<128x128xf32, #tpu.memory_space<vmem>>
    %dma_wait3A_960 = arith.constant 0 : i32
    %dma_wait3A_961 = arith.constant 0 : i32
    %dma_wait3A_962 = tpu.memref_slice %arg5[%dma_wait3A_953, %dma_wait3A_960, %dma_wait3A_961] : memref<5x8x128xi32, #tpu.memory_space<vmem>> -> memref<1x8x128xi32, #tpu.memory_space<vmem>>
    %dma_wait3A_963 = tpu.memref_squeeze %dma_wait3A_962 : memref<1x8x128xi32, #tpu.memory_space<vmem>> -> memref<8x128xi32, #tpu.memory_space<vmem>>
    %dma_wait3A_964 = arith.constant 0 : i32
    %dma_wait3A_965 = tpu.memref_slice %dma_wait3A_963[%dma_wait3A_954, %dma_wait3A_964] : memref<8x128xi32, #tpu.memory_space<vmem>> -> memref<1x128xi32, #tpu.memory_space<vmem>>
    %dma_wait3A_966 = tpu.memref_squeeze %dma_wait3A_965 : memref<1x128xi32, #tpu.memory_space<vmem>> -> memref<128xi32, #tpu.memory_space<vmem>>
    %dma_wait3A_967 = arith.constant 0 : i32
    %dma_wait3A_968 = arith.constant 0 : i32
    %dma_wait3A_969 = tpu.memref_slice %arg2[%dma_wait3A_967, %dma_wait3A_968] : memref<800000x128xf32, #tpu.memory_space<hbm>> -> memref<800000x128xf32, #tpu.memory_space<hbm>>
    tpu.wait_indirect_dma semaphore(%arg17 : memref<!tpu.dma_semaphore, #tpu.memory_space<semaphore_mem>>) src(%dma_wait3A_969 : memref<800000x128xf32, #tpu.memory_space<hbm>>) dst(%dma_wait3A_959 : memref<128x128xf32, #tpu.memory_space<vmem>>)
    %dma_wait3A_970 = arith.constant 0 : i32
    %dma_wait3A_971 = arith.constant 2 : i32
    %dma_wait3A_972 = arith.constant 0 : i32
    %dma_wait3A_973 = arith.constant 0 : i32
    %dma_wait3A_974 = arith.constant 0 : i32
    %dma_wait3A_975 = tpu.memref_slice %arg6[%dma_wait3A_972, %dma_wait3A_973, %dma_wait3A_974] : memref<5x128x128xf32, #tpu.memory_space<vmem>> -> memref<1x128x128xf32, #tpu.memory_space<vmem>>
    %dma_wait3A_976 = tpu.memref_squeeze %dma_wait3A_975 : memref<1x128x128xf32, #tpu.memory_space<vmem>> -> memref<128x128xf32, #tpu.memory_space<vmem>>
    %dma_wait3A_977 = arith.constant 0 : i32
    %dma_wait3A_978 = arith.constant 0 : i32
    %dma_wait3A_979 = tpu.memref_slice %arg5[%dma_wait3A_970, %dma_wait3A_977, %dma_wait3A_978] : memref<5x8x128xi32, #tpu.memory_space<vmem>> -> memref<1x8x128xi32, #tpu.memory_space<vmem>>
    %dma_wait3A_980 = tpu.memref_squeeze %dma_wait3A_979 : memref<1x8x128xi32, #tpu.memory_space<vmem>> -> memref<8x128xi32, #tpu.memory_space<vmem>>
    %dma_wait3A_981 = arith.constant 0 : i32
    %dma_wait3A_982 = tpu.memref_slice %dma_wait3A_980[%dma_wait3A_971, %dma_wait3A_981] : memref<8x128xi32, #tpu.memory_space<vmem>> -> memref<1x128xi32, #tpu.memory_space<vmem>>
    %dma_wait3A_983 = tpu.memref_squeeze %dma_wait3A_982 : memref<1x128xi32, #tpu.memory_space<vmem>> -> memref<128xi32, #tpu.memory_space<vmem>>
    %dma_wait3A_984 = arith.constant 0 : i32
    %dma_wait3A_985 = arith.constant 0 : i32
    %dma_wait3A_986 = tpu.memref_slice %arg2[%dma_wait3A_984, %dma_wait3A_985] : memref<800000x128xf32, #tpu.memory_space<hbm>> -> memref<800000x128xf32, #tpu.memory_space<hbm>>
    tpu.wait_indirect_dma semaphore(%arg17 : memref<!tpu.dma_semaphore, #tpu.memory_space<semaphore_mem>>) src(%dma_wait3A_986 : memref<800000x128xf32, #tpu.memory_space<hbm>>) dst(%dma_wait3A_976 : memref<128x128xf32, #tpu.memory_space<vmem>>)
    %dma_wait3A_987 = arith.constant 0 : i32
    %dma_wait3A_988 = arith.constant 3 : i32
    %dma_wait3A_989 = arith.constant 0 : i32
    %dma_wait3A_990 = arith.constant 0 : i32
    %dma_wait3A_991 = arith.constant 0 : i32
    %dma_wait3A_992 = tpu.memref_slice %arg6[%dma_wait3A_989, %dma_wait3A_990, %dma_wait3A_991] : memref<5x128x128xf32, #tpu.memory_space<vmem>> -> memref<1x128x128xf32, #tpu.memory_space<vmem>>
    %dma_wait3A_993 = tpu.memref_squeeze %dma_wait3A_992 : memref<1x128x128xf32, #tpu.memory_space<vmem>> -> memref<128x128xf32, #tpu.memory_space<vmem>>
    %dma_wait3A_994 = arith.constant 0 : i32
    %dma_wait3A_995 = arith.constant 0 : i32
    %dma_wait3A_996 = tpu.memref_slice %arg5[%dma_wait3A_987, %dma_wait3A_994, %dma_wait3A_995] : memref<5x8x128xi32, #tpu.memory_space<vmem>> -> memref<1x8x128xi32, #tpu.memory_space<vmem>>
    %dma_wait3A_997 = tpu.memref_squeeze %dma_wait3A_996 : memref<1x8x128xi32, #tpu.memory_space<vmem>> -> memref<8x128xi32, #tpu.memory_space<vmem>>
    %dma_wait3A_998 = arith.constant 0 : i32
    %dma_wait3A_999 = tpu.memref_slice %dma_wait3A_997[%dma_wait3A_988, %dma_wait3A_998] : memref<8x128xi32, #tpu.memory_space<vmem>> -> memref<1x128xi32, #tpu.memory_space<vmem>>
    %dma_wait3A_1000 = tpu.memref_squeeze %dma_wait3A_999 : memref<1x128xi32, #tpu.memory_space<vmem>> -> memref<128xi32, #tpu.memory_space<vmem>>
    %dma_wait3A_1001 = arith.constant 0 : i32
    %dma_wait3A_1002 = arith.constant 0 : i32
    %dma_wait3A_1003 = tpu.memref_slice %arg2[%dma_wait3A_1001, %dma_wait3A_1002] : memref<800000x128xf32, #tpu.memory_space<hbm>> -> memref<800000x128xf32, #tpu.memory_space<hbm>>
    tpu.wait_indirect_dma semaphore(%arg17 : memref<!tpu.dma_semaphore, #tpu.memory_space<semaphore_mem>>) src(%dma_wait3A_1003 : memref<800000x128xf32, #tpu.memory_space<hbm>>) dst(%dma_wait3A_993 : memref<128x128xf32, #tpu.memory_space<vmem>>)
    %dma_wait3A_1004 = arith.constant 0 : i32
    %dma_wait3A_1005 = arith.constant 4 : i32
    %dma_wait3A_1006 = arith.constant 0 : i32
    %dma_wait3A_1007 = arith.constant 0 : i32
    %dma_wait3A_1008 = arith.constant 0 : i32
    %dma_wait3A_1009 = tpu.memref_slice %arg6[%dma_wait3A_1006, %dma_wait3A_1007, %dma_wait3A_1008] : memref<5x128x128xf32, #tpu.memory_space<vmem>> -> memref<1x128x128xf32, #tpu.memory_space<vmem>>
    %dma_wait3A_1010 = tpu.memref_squeeze %dma_wait3A_1009 : memref<1x128x128xf32, #tpu.memory_space<vmem>> -> memref<128x128xf32, #tpu.memory_space<vmem>>
    %dma_wait3A_1011 = arith.constant 0 : i32
    %dma_wait3A_1012 = arith.constant 0 : i32
    %dma_wait3A_1013 = tpu.memref_slice %arg5[%dma_wait3A_1004, %dma_wait3A_1011, %dma_wait3A_1012] : memref<5x8x128xi32, #tpu.memory_space<vmem>> -> memref<1x8x128xi32, #tpu.memory_space<vmem>>
    %dma_wait3A_1014 = tpu.memref_squeeze %dma_wait3A_1013 : memref<1x8x128xi32, #tpu.memory_space<vmem>> -> memref<8x128xi32, #tpu.memory_space<vmem>>
    %dma_wait3A_1015 = arith.constant 0 : i32
    %dma_wait3A_1016 = tpu.memref_slice %dma_wait3A_1014[%dma_wait3A_1005, %dma_wait3A_1015] : memref<8x128xi32, #tpu.memory_space<vmem>> -> memref<1x128xi32, #tpu.memory_space<vmem>>
    %dma_wait3A_1017 = tpu.memref_squeeze %dma_wait3A_1016 : memref<1x128xi32, #tpu.memory_space<vmem>> -> memref<128xi32, #tpu.memory_space<vmem>>
    %dma_wait3A_1018 = arith.constant 0 : i32
    %dma_wait3A_1019 = arith.constant 0 : i32
    %dma_wait3A_1020 = tpu.memref_slice %arg2[%dma_wait3A_1018, %dma_wait3A_1019] : memref<800000x128xf32, #tpu.memory_space<hbm>> -> memref<800000x128xf32, #tpu.memory_space<hbm>>
    tpu.wait_indirect_dma semaphore(%arg17 : memref<!tpu.dma_semaphore, #tpu.memory_space<semaphore_mem>>) src(%dma_wait3A_1020 : memref<800000x128xf32, #tpu.memory_space<hbm>>) dst(%dma_wait3A_1010 : memref<128x128xf32, #tpu.memory_space<vmem>>)
    %dma_wait3A_1021 = arith.constant 0 : i32
    %dma_wait3A_1022 = arith.constant 5 : i32
    %dma_wait3A_1023 = arith.constant 0 : i32
    %dma_wait3A_1024 = arith.constant 0 : i32
    %dma_wait3A_1025 = arith.constant 0 : i32
    %dma_wait3A_1026 = tpu.memref_slice %arg6[%dma_wait3A_1023, %dma_wait3A_1024, %dma_wait3A_1025] : memref<5x128x128xf32, #tpu.memory_space<vmem>> -> memref<1x128x128xf32, #tpu.memory_space<vmem>>
    %dma_wait3A_1027 = tpu.memref_squeeze %dma_wait3A_1026 : memref<1x128x128xf32, #tpu.memory_space<vmem>> -> memref<128x128xf32, #tpu.memory_space<vmem>>
    %dma_wait3A_1028 = arith.constant 0 : i32
    %dma_wait3A_1029 = arith.constant 0 : i32
    %dma_wait3A_1030 = tpu.memref_slice %arg5[%dma_wait3A_1021, %dma_wait3A_1028, %dma_wait3A_1029] : memref<5x8x128xi32, #tpu.memory_space<vmem>> -> memref<1x8x128xi32, #tpu.memory_space<vmem>>
    %dma_wait3A_1031 = tpu.memref_squeeze %dma_wait3A_1030 : memref<1x8x128xi32, #tpu.memory_space<vmem>> -> memref<8x128xi32, #tpu.memory_space<vmem>>
    %dma_wait3A_1032 = arith.constant 0 : i32
    %dma_wait3A_1033 = tpu.memref_slice %dma_wait3A_1031[%dma_wait3A_1022, %dma_wait3A_1032] : memref<8x128xi32, #tpu.memory_space<vmem>> -> memref<1x128xi32, #tpu.memory_space<vmem>>
    %dma_wait3A_1034 = tpu.memref_squeeze %dma_wait3A_1033 : memref<1x128xi32, #tpu.memory_space<vmem>> -> memref<128xi32, #tpu.memory_space<vmem>>
    %dma_wait3A_1035 = arith.constant 0 : i32
    %dma_wait3A_1036 = arith.constant 0 : i32
    %dma_wait3A_1037 = tpu.memref_slice %arg2[%dma_wait3A_1035, %dma_wait3A_1036] : memref<800000x128xf32, #tpu.memory_space<hbm>> -> memref<800000x128xf32, #tpu.memory_space<hbm>>
    tpu.wait_indirect_dma semaphore(%arg17 : memref<!tpu.dma_semaphore, #tpu.memory_space<semaphore_mem>>) src(%dma_wait3A_1037 : memref<800000x128xf32, #tpu.memory_space<hbm>>) dst(%dma_wait3A_1027 : memref<128x128xf32, #tpu.memory_space<vmem>>)
    %dma_wait3A_1038 = arith.constant 0 : i32
    %dma_wait3A_1039 = arith.constant 6 : i32
    %dma_wait3A_1040 = arith.constant 0 : i32
    %dma_wait3A_1041 = arith.constant 0 : i32
    %dma_wait3A_1042 = arith.constant 0 : i32
    %dma_wait3A_1043 = tpu.memref_slice %arg6[%dma_wait3A_1040, %dma_wait3A_1041, %dma_wait3A_1042] : memref<5x128x128xf32, #tpu.memory_space<vmem>> -> memref<1x128x128xf32, #tpu.memory_space<vmem>>
    %dma_wait3A_1044 = tpu.memref_squeeze %dma_wait3A_1043 : memref<1x128x128xf32, #tpu.memory_space<vmem>> -> memref<128x128xf32, #tpu.memory_space<vmem>>
    %dma_wait3A_1045 = arith.constant 0 : i32
    %dma_wait3A_1046 = arith.constant 0 : i32
    %dma_wait3A_1047 = tpu.memref_slice %arg5[%dma_wait3A_1038, %dma_wait3A_1045, %dma_wait3A_1046] : memref<5x8x128xi32, #tpu.memory_space<vmem>> -> memref<1x8x128xi32, #tpu.memory_space<vmem>>
    %dma_wait3A_1048 = tpu.memref_squeeze %dma_wait3A_1047 : memref<1x8x128xi32, #tpu.memory_space<vmem>> -> memref<8x128xi32, #tpu.memory_space<vmem>>
    %dma_wait3A_1049 = arith.constant 0 : i32
    %dma_wait3A_1050 = tpu.memref_slice %dma_wait3A_1048[%dma_wait3A_1039, %dma_wait3A_1049] : memref<8x128xi32, #tpu.memory_space<vmem>> -> memref<1x128xi32, #tpu.memory_space<vmem>>
    %dma_wait3A_1051 = tpu.memref_squeeze %dma_wait3A_1050 : memref<1x128xi32, #tpu.memory_space<vmem>> -> memref<128xi32, #tpu.memory_space<vmem>>
    %dma_wait3A_1052 = arith.constant 0 : i32
    %dma_wait3A_1053 = arith.constant 0 : i32
    %dma_wait3A_1054 = tpu.memref_slice %arg2[%dma_wait3A_1052, %dma_wait3A_1053] : memref<800000x128xf32, #tpu.memory_space<hbm>> -> memref<800000x128xf32, #tpu.memory_space<hbm>>
    tpu.wait_indirect_dma semaphore(%arg17 : memref<!tpu.dma_semaphore, #tpu.memory_space<semaphore_mem>>) src(%dma_wait3A_1054 : memref<800000x128xf32, #tpu.memory_space<hbm>>) dst(%dma_wait3A_1044 : memref<128x128xf32, #tpu.memory_space<vmem>>)
    %dma_wait3A_1055 = arith.constant 0 : i32
    %dma_wait3A_1056 = arith.constant 7 : i32
    %dma_wait3A_1057 = arith.constant 0 : i32
    %dma_wait3A_1058 = arith.constant 0 : i32
    %dma_wait3A_1059 = arith.constant 0 : i32
    %dma_wait3A_1060 = tpu.memref_slice %arg6[%dma_wait3A_1057, %dma_wait3A_1058, %dma_wait3A_1059] : memref<5x128x128xf32, #tpu.memory_space<vmem>> -> memref<1x128x128xf32, #tpu.memory_space<vmem>>
    %dma_wait3A_1061 = tpu.memref_squeeze %dma_wait3A_1060 : memref<1x128x128xf32, #tpu.memory_space<vmem>> -> memref<128x128xf32, #tpu.memory_space<vmem>>
    %dma_wait3A_1062 = arith.constant 0 : i32
    %dma_wait3A_1063 = arith.constant 0 : i32
    %dma_wait3A_1064 = tpu.memref_slice %arg5[%dma_wait3A_1055, %dma_wait3A_1062, %dma_wait3A_1063] : memref<5x8x128xi32, #tpu.memory_space<vmem>> -> memref<1x8x128xi32, #tpu.memory_space<vmem>>
    %dma_wait3A_1065 = tpu.memref_squeeze %dma_wait3A_1064 : memref<1x8x128xi32, #tpu.memory_space<vmem>> -> memref<8x128xi32, #tpu.memory_space<vmem>>
    %dma_wait3A_1066 = arith.constant 0 : i32
    %dma_wait3A_1067 = tpu.memref_slice %dma_wait3A_1065[%dma_wait3A_1056, %dma_wait3A_1066] : memref<8x128xi32, #tpu.memory_space<vmem>> -> memref<1x128xi32, #tpu.memory_space<vmem>>
    %dma_wait3A_1068 = tpu.memref_squeeze %dma_wait3A_1067 : memref<1x128xi32, #tpu.memory_space<vmem>> -> memref<128xi32, #tpu.memory_space<vmem>>
    %dma_wait3A_1069 = arith.constant 0 : i32
    %dma_wait3A_1070 = arith.constant 0 : i32
    %dma_wait3A_1071 = tpu.memref_slice %arg2[%dma_wait3A_1069, %dma_wait3A_1070] : memref<800000x128xf32, #tpu.memory_space<hbm>> -> memref<800000x128xf32, #tpu.memory_space<hbm>>
    tpu.wait_indirect_dma semaphore(%arg17 : memref<!tpu.dma_semaphore, #tpu.memory_space<semaphore_mem>>) src(%dma_wait3A_1071 : memref<800000x128xf32, #tpu.memory_space<hbm>>) dst(%dma_wait3A_1061 : memref<128x128xf32, #tpu.memory_space<vmem>>)
    %add3A_1072 = arith.constant 5760 : i32
    %add3A_1073 = arith.addi %mul3A_4, %add3A_1072 : i32
    %dma_start3A_1074 = arith.constant 0 : i32
    %dma_start3A_1075 = arith.constant 0 : i32
    %dma_start3A_1076 = arith.constant 0 : i32
    %dma_start3A_1077 = tpu.memref_slice %arg6[%dma_start3A_1074, %dma_start3A_1075, %dma_start3A_1076] : memref<5x128x128xf32, #tpu.memory_space<vmem>> -> memref<1x128x128xf32, #tpu.memory_space<vmem>>
    %dma_start3A_1078 = tpu.memref_squeeze %dma_start3A_1077 : memref<1x128x128xf32, #tpu.memory_space<vmem>> -> memref<128x128xf32, #tpu.memory_space<vmem>>
    %dma_start3A_1079 = arith.constant 0 : i32
    %dma_start3A_1080 = tpu.memref_slice %arg4[%add3A_1073, %dma_start3A_1079] : memref<204800x128xf32, #tpu.memory_space<hbm>> -> memref<128x128xf32, #tpu.memory_space<hbm>>
    %dma_start3A_1081 = arith.constant 0 : i32
    %dma_start3A_1082 = tpu.memref_slice %arg4[%add3A_1073, %dma_start3A_1081] : memref<204800x128xf32, #tpu.memory_space<hbm>> -> memref<128x128xf32, #tpu.memory_space<hbm>>
    %dma_start3A_1083 = arith.constant 0 : i32
    %dma_start3A_1084 = arith.constant 0 : i32
    %dma_start3A_1085 = tpu.memref_slice %arg6[%dma_start3A_1074, %dma_start3A_1083, %dma_start3A_1084] : memref<5x128x128xf32, #tpu.memory_space<vmem>> -> memref<1x128x128xf32, #tpu.memory_space<vmem>>
    %dma_start3A_1086 = tpu.memref_squeeze %dma_start3A_1085 : memref<1x128x128xf32, #tpu.memory_space<vmem>> -> memref<128x128xf32, #tpu.memory_space<vmem>>
    tpu.enqueue_dma source(%dma_start3A_1086 : memref<128x128xf32, #tpu.memory_space<vmem>>) target(%dma_start3A_1082 : memref<128x128xf32, #tpu.memory_space<hbm>>) target_semaphore(%arg22 : memref<!tpu.dma_semaphore, #tpu.memory_space<semaphore_mem>>)
    %dma_wait3A_1087 = arith.constant 1 : i32
    %dma_wait3A_1088 = arith.constant 1 : i32
    %dma_wait3A_1089 = arith.constant 1 : i32
    %dma_wait3A_1090 = arith.constant 0 : i32
    %dma_wait3A_1091 = arith.constant 0 : i32
    %dma_wait3A_1092 = tpu.memref_slice %arg6[%dma_wait3A_1089, %dma_wait3A_1090, %dma_wait3A_1091] : memref<5x128x128xf32, #tpu.memory_space<vmem>> -> memref<1x128x128xf32, #tpu.memory_space<vmem>>
    %dma_wait3A_1093 = tpu.memref_squeeze %dma_wait3A_1092 : memref<1x128x128xf32, #tpu.memory_space<vmem>> -> memref<128x128xf32, #tpu.memory_space<vmem>>
    %dma_wait3A_1094 = arith.constant 0 : i32
    %dma_wait3A_1095 = arith.constant 0 : i32
    %dma_wait3A_1096 = tpu.memref_slice %arg5[%dma_wait3A_1087, %dma_wait3A_1094, %dma_wait3A_1095] : memref<5x8x128xi32, #tpu.memory_space<vmem>> -> memref<1x8x128xi32, #tpu.memory_space<vmem>>
    %dma_wait3A_1097 = tpu.memref_squeeze %dma_wait3A_1096 : memref<1x8x128xi32, #tpu.memory_space<vmem>> -> memref<8x128xi32, #tpu.memory_space<vmem>>
    %dma_wait3A_1098 = arith.constant 0 : i32
    %dma_wait3A_1099 = tpu.memref_slice %dma_wait3A_1097[%dma_wait3A_1088, %dma_wait3A_1098] : memref<8x128xi32, #tpu.memory_space<vmem>> -> memref<1x128xi32, #tpu.memory_space<vmem>>
    %dma_wait3A_1100 = tpu.memref_squeeze %dma_wait3A_1099 : memref<1x128xi32, #tpu.memory_space<vmem>> -> memref<128xi32, #tpu.memory_space<vmem>>
    %dma_wait3A_1101 = arith.constant 0 : i32
    %dma_wait3A_1102 = arith.constant 0 : i32
    %dma_wait3A_1103 = tpu.memref_slice %arg2[%dma_wait3A_1101, %dma_wait3A_1102] : memref<800000x128xf32, #tpu.memory_space<hbm>> -> memref<800000x128xf32, #tpu.memory_space<hbm>>
    tpu.wait_indirect_dma semaphore(%arg18 : memref<!tpu.dma_semaphore, #tpu.memory_space<semaphore_mem>>) src(%dma_wait3A_1103 : memref<800000x128xf32, #tpu.memory_space<hbm>>) dst(%dma_wait3A_1093 : memref<128x128xf32, #tpu.memory_space<vmem>>)
    %dma_wait3A_1104 = arith.constant 1 : i32
    %dma_wait3A_1105 = arith.constant 2 : i32
    %dma_wait3A_1106 = arith.constant 1 : i32
    %dma_wait3A_1107 = arith.constant 0 : i32
    %dma_wait3A_1108 = arith.constant 0 : i32
    %dma_wait3A_1109 = tpu.memref_slice %arg6[%dma_wait3A_1106, %dma_wait3A_1107, %dma_wait3A_1108] : memref<5x128x128xf32, #tpu.memory_space<vmem>> -> memref<1x128x128xf32, #tpu.memory_space<vmem>>
    %dma_wait3A_1110 = tpu.memref_squeeze %dma_wait3A_1109 : memref<1x128x128xf32, #tpu.memory_space<vmem>> -> memref<128x128xf32, #tpu.memory_space<vmem>>
    %dma_wait3A_1111 = arith.constant 0 : i32
    %dma_wait3A_1112 = arith.constant 0 : i32
    %dma_wait3A_1113 = tpu.memref_slice %arg5[%dma_wait3A_1104, %dma_wait3A_1111, %dma_wait3A_1112] : memref<5x8x128xi32, #tpu.memory_space<vmem>> -> memref<1x8x128xi32, #tpu.memory_space<vmem>>
    %dma_wait3A_1114 = tpu.memref_squeeze %dma_wait3A_1113 : memref<1x8x128xi32, #tpu.memory_space<vmem>> -> memref<8x128xi32, #tpu.memory_space<vmem>>
    %dma_wait3A_1115 = arith.constant 0 : i32
    %dma_wait3A_1116 = tpu.memref_slice %dma_wait3A_1114[%dma_wait3A_1105, %dma_wait3A_1115] : memref<8x128xi32, #tpu.memory_space<vmem>> -> memref<1x128xi32, #tpu.memory_space<vmem>>
    %dma_wait3A_1117 = tpu.memref_squeeze %dma_wait3A_1116 : memref<1x128xi32, #tpu.memory_space<vmem>> -> memref<128xi32, #tpu.memory_space<vmem>>
    %dma_wait3A_1118 = arith.constant 0 : i32
    %dma_wait3A_1119 = arith.constant 0 : i32
    %dma_wait3A_1120 = tpu.memref_slice %arg2[%dma_wait3A_1118, %dma_wait3A_1119] : memref<800000x128xf32, #tpu.memory_space<hbm>> -> memref<800000x128xf32, #tpu.memory_space<hbm>>
    tpu.wait_indirect_dma semaphore(%arg18 : memref<!tpu.dma_semaphore, #tpu.memory_space<semaphore_mem>>) src(%dma_wait3A_1120 : memref<800000x128xf32, #tpu.memory_space<hbm>>) dst(%dma_wait3A_1110 : memref<128x128xf32, #tpu.memory_space<vmem>>)
    %dma_wait3A_1121 = arith.constant 1 : i32
    %dma_wait3A_1122 = arith.constant 3 : i32
    %dma_wait3A_1123 = arith.constant 1 : i32
    %dma_wait3A_1124 = arith.constant 0 : i32
    %dma_wait3A_1125 = arith.constant 0 : i32
    %dma_wait3A_1126 = tpu.memref_slice %arg6[%dma_wait3A_1123, %dma_wait3A_1124, %dma_wait3A_1125] : memref<5x128x128xf32, #tpu.memory_space<vmem>> -> memref<1x128x128xf32, #tpu.memory_space<vmem>>
    %dma_wait3A_1127 = tpu.memref_squeeze %dma_wait3A_1126 : memref<1x128x128xf32, #tpu.memory_space<vmem>> -> memref<128x128xf32, #tpu.memory_space<vmem>>
    %dma_wait3A_1128 = arith.constant 0 : i32
    %dma_wait3A_1129 = arith.constant 0 : i32
    %dma_wait3A_1130 = tpu.memref_slice %arg5[%dma_wait3A_1121, %dma_wait3A_1128, %dma_wait3A_1129] : memref<5x8x128xi32, #tpu.memory_space<vmem>> -> memref<1x8x128xi32, #tpu.memory_space<vmem>>
    %dma_wait3A_1131 = tpu.memref_squeeze %dma_wait3A_1130 : memref<1x8x128xi32, #tpu.memory_space<vmem>> -> memref<8x128xi32, #tpu.memory_space<vmem>>
    %dma_wait3A_1132 = arith.constant 0 : i32
    %dma_wait3A_1133 = tpu.memref_slice %dma_wait3A_1131[%dma_wait3A_1122, %dma_wait3A_1132] : memref<8x128xi32, #tpu.memory_space<vmem>> -> memref<1x128xi32, #tpu.memory_space<vmem>>
    %dma_wait3A_1134 = tpu.memref_squeeze %dma_wait3A_1133 : memref<1x128xi32, #tpu.memory_space<vmem>> -> memref<128xi32, #tpu.memory_space<vmem>>
    %dma_wait3A_1135 = arith.constant 0 : i32
    %dma_wait3A_1136 = arith.constant 0 : i32
    %dma_wait3A_1137 = tpu.memref_slice %arg2[%dma_wait3A_1135, %dma_wait3A_1136] : memref<800000x128xf32, #tpu.memory_space<hbm>> -> memref<800000x128xf32, #tpu.memory_space<hbm>>
    tpu.wait_indirect_dma semaphore(%arg18 : memref<!tpu.dma_semaphore, #tpu.memory_space<semaphore_mem>>) src(%dma_wait3A_1137 : memref<800000x128xf32, #tpu.memory_space<hbm>>) dst(%dma_wait3A_1127 : memref<128x128xf32, #tpu.memory_space<vmem>>)
    %dma_wait3A_1138 = arith.constant 1 : i32
    %dma_wait3A_1139 = arith.constant 4 : i32
    %dma_wait3A_1140 = arith.constant 1 : i32
    %dma_wait3A_1141 = arith.constant 0 : i32
    %dma_wait3A_1142 = arith.constant 0 : i32
    %dma_wait3A_1143 = tpu.memref_slice %arg6[%dma_wait3A_1140, %dma_wait3A_1141, %dma_wait3A_1142] : memref<5x128x128xf32, #tpu.memory_space<vmem>> -> memref<1x128x128xf32, #tpu.memory_space<vmem>>
    %dma_wait3A_1144 = tpu.memref_squeeze %dma_wait3A_1143 : memref<1x128x128xf32, #tpu.memory_space<vmem>> -> memref<128x128xf32, #tpu.memory_space<vmem>>
    %dma_wait3A_1145 = arith.constant 0 : i32
    %dma_wait3A_1146 = arith.constant 0 : i32
    %dma_wait3A_1147 = tpu.memref_slice %arg5[%dma_wait3A_1138, %dma_wait3A_1145, %dma_wait3A_1146] : memref<5x8x128xi32, #tpu.memory_space<vmem>> -> memref<1x8x128xi32, #tpu.memory_space<vmem>>
    %dma_wait3A_1148 = tpu.memref_squeeze %dma_wait3A_1147 : memref<1x8x128xi32, #tpu.memory_space<vmem>> -> memref<8x128xi32, #tpu.memory_space<vmem>>
    %dma_wait3A_1149 = arith.constant 0 : i32
    %dma_wait3A_1150 = tpu.memref_slice %dma_wait3A_1148[%dma_wait3A_1139, %dma_wait3A_1149] : memref<8x128xi32, #tpu.memory_space<vmem>> -> memref<1x128xi32, #tpu.memory_space<vmem>>
    %dma_wait3A_1151 = tpu.memref_squeeze %dma_wait3A_1150 : memref<1x128xi32, #tpu.memory_space<vmem>> -> memref<128xi32, #tpu.memory_space<vmem>>
    %dma_wait3A_1152 = arith.constant 0 : i32
    %dma_wait3A_1153 = arith.constant 0 : i32
    %dma_wait3A_1154 = tpu.memref_slice %arg2[%dma_wait3A_1152, %dma_wait3A_1153] : memref<800000x128xf32, #tpu.memory_space<hbm>> -> memref<800000x128xf32, #tpu.memory_space<hbm>>
    tpu.wait_indirect_dma semaphore(%arg18 : memref<!tpu.dma_semaphore, #tpu.memory_space<semaphore_mem>>) src(%dma_wait3A_1154 : memref<800000x128xf32, #tpu.memory_space<hbm>>) dst(%dma_wait3A_1144 : memref<128x128xf32, #tpu.memory_space<vmem>>)
    %dma_wait3A_1155 = arith.constant 1 : i32
    %dma_wait3A_1156 = arith.constant 5 : i32
    %dma_wait3A_1157 = arith.constant 1 : i32
    %dma_wait3A_1158 = arith.constant 0 : i32
    %dma_wait3A_1159 = arith.constant 0 : i32
    %dma_wait3A_1160 = tpu.memref_slice %arg6[%dma_wait3A_1157, %dma_wait3A_1158, %dma_wait3A_1159] : memref<5x128x128xf32, #tpu.memory_space<vmem>> -> memref<1x128x128xf32, #tpu.memory_space<vmem>>
    %dma_wait3A_1161 = tpu.memref_squeeze %dma_wait3A_1160 : memref<1x128x128xf32, #tpu.memory_space<vmem>> -> memref<128x128xf32, #tpu.memory_space<vmem>>
    %dma_wait3A_1162 = arith.constant 0 : i32
    %dma_wait3A_1163 = arith.constant 0 : i32
    %dma_wait3A_1164 = tpu.memref_slice %arg5[%dma_wait3A_1155, %dma_wait3A_1162, %dma_wait3A_1163] : memref<5x8x128xi32, #tpu.memory_space<vmem>> -> memref<1x8x128xi32, #tpu.memory_space<vmem>>
    %dma_wait3A_1165 = tpu.memref_squeeze %dma_wait3A_1164 : memref<1x8x128xi32, #tpu.memory_space<vmem>> -> memref<8x128xi32, #tpu.memory_space<vmem>>
    %dma_wait3A_1166 = arith.constant 0 : i32
    %dma_wait3A_1167 = tpu.memref_slice %dma_wait3A_1165[%dma_wait3A_1156, %dma_wait3A_1166] : memref<8x128xi32, #tpu.memory_space<vmem>> -> memref<1x128xi32, #tpu.memory_space<vmem>>
    %dma_wait3A_1168 = tpu.memref_squeeze %dma_wait3A_1167 : memref<1x128xi32, #tpu.memory_space<vmem>> -> memref<128xi32, #tpu.memory_space<vmem>>
    %dma_wait3A_1169 = arith.constant 0 : i32
    %dma_wait3A_1170 = arith.constant 0 : i32
    %dma_wait3A_1171 = tpu.memref_slice %arg2[%dma_wait3A_1169, %dma_wait3A_1170] : memref<800000x128xf32, #tpu.memory_space<hbm>> -> memref<800000x128xf32, #tpu.memory_space<hbm>>
    tpu.wait_indirect_dma semaphore(%arg18 : memref<!tpu.dma_semaphore, #tpu.memory_space<semaphore_mem>>) src(%dma_wait3A_1171 : memref<800000x128xf32, #tpu.memory_space<hbm>>) dst(%dma_wait3A_1161 : memref<128x128xf32, #tpu.memory_space<vmem>>)
    %dma_wait3A_1172 = arith.constant 1 : i32
    %dma_wait3A_1173 = arith.constant 6 : i32
    %dma_wait3A_1174 = arith.constant 1 : i32
    %dma_wait3A_1175 = arith.constant 0 : i32
    %dma_wait3A_1176 = arith.constant 0 : i32
    %dma_wait3A_1177 = tpu.memref_slice %arg6[%dma_wait3A_1174, %dma_wait3A_1175, %dma_wait3A_1176] : memref<5x128x128xf32, #tpu.memory_space<vmem>> -> memref<1x128x128xf32, #tpu.memory_space<vmem>>
    %dma_wait3A_1178 = tpu.memref_squeeze %dma_wait3A_1177 : memref<1x128x128xf32, #tpu.memory_space<vmem>> -> memref<128x128xf32, #tpu.memory_space<vmem>>
    %dma_wait3A_1179 = arith.constant 0 : i32
    %dma_wait3A_1180 = arith.constant 0 : i32
    %dma_wait3A_1181 = tpu.memref_slice %arg5[%dma_wait3A_1172, %dma_wait3A_1179, %dma_wait3A_1180] : memref<5x8x128xi32, #tpu.memory_space<vmem>> -> memref<1x8x128xi32, #tpu.memory_space<vmem>>
    %dma_wait3A_1182 = tpu.memref_squeeze %dma_wait3A_1181 : memref<1x8x128xi32, #tpu.memory_space<vmem>> -> memref<8x128xi32, #tpu.memory_space<vmem>>
    %dma_wait3A_1183 = arith.constant 0 : i32
    %dma_wait3A_1184 = tpu.memref_slice %dma_wait3A_1182[%dma_wait3A_1173, %dma_wait3A_1183] : memref<8x128xi32, #tpu.memory_space<vmem>> -> memref<1x128xi32, #tpu.memory_space<vmem>>
    %dma_wait3A_1185 = tpu.memref_squeeze %dma_wait3A_1184 : memref<1x128xi32, #tpu.memory_space<vmem>> -> memref<128xi32, #tpu.memory_space<vmem>>
    %dma_wait3A_1186 = arith.constant 0 : i32
    %dma_wait3A_1187 = arith.constant 0 : i32
    %dma_wait3A_1188 = tpu.memref_slice %arg2[%dma_wait3A_1186, %dma_wait3A_1187] : memref<800000x128xf32, #tpu.memory_space<hbm>> -> memref<800000x128xf32, #tpu.memory_space<hbm>>
    tpu.wait_indirect_dma semaphore(%arg18 : memref<!tpu.dma_semaphore, #tpu.memory_space<semaphore_mem>>) src(%dma_wait3A_1188 : memref<800000x128xf32, #tpu.memory_space<hbm>>) dst(%dma_wait3A_1178 : memref<128x128xf32, #tpu.memory_space<vmem>>)
    %dma_wait3A_1189 = arith.constant 1 : i32
    %dma_wait3A_1190 = arith.constant 7 : i32
    %dma_wait3A_1191 = arith.constant 1 : i32
    %dma_wait3A_1192 = arith.constant 0 : i32
    %dma_wait3A_1193 = arith.constant 0 : i32
    %dma_wait3A_1194 = tpu.memref_slice %arg6[%dma_wait3A_1191, %dma_wait3A_1192, %dma_wait3A_1193] : memref<5x128x128xf32, #tpu.memory_space<vmem>> -> memref<1x128x128xf32, #tpu.memory_space<vmem>>
    %dma_wait3A_1195 = tpu.memref_squeeze %dma_wait3A_1194 : memref<1x128x128xf32, #tpu.memory_space<vmem>> -> memref<128x128xf32, #tpu.memory_space<vmem>>
    %dma_wait3A_1196 = arith.constant 0 : i32
    %dma_wait3A_1197 = arith.constant 0 : i32
    %dma_wait3A_1198 = tpu.memref_slice %arg5[%dma_wait3A_1189, %dma_wait3A_1196, %dma_wait3A_1197] : memref<5x8x128xi32, #tpu.memory_space<vmem>> -> memref<1x8x128xi32, #tpu.memory_space<vmem>>
    %dma_wait3A_1199 = tpu.memref_squeeze %dma_wait3A_1198 : memref<1x8x128xi32, #tpu.memory_space<vmem>> -> memref<8x128xi32, #tpu.memory_space<vmem>>
    %dma_wait3A_1200 = arith.constant 0 : i32
    %dma_wait3A_1201 = tpu.memref_slice %dma_wait3A_1199[%dma_wait3A_1190, %dma_wait3A_1200] : memref<8x128xi32, #tpu.memory_space<vmem>> -> memref<1x128xi32, #tpu.memory_space<vmem>>
    %dma_wait3A_1202 = tpu.memref_squeeze %dma_wait3A_1201 : memref<1x128xi32, #tpu.memory_space<vmem>> -> memref<128xi32, #tpu.memory_space<vmem>>
    %dma_wait3A_1203 = arith.constant 0 : i32
    %dma_wait3A_1204 = arith.constant 0 : i32
    %dma_wait3A_1205 = tpu.memref_slice %arg2[%dma_wait3A_1203, %dma_wait3A_1204] : memref<800000x128xf32, #tpu.memory_space<hbm>> -> memref<800000x128xf32, #tpu.memory_space<hbm>>
    tpu.wait_indirect_dma semaphore(%arg18 : memref<!tpu.dma_semaphore, #tpu.memory_space<semaphore_mem>>) src(%dma_wait3A_1205 : memref<800000x128xf32, #tpu.memory_space<hbm>>) dst(%dma_wait3A_1195 : memref<128x128xf32, #tpu.memory_space<vmem>>)
    %add3A_1206 = arith.constant 5888 : i32
    %add3A_1207 = arith.addi %mul3A_4, %add3A_1206 : i32
    %dma_start3A_1208 = arith.constant 1 : i32
    %dma_start3A_1209 = arith.constant 0 : i32
    %dma_start3A_1210 = arith.constant 0 : i32
    %dma_start3A_1211 = tpu.memref_slice %arg6[%dma_start3A_1208, %dma_start3A_1209, %dma_start3A_1210] : memref<5x128x128xf32, #tpu.memory_space<vmem>> -> memref<1x128x128xf32, #tpu.memory_space<vmem>>
    %dma_start3A_1212 = tpu.memref_squeeze %dma_start3A_1211 : memref<1x128x128xf32, #tpu.memory_space<vmem>> -> memref<128x128xf32, #tpu.memory_space<vmem>>
    %dma_start3A_1213 = arith.constant 0 : i32
    %dma_start3A_1214 = tpu.memref_slice %arg4[%add3A_1207, %dma_start3A_1213] : memref<204800x128xf32, #tpu.memory_space<hbm>> -> memref<128x128xf32, #tpu.memory_space<hbm>>
    %dma_start3A_1215 = arith.constant 0 : i32
    %dma_start3A_1216 = tpu.memref_slice %arg4[%add3A_1207, %dma_start3A_1215] : memref<204800x128xf32, #tpu.memory_space<hbm>> -> memref<128x128xf32, #tpu.memory_space<hbm>>
    %dma_start3A_1217 = arith.constant 0 : i32
    %dma_start3A_1218 = arith.constant 0 : i32
    %dma_start3A_1219 = tpu.memref_slice %arg6[%dma_start3A_1208, %dma_start3A_1217, %dma_start3A_1218] : memref<5x128x128xf32, #tpu.memory_space<vmem>> -> memref<1x128x128xf32, #tpu.memory_space<vmem>>
    %dma_start3A_1220 = tpu.memref_squeeze %dma_start3A_1219 : memref<1x128x128xf32, #tpu.memory_space<vmem>> -> memref<128x128xf32, #tpu.memory_space<vmem>>
    tpu.enqueue_dma source(%dma_start3A_1220 : memref<128x128xf32, #tpu.memory_space<vmem>>) target(%dma_start3A_1216 : memref<128x128xf32, #tpu.memory_space<hbm>>) target_semaphore(%arg23 : memref<!tpu.dma_semaphore, #tpu.memory_space<semaphore_mem>>)
    %dma_wait3A_1221 = arith.constant 2 : i32
    %dma_wait3A_1222 = arith.constant 1 : i32
    %dma_wait3A_1223 = arith.constant 2 : i32
    %dma_wait3A_1224 = arith.constant 0 : i32
    %dma_wait3A_1225 = arith.constant 0 : i32
    %dma_wait3A_1226 = tpu.memref_slice %arg6[%dma_wait3A_1223, %dma_wait3A_1224, %dma_wait3A_1225] : memref<5x128x128xf32, #tpu.memory_space<vmem>> -> memref<1x128x128xf32, #tpu.memory_space<vmem>>
    %dma_wait3A_1227 = tpu.memref_squeeze %dma_wait3A_1226 : memref<1x128x128xf32, #tpu.memory_space<vmem>> -> memref<128x128xf32, #tpu.memory_space<vmem>>
    %dma_wait3A_1228 = arith.constant 0 : i32
    %dma_wait3A_1229 = arith.constant 0 : i32
    %dma_wait3A_1230 = tpu.memref_slice %arg5[%dma_wait3A_1221, %dma_wait3A_1228, %dma_wait3A_1229] : memref<5x8x128xi32, #tpu.memory_space<vmem>> -> memref<1x8x128xi32, #tpu.memory_space<vmem>>
    %dma_wait3A_1231 = tpu.memref_squeeze %dma_wait3A_1230 : memref<1x8x128xi32, #tpu.memory_space<vmem>> -> memref<8x128xi32, #tpu.memory_space<vmem>>
    %dma_wait3A_1232 = arith.constant 0 : i32
    %dma_wait3A_1233 = tpu.memref_slice %dma_wait3A_1231[%dma_wait3A_1222, %dma_wait3A_1232] : memref<8x128xi32, #tpu.memory_space<vmem>> -> memref<1x128xi32, #tpu.memory_space<vmem>>
    %dma_wait3A_1234 = tpu.memref_squeeze %dma_wait3A_1233 : memref<1x128xi32, #tpu.memory_space<vmem>> -> memref<128xi32, #tpu.memory_space<vmem>>
    %dma_wait3A_1235 = arith.constant 0 : i32
    %dma_wait3A_1236 = arith.constant 0 : i32
    %dma_wait3A_1237 = tpu.memref_slice %arg2[%dma_wait3A_1235, %dma_wait3A_1236] : memref<800000x128xf32, #tpu.memory_space<hbm>> -> memref<800000x128xf32, #tpu.memory_space<hbm>>
    tpu.wait_indirect_dma semaphore(%arg19 : memref<!tpu.dma_semaphore, #tpu.memory_space<semaphore_mem>>) src(%dma_wait3A_1237 : memref<800000x128xf32, #tpu.memory_space<hbm>>) dst(%dma_wait3A_1227 : memref<128x128xf32, #tpu.memory_space<vmem>>)
    %dma_wait3A_1238 = arith.constant 2 : i32
    %dma_wait3A_1239 = arith.constant 2 : i32
    %dma_wait3A_1240 = arith.constant 2 : i32
    %dma_wait3A_1241 = arith.constant 0 : i32
    %dma_wait3A_1242 = arith.constant 0 : i32
    %dma_wait3A_1243 = tpu.memref_slice %arg6[%dma_wait3A_1240, %dma_wait3A_1241, %dma_wait3A_1242] : memref<5x128x128xf32, #tpu.memory_space<vmem>> -> memref<1x128x128xf32, #tpu.memory_space<vmem>>
    %dma_wait3A_1244 = tpu.memref_squeeze %dma_wait3A_1243 : memref<1x128x128xf32, #tpu.memory_space<vmem>> -> memref<128x128xf32, #tpu.memory_space<vmem>>
    %dma_wait3A_1245 = arith.constant 0 : i32
    %dma_wait3A_1246 = arith.constant 0 : i32
    %dma_wait3A_1247 = tpu.memref_slice %arg5[%dma_wait3A_1238, %dma_wait3A_1245, %dma_wait3A_1246] : memref<5x8x128xi32, #tpu.memory_space<vmem>> -> memref<1x8x128xi32, #tpu.memory_space<vmem>>
    %dma_wait3A_1248 = tpu.memref_squeeze %dma_wait3A_1247 : memref<1x8x128xi32, #tpu.memory_space<vmem>> -> memref<8x128xi32, #tpu.memory_space<vmem>>
    %dma_wait3A_1249 = arith.constant 0 : i32
    %dma_wait3A_1250 = tpu.memref_slice %dma_wait3A_1248[%dma_wait3A_1239, %dma_wait3A_1249] : memref<8x128xi32, #tpu.memory_space<vmem>> -> memref<1x128xi32, #tpu.memory_space<vmem>>
    %dma_wait3A_1251 = tpu.memref_squeeze %dma_wait3A_1250 : memref<1x128xi32, #tpu.memory_space<vmem>> -> memref<128xi32, #tpu.memory_space<vmem>>
    %dma_wait3A_1252 = arith.constant 0 : i32
    %dma_wait3A_1253 = arith.constant 0 : i32
    %dma_wait3A_1254 = tpu.memref_slice %arg2[%dma_wait3A_1252, %dma_wait3A_1253] : memref<800000x128xf32, #tpu.memory_space<hbm>> -> memref<800000x128xf32, #tpu.memory_space<hbm>>
    tpu.wait_indirect_dma semaphore(%arg19 : memref<!tpu.dma_semaphore, #tpu.memory_space<semaphore_mem>>) src(%dma_wait3A_1254 : memref<800000x128xf32, #tpu.memory_space<hbm>>) dst(%dma_wait3A_1244 : memref<128x128xf32, #tpu.memory_space<vmem>>)
    %dma_wait3A_1255 = arith.constant 2 : i32
    %dma_wait3A_1256 = arith.constant 3 : i32
    %dma_wait3A_1257 = arith.constant 2 : i32
    %dma_wait3A_1258 = arith.constant 0 : i32
    %dma_wait3A_1259 = arith.constant 0 : i32
    %dma_wait3A_1260 = tpu.memref_slice %arg6[%dma_wait3A_1257, %dma_wait3A_1258, %dma_wait3A_1259] : memref<5x128x128xf32, #tpu.memory_space<vmem>> -> memref<1x128x128xf32, #tpu.memory_space<vmem>>
    %dma_wait3A_1261 = tpu.memref_squeeze %dma_wait3A_1260 : memref<1x128x128xf32, #tpu.memory_space<vmem>> -> memref<128x128xf32, #tpu.memory_space<vmem>>
    %dma_wait3A_1262 = arith.constant 0 : i32
    %dma_wait3A_1263 = arith.constant 0 : i32
    %dma_wait3A_1264 = tpu.memref_slice %arg5[%dma_wait3A_1255, %dma_wait3A_1262, %dma_wait3A_1263] : memref<5x8x128xi32, #tpu.memory_space<vmem>> -> memref<1x8x128xi32, #tpu.memory_space<vmem>>
    %dma_wait3A_1265 = tpu.memref_squeeze %dma_wait3A_1264 : memref<1x8x128xi32, #tpu.memory_space<vmem>> -> memref<8x128xi32, #tpu.memory_space<vmem>>
    %dma_wait3A_1266 = arith.constant 0 : i32
    %dma_wait3A_1267 = tpu.memref_slice %dma_wait3A_1265[%dma_wait3A_1256, %dma_wait3A_1266] : memref<8x128xi32, #tpu.memory_space<vmem>> -> memref<1x128xi32, #tpu.memory_space<vmem>>
    %dma_wait3A_1268 = tpu.memref_squeeze %dma_wait3A_1267 : memref<1x128xi32, #tpu.memory_space<vmem>> -> memref<128xi32, #tpu.memory_space<vmem>>
    %dma_wait3A_1269 = arith.constant 0 : i32
    %dma_wait3A_1270 = arith.constant 0 : i32
    %dma_wait3A_1271 = tpu.memref_slice %arg2[%dma_wait3A_1269, %dma_wait3A_1270] : memref<800000x128xf32, #tpu.memory_space<hbm>> -> memref<800000x128xf32, #tpu.memory_space<hbm>>
    tpu.wait_indirect_dma semaphore(%arg19 : memref<!tpu.dma_semaphore, #tpu.memory_space<semaphore_mem>>) src(%dma_wait3A_1271 : memref<800000x128xf32, #tpu.memory_space<hbm>>) dst(%dma_wait3A_1261 : memref<128x128xf32, #tpu.memory_space<vmem>>)
    %dma_wait3A_1272 = arith.constant 2 : i32
    %dma_wait3A_1273 = arith.constant 4 : i32
    %dma_wait3A_1274 = arith.constant 2 : i32
    %dma_wait3A_1275 = arith.constant 0 : i32
    %dma_wait3A_1276 = arith.constant 0 : i32
    %dma_wait3A_1277 = tpu.memref_slice %arg6[%dma_wait3A_1274, %dma_wait3A_1275, %dma_wait3A_1276] : memref<5x128x128xf32, #tpu.memory_space<vmem>> -> memref<1x128x128xf32, #tpu.memory_space<vmem>>
    %dma_wait3A_1278 = tpu.memref_squeeze %dma_wait3A_1277 : memref<1x128x128xf32, #tpu.memory_space<vmem>> -> memref<128x128xf32, #tpu.memory_space<vmem>>
    %dma_wait3A_1279 = arith.constant 0 : i32
    %dma_wait3A_1280 = arith.constant 0 : i32
    %dma_wait3A_1281 = tpu.memref_slice %arg5[%dma_wait3A_1272, %dma_wait3A_1279, %dma_wait3A_1280] : memref<5x8x128xi32, #tpu.memory_space<vmem>> -> memref<1x8x128xi32, #tpu.memory_space<vmem>>
    %dma_wait3A_1282 = tpu.memref_squeeze %dma_wait3A_1281 : memref<1x8x128xi32, #tpu.memory_space<vmem>> -> memref<8x128xi32, #tpu.memory_space<vmem>>
    %dma_wait3A_1283 = arith.constant 0 : i32
    %dma_wait3A_1284 = tpu.memref_slice %dma_wait3A_1282[%dma_wait3A_1273, %dma_wait3A_1283] : memref<8x128xi32, #tpu.memory_space<vmem>> -> memref<1x128xi32, #tpu.memory_space<vmem>>
    %dma_wait3A_1285 = tpu.memref_squeeze %dma_wait3A_1284 : memref<1x128xi32, #tpu.memory_space<vmem>> -> memref<128xi32, #tpu.memory_space<vmem>>
    %dma_wait3A_1286 = arith.constant 0 : i32
    %dma_wait3A_1287 = arith.constant 0 : i32
    %dma_wait3A_1288 = tpu.memref_slice %arg2[%dma_wait3A_1286, %dma_wait3A_1287] : memref<800000x128xf32, #tpu.memory_space<hbm>> -> memref<800000x128xf32, #tpu.memory_space<hbm>>
    tpu.wait_indirect_dma semaphore(%arg19 : memref<!tpu.dma_semaphore, #tpu.memory_space<semaphore_mem>>) src(%dma_wait3A_1288 : memref<800000x128xf32, #tpu.memory_space<hbm>>) dst(%dma_wait3A_1278 : memref<128x128xf32, #tpu.memory_space<vmem>>)
    %dma_wait3A_1289 = arith.constant 2 : i32
    %dma_wait3A_1290 = arith.constant 5 : i32
    %dma_wait3A_1291 = arith.constant 2 : i32
    %dma_wait3A_1292 = arith.constant 0 : i32
    %dma_wait3A_1293 = arith.constant 0 : i32
    %dma_wait3A_1294 = tpu.memref_slice %arg6[%dma_wait3A_1291, %dma_wait3A_1292, %dma_wait3A_1293] : memref<5x128x128xf32, #tpu.memory_space<vmem>> -> memref<1x128x128xf32, #tpu.memory_space<vmem>>
    %dma_wait3A_1295 = tpu.memref_squeeze %dma_wait3A_1294 : memref<1x128x128xf32, #tpu.memory_space<vmem>> -> memref<128x128xf32, #tpu.memory_space<vmem>>
    %dma_wait3A_1296 = arith.constant 0 : i32
    %dma_wait3A_1297 = arith.constant 0 : i32
    %dma_wait3A_1298 = tpu.memref_slice %arg5[%dma_wait3A_1289, %dma_wait3A_1296, %dma_wait3A_1297] : memref<5x8x128xi32, #tpu.memory_space<vmem>> -> memref<1x8x128xi32, #tpu.memory_space<vmem>>
    %dma_wait3A_1299 = tpu.memref_squeeze %dma_wait3A_1298 : memref<1x8x128xi32, #tpu.memory_space<vmem>> -> memref<8x128xi32, #tpu.memory_space<vmem>>
    %dma_wait3A_1300 = arith.constant 0 : i32
    %dma_wait3A_1301 = tpu.memref_slice %dma_wait3A_1299[%dma_wait3A_1290, %dma_wait3A_1300] : memref<8x128xi32, #tpu.memory_space<vmem>> -> memref<1x128xi32, #tpu.memory_space<vmem>>
    %dma_wait3A_1302 = tpu.memref_squeeze %dma_wait3A_1301 : memref<1x128xi32, #tpu.memory_space<vmem>> -> memref<128xi32, #tpu.memory_space<vmem>>
    %dma_wait3A_1303 = arith.constant 0 : i32
    %dma_wait3A_1304 = arith.constant 0 : i32
    %dma_wait3A_1305 = tpu.memref_slice %arg2[%dma_wait3A_1303, %dma_wait3A_1304] : memref<800000x128xf32, #tpu.memory_space<hbm>> -> memref<800000x128xf32, #tpu.memory_space<hbm>>
    tpu.wait_indirect_dma semaphore(%arg19 : memref<!tpu.dma_semaphore, #tpu.memory_space<semaphore_mem>>) src(%dma_wait3A_1305 : memref<800000x128xf32, #tpu.memory_space<hbm>>) dst(%dma_wait3A_1295 : memref<128x128xf32, #tpu.memory_space<vmem>>)
    %dma_wait3A_1306 = arith.constant 2 : i32
    %dma_wait3A_1307 = arith.constant 6 : i32
    %dma_wait3A_1308 = arith.constant 2 : i32
    %dma_wait3A_1309 = arith.constant 0 : i32
    %dma_wait3A_1310 = arith.constant 0 : i32
    %dma_wait3A_1311 = tpu.memref_slice %arg6[%dma_wait3A_1308, %dma_wait3A_1309, %dma_wait3A_1310] : memref<5x128x128xf32, #tpu.memory_space<vmem>> -> memref<1x128x128xf32, #tpu.memory_space<vmem>>
    %dma_wait3A_1312 = tpu.memref_squeeze %dma_wait3A_1311 : memref<1x128x128xf32, #tpu.memory_space<vmem>> -> memref<128x128xf32, #tpu.memory_space<vmem>>
    %dma_wait3A_1313 = arith.constant 0 : i32
    %dma_wait3A_1314 = arith.constant 0 : i32
    %dma_wait3A_1315 = tpu.memref_slice %arg5[%dma_wait3A_1306, %dma_wait3A_1313, %dma_wait3A_1314] : memref<5x8x128xi32, #tpu.memory_space<vmem>> -> memref<1x8x128xi32, #tpu.memory_space<vmem>>
    %dma_wait3A_1316 = tpu.memref_squeeze %dma_wait3A_1315 : memref<1x8x128xi32, #tpu.memory_space<vmem>> -> memref<8x128xi32, #tpu.memory_space<vmem>>
    %dma_wait3A_1317 = arith.constant 0 : i32
    %dma_wait3A_1318 = tpu.memref_slice %dma_wait3A_1316[%dma_wait3A_1307, %dma_wait3A_1317] : memref<8x128xi32, #tpu.memory_space<vmem>> -> memref<1x128xi32, #tpu.memory_space<vmem>>
    %dma_wait3A_1319 = tpu.memref_squeeze %dma_wait3A_1318 : memref<1x128xi32, #tpu.memory_space<vmem>> -> memref<128xi32, #tpu.memory_space<vmem>>
    %dma_wait3A_1320 = arith.constant 0 : i32
    %dma_wait3A_1321 = arith.constant 0 : i32
    %dma_wait3A_1322 = tpu.memref_slice %arg2[%dma_wait3A_1320, %dma_wait3A_1321] : memref<800000x128xf32, #tpu.memory_space<hbm>> -> memref<800000x128xf32, #tpu.memory_space<hbm>>
    tpu.wait_indirect_dma semaphore(%arg19 : memref<!tpu.dma_semaphore, #tpu.memory_space<semaphore_mem>>) src(%dma_wait3A_1322 : memref<800000x128xf32, #tpu.memory_space<hbm>>) dst(%dma_wait3A_1312 : memref<128x128xf32, #tpu.memory_space<vmem>>)
    %dma_wait3A_1323 = arith.constant 2 : i32
    %dma_wait3A_1324 = arith.constant 7 : i32
    %dma_wait3A_1325 = arith.constant 2 : i32
    %dma_wait3A_1326 = arith.constant 0 : i32
    %dma_wait3A_1327 = arith.constant 0 : i32
    %dma_wait3A_1328 = tpu.memref_slice %arg6[%dma_wait3A_1325, %dma_wait3A_1326, %dma_wait3A_1327] : memref<5x128x128xf32, #tpu.memory_space<vmem>> -> memref<1x128x128xf32, #tpu.memory_space<vmem>>
    %dma_wait3A_1329 = tpu.memref_squeeze %dma_wait3A_1328 : memref<1x128x128xf32, #tpu.memory_space<vmem>> -> memref<128x128xf32, #tpu.memory_space<vmem>>
    %dma_wait3A_1330 = arith.constant 0 : i32
    %dma_wait3A_1331 = arith.constant 0 : i32
    %dma_wait3A_1332 = tpu.memref_slice %arg5[%dma_wait3A_1323, %dma_wait3A_1330, %dma_wait3A_1331] : memref<5x8x128xi32, #tpu.memory_space<vmem>> -> memref<1x8x128xi32, #tpu.memory_space<vmem>>
    %dma_wait3A_1333 = tpu.memref_squeeze %dma_wait3A_1332 : memref<1x8x128xi32, #tpu.memory_space<vmem>> -> memref<8x128xi32, #tpu.memory_space<vmem>>
    %dma_wait3A_1334 = arith.constant 0 : i32
    %dma_wait3A_1335 = tpu.memref_slice %dma_wait3A_1333[%dma_wait3A_1324, %dma_wait3A_1334] : memref<8x128xi32, #tpu.memory_space<vmem>> -> memref<1x128xi32, #tpu.memory_space<vmem>>
    %dma_wait3A_1336 = tpu.memref_squeeze %dma_wait3A_1335 : memref<1x128xi32, #tpu.memory_space<vmem>> -> memref<128xi32, #tpu.memory_space<vmem>>
    %dma_wait3A_1337 = arith.constant 0 : i32
    %dma_wait3A_1338 = arith.constant 0 : i32
    %dma_wait3A_1339 = tpu.memref_slice %arg2[%dma_wait3A_1337, %dma_wait3A_1338] : memref<800000x128xf32, #tpu.memory_space<hbm>> -> memref<800000x128xf32, #tpu.memory_space<hbm>>
    tpu.wait_indirect_dma semaphore(%arg19 : memref<!tpu.dma_semaphore, #tpu.memory_space<semaphore_mem>>) src(%dma_wait3A_1339 : memref<800000x128xf32, #tpu.memory_space<hbm>>) dst(%dma_wait3A_1329 : memref<128x128xf32, #tpu.memory_space<vmem>>)
    %add3A_1340 = arith.constant 6016 : i32
    %add3A_1341 = arith.addi %mul3A_4, %add3A_1340 : i32
    %dma_start3A_1342 = arith.constant 2 : i32
    %dma_start3A_1343 = arith.constant 0 : i32
    %dma_start3A_1344 = arith.constant 0 : i32
    %dma_start3A_1345 = tpu.memref_slice %arg6[%dma_start3A_1342, %dma_start3A_1343, %dma_start3A_1344] : memref<5x128x128xf32, #tpu.memory_space<vmem>> -> memref<1x128x128xf32, #tpu.memory_space<vmem>>
    %dma_start3A_1346 = tpu.memref_squeeze %dma_start3A_1345 : memref<1x128x128xf32, #tpu.memory_space<vmem>> -> memref<128x128xf32, #tpu.memory_space<vmem>>
    %dma_start3A_1347 = arith.constant 0 : i32
    %dma_start3A_1348 = tpu.memref_slice %arg4[%add3A_1341, %dma_start3A_1347] : memref<204800x128xf32, #tpu.memory_space<hbm>> -> memref<128x128xf32, #tpu.memory_space<hbm>>
    %dma_start3A_1349 = arith.constant 0 : i32
    %dma_start3A_1350 = tpu.memref_slice %arg4[%add3A_1341, %dma_start3A_1349] : memref<204800x128xf32, #tpu.memory_space<hbm>> -> memref<128x128xf32, #tpu.memory_space<hbm>>
    %dma_start3A_1351 = arith.constant 0 : i32
    %dma_start3A_1352 = arith.constant 0 : i32
    %dma_start3A_1353 = tpu.memref_slice %arg6[%dma_start3A_1342, %dma_start3A_1351, %dma_start3A_1352] : memref<5x128x128xf32, #tpu.memory_space<vmem>> -> memref<1x128x128xf32, #tpu.memory_space<vmem>>
    %dma_start3A_1354 = tpu.memref_squeeze %dma_start3A_1353 : memref<1x128x128xf32, #tpu.memory_space<vmem>> -> memref<128x128xf32, #tpu.memory_space<vmem>>
    tpu.enqueue_dma source(%dma_start3A_1354 : memref<128x128xf32, #tpu.memory_space<vmem>>) target(%dma_start3A_1350 : memref<128x128xf32, #tpu.memory_space<hbm>>) target_semaphore(%arg24 : memref<!tpu.dma_semaphore, #tpu.memory_space<semaphore_mem>>)
    %dma_wait3A_1355 = arith.constant 3 : i32
    %dma_wait3A_1356 = arith.constant 1 : i32
    %dma_wait3A_1357 = arith.constant 3 : i32
    %dma_wait3A_1358 = arith.constant 0 : i32
    %dma_wait3A_1359 = arith.constant 0 : i32
    %dma_wait3A_1360 = tpu.memref_slice %arg6[%dma_wait3A_1357, %dma_wait3A_1358, %dma_wait3A_1359] : memref<5x128x128xf32, #tpu.memory_space<vmem>> -> memref<1x128x128xf32, #tpu.memory_space<vmem>>
    %dma_wait3A_1361 = tpu.memref_squeeze %dma_wait3A_1360 : memref<1x128x128xf32, #tpu.memory_space<vmem>> -> memref<128x128xf32, #tpu.memory_space<vmem>>
    %dma_wait3A_1362 = arith.constant 0 : i32
    %dma_wait3A_1363 = arith.constant 0 : i32
    %dma_wait3A_1364 = tpu.memref_slice %arg5[%dma_wait3A_1355, %dma_wait3A_1362, %dma_wait3A_1363] : memref<5x8x128xi32, #tpu.memory_space<vmem>> -> memref<1x8x128xi32, #tpu.memory_space<vmem>>
    %dma_wait3A_1365 = tpu.memref_squeeze %dma_wait3A_1364 : memref<1x8x128xi32, #tpu.memory_space<vmem>> -> memref<8x128xi32, #tpu.memory_space<vmem>>
    %dma_wait3A_1366 = arith.constant 0 : i32
    %dma_wait3A_1367 = tpu.memref_slice %dma_wait3A_1365[%dma_wait3A_1356, %dma_wait3A_1366] : memref<8x128xi32, #tpu.memory_space<vmem>> -> memref<1x128xi32, #tpu.memory_space<vmem>>
    %dma_wait3A_1368 = tpu.memref_squeeze %dma_wait3A_1367 : memref<1x128xi32, #tpu.memory_space<vmem>> -> memref<128xi32, #tpu.memory_space<vmem>>
    %dma_wait3A_1369 = arith.constant 0 : i32
    %dma_wait3A_1370 = arith.constant 0 : i32
    %dma_wait3A_1371 = tpu.memref_slice %arg2[%dma_wait3A_1369, %dma_wait3A_1370] : memref<800000x128xf32, #tpu.memory_space<hbm>> -> memref<800000x128xf32, #tpu.memory_space<hbm>>
    tpu.wait_indirect_dma semaphore(%arg20 : memref<!tpu.dma_semaphore, #tpu.memory_space<semaphore_mem>>) src(%dma_wait3A_1371 : memref<800000x128xf32, #tpu.memory_space<hbm>>) dst(%dma_wait3A_1361 : memref<128x128xf32, #tpu.memory_space<vmem>>)
    %dma_wait3A_1372 = arith.constant 3 : i32
    %dma_wait3A_1373 = arith.constant 2 : i32
    %dma_wait3A_1374 = arith.constant 3 : i32
    %dma_wait3A_1375 = arith.constant 0 : i32
    %dma_wait3A_1376 = arith.constant 0 : i32
    %dma_wait3A_1377 = tpu.memref_slice %arg6[%dma_wait3A_1374, %dma_wait3A_1375, %dma_wait3A_1376] : memref<5x128x128xf32, #tpu.memory_space<vmem>> -> memref<1x128x128xf32, #tpu.memory_space<vmem>>
    %dma_wait3A_1378 = tpu.memref_squeeze %dma_wait3A_1377 : memref<1x128x128xf32, #tpu.memory_space<vmem>> -> memref<128x128xf32, #tpu.memory_space<vmem>>
    %dma_wait3A_1379 = arith.constant 0 : i32
    %dma_wait3A_1380 = arith.constant 0 : i32
    %dma_wait3A_1381 = tpu.memref_slice %arg5[%dma_wait3A_1372, %dma_wait3A_1379, %dma_wait3A_1380] : memref<5x8x128xi32, #tpu.memory_space<vmem>> -> memref<1x8x128xi32, #tpu.memory_space<vmem>>
    %dma_wait3A_1382 = tpu.memref_squeeze %dma_wait3A_1381 : memref<1x8x128xi32, #tpu.memory_space<vmem>> -> memref<8x128xi32, #tpu.memory_space<vmem>>
    %dma_wait3A_1383 = arith.constant 0 : i32
    %dma_wait3A_1384 = tpu.memref_slice %dma_wait3A_1382[%dma_wait3A_1373, %dma_wait3A_1383] : memref<8x128xi32, #tpu.memory_space<vmem>> -> memref<1x128xi32, #tpu.memory_space<vmem>>
    %dma_wait3A_1385 = tpu.memref_squeeze %dma_wait3A_1384 : memref<1x128xi32, #tpu.memory_space<vmem>> -> memref<128xi32, #tpu.memory_space<vmem>>
    %dma_wait3A_1386 = arith.constant 0 : i32
    %dma_wait3A_1387 = arith.constant 0 : i32
    %dma_wait3A_1388 = tpu.memref_slice %arg2[%dma_wait3A_1386, %dma_wait3A_1387] : memref<800000x128xf32, #tpu.memory_space<hbm>> -> memref<800000x128xf32, #tpu.memory_space<hbm>>
    tpu.wait_indirect_dma semaphore(%arg20 : memref<!tpu.dma_semaphore, #tpu.memory_space<semaphore_mem>>) src(%dma_wait3A_1388 : memref<800000x128xf32, #tpu.memory_space<hbm>>) dst(%dma_wait3A_1378 : memref<128x128xf32, #tpu.memory_space<vmem>>)
    %dma_wait3A_1389 = arith.constant 3 : i32
    %dma_wait3A_1390 = arith.constant 3 : i32
    %dma_wait3A_1391 = arith.constant 3 : i32
    %dma_wait3A_1392 = arith.constant 0 : i32
    %dma_wait3A_1393 = arith.constant 0 : i32
    %dma_wait3A_1394 = tpu.memref_slice %arg6[%dma_wait3A_1391, %dma_wait3A_1392, %dma_wait3A_1393] : memref<5x128x128xf32, #tpu.memory_space<vmem>> -> memref<1x128x128xf32, #tpu.memory_space<vmem>>
    %dma_wait3A_1395 = tpu.memref_squeeze %dma_wait3A_1394 : memref<1x128x128xf32, #tpu.memory_space<vmem>> -> memref<128x128xf32, #tpu.memory_space<vmem>>
    %dma_wait3A_1396 = arith.constant 0 : i32
    %dma_wait3A_1397 = arith.constant 0 : i32
    %dma_wait3A_1398 = tpu.memref_slice %arg5[%dma_wait3A_1389, %dma_wait3A_1396, %dma_wait3A_1397] : memref<5x8x128xi32, #tpu.memory_space<vmem>> -> memref<1x8x128xi32, #tpu.memory_space<vmem>>
    %dma_wait3A_1399 = tpu.memref_squeeze %dma_wait3A_1398 : memref<1x8x128xi32, #tpu.memory_space<vmem>> -> memref<8x128xi32, #tpu.memory_space<vmem>>
    %dma_wait3A_1400 = arith.constant 0 : i32
    %dma_wait3A_1401 = tpu.memref_slice %dma_wait3A_1399[%dma_wait3A_1390, %dma_wait3A_1400] : memref<8x128xi32, #tpu.memory_space<vmem>> -> memref<1x128xi32, #tpu.memory_space<vmem>>
    %dma_wait3A_1402 = tpu.memref_squeeze %dma_wait3A_1401 : memref<1x128xi32, #tpu.memory_space<vmem>> -> memref<128xi32, #tpu.memory_space<vmem>>
    %dma_wait3A_1403 = arith.constant 0 : i32
    %dma_wait3A_1404 = arith.constant 0 : i32
    %dma_wait3A_1405 = tpu.memref_slice %arg2[%dma_wait3A_1403, %dma_wait3A_1404] : memref<800000x128xf32, #tpu.memory_space<hbm>> -> memref<800000x128xf32, #tpu.memory_space<hbm>>
    tpu.wait_indirect_dma semaphore(%arg20 : memref<!tpu.dma_semaphore, #tpu.memory_space<semaphore_mem>>) src(%dma_wait3A_1405 : memref<800000x128xf32, #tpu.memory_space<hbm>>) dst(%dma_wait3A_1395 : memref<128x128xf32, #tpu.memory_space<vmem>>)
    %dma_wait3A_1406 = arith.constant 3 : i32
    %dma_wait3A_1407 = arith.constant 4 : i32
    %dma_wait3A_1408 = arith.constant 3 : i32
    %dma_wait3A_1409 = arith.constant 0 : i32
    %dma_wait3A_1410 = arith.constant 0 : i32
    %dma_wait3A_1411 = tpu.memref_slice %arg6[%dma_wait3A_1408, %dma_wait3A_1409, %dma_wait3A_1410] : memref<5x128x128xf32, #tpu.memory_space<vmem>> -> memref<1x128x128xf32, #tpu.memory_space<vmem>>
    %dma_wait3A_1412 = tpu.memref_squeeze %dma_wait3A_1411 : memref<1x128x128xf32, #tpu.memory_space<vmem>> -> memref<128x128xf32, #tpu.memory_space<vmem>>
    %dma_wait3A_1413 = arith.constant 0 : i32
    %dma_wait3A_1414 = arith.constant 0 : i32
    %dma_wait3A_1415 = tpu.memref_slice %arg5[%dma_wait3A_1406, %dma_wait3A_1413, %dma_wait3A_1414] : memref<5x8x128xi32, #tpu.memory_space<vmem>> -> memref<1x8x128xi32, #tpu.memory_space<vmem>>
    %dma_wait3A_1416 = tpu.memref_squeeze %dma_wait3A_1415 : memref<1x8x128xi32, #tpu.memory_space<vmem>> -> memref<8x128xi32, #tpu.memory_space<vmem>>
    %dma_wait3A_1417 = arith.constant 0 : i32
    %dma_wait3A_1418 = tpu.memref_slice %dma_wait3A_1416[%dma_wait3A_1407, %dma_wait3A_1417] : memref<8x128xi32, #tpu.memory_space<vmem>> -> memref<1x128xi32, #tpu.memory_space<vmem>>
    %dma_wait3A_1419 = tpu.memref_squeeze %dma_wait3A_1418 : memref<1x128xi32, #tpu.memory_space<vmem>> -> memref<128xi32, #tpu.memory_space<vmem>>
    %dma_wait3A_1420 = arith.constant 0 : i32
    %dma_wait3A_1421 = arith.constant 0 : i32
    %dma_wait3A_1422 = tpu.memref_slice %arg2[%dma_wait3A_1420, %dma_wait3A_1421] : memref<800000x128xf32, #tpu.memory_space<hbm>> -> memref<800000x128xf32, #tpu.memory_space<hbm>>
    tpu.wait_indirect_dma semaphore(%arg20 : memref<!tpu.dma_semaphore, #tpu.memory_space<semaphore_mem>>) src(%dma_wait3A_1422 : memref<800000x128xf32, #tpu.memory_space<hbm>>) dst(%dma_wait3A_1412 : memref<128x128xf32, #tpu.memory_space<vmem>>)
    %dma_wait3A_1423 = arith.constant 3 : i32
    %dma_wait3A_1424 = arith.constant 5 : i32
    %dma_wait3A_1425 = arith.constant 3 : i32
    %dma_wait3A_1426 = arith.constant 0 : i32
    %dma_wait3A_1427 = arith.constant 0 : i32
    %dma_wait3A_1428 = tpu.memref_slice %arg6[%dma_wait3A_1425, %dma_wait3A_1426, %dma_wait3A_1427] : memref<5x128x128xf32, #tpu.memory_space<vmem>> -> memref<1x128x128xf32, #tpu.memory_space<vmem>>
    %dma_wait3A_1429 = tpu.memref_squeeze %dma_wait3A_1428 : memref<1x128x128xf32, #tpu.memory_space<vmem>> -> memref<128x128xf32, #tpu.memory_space<vmem>>
    %dma_wait3A_1430 = arith.constant 0 : i32
    %dma_wait3A_1431 = arith.constant 0 : i32
    %dma_wait3A_1432 = tpu.memref_slice %arg5[%dma_wait3A_1423, %dma_wait3A_1430, %dma_wait3A_1431] : memref<5x8x128xi32, #tpu.memory_space<vmem>> -> memref<1x8x128xi32, #tpu.memory_space<vmem>>
    %dma_wait3A_1433 = tpu.memref_squeeze %dma_wait3A_1432 : memref<1x8x128xi32, #tpu.memory_space<vmem>> -> memref<8x128xi32, #tpu.memory_space<vmem>>
    %dma_wait3A_1434 = arith.constant 0 : i32
    %dma_wait3A_1435 = tpu.memref_slice %dma_wait3A_1433[%dma_wait3A_1424, %dma_wait3A_1434] : memref<8x128xi32, #tpu.memory_space<vmem>> -> memref<1x128xi32, #tpu.memory_space<vmem>>
    %dma_wait3A_1436 = tpu.memref_squeeze %dma_wait3A_1435 : memref<1x128xi32, #tpu.memory_space<vmem>> -> memref<128xi32, #tpu.memory_space<vmem>>
    %dma_wait3A_1437 = arith.constant 0 : i32
    %dma_wait3A_1438 = arith.constant 0 : i32
    %dma_wait3A_1439 = tpu.memref_slice %arg2[%dma_wait3A_1437, %dma_wait3A_1438] : memref<800000x128xf32, #tpu.memory_space<hbm>> -> memref<800000x128xf32, #tpu.memory_space<hbm>>
    tpu.wait_indirect_dma semaphore(%arg20 : memref<!tpu.dma_semaphore, #tpu.memory_space<semaphore_mem>>) src(%dma_wait3A_1439 : memref<800000x128xf32, #tpu.memory_space<hbm>>) dst(%dma_wait3A_1429 : memref<128x128xf32, #tpu.memory_space<vmem>>)
    %dma_wait3A_1440 = arith.constant 3 : i32
    %dma_wait3A_1441 = arith.constant 6 : i32
    %dma_wait3A_1442 = arith.constant 3 : i32
    %dma_wait3A_1443 = arith.constant 0 : i32
    %dma_wait3A_1444 = arith.constant 0 : i32
    %dma_wait3A_1445 = tpu.memref_slice %arg6[%dma_wait3A_1442, %dma_wait3A_1443, %dma_wait3A_1444] : memref<5x128x128xf32, #tpu.memory_space<vmem>> -> memref<1x128x128xf32, #tpu.memory_space<vmem>>
    %dma_wait3A_1446 = tpu.memref_squeeze %dma_wait3A_1445 : memref<1x128x128xf32, #tpu.memory_space<vmem>> -> memref<128x128xf32, #tpu.memory_space<vmem>>
    %dma_wait3A_1447 = arith.constant 0 : i32
    %dma_wait3A_1448 = arith.constant 0 : i32
    %dma_wait3A_1449 = tpu.memref_slice %arg5[%dma_wait3A_1440, %dma_wait3A_1447, %dma_wait3A_1448] : memref<5x8x128xi32, #tpu.memory_space<vmem>> -> memref<1x8x128xi32, #tpu.memory_space<vmem>>
    %dma_wait3A_1450 = tpu.memref_squeeze %dma_wait3A_1449 : memref<1x8x128xi32, #tpu.memory_space<vmem>> -> memref<8x128xi32, #tpu.memory_space<vmem>>
    %dma_wait3A_1451 = arith.constant 0 : i32
    %dma_wait3A_1452 = tpu.memref_slice %dma_wait3A_1450[%dma_wait3A_1441, %dma_wait3A_1451] : memref<8x128xi32, #tpu.memory_space<vmem>> -> memref<1x128xi32, #tpu.memory_space<vmem>>
    %dma_wait3A_1453 = tpu.memref_squeeze %dma_wait3A_1452 : memref<1x128xi32, #tpu.memory_space<vmem>> -> memref<128xi32, #tpu.memory_space<vmem>>
    %dma_wait3A_1454 = arith.constant 0 : i32
    %dma_wait3A_1455 = arith.constant 0 : i32
    %dma_wait3A_1456 = tpu.memref_slice %arg2[%dma_wait3A_1454, %dma_wait3A_1455] : memref<800000x128xf32, #tpu.memory_space<hbm>> -> memref<800000x128xf32, #tpu.memory_space<hbm>>
    tpu.wait_indirect_dma semaphore(%arg20 : memref<!tpu.dma_semaphore, #tpu.memory_space<semaphore_mem>>) src(%dma_wait3A_1456 : memref<800000x128xf32, #tpu.memory_space<hbm>>) dst(%dma_wait3A_1446 : memref<128x128xf32, #tpu.memory_space<vmem>>)
    %dma_wait3A_1457 = arith.constant 3 : i32
    %dma_wait3A_1458 = arith.constant 7 : i32
    %dma_wait3A_1459 = arith.constant 3 : i32
    %dma_wait3A_1460 = arith.constant 0 : i32
    %dma_wait3A_1461 = arith.constant 0 : i32
    %dma_wait3A_1462 = tpu.memref_slice %arg6[%dma_wait3A_1459, %dma_wait3A_1460, %dma_wait3A_1461] : memref<5x128x128xf32, #tpu.memory_space<vmem>> -> memref<1x128x128xf32, #tpu.memory_space<vmem>>
    %dma_wait3A_1463 = tpu.memref_squeeze %dma_wait3A_1462 : memref<1x128x128xf32, #tpu.memory_space<vmem>> -> memref<128x128xf32, #tpu.memory_space<vmem>>
    %dma_wait3A_1464 = arith.constant 0 : i32
    %dma_wait3A_1465 = arith.constant 0 : i32
    %dma_wait3A_1466 = tpu.memref_slice %arg5[%dma_wait3A_1457, %dma_wait3A_1464, %dma_wait3A_1465] : memref<5x8x128xi32, #tpu.memory_space<vmem>> -> memref<1x8x128xi32, #tpu.memory_space<vmem>>
    %dma_wait3A_1467 = tpu.memref_squeeze %dma_wait3A_1466 : memref<1x8x128xi32, #tpu.memory_space<vmem>> -> memref<8x128xi32, #tpu.memory_space<vmem>>
    %dma_wait3A_1468 = arith.constant 0 : i32
    %dma_wait3A_1469 = tpu.memref_slice %dma_wait3A_1467[%dma_wait3A_1458, %dma_wait3A_1468] : memref<8x128xi32, #tpu.memory_space<vmem>> -> memref<1x128xi32, #tpu.memory_space<vmem>>
    %dma_wait3A_1470 = tpu.memref_squeeze %dma_wait3A_1469 : memref<1x128xi32, #tpu.memory_space<vmem>> -> memref<128xi32, #tpu.memory_space<vmem>>
    %dma_wait3A_1471 = arith.constant 0 : i32
    %dma_wait3A_1472 = arith.constant 0 : i32
    %dma_wait3A_1473 = tpu.memref_slice %arg2[%dma_wait3A_1471, %dma_wait3A_1472] : memref<800000x128xf32, #tpu.memory_space<hbm>> -> memref<800000x128xf32, #tpu.memory_space<hbm>>
    tpu.wait_indirect_dma semaphore(%arg20 : memref<!tpu.dma_semaphore, #tpu.memory_space<semaphore_mem>>) src(%dma_wait3A_1473 : memref<800000x128xf32, #tpu.memory_space<hbm>>) dst(%dma_wait3A_1463 : memref<128x128xf32, #tpu.memory_space<vmem>>)
    %add3A_1474 = arith.constant 6144 : i32
    %add3A_1475 = arith.addi %mul3A_4, %add3A_1474 : i32
    %dma_start3A_1476 = arith.constant 3 : i32
    %dma_start3A_1477 = arith.constant 0 : i32
    %dma_start3A_1478 = arith.constant 0 : i32
    %dma_start3A_1479 = tpu.memref_slice %arg6[%dma_start3A_1476, %dma_start3A_1477, %dma_start3A_1478] : memref<5x128x128xf32, #tpu.memory_space<vmem>> -> memref<1x128x128xf32, #tpu.memory_space<vmem>>
    %dma_start3A_1480 = tpu.memref_squeeze %dma_start3A_1479 : memref<1x128x128xf32, #tpu.memory_space<vmem>> -> memref<128x128xf32, #tpu.memory_space<vmem>>
    %dma_start3A_1481 = arith.constant 0 : i32
    %dma_start3A_1482 = tpu.memref_slice %arg4[%add3A_1475, %dma_start3A_1481] : memref<204800x128xf32, #tpu.memory_space<hbm>> -> memref<128x128xf32, #tpu.memory_space<hbm>>
    %dma_start3A_1483 = arith.constant 0 : i32
    %dma_start3A_1484 = tpu.memref_slice %arg4[%add3A_1475, %dma_start3A_1483] : memref<204800x128xf32, #tpu.memory_space<hbm>> -> memref<128x128xf32, #tpu.memory_space<hbm>>
    %dma_start3A_1485 = arith.constant 0 : i32
    %dma_start3A_1486 = arith.constant 0 : i32
    %dma_start3A_1487 = tpu.memref_slice %arg6[%dma_start3A_1476, %dma_start3A_1485, %dma_start3A_1486] : memref<5x128x128xf32, #tpu.memory_space<vmem>> -> memref<1x128x128xf32, #tpu.memory_space<vmem>>
    %dma_start3A_1488 = tpu.memref_squeeze %dma_start3A_1487 : memref<1x128x128xf32, #tpu.memory_space<vmem>> -> memref<128x128xf32, #tpu.memory_space<vmem>>
    tpu.enqueue_dma source(%dma_start3A_1488 : memref<128x128xf32, #tpu.memory_space<vmem>>) target(%dma_start3A_1484 : memref<128x128xf32, #tpu.memory_space<hbm>>) target_semaphore(%arg25 : memref<!tpu.dma_semaphore, #tpu.memory_space<semaphore_mem>>)
    %dma_wait3A_1489 = arith.constant 4 : i32
    %dma_wait3A_1490 = arith.constant 1 : i32
    %dma_wait3A_1491 = arith.constant 4 : i32
    %dma_wait3A_1492 = arith.constant 0 : i32
    %dma_wait3A_1493 = arith.constant 0 : i32
    %dma_wait3A_1494 = tpu.memref_slice %arg6[%dma_wait3A_1491, %dma_wait3A_1492, %dma_wait3A_1493] : memref<5x128x128xf32, #tpu.memory_space<vmem>> -> memref<1x128x128xf32, #tpu.memory_space<vmem>>
    %dma_wait3A_1495 = tpu.memref_squeeze %dma_wait3A_1494 : memref<1x128x128xf32, #tpu.memory_space<vmem>> -> memref<128x128xf32, #tpu.memory_space<vmem>>
    %dma_wait3A_1496 = arith.constant 0 : i32
    %dma_wait3A_1497 = arith.constant 0 : i32
    %dma_wait3A_1498 = tpu.memref_slice %arg5[%dma_wait3A_1489, %dma_wait3A_1496, %dma_wait3A_1497] : memref<5x8x128xi32, #tpu.memory_space<vmem>> -> memref<1x8x128xi32, #tpu.memory_space<vmem>>
    %dma_wait3A_1499 = tpu.memref_squeeze %dma_wait3A_1498 : memref<1x8x128xi32, #tpu.memory_space<vmem>> -> memref<8x128xi32, #tpu.memory_space<vmem>>
    %dma_wait3A_1500 = arith.constant 0 : i32
    %dma_wait3A_1501 = tpu.memref_slice %dma_wait3A_1499[%dma_wait3A_1490, %dma_wait3A_1500] : memref<8x128xi32, #tpu.memory_space<vmem>> -> memref<1x128xi32, #tpu.memory_space<vmem>>
    %dma_wait3A_1502 = tpu.memref_squeeze %dma_wait3A_1501 : memref<1x128xi32, #tpu.memory_space<vmem>> -> memref<128xi32, #tpu.memory_space<vmem>>
    %dma_wait3A_1503 = arith.constant 0 : i32
    %dma_wait3A_1504 = arith.constant 0 : i32
    %dma_wait3A_1505 = tpu.memref_slice %arg2[%dma_wait3A_1503, %dma_wait3A_1504] : memref<800000x128xf32, #tpu.memory_space<hbm>> -> memref<800000x128xf32, #tpu.memory_space<hbm>>
    tpu.wait_indirect_dma semaphore(%arg21 : memref<!tpu.dma_semaphore, #tpu.memory_space<semaphore_mem>>) src(%dma_wait3A_1505 : memref<800000x128xf32, #tpu.memory_space<hbm>>) dst(%dma_wait3A_1495 : memref<128x128xf32, #tpu.memory_space<vmem>>)
    %dma_wait3A_1506 = arith.constant 4 : i32
    %dma_wait3A_1507 = arith.constant 2 : i32
    %dma_wait3A_1508 = arith.constant 4 : i32
    %dma_wait3A_1509 = arith.constant 0 : i32
    %dma_wait3A_1510 = arith.constant 0 : i32
    %dma_wait3A_1511 = tpu.memref_slice %arg6[%dma_wait3A_1508, %dma_wait3A_1509, %dma_wait3A_1510] : memref<5x128x128xf32, #tpu.memory_space<vmem>> -> memref<1x128x128xf32, #tpu.memory_space<vmem>>
    %dma_wait3A_1512 = tpu.memref_squeeze %dma_wait3A_1511 : memref<1x128x128xf32, #tpu.memory_space<vmem>> -> memref<128x128xf32, #tpu.memory_space<vmem>>
    %dma_wait3A_1513 = arith.constant 0 : i32
    %dma_wait3A_1514 = arith.constant 0 : i32
    %dma_wait3A_1515 = tpu.memref_slice %arg5[%dma_wait3A_1506, %dma_wait3A_1513, %dma_wait3A_1514] : memref<5x8x128xi32, #tpu.memory_space<vmem>> -> memref<1x8x128xi32, #tpu.memory_space<vmem>>
    %dma_wait3A_1516 = tpu.memref_squeeze %dma_wait3A_1515 : memref<1x8x128xi32, #tpu.memory_space<vmem>> -> memref<8x128xi32, #tpu.memory_space<vmem>>
    %dma_wait3A_1517 = arith.constant 0 : i32
    %dma_wait3A_1518 = tpu.memref_slice %dma_wait3A_1516[%dma_wait3A_1507, %dma_wait3A_1517] : memref<8x128xi32, #tpu.memory_space<vmem>> -> memref<1x128xi32, #tpu.memory_space<vmem>>
    %dma_wait3A_1519 = tpu.memref_squeeze %dma_wait3A_1518 : memref<1x128xi32, #tpu.memory_space<vmem>> -> memref<128xi32, #tpu.memory_space<vmem>>
    %dma_wait3A_1520 = arith.constant 0 : i32
    %dma_wait3A_1521 = arith.constant 0 : i32
    %dma_wait3A_1522 = tpu.memref_slice %arg2[%dma_wait3A_1520, %dma_wait3A_1521] : memref<800000x128xf32, #tpu.memory_space<hbm>> -> memref<800000x128xf32, #tpu.memory_space<hbm>>
    tpu.wait_indirect_dma semaphore(%arg21 : memref<!tpu.dma_semaphore, #tpu.memory_space<semaphore_mem>>) src(%dma_wait3A_1522 : memref<800000x128xf32, #tpu.memory_space<hbm>>) dst(%dma_wait3A_1512 : memref<128x128xf32, #tpu.memory_space<vmem>>)
    %dma_wait3A_1523 = arith.constant 4 : i32
    %dma_wait3A_1524 = arith.constant 3 : i32
    %dma_wait3A_1525 = arith.constant 4 : i32
    %dma_wait3A_1526 = arith.constant 0 : i32
    %dma_wait3A_1527 = arith.constant 0 : i32
    %dma_wait3A_1528 = tpu.memref_slice %arg6[%dma_wait3A_1525, %dma_wait3A_1526, %dma_wait3A_1527] : memref<5x128x128xf32, #tpu.memory_space<vmem>> -> memref<1x128x128xf32, #tpu.memory_space<vmem>>
    %dma_wait3A_1529 = tpu.memref_squeeze %dma_wait3A_1528 : memref<1x128x128xf32, #tpu.memory_space<vmem>> -> memref<128x128xf32, #tpu.memory_space<vmem>>
    %dma_wait3A_1530 = arith.constant 0 : i32
    %dma_wait3A_1531 = arith.constant 0 : i32
    %dma_wait3A_1532 = tpu.memref_slice %arg5[%dma_wait3A_1523, %dma_wait3A_1530, %dma_wait3A_1531] : memref<5x8x128xi32, #tpu.memory_space<vmem>> -> memref<1x8x128xi32, #tpu.memory_space<vmem>>
    %dma_wait3A_1533 = tpu.memref_squeeze %dma_wait3A_1532 : memref<1x8x128xi32, #tpu.memory_space<vmem>> -> memref<8x128xi32, #tpu.memory_space<vmem>>
    %dma_wait3A_1534 = arith.constant 0 : i32
    %dma_wait3A_1535 = tpu.memref_slice %dma_wait3A_1533[%dma_wait3A_1524, %dma_wait3A_1534] : memref<8x128xi32, #tpu.memory_space<vmem>> -> memref<1x128xi32, #tpu.memory_space<vmem>>
    %dma_wait3A_1536 = tpu.memref_squeeze %dma_wait3A_1535 : memref<1x128xi32, #tpu.memory_space<vmem>> -> memref<128xi32, #tpu.memory_space<vmem>>
    %dma_wait3A_1537 = arith.constant 0 : i32
    %dma_wait3A_1538 = arith.constant 0 : i32
    %dma_wait3A_1539 = tpu.memref_slice %arg2[%dma_wait3A_1537, %dma_wait3A_1538] : memref<800000x128xf32, #tpu.memory_space<hbm>> -> memref<800000x128xf32, #tpu.memory_space<hbm>>
    tpu.wait_indirect_dma semaphore(%arg21 : memref<!tpu.dma_semaphore, #tpu.memory_space<semaphore_mem>>) src(%dma_wait3A_1539 : memref<800000x128xf32, #tpu.memory_space<hbm>>) dst(%dma_wait3A_1529 : memref<128x128xf32, #tpu.memory_space<vmem>>)
    %dma_wait3A_1540 = arith.constant 4 : i32
    %dma_wait3A_1541 = arith.constant 4 : i32
    %dma_wait3A_1542 = arith.constant 4 : i32
    %dma_wait3A_1543 = arith.constant 0 : i32
    %dma_wait3A_1544 = arith.constant 0 : i32
    %dma_wait3A_1545 = tpu.memref_slice %arg6[%dma_wait3A_1542, %dma_wait3A_1543, %dma_wait3A_1544] : memref<5x128x128xf32, #tpu.memory_space<vmem>> -> memref<1x128x128xf32, #tpu.memory_space<vmem>>
    %dma_wait3A_1546 = tpu.memref_squeeze %dma_wait3A_1545 : memref<1x128x128xf32, #tpu.memory_space<vmem>> -> memref<128x128xf32, #tpu.memory_space<vmem>>
    %dma_wait3A_1547 = arith.constant 0 : i32
    %dma_wait3A_1548 = arith.constant 0 : i32
    %dma_wait3A_1549 = tpu.memref_slice %arg5[%dma_wait3A_1540, %dma_wait3A_1547, %dma_wait3A_1548] : memref<5x8x128xi32, #tpu.memory_space<vmem>> -> memref<1x8x128xi32, #tpu.memory_space<vmem>>
    %dma_wait3A_1550 = tpu.memref_squeeze %dma_wait3A_1549 : memref<1x8x128xi32, #tpu.memory_space<vmem>> -> memref<8x128xi32, #tpu.memory_space<vmem>>
    %dma_wait3A_1551 = arith.constant 0 : i32
    %dma_wait3A_1552 = tpu.memref_slice %dma_wait3A_1550[%dma_wait3A_1541, %dma_wait3A_1551] : memref<8x128xi32, #tpu.memory_space<vmem>> -> memref<1x128xi32, #tpu.memory_space<vmem>>
    %dma_wait3A_1553 = tpu.memref_squeeze %dma_wait3A_1552 : memref<1x128xi32, #tpu.memory_space<vmem>> -> memref<128xi32, #tpu.memory_space<vmem>>
    %dma_wait3A_1554 = arith.constant 0 : i32
    %dma_wait3A_1555 = arith.constant 0 : i32
    %dma_wait3A_1556 = tpu.memref_slice %arg2[%dma_wait3A_1554, %dma_wait3A_1555] : memref<800000x128xf32, #tpu.memory_space<hbm>> -> memref<800000x128xf32, #tpu.memory_space<hbm>>
    tpu.wait_indirect_dma semaphore(%arg21 : memref<!tpu.dma_semaphore, #tpu.memory_space<semaphore_mem>>) src(%dma_wait3A_1556 : memref<800000x128xf32, #tpu.memory_space<hbm>>) dst(%dma_wait3A_1546 : memref<128x128xf32, #tpu.memory_space<vmem>>)
    %dma_wait3A_1557 = arith.constant 4 : i32
    %dma_wait3A_1558 = arith.constant 5 : i32
    %dma_wait3A_1559 = arith.constant 4 : i32
    %dma_wait3A_1560 = arith.constant 0 : i32
    %dma_wait3A_1561 = arith.constant 0 : i32
    %dma_wait3A_1562 = tpu.memref_slice %arg6[%dma_wait3A_1559, %dma_wait3A_1560, %dma_wait3A_1561] : memref<5x128x128xf32, #tpu.memory_space<vmem>> -> memref<1x128x128xf32, #tpu.memory_space<vmem>>
    %dma_wait3A_1563 = tpu.memref_squeeze %dma_wait3A_1562 : memref<1x128x128xf32, #tpu.memory_space<vmem>> -> memref<128x128xf32, #tpu.memory_space<vmem>>
    %dma_wait3A_1564 = arith.constant 0 : i32
    %dma_wait3A_1565 = arith.constant 0 : i32
    %dma_wait3A_1566 = tpu.memref_slice %arg5[%dma_wait3A_1557, %dma_wait3A_1564, %dma_wait3A_1565] : memref<5x8x128xi32, #tpu.memory_space<vmem>> -> memref<1x8x128xi32, #tpu.memory_space<vmem>>
    %dma_wait3A_1567 = tpu.memref_squeeze %dma_wait3A_1566 : memref<1x8x128xi32, #tpu.memory_space<vmem>> -> memref<8x128xi32, #tpu.memory_space<vmem>>
    %dma_wait3A_1568 = arith.constant 0 : i32
    %dma_wait3A_1569 = tpu.memref_slice %dma_wait3A_1567[%dma_wait3A_1558, %dma_wait3A_1568] : memref<8x128xi32, #tpu.memory_space<vmem>> -> memref<1x128xi32, #tpu.memory_space<vmem>>
    %dma_wait3A_1570 = tpu.memref_squeeze %dma_wait3A_1569 : memref<1x128xi32, #tpu.memory_space<vmem>> -> memref<128xi32, #tpu.memory_space<vmem>>
    %dma_wait3A_1571 = arith.constant 0 : i32
    %dma_wait3A_1572 = arith.constant 0 : i32
    %dma_wait3A_1573 = tpu.memref_slice %arg2[%dma_wait3A_1571, %dma_wait3A_1572] : memref<800000x128xf32, #tpu.memory_space<hbm>> -> memref<800000x128xf32, #tpu.memory_space<hbm>>
    tpu.wait_indirect_dma semaphore(%arg21 : memref<!tpu.dma_semaphore, #tpu.memory_space<semaphore_mem>>) src(%dma_wait3A_1573 : memref<800000x128xf32, #tpu.memory_space<hbm>>) dst(%dma_wait3A_1563 : memref<128x128xf32, #tpu.memory_space<vmem>>)
    %dma_wait3A_1574 = arith.constant 4 : i32
    %dma_wait3A_1575 = arith.constant 6 : i32
    %dma_wait3A_1576 = arith.constant 4 : i32
    %dma_wait3A_1577 = arith.constant 0 : i32
    %dma_wait3A_1578 = arith.constant 0 : i32
    %dma_wait3A_1579 = tpu.memref_slice %arg6[%dma_wait3A_1576, %dma_wait3A_1577, %dma_wait3A_1578] : memref<5x128x128xf32, #tpu.memory_space<vmem>> -> memref<1x128x128xf32, #tpu.memory_space<vmem>>
    %dma_wait3A_1580 = tpu.memref_squeeze %dma_wait3A_1579 : memref<1x128x128xf32, #tpu.memory_space<vmem>> -> memref<128x128xf32, #tpu.memory_space<vmem>>
    %dma_wait3A_1581 = arith.constant 0 : i32
    %dma_wait3A_1582 = arith.constant 0 : i32
    %dma_wait3A_1583 = tpu.memref_slice %arg5[%dma_wait3A_1574, %dma_wait3A_1581, %dma_wait3A_1582] : memref<5x8x128xi32, #tpu.memory_space<vmem>> -> memref<1x8x128xi32, #tpu.memory_space<vmem>>
    %dma_wait3A_1584 = tpu.memref_squeeze %dma_wait3A_1583 : memref<1x8x128xi32, #tpu.memory_space<vmem>> -> memref<8x128xi32, #tpu.memory_space<vmem>>
    %dma_wait3A_1585 = arith.constant 0 : i32
    %dma_wait3A_1586 = tpu.memref_slice %dma_wait3A_1584[%dma_wait3A_1575, %dma_wait3A_1585] : memref<8x128xi32, #tpu.memory_space<vmem>> -> memref<1x128xi32, #tpu.memory_space<vmem>>
    %dma_wait3A_1587 = tpu.memref_squeeze %dma_wait3A_1586 : memref<1x128xi32, #tpu.memory_space<vmem>> -> memref<128xi32, #tpu.memory_space<vmem>>
    %dma_wait3A_1588 = arith.constant 0 : i32
    %dma_wait3A_1589 = arith.constant 0 : i32
    %dma_wait3A_1590 = tpu.memref_slice %arg2[%dma_wait3A_1588, %dma_wait3A_1589] : memref<800000x128xf32, #tpu.memory_space<hbm>> -> memref<800000x128xf32, #tpu.memory_space<hbm>>
    tpu.wait_indirect_dma semaphore(%arg21 : memref<!tpu.dma_semaphore, #tpu.memory_space<semaphore_mem>>) src(%dma_wait3A_1590 : memref<800000x128xf32, #tpu.memory_space<hbm>>) dst(%dma_wait3A_1580 : memref<128x128xf32, #tpu.memory_space<vmem>>)
    %dma_wait3A_1591 = arith.constant 4 : i32
    %dma_wait3A_1592 = arith.constant 7 : i32
    %dma_wait3A_1593 = arith.constant 4 : i32
    %dma_wait3A_1594 = arith.constant 0 : i32
    %dma_wait3A_1595 = arith.constant 0 : i32
    %dma_wait3A_1596 = tpu.memref_slice %arg6[%dma_wait3A_1593, %dma_wait3A_1594, %dma_wait3A_1595] : memref<5x128x128xf32, #tpu.memory_space<vmem>> -> memref<1x128x128xf32, #tpu.memory_space<vmem>>
    %dma_wait3A_1597 = tpu.memref_squeeze %dma_wait3A_1596 : memref<1x128x128xf32, #tpu.memory_space<vmem>> -> memref<128x128xf32, #tpu.memory_space<vmem>>
    %dma_wait3A_1598 = arith.constant 0 : i32
    %dma_wait3A_1599 = arith.constant 0 : i32
    %dma_wait3A_1600 = tpu.memref_slice %arg5[%dma_wait3A_1591, %dma_wait3A_1598, %dma_wait3A_1599] : memref<5x8x128xi32, #tpu.memory_space<vmem>> -> memref<1x8x128xi32, #tpu.memory_space<vmem>>
    %dma_wait3A_1601 = tpu.memref_squeeze %dma_wait3A_1600 : memref<1x8x128xi32, #tpu.memory_space<vmem>> -> memref<8x128xi32, #tpu.memory_space<vmem>>
    %dma_wait3A_1602 = arith.constant 0 : i32
    %dma_wait3A_1603 = tpu.memref_slice %dma_wait3A_1601[%dma_wait3A_1592, %dma_wait3A_1602] : memref<8x128xi32, #tpu.memory_space<vmem>> -> memref<1x128xi32, #tpu.memory_space<vmem>>
    %dma_wait3A_1604 = tpu.memref_squeeze %dma_wait3A_1603 : memref<1x128xi32, #tpu.memory_space<vmem>> -> memref<128xi32, #tpu.memory_space<vmem>>
    %dma_wait3A_1605 = arith.constant 0 : i32
    %dma_wait3A_1606 = arith.constant 0 : i32
    %dma_wait3A_1607 = tpu.memref_slice %arg2[%dma_wait3A_1605, %dma_wait3A_1606] : memref<800000x128xf32, #tpu.memory_space<hbm>> -> memref<800000x128xf32, #tpu.memory_space<hbm>>
    tpu.wait_indirect_dma semaphore(%arg21 : memref<!tpu.dma_semaphore, #tpu.memory_space<semaphore_mem>>) src(%dma_wait3A_1607 : memref<800000x128xf32, #tpu.memory_space<hbm>>) dst(%dma_wait3A_1597 : memref<128x128xf32, #tpu.memory_space<vmem>>)
    %add3A_1608 = arith.constant 6272 : i32
    %add3A_1609 = arith.addi %mul3A_4, %add3A_1608 : i32
    %dma_start3A_1610 = arith.constant 4 : i32
    %dma_start3A_1611 = arith.constant 0 : i32
    %dma_start3A_1612 = arith.constant 0 : i32
    %dma_start3A_1613 = tpu.memref_slice %arg6[%dma_start3A_1610, %dma_start3A_1611, %dma_start3A_1612] : memref<5x128x128xf32, #tpu.memory_space<vmem>> -> memref<1x128x128xf32, #tpu.memory_space<vmem>>
    %dma_start3A_1614 = tpu.memref_squeeze %dma_start3A_1613 : memref<1x128x128xf32, #tpu.memory_space<vmem>> -> memref<128x128xf32, #tpu.memory_space<vmem>>
    %dma_start3A_1615 = arith.constant 0 : i32
    %dma_start3A_1616 = tpu.memref_slice %arg4[%add3A_1609, %dma_start3A_1615] : memref<204800x128xf32, #tpu.memory_space<hbm>> -> memref<128x128xf32, #tpu.memory_space<hbm>>
    %dma_start3A_1617 = arith.constant 0 : i32
    %dma_start3A_1618 = tpu.memref_slice %arg4[%add3A_1609, %dma_start3A_1617] : memref<204800x128xf32, #tpu.memory_space<hbm>> -> memref<128x128xf32, #tpu.memory_space<hbm>>
    %dma_start3A_1619 = arith.constant 0 : i32
    %dma_start3A_1620 = arith.constant 0 : i32
    %dma_start3A_1621 = tpu.memref_slice %arg6[%dma_start3A_1610, %dma_start3A_1619, %dma_start3A_1620] : memref<5x128x128xf32, #tpu.memory_space<vmem>> -> memref<1x128x128xf32, #tpu.memory_space<vmem>>
    %dma_start3A_1622 = tpu.memref_squeeze %dma_start3A_1621 : memref<1x128x128xf32, #tpu.memory_space<vmem>> -> memref<128x128xf32, #tpu.memory_space<vmem>>
    tpu.enqueue_dma source(%dma_start3A_1622 : memref<128x128xf32, #tpu.memory_space<vmem>>) target(%dma_start3A_1618 : memref<128x128xf32, #tpu.memory_space<hbm>>) target_semaphore(%arg26 : memref<!tpu.dma_semaphore, #tpu.memory_space<semaphore_mem>>)
    %dma_wait3A_1623 = arith.constant 0 : i32
    %dma_wait3A_1624 = arith.constant 0 : i32
    %dma_wait3A_1625 = arith.constant 0 : i32
    %dma_wait3A_1626 = tpu.memref_slice %arg6[%dma_wait3A_1623, %dma_wait3A_1624, %dma_wait3A_1625] : memref<5x128x128xf32, #tpu.memory_space<vmem>> -> memref<1x128x128xf32, #tpu.memory_space<vmem>>
    %dma_wait3A_1627 = tpu.memref_squeeze %dma_wait3A_1626 : memref<1x128x128xf32, #tpu.memory_space<vmem>> -> memref<128x128xf32, #tpu.memory_space<vmem>>
    %dma_wait3A_1628 = arith.constant 0 : i32
    %dma_wait3A_1629 = tpu.memref_slice %arg4[%mul3A_4, %dma_wait3A_1628] : memref<204800x128xf32, #tpu.memory_space<hbm>> -> memref<128x128xf32, #tpu.memory_space<hbm>>
    %dma_wait3A_1630 = arith.constant 0 : i32
    %dma_wait3A_1631 = tpu.memref_slice %arg4[%mul3A_4, %dma_wait3A_1630] : memref<204800x128xf32, #tpu.memory_space<hbm>> -> memref<128x128xf32, #tpu.memory_space<hbm>>
    %dma_wait3A_1632 = arith.constant 0 : i32
    %dma_wait3A_1633 = arith.constant 0 : i32
    %dma_wait3A_1634 = tpu.memref_slice %arg6[%dma_wait3A_1623, %dma_wait3A_1632, %dma_wait3A_1633] : memref<5x128x128xf32, #tpu.memory_space<vmem>> -> memref<1x128x128xf32, #tpu.memory_space<vmem>>
    %dma_wait3A_1635 = tpu.memref_squeeze %dma_wait3A_1634 : memref<1x128x128xf32, #tpu.memory_space<vmem>> -> memref<128x128xf32, #tpu.memory_space<vmem>>
    tpu.wait_dma2 semaphore(%arg22 : memref<!tpu.dma_semaphore, #tpu.memory_space<semaphore_mem>>) src(%dma_wait3A_1635 : memref<128x128xf32, #tpu.memory_space<vmem>>) dst(%dma_wait3A_1631 : memref<128x128xf32, #tpu.memory_space<hbm>>)
    %dma_wait3A_1636 = arith.constant 1 : i32
    %dma_wait3A_1637 = arith.constant 0 : i32
    %dma_wait3A_1638 = arith.constant 0 : i32
    %dma_wait3A_1639 = tpu.memref_slice %arg6[%dma_wait3A_1636, %dma_wait3A_1637, %dma_wait3A_1638] : memref<5x128x128xf32, #tpu.memory_space<vmem>> -> memref<1x128x128xf32, #tpu.memory_space<vmem>>
    %dma_wait3A_1640 = tpu.memref_squeeze %dma_wait3A_1639 : memref<1x128x128xf32, #tpu.memory_space<vmem>> -> memref<128x128xf32, #tpu.memory_space<vmem>>
    %dma_wait3A_1641 = arith.constant 0 : i32
    %dma_wait3A_1642 = tpu.memref_slice %arg4[%mul3A_4, %dma_wait3A_1641] : memref<204800x128xf32, #tpu.memory_space<hbm>> -> memref<128x128xf32, #tpu.memory_space<hbm>>
    %dma_wait3A_1643 = arith.constant 0 : i32
    %dma_wait3A_1644 = tpu.memref_slice %arg4[%mul3A_4, %dma_wait3A_1643] : memref<204800x128xf32, #tpu.memory_space<hbm>> -> memref<128x128xf32, #tpu.memory_space<hbm>>
    %dma_wait3A_1645 = arith.constant 0 : i32
    %dma_wait3A_1646 = arith.constant 0 : i32
    %dma_wait3A_1647 = tpu.memref_slice %arg6[%dma_wait3A_1636, %dma_wait3A_1645, %dma_wait3A_1646] : memref<5x128x128xf32, #tpu.memory_space<vmem>> -> memref<1x128x128xf32, #tpu.memory_space<vmem>>
    %dma_wait3A_1648 = tpu.memref_squeeze %dma_wait3A_1647 : memref<1x128x128xf32, #tpu.memory_space<vmem>> -> memref<128x128xf32, #tpu.memory_space<vmem>>
    tpu.wait_dma2 semaphore(%arg23 : memref<!tpu.dma_semaphore, #tpu.memory_space<semaphore_mem>>) src(%dma_wait3A_1648 : memref<128x128xf32, #tpu.memory_space<vmem>>) dst(%dma_wait3A_1644 : memref<128x128xf32, #tpu.memory_space<hbm>>)
    %dma_wait3A_1649 = arith.constant 2 : i32
    %dma_wait3A_1650 = arith.constant 0 : i32
    %dma_wait3A_1651 = arith.constant 0 : i32
    %dma_wait3A_1652 = tpu.memref_slice %arg6[%dma_wait3A_1649, %dma_wait3A_1650, %dma_wait3A_1651] : memref<5x128x128xf32, #tpu.memory_space<vmem>> -> memref<1x128x128xf32, #tpu.memory_space<vmem>>
    %dma_wait3A_1653 = tpu.memref_squeeze %dma_wait3A_1652 : memref<1x128x128xf32, #tpu.memory_space<vmem>> -> memref<128x128xf32, #tpu.memory_space<vmem>>
    %dma_wait3A_1654 = arith.constant 0 : i32
    %dma_wait3A_1655 = tpu.memref_slice %arg4[%mul3A_4, %dma_wait3A_1654] : memref<204800x128xf32, #tpu.memory_space<hbm>> -> memref<128x128xf32, #tpu.memory_space<hbm>>
    %dma_wait3A_1656 = arith.constant 0 : i32
    %dma_wait3A_1657 = tpu.memref_slice %arg4[%mul3A_4, %dma_wait3A_1656] : memref<204800x128xf32, #tpu.memory_space<hbm>> -> memref<128x128xf32, #tpu.memory_space<hbm>>
    %dma_wait3A_1658 = arith.constant 0 : i32
    %dma_wait3A_1659 = arith.constant 0 : i32
    %dma_wait3A_1660 = tpu.memref_slice %arg6[%dma_wait3A_1649, %dma_wait3A_1658, %dma_wait3A_1659] : memref<5x128x128xf32, #tpu.memory_space<vmem>> -> memref<1x128x128xf32, #tpu.memory_space<vmem>>
    %dma_wait3A_1661 = tpu.memref_squeeze %dma_wait3A_1660 : memref<1x128x128xf32, #tpu.memory_space<vmem>> -> memref<128x128xf32, #tpu.memory_space<vmem>>
    tpu.wait_dma2 semaphore(%arg24 : memref<!tpu.dma_semaphore, #tpu.memory_space<semaphore_mem>>) src(%dma_wait3A_1661 : memref<128x128xf32, #tpu.memory_space<vmem>>) dst(%dma_wait3A_1657 : memref<128x128xf32, #tpu.memory_space<hbm>>)
    %dma_wait3A_1662 = arith.constant 3 : i32
    %dma_wait3A_1663 = arith.constant 0 : i32
    %dma_wait3A_1664 = arith.constant 0 : i32
    %dma_wait3A_1665 = tpu.memref_slice %arg6[%dma_wait3A_1662, %dma_wait3A_1663, %dma_wait3A_1664] : memref<5x128x128xf32, #tpu.memory_space<vmem>> -> memref<1x128x128xf32, #tpu.memory_space<vmem>>
    %dma_wait3A_1666 = tpu.memref_squeeze %dma_wait3A_1665 : memref<1x128x128xf32, #tpu.memory_space<vmem>> -> memref<128x128xf32, #tpu.memory_space<vmem>>
    %dma_wait3A_1667 = arith.constant 0 : i32
    %dma_wait3A_1668 = tpu.memref_slice %arg4[%mul3A_4, %dma_wait3A_1667] : memref<204800x128xf32, #tpu.memory_space<hbm>> -> memref<128x128xf32, #tpu.memory_space<hbm>>
    %dma_wait3A_1669 = arith.constant 0 : i32
    %dma_wait3A_1670 = tpu.memref_slice %arg4[%mul3A_4, %dma_wait3A_1669] : memref<204800x128xf32, #tpu.memory_space<hbm>> -> memref<128x128xf32, #tpu.memory_space<hbm>>
    %dma_wait3A_1671 = arith.constant 0 : i32
    %dma_wait3A_1672 = arith.constant 0 : i32
    %dma_wait3A_1673 = tpu.memref_slice %arg6[%dma_wait3A_1662, %dma_wait3A_1671, %dma_wait3A_1672] : memref<5x128x128xf32, #tpu.memory_space<vmem>> -> memref<1x128x128xf32, #tpu.memory_space<vmem>>
    %dma_wait3A_1674 = tpu.memref_squeeze %dma_wait3A_1673 : memref<1x128x128xf32, #tpu.memory_space<vmem>> -> memref<128x128xf32, #tpu.memory_space<vmem>>
    tpu.wait_dma2 semaphore(%arg25 : memref<!tpu.dma_semaphore, #tpu.memory_space<semaphore_mem>>) src(%dma_wait3A_1674 : memref<128x128xf32, #tpu.memory_space<vmem>>) dst(%dma_wait3A_1670 : memref<128x128xf32, #tpu.memory_space<hbm>>)
    %dma_wait3A_1675 = arith.constant 4 : i32
    %dma_wait3A_1676 = arith.constant 0 : i32
    %dma_wait3A_1677 = arith.constant 0 : i32
    %dma_wait3A_1678 = tpu.memref_slice %arg6[%dma_wait3A_1675, %dma_wait3A_1676, %dma_wait3A_1677] : memref<5x128x128xf32, #tpu.memory_space<vmem>> -> memref<1x128x128xf32, #tpu.memory_space<vmem>>
    %dma_wait3A_1679 = tpu.memref_squeeze %dma_wait3A_1678 : memref<1x128x128xf32, #tpu.memory_space<vmem>> -> memref<128x128xf32, #tpu.memory_space<vmem>>
    %dma_wait3A_1680 = arith.constant 0 : i32
    %dma_wait3A_1681 = tpu.memref_slice %arg4[%mul3A_4, %dma_wait3A_1680] : memref<204800x128xf32, #tpu.memory_space<hbm>> -> memref<128x128xf32, #tpu.memory_space<hbm>>
    %dma_wait3A_1682 = arith.constant 0 : i32
    %dma_wait3A_1683 = tpu.memref_slice %arg4[%mul3A_4, %dma_wait3A_1682] : memref<204800x128xf32, #tpu.memory_space<hbm>> -> memref<128x128xf32, #tpu.memory_space<hbm>>
    %dma_wait3A_1684 = arith.constant 0 : i32
    %dma_wait3A_1685 = arith.constant 0 : i32
    %dma_wait3A_1686 = tpu.memref_slice %arg6[%dma_wait3A_1675, %dma_wait3A_1684, %dma_wait3A_1685] : memref<5x128x128xf32, #tpu.memory_space<vmem>> -> memref<1x128x128xf32, #tpu.memory_space<vmem>>
    %dma_wait3A_1687 = tpu.memref_squeeze %dma_wait3A_1686 : memref<1x128x128xf32, #tpu.memory_space<vmem>> -> memref<128x128xf32, #tpu.memory_space<vmem>>
    tpu.wait_dma2 semaphore(%arg26 : memref<!tpu.dma_semaphore, #tpu.memory_space<semaphore_mem>>) src(%dma_wait3A_1687 : memref<128x128xf32, #tpu.memory_space<vmem>>) dst(%dma_wait3A_1683 : memref<128x128xf32, #tpu.memory_space<hbm>>)
    return
  }
}

module attributes {stable_mosaic.version = 14 : i64} {
  func.func @_precompute_body(%arg0: i32, %arg1: i32, %arg2: memref<1x10000x64xf32, #tpu.memory_space<vmem>>, %arg3: memref<1x64x128xf32, #tpu.memory_space<vmem>>, %arg4: memref<1x128xf32, #tpu.memory_space<vmem>>, %arg5: memref<1x10000x128xf32, #tpu.memory_space<vmem>>) attributes {dimension_semantics = [#tpu.dimension_semantics<arbitrary>, #tpu.dimension_semantics<arbitrary>], iteration_bounds = array<i64: 8, 10>, scalar_prefetch = 0 : i64, scratch_operands = 0 : i64, tpu.core_type = #tpu.core_type<tc>, window_params = [{transform_indices = @transform_0, window_bounds = array<i64: 1, 10000, 64>}, {transform_indices = @transform_1, window_bounds = array<i64: 1, 64, 128>}, {pipeline_mode = #tpu.pipeline_mode<synchronous>, transform_indices = @transform_2, window_bounds = array<i64: 1, 128>}, {transform_indices = @transform_3, window_bounds = array<i64: 1, 10000, 128>}]} {
    %get3A = arith.constant 0 : index
    %get3A_0 = arith.constant 0 : index
    %get3A_1 = arith.constant 0 : index
    %get3A_2 = vector.load %arg2[%get3A, %get3A_0, %get3A_1] : memref<1x10000x64xf32, #tpu.memory_space<vmem>>, vector<1x10000x64xf32>
    %get3A_3 = vector.shape_cast %get3A_2 : vector<1x10000x64xf32> to vector<10000x64xf32>
    %convert_element_type3A = arith.truncf %get3A_3 : vector<10000x64xf32> to vector<10000x64xbf16>
    %get3A_4 = arith.constant 0 : index
    %get3A_5 = arith.constant 0 : index
    %get3A_6 = arith.constant 0 : index
    %get3A_7 = vector.load %arg3[%get3A_4, %get3A_5, %get3A_6] : memref<1x64x128xf32, #tpu.memory_space<vmem>>, vector<1x64x128xf32>
    %get3A_8 = vector.shape_cast %get3A_7 : vector<1x64x128xf32> to vector<64x128xf32>
    %convert_element_type3A_9 = arith.truncf %get3A_8 : vector<64x128xf32> to vector<64x128xbf16>
    %dot_general3A = arith.constant dense<0.000000e+00> : vector<10000x128xf32>
    %dot_general3A_10 = tpu.matmul %convert_element_type3A, %convert_element_type3A_9, %dot_general3A {dimension_numbers = #tpu.dot_dimension_numbers<[1], [0], [0], [1], [0, 0, 1, 1], [], []>, transpose_lhs_hint = false} : vector<10000x64xbf16>, vector<64x128xbf16>, vector<10000x128xf32> -> vector<10000x128xf32>
    %get3A_11 = arith.constant 0 : index
    %get3A_12 = arith.constant 0 : index
    %get3A_13 = vector.load %arg4[%get3A_11, %get3A_12] : memref<1x128xf32, #tpu.memory_space<vmem>>, vector<1x128xf32>
    %mul3A = arith.constant 1.250000e-01 : f32
    %mul3A_14 = vector.broadcast %mul3A : f32 to vector<1x128xf32>
    %mul3A_15 = arith.mulf %get3A_13, %mul3A_14 : vector<1x128xf32>
    %add3A = vector.broadcast %mul3A_15 : vector<1x128xf32> to vector<10000x128xf32>
    %add3A_16 = arith.addf %dot_general3A_10, %add3A : vector<10000x128xf32>
    %swap3A = arith.constant 0 : index
    %swap3A_17 = arith.constant 0 : index
    %swap3A_18 = arith.constant 0 : index
    %swap3A_19 = vector.load %arg5[%swap3A, %swap3A_17, %swap3A_18] : memref<1x10000x128xf32, #tpu.memory_space<vmem>>, vector<1x10000x128xf32>
    %swap3A_20 = vector.shape_cast %swap3A_19 : vector<1x10000x128xf32> to vector<10000x128xf32>
    %swap3A_21 = vector.shape_cast %add3A_16 : vector<10000x128xf32> to vector<1x10000x128xf32>
    tpu.vector_store %arg5[%swap3A, %swap3A_17, %swap3A_18], %swap3A_21 {strides = array<i32>} : memref<1x10000x128xf32, #tpu.memory_space<vmem>>, vector<1x10000x128xf32>,
    return
  }
  func.func @transform_0(%arg0: i32, %arg1: i32) -> (i32, i32, i32) {
    %c0_i32 = arith.constant 0 : i32
    %c0_i32_0 = arith.constant 0 : i32
    return %arg0, %arg1, %c0_i32 : i32, i32, i32
  }
  func.func @transform_1(%arg0: i32, %arg1: i32) -> (i32, i32, i32) {
    %c0_i32 = arith.constant 0 : i32
    %c0_i32_0 = arith.constant 0 : i32
    %c0_i32_1 = arith.constant 0 : i32
    return %arg0, %c0_i32, %c0_i32_0 : i32, i32, i32
  }
  func.func @transform_2(%arg0: i32, %arg1: i32) -> (i32, i32) {
    %c0_i32 = arith.constant 0 : i32
    %c0_i32_0 = arith.constant 0 : i32
    %c0_i32_1 = arith.constant 0 : i32
    return %c0_i32, %c0_i32_0 : i32, i32
  }
  func.func @transform_3(%arg0: i32, %arg1: i32) -> (i32, i32, i32) {
    %c0_i32 = arith.constant 0 : i32
    %c0_i32_0 = arith.constant 0 : i32
    return %arg0, %arg1, %c0_i32 : i32, i32, i32
  }
}

</mosaic_0001>

<sc_bundles>
// kernel: kernel.4.cloned.1.call-start
scs
__scs_entry_jumppad:
0x0: {  	(pc) =	sbr.rel $0x88, $3  }
0x1: {  	(tag) =	ssettag $0x0;
	lr =	simm.s32 $0x1  }
0x2: {  	[smem:$0x3F9D] =	sst lr;
	_ =	strace $0xD0000000  }
0x3: {  	_ = 	snop  }
0x4: {  	_ = 	snop  }
0x5: {  	_ = 	snop  }
0x6: {  	_ = 	snop  }
0x7: {  	_ = 	snop  }
__scs_overlays_trampoline_lowered:
0x8: {  	[smem:$0x3FAC] =	sst s0  }
0x9: {  	[smem:$0x3FAD] =	sst s1  }
0xa: {  	[smem:$0x3FAE] =	sst s2  }
0xb: {  	[smem:$0x3FAF] =	sst s3  }
0xc: {  	[smem:$0x3FB0] =	sst s4  }
0xd: {  	[smem:$0x3FB1] =	sst s5  }
0xe: {  	[smem:$0x3FB2] =	sst s6  }
0xf: {  	[smem:$0x3FB3] =	sst s7  }
0x10: {  	[smem:$0x3FB4] =	sst s8  }
0x11: {  	[smem:$0x3FB5] =	sst s9;
	s0 =	simm.s32 @!p0 $0x0  }
0x12: {  	s1 =	sld [smem:$0x3F9B];
	s0 =	simm.s32 @p0 $0x1  }
0x13: {  	[smem:$0x3FB6] =	sst s0;
	s0 =	simm.s32 @!p1 $0x0  }
0x14: {  	s2 =	sld [smem:$0x3F9A];
	s0 =	simm.s32 @p1 $0x1  }
0x15: {  	[smem:$0x3FB7] =	sst s0;
	s0 =	simm.s32 @!p2 $0x0  }
0x16: {  	s3 =	sld [smem:$0x3FDB];
	s0 =	simm.s32 @p2 $0x1  }
0x17: {  	s4 =	simm.s32 $0x1BF5;
	[smem:$0x3FB9] =	sst s0  }
0x18: {  	s0 =	sld [smem:$0x3F9C];
	_ =	swait.ge [sflag:s4], $0x0  }
0x19: {  	s7 =	sld [smem:$0x3F9D]  }
0x1a: {  	s8 =	sadd.s32 $0xFFFFE003, lr  }
0x1b: {  	s9 =	sadd.s32 $0xFFFFFEF7, lr;
	s5 =	simm.s32 $0xFFFFFFFF;
	p2 =	slt.u32 s8, $0xFFFFF086  }
0x1c: {  	p1 =	slt.u32 s9, $0xF7A;
	s5 =	simm.s32 @!p2 $0x0  }
0x1d: {  	s5 =	simm.s32 @p1 $0x1;
	p0 =	seq.s32 s7, s2  }
0x1e: {  	s7 =	smul.u32 @!p0 $0xF7A, s2;
	p2 =	seq.s32 @!p0 s5, $0x0  }
0x1f: {  	s9 =	smul.u32 $0xF7A, s1;
	s8 =	simm.s32 @!p0 $0x1BF5;
	p2 =	por !p2, p0  }
0x20: {  	[sflag:s8] =	ssyncset.s32 @!p0 $0xFFFFF086;
	s6 =	sadd.s32 @!p0 s3, s7;
	s7 =	simm.s32 @!p0 $0x108  }
0x21: {  	s3 =	sadd.s32 s3, s9;
	s6 =	sadd.s32 @!p0 $0x88, s6;
	s7 =	simm.s32 @p2 $0x1082  }
0x22: {  	[simem:s7], [sflag:s8] =	dma.local @!p0 [hbm:s6], $0xF7A  }
0x23: {  	s9 =	sor.u32 $0xD0000000, s2;
	s6 =	simm.s32 $0x108;
	_ =	swait.ge @!p0 [sflag:s8], $0x0  }
0x24: {  	s3 =	sadd.s32 $0x88, s3;
	s6 =	simm.s32 @!p1 $0x1082;
	[sflag:s4] =	ssyncset.s32 $0xFFFFF086  }
0x25: {  	[simem:s6], [sflag:s4] =	dma.local [hbm:s3], $0xF7A  }
0x26: {  	[smem:$0x3F9D] =	sst s1;
	(tag) =	ssettag s2;
	_ =	strace s9  }
0x27: {  	s1 =	sld [smem:$0x3FAD]  }
0x28: {  	s2 =	sld [smem:$0x3FAE]  }
0x29: {  	s4 =	sld [smem:$0x3FB0]  }
0x2a: {  	p0 =	seq.s32 s5, $0x0;
	s5 =	sld [smem:$0x3FB1]  }
0x2b: {  	s6 =	sld [smem:$0x3FB2]  }
0x2c: {  	s7 =	sld [smem:$0x3FB3]  }
0x2d: {  	s3 =	simm.s32 $0x108;
	s8 =	sld [smem:$0x3FB4]  }
0x2e: {  	s3 =	simm.s32 @!p0 $0x1082;
	s9 =	sld [smem:$0x3FB5]  }
0x2f: {  	lr =	sadd.s32 s0, s3;
	s0 =	sld [smem:$0x3FAC]  }
0x30: {  	s3 =	sld [smem:$0x3FAF]  }
0x31: {  	[smem:$0x3FB8] =	sst s10  }
0x32: {  	s10 =	sld [smem:$0x3FB6];
	_ =	sdelay $0x3  }
0x33: {  	p0 =	seq.s32 s10, $0x1;
	s10 =	sld [smem:$0x3FB8];
	_ =	sdelay $0x3  }
0x34: {  	[smem:$0x3FB8] =	sst s10  }
0x35: {  	s10 =	sld [smem:$0x3FB7];
	_ =	sdelay $0x3  }
0x36: {  	p1 =	seq.s32 s10, $0x1;
	s10 =	sld [smem:$0x3FB8];
	_ =	sdelay $0x3  }
0x37: {  	[smem:$0x3FB8] =	sst s10  }
0x38: {  	s10 =	sld [smem:$0x3FB9]  }
0x39: {  	_ = 	snop;
	(pc) =	sbr.ind lr, $3  }
0x3a: {  	_ = 	snop  }
0x3b: {  	_ = 	snop  }
0x3c: {  	p2 =	seq.s32 s10, $0x1;
	s10 =	sld [smem:$0x3FB8]  }
0x3d: {  	_ =	shalt  }
0x3e: {  	_ =	shalt  }
0x3f: {  	_ =	shalt  }
0x40: {  	_ =	shalt  }
0x41: {  	_ =	shalt  }
0x42: {  	_ =	shalt  }
0x43: {  	_ =	shalt  }
0x44: {  	_ =	shalt  }
0x45: {  	_ =	shalt  }
0x46: {  	_ =	shalt  }
0x47: {  	_ =	shalt  }
0x48: {  	_ =	shalt  }
0x49: {  	_ =	shalt  }
0x4a: {  	_ =	shalt  }
0x4b: {  	_ =	shalt  }
0x4c: {  	_ =	shalt  }
0x4d: {  	_ =	shalt  }
0x4e: {  	_ =	shalt  }
0x4f: {  	_ =	shalt  }
0x50: {  	_ =	shalt  }
0x51: {  	_ =	shalt  }
0x52: {  	_ =	shalt  }
0x53: {  	_ =	shalt  }
0x54: {  	_ =	shalt  }
0x55: {  	_ =	shalt  }
0x56: {  	_ =	shalt  }
0x57: {  	_ =	shalt  }
0x58: {  	_ =	shalt  }
0x59: {  	_ =	shalt  }
0x5a: {  	_ =	shalt  }
0x5b: {  	_ =	shalt  }
0x5c: {  	_ =	shalt  }
0x5d: {  	_ =	shalt  }
0x5e: {  	_ =	shalt  }
0x5f: {  	_ =	shalt  }
0x60: {  	_ =	shalt  }
0x61: {  	_ =	shalt  }
0x62: {  	_ =	shalt  }
0x63: {  	_ =	shalt  }
0x64: {  	_ =	shalt  }
0x65: {  	_ =	shalt  }
0x66: {  	_ =	shalt  }
0x67: {  	_ =	shalt  }
0x68: {  	_ =	shalt  }
0x69: {  	_ =	shalt  }
0x6a: {  	_ =	shalt  }
0x6b: {  	_ =	shalt  }
0x6c: {  	_ =	shalt  }
0x6d: {  	_ =	shalt  }
0x6e: {  	_ =	shalt  }
0x6f: {  	_ =	shalt  }
0x70: {  	_ =	shalt  }
0x71: {  	_ =	shalt  }
0x72: {  	_ =	shalt  }
0x73: {  	_ =	shalt  }
0x74: {  	_ =	shalt  }
0x75: {  	_ =	shalt  }
0x76: {  	_ =	shalt  }
0x77: {  	_ =	shalt  }
0x78: {  	_ =	shalt  }
0x79: {  	_ =	shalt  }
0x7a: {  	_ =	shalt  }
0x7b: {  	_ =	shalt  }
0x7c: {  	_ =	shalt  }
0x7d: {  	_ =	shalt  }
0x7e: {  	_ =	shalt  }
0x7f: {  	_ =	shalt  }
0x80: {  	_ =	shalt  }
0x81: {  	_ =	shalt  }
0x82: {  	_ =	shalt  }
0x83: {  	_ =	shalt  }
0x84: {  	_ =	shalt  }
0x85: {  	_ =	shalt  }
0x86: {  	_ =	shalt  }
0x87: {  	_ =	shalt  }
.Lfunc_end0:
.L_simem_size_0:
called_computation.1_lowered:
.L_overlay_start_0:
0x88: {  	s2 =	sld [smem:$0x3FD9]  }
0x89: {  	s3 =	sld [smem:$0x3FFE];
	_ =	sdelay $0x1  }
0x8a: {  	s1 =	srdreg.scid  }
0x8b: {  	s0 =	sand.u32 $0x1, s1  }
0x8c: {  	s17 =	sshll.u32 s0, $0xA;
	s2 =	sadd.s32 s3, s2  }
0x8d: {  	s2 =	sadd.s32 s2, s17  }
0x8e: {  	[smem:$0x3FC4] =	sst s2  }
0x8f: {  	_ = 	snop  }
0x90: {  	s2 =	sld [smem:$0x3FD0];
	(tm) =	ssettm $0x1  }
0x91: {  	s18 =	sld [smem:$0x3FFB];
	_ =	sdelay $0x3  }
0x92: {  	_ =	strace s18  }
0x93: {  	s3 =	sld [smem:$0x3FFC];
	_ =	sdelay $0x3  }
0x94: {  	_ =	strace s3  }
0x95: {  	s3 =	sld [smem:$0x3FFD];
	_ =	sdelay $0x3  }
0x96: {  	_ =	strace s3  }
0x97: {  	_ =	strace $0x8FFFFFFF  }
0x98: {  	s19 =	sld [smem:$0x3FDB];
	_ =	sdelay $0x1  }
0x99: {  	s4 =	simm.s32 $_scs_section_size  }
0x9a: {  	s5 =	simm.s32 $_size__tile_overlayer_lowered;
	s6 =	simm.s32 $_tile_overlayer_lowered  }
0x9b: {  	s22 =	simm.s32 $0x1BFF;
	s21 =	sshll.u32 s6, $0x1;
	s3 =	sadd.s32 s4, s19  }
0x9c: {  	s7 =	simm.s32 $0x0;
	s20 =	sshll.u32 s5, $0x1;
	s5 =	sadd.s32 s21, s3  }
0x9d: {  	[timem:s7], [sflag:s22] =	dma.local [hbm:s5], s20  }
0x9e: {  	_ =	swait.ge [sflag:s22], s20  }
0x9f: {  	s4 =	ssub.s32 $0x0, s20;
	[sflag:s22] =	ssyncset.done $0x0  }
0xa0: {  	[sflag:s22] =	ssyncadd.s32 s4;
	_ =	sdelay $0x1  }
0xa1: {  	s23 =	simm.s32 $0x1B8B  }
0xa2: {  	_ =	swait.ge [sflag:s23], $0x1  }
0xa3: {  	[sflag:s23] =	ssyncset.done $0x0  }
0xa4: {  	s25 =	simm.s32 $0x1B8E;
	s24 =	sld [smem:$0x3FFE];
	[sflag:s23] =	ssyncadd.s32 $0xFFFFFFFF  }
0xa5: {  	s26 =	simm.s32 $execute0_lowered;
	[smem:$0x3FD2] =	sst s25  }
0xa6: {  	s5 =	sshll.u32 s26, $0x1;
	_ =	strace $0x80000046;
	[dreg:$0x1] =	wrdreg $0xFFFFFFFF  }
0xa7: {  	s28 =	simm.s32 $_size_execute0_lowered;
	s3 =	sadd.s32 s3, s5;
	[dreg:$0x0] =	wrdreg $0x0  }
0xa8: {  	s5 =	sshll.u32 s28, $0x1;
	[dreg:$0x2] =	wrdreg s3  }
0xa9: {  	[dreg:$0x3] =	wrdreg s5  }
0xaa: {  	[dreg:$0x4] =	wrdreg $0xC0  }
0xab: {  	_ =	task [dreg:s7], $0x5FFFF  }
0xac: {  	[dreg:$0x1] =	wrdreg $0xFFFFFFFF  }
0xad: {  	[dreg:$0x0] =	wrdreg $0x60  }
0xae: {  	[dreg:$0x2] =	wrdreg s24  }
0xaf: {  	[dreg:$0x3] =	wrdreg s2  }
0xb0: {  	[dreg:$0x4] =	wrdreg $0x9  }
0xb1: {  	_ =	task.clear_ibuf [dreg:s7], $0x5FFFF;
	_ =	strace $0x90000046  }
0xb2: {  	s29 =	simm.s32 $0x9;
	_ =	strace $0x80000048  }
0xb3: {  	_ =	swait.ge [sflag:s29], $0x1  }
0xb4: {  	[sflag:s29] =	ssyncadd.s32 $0xFFFFFFFF  }
0xb5: {  	_ =	strace $0x90000048  }
0xb6: {  	_ =	sfence  }
0xb7: {  	s30 =	sld [smem:$0x0];
	_ =	sdelay $0x2  }
0xb8: {  	s31 =	sshll.u32 s1, $0xD;
	s1 =	sshrl.u32 s1, $0x2  }
0xb9: {  	s3 =	sand.u32 $0x4000, s31;
	s1 =	sadd.s32 s1, s30  }
0xba: {  	s0 =	sor.u32 s3, s0;
	s1 =	sshll.u32 s1, $0x11  }
0xbb: {  	s0 =	sor.u32 s1, s0  }
0xbc: {  	s0 =	sadd.s32 $0x8F2B, s0  }
0xbd: {  	[sflag:s0] =	ssyncadd.remote.s32 $0x1  }
0xbe: {  	_ =	sfence.sel $0xFFFF  }
0xbf: {  	[dreg:$0x0] =	wrdreg $0xFFFFFFFF;
	(pc) =	sbr.abs _section_cstart, $3  }
0xc0: {  	[dreg:$0x1] =	wrdreg $0xFFFFFFFF  }
0xc1: {  	_ =	task.clear_ibuf [dreg:s7], $0x2FFFF;
	_ =	strace $0x9FFFFFFF  }
0xc2: {  	(tm) =	ssettm $0x7FFFFFFF  }
0xc3: {  	_ =	shalt  }
tec
execute0_lowered:
.L_overlay_start_1:
0x0: {  	(tag) =	ssettag $0x1  }
0x1: {  	s0 =	rddreg [dreg:$0x0]  }
0x2: {  	s1 =	rddreg [dreg:$0x1];
	s2 =	simm.s32 $0x0;
	s3 =	srdreg.scid  }
0x3: {  	s10 =	stileid.u32;
	s28 =	simm.s32 $0x400;
	s29 =	simm.s32 $0x9400  }
0x4: {  	s31 =	simm.s32 $0xD400;
	s12 =	simm.s32 $0x5;
	s13 =	simm.s32 $0xD  }
0x5: {  	[smem:$0x7FF] =	sst s2;
	s4 =	sand.u32 $0x1, s3;
	s17 =	smul.u32 $0x32000, s10  }
0x6: {  	s14 =	sshll.u32 s10, $0x1;
	s3 =	sadd.s32 $0xC68000, s0;
	s10 =	smul.u32 $0x64, s10  }
0x7: {  	s9 =	sadd.s32 $0xC36000, s0;
	s0 =	sadd.s32 $0xC36080, s0;
	s20 =	smul.u32 $0x32, s4  }
0x8: {  	s5 =	ssub.s32 $0x2, s4;
	s6 =	sor.u32 s4, s14;
	s4 =	smul.u32 $0x19000, s4  }
0x9: {  	s30 =	simm.s32 $0x800;
	_ =	strace $0x80000047;
	s15 =	smul.u32 $0x1900, s6  }
0xa: {  	s14 =	simm.s32 $0xE;
	s7 =	sshrl.u32 s5, $0x1;
	s8 =	smul.u32 $0xC800, s6  }
0xb: {  	s6 =	smul.u32 $0xC8000, s6;
	s5 =	ssub.s32 s5, s7;
	s11 =	sadd.s32 s9, s15  }
0xc: {  	s8 =	sshrl.u32 s8, $0x3;
	s7 =	sadd.s32 s15, s0;
	[dreg:$0x4] =	wrdreg s11  }
0xd: {  	s5 =	smax.u32 s5, $0x1;
	[dreg:$0x5] =	wrdreg s7;
	s16 =	sadd.s32 s9, s8  }
0xe: {  	s6 =	sshrl.u32 s6, $0x3;
	[dreg:$0xe] =	wrdreg s5;
	s8 =	sadd.s32 $0x100, s16  }
0xf: {  	s15 =	simm.s32 $0xF;
	s18 =	sadd.s32 $0x180, s16;
	[dreg:$0x6] =	wrdreg s8  }
0x10: {  	s6 =	sadd.s32 s1, s6;
	s7 =	sadd.s32 $0x200, s16;
	[dreg:$0x7] =	wrdreg s18  }
0x11: {  	s1 =	sadd.s32 s17, s1;
	s19 =	sadd.s32 $0x16800, s6;
	[dreg:$0x8] =	wrdreg s7  }
0x12: {  	s11 =	simm.s32 $0x2;
	s21 =	sadd.s32 $0x17000, s6;
	[dreg:$0x9] =	wrdreg s19  }
0x13: {  	s17 =	simm.s32 $0x4;
	s22 =	sadd.s32 $0x17800, s6;
	[dreg:$0xa] =	wrdreg s21  }
0x14: {  	s5 =	simm.s32 $0x11;
	s23 =	sadd.s32 $0x18000, s6;
	[dreg:$0xb] =	wrdreg s22  }
0x15: {  	s6 =	sadd.s32 $0x18800, s6;
	s1 =	sadd.s32 s4, s1;
	[dreg:$0xc] =	wrdreg s23  }
0x16: {  	s4 =	simm.s32 $0x1;
	s16 =	simm.s32 $0x10;
	[dreg:$0xd] =	wrdreg s6  }
0x17: {  	s7 =	sadd.s32 s20, s10;
	[dreg:$0x3] =	wrdreg s1;
	s20 =	simm.s32 $0x800  }
0x18: {  	s23 =	simm.s32 $0x80;
	s6 =	simm.s32 $0x3;
	s1 =	simm.s32 $0x11400  }
0x19: {  	s10 =	simm.s32 $0xC;
	s8 =	simm.s32 $0x13;
	s24 =	sshll.u32 s7, $0x7  }
0x1a: {  	s18 =	simm.s32 $0x14;
	s7 =	simm.s32 $0x12;
	s0 =	sadd.s32 s0, s24  }
0x1b: {  	s26 =	sadd.s32 s24, s9;
	s24 =	simm.s32 $0x1400;
	s25 =	sadd.s32 $0x400, s0  }
0x1c: {  	s9 =	simm.s32 $0xB;
	s0 =	sadd.s32 $0x300, s0;
	[dreg:$0xf] =	wrdreg s25  }
0x1d: {  	[dreg:$0x10] =	wrdreg s0;
	s0 =	sadd.s32 $0x280, s26;
	s25 =	simm.s32 $0xC00  }
0x1e: {  	s26 =	simm.s32 $0x5400;
	[dreg:$0x11] =	wrdreg s0;
	s0 =	simm.s32 $0x0  }
.LBB2_1:
0x1f: {  	[dreg:$0x12] =	wrdreg s0  }
0x20: {  	s19 =	rddreg [dreg:$0x4]  }
0x21: {  	[tilespmem:s2], [sflag:$0x1] =	stream.linear.gather [hbm4b:s19+s2], $0x400, $0x38;
	[tilespmem:$0x15400] =	vst v63  }
0x22: {  	s22 =	rddreg [dreg:$0x5]  }
0x23: {  	[tilespmem:s28], [sflag:$0x2] =	stream.linear.gather [hbm4b:s22+s2], $0x400, $0x38;
	[tilespmem:$0x15400] =	vst v63  }
0x24: {  	s0 =	rddreg [dreg:$0x6]  }
0x25: {  	[tilespmem:s20], [sflag:$0x3] =	stream.linear.gather [hbm4b:s0+s2], $0x400, $0x38;
	[tilespmem:$0x15400] =	vst v63  }
0x26: {  	s21 =	rddreg [dreg:$0x7]  }
0x27: {  	[tilespmem:s25], [sflag:$0x4] =	stream.linear.gather [hbm4b:s21+s2], $0x400, $0x38;
	[tilespmem:$0x15400] =	vst v63  }
0x28: {  	s22 =	rddreg [dreg:$0x8];
	s0 =	simm.s32 $0x1000  }
0x29: {  	[tilespmem:s0], [sflag:$0x5] =	stream.linear.gather [hbm4b:s22+s2], $0x400, $0x38;
	[tilespmem:$0x15400] =	vst v63  }
0x2a: {  	_ =	swait.ge [sflag:s4], $0x400  }
0x2b: {  	[sflag:s4] =	ssyncset.done $0x0  }
0x2c: {  	[sflag:s4] =	ssyncadd.s32 $0xFFFFFC00  }
0x2d: {  	[tilespmem:s24], [sflag:$0x6] =	stream.indirect.gather [hbm4b:s3+s23], $0x80, s2, s23, $0xb8;
	[tilespmem:$0x15400] =	vst v63  }
0x2e: {  	_ =	swait.ge [sflag:s11], $0x400  }
0x2f: {  	[sflag:s11] =	ssyncset.done $0x0  }
0x30: {  	[sflag:s11] =	ssyncadd.s32 $0xFFFFFC00  }
0x31: {  	[tilespmem:s26], [sflag:$0x7] =	stream.indirect.gather [hbm4b:s3+s23], $0x80, s28, s23, $0xb8;
	[tilespmem:$0x15400] =	vst v63  }
0x32: {  	_ =	swait.ge [sflag:s6], $0x400  }
0x33: {  	[sflag:s6] =	ssyncset.done $0x0  }
0x34: {  	[sflag:s6] =	ssyncadd.s32 $0xFFFFFC00  }
0x35: {  	[tilespmem:s29], [sflag:$0x8] =	stream.indirect.gather [hbm4b:s3+s23], $0x80, s20, s23, $0xb8;
	[tilespmem:$0x15400] =	vst v63  }
0x36: {  	_ =	swait.ge [sflag:s17], $0x400  }
0x37: {  	[sflag:s17] =	ssyncset.done $0x0  }
0x38: {  	[sflag:s17] =	ssyncadd.s32 $0xFFFFFC00  }
0x39: {  	[tilespmem:s31], [sflag:$0x9] =	stream.indirect.gather [hbm4b:s3+s23], $0x80, s25, s23, $0xb8;
	[tilespmem:$0x15400] =	vst v63  }
0x3a: {  	_ =	swait.ge [sflag:s12], $0x400  }
0x3b: {  	[sflag:s12] =	ssyncset.done $0x0  }
0x3c: {  	s19 =	simm.s32 $0x6;
	[sflag:s12] =	ssyncadd.s32 $0xFFFFFC00  }
0x3d: {  	[tilespmem:s1], [sflag:$0xA] =	stream.indirect.gather [hbm4b:s3+s23], $0x80, s0, s23, $0xb8;
	[tilespmem:$0x15400] =	vst v63  }
0x3e: {  	_ =	swait.ge [sflag:s19], $0x4000  }
0x3f: {  	[sflag:s19] =	ssyncset.done $0x0  }
0x40: {  	[sflag:s19] =	ssyncadd.s32 $0xFFFFC000  }
0x41: {  	[tilespmem:s24], [sflag:$0xB] =	stream.indirect.gather.add.f32 [hbm:s3], $0x80, s23, s23, $0xb8;
	[tilespmem:$0x15400] =	vst v63  }
0x42: {  	s20 =	simm.s32 $0x100  }
0x43: {  	[tilespmem:s24], [sflag:$0xB] =	stream.indirect.gather.add.f32 [hbm:s3], $0x80, s20, s23, $0xb8;
	[tilespmem:$0x15400] =	vst v63  }
0x44: {  	s21 =	simm.s32 $0x180  }
0x45: {  	[tilespmem:s24], [sflag:$0xB] =	stream.indirect.gather.add.f32 [hbm:s3], $0x80, s21, s23, $0xb8;
	[tilespmem:$0x15400] =	vst v63  }
0x46: {  	s22 =	simm.s32 $0x200  }
0x47: {  	[tilespmem:s24], [sflag:$0xB] =	stream.indirect.gather.add.f32 [hbm:s3], $0x80, s22, s23, $0xb8;
	[tilespmem:$0x15400] =	vst v63  }
0x48: {  	s11 =	simm.s32 $0x280  }
0x49: {  	[tilespmem:s24], [sflag:$0xB] =	stream.indirect.gather.add.f32 [hbm:s3], $0x80, s11, s23, $0xb8;
	[tilespmem:$0x15400] =	vst v63  }
0x4a: {  	s12 =	simm.s32 $0x300  }
0x4b: {  	[tilespmem:s24], [sflag:$0xB] =	stream.indirect.gather.add.f32 [hbm:s3], $0x80, s12, s23, $0xb8;
	[tilespmem:$0x15400] =	vst v63  }
0x4c: {  	s17 =	simm.s32 $0x380;
	s19 =	simm.s32 $0x7  }
0x4d: {  	[tilespmem:s24], [sflag:$0xB] =	stream.indirect.gather.add.f32 [hbm:s3], $0x80, s17, s23, $0xb8;
	[tilespmem:$0x15400] =	vst v63  }
0x4e: {  	_ =	swait.ge [sflag:s19], $0x4000  }
0x4f: {  	[sflag:s19] =	ssyncset.done $0x0  }
0x50: {  	s20 =	simm.s32 $0x480;
	[sflag:s19] =	ssyncadd.s32 $0xFFFFC000  }
0x51: {  	[tilespmem:s26], [sflag:$0xC] =	stream.indirect.gather.add.f32 [hbm:s3], $0x80, s20, s23, $0xb8;
	[tilespmem:$0x15400] =	vst v63  }
0x52: {  	s21 =	simm.s32 $0x500  }
0x53: {  	[tilespmem:s26], [sflag:$0xC] =	stream.indirect.gather.add.f32 [hbm:s3], $0x80, s21, s23, $0xb8;
	[tilespmem:$0x15400] =	vst v63  }
0x54: {  	s22 =	simm.s32 $0x580  }
0x55: {  	[tilespmem:s26], [sflag:$0xC] =	stream.indirect.gather.add.f32 [hbm:s3], $0x80, s22, s23, $0xb8;
	[tilespmem:$0x15400] =	vst v63  }
0x56: {  	s11 =	simm.s32 $0x600  }
0x57: {  	[tilespmem:s26], [sflag:$0xC] =	stream.indirect.gather.add.f32 [hbm:s3], $0x80, s11, s23, $0xb8;
	[tilespmem:$0x15400] =	vst v63  }
0x58: {  	s12 =	simm.s32 $0x680  }
0x59: {  	[tilespmem:s26], [sflag:$0xC] =	stream.indirect.gather.add.f32 [hbm:s3], $0x80, s12, s23, $0xb8;
	[tilespmem:$0x15400] =	vst v63  }
0x5a: {  	s17 =	simm.s32 $0x700  }
0x5b: {  	[tilespmem:s26], [sflag:$0xC] =	stream.indirect.gather.add.f32 [hbm:s3], $0x80, s17, s23, $0xb8;
	[tilespmem:$0x15400] =	vst v63  }
0x5c: {  	s19 =	simm.s32 $0x780;
	s20 =	simm.s32 $0x8  }
0x5d: {  	[tilespmem:s26], [sflag:$0xC] =	stream.indirect.gather.add.f32 [hbm:s3], $0x80, s19, s23, $0xb8;
	[tilespmem:$0x15400] =	vst v63  }
0x5e: {  	_ =	swait.ge [sflag:s20], $0x4000  }
0x5f: {  	[sflag:s20] =	ssyncset.done $0x0  }
0x60: {  	s21 =	simm.s32 $0x880;
	[sflag:s20] =	ssyncadd.s32 $0xFFFFC000  }
0x61: {  	[tilespmem:s29], [sflag:$0xD] =	stream.indirect.gather.add.f32 [hbm:s3], $0x80, s21, s23, $0xb8;
	[tilespmem:$0x15400] =	vst v63  }
0x62: {  	s22 =	simm.s32 $0x900  }
0x63: {  	[tilespmem:s29], [sflag:$0xD] =	stream.indirect.gather.add.f32 [hbm:s3], $0x80, s22, s23, $0xb8;
	[tilespmem:$0x15400] =	vst v63  }
0x64: {  	s11 =	simm.s32 $0x980  }
0x65: {  	[tilespmem:s29], [sflag:$0xD] =	stream.indirect.gather.add.f32 [hbm:s3], $0x80, s11, s23, $0xb8;
	[tilespmem:$0x15400] =	vst v63  }
0x66: {  	s12 =	simm.s32 $0xA00  }
0x67: {  	[tilespmem:s29], [sflag:$0xD] =	stream.indirect.gather.add.f32 [hbm:s3], $0x80, s12, s23, $0xb8;
	[tilespmem:$0x15400] =	vst v63  }
0x68: {  	s17 =	simm.s32 $0xA80  }
0x69: {  	[tilespmem:s29], [sflag:$0xD] =	stream.indirect.gather.add.f32 [hbm:s3], $0x80, s17, s23, $0xb8;
	[tilespmem:$0x15400] =	vst v63  }
0x6a: {  	s19 =	simm.s32 $0xB00  }
0x6b: {  	[tilespmem:s29], [sflag:$0xD] =	stream.indirect.gather.add.f32 [hbm:s3], $0x80, s19, s23, $0xb8;
	[tilespmem:$0x15400] =	vst v63  }
0x6c: {  	s20 =	simm.s32 $0xB80;
	s21 =	simm.s32 $0x9  }
0x6d: {  	[tilespmem:s29], [sflag:$0xD] =	stream.indirect.gather.add.f32 [hbm:s3], $0x80, s20, s23, $0xb8;
	[tilespmem:$0x15400] =	vst v63  }
0x6e: {  	_ =	swait.ge [sflag:s21], $0x4000  }
0x6f: {  	[sflag:s21] =	ssyncset.done $0x0  }
0x70: {  	s22 =	simm.s32 $0xC80;
	[sflag:s21] =	ssyncadd.s32 $0xFFFFC000  }
0x71: {  	[tilespmem:s31], [sflag:$0xE] =	stream.indirect.gather.add.f32 [hbm:s3], $0x80, s22, s23, $0xb8;
	[tilespmem:$0x15400] =	vst v63  }
0x72: {  	s11 =	simm.s32 $0xD00  }
0x73: {  	[tilespmem:s31], [sflag:$0xE] =	stream.indirect.gather.add.f32 [hbm:s3], $0x80, s11, s23, $0xb8;
	[tilespmem:$0x15400] =	vst v63  }
0x74: {  	s12 =	simm.s32 $0xD80  }
0x75: {  	[tilespmem:s31], [sflag:$0xE] =	stream.indirect.gather.add.f32 [hbm:s3], $0x80, s12, s23, $0xb8;
	[tilespmem:$0x15400] =	vst v63  }
0x76: {  	s17 =	simm.s32 $0xE00  }
0x77: {  	[tilespmem:s31], [sflag:$0xE] =	stream.indirect.gather.add.f32 [hbm:s3], $0x80, s17, s23, $0xb8;
	[tilespmem:$0x15400] =	vst v63  }
0x78: {  	s19 =	simm.s32 $0xE80  }
0x79: {  	[tilespmem:s31], [sflag:$0xE] =	stream.indirect.gather.add.f32 [hbm:s3], $0x80, s19, s23, $0xb8;
	[tilespmem:$0x15400] =	vst v63  }
0x7a: {  	s20 =	simm.s32 $0xF00  }
0x7b: {  	[tilespmem:s31], [sflag:$0xE] =	stream.indirect.gather.add.f32 [hbm:s3], $0x80, s20, s23, $0xb8;
	[tilespmem:$0x15400] =	vst v63  }
0x7c: {  	s21 =	simm.s32 $0xF80;
	s22 =	simm.s32 $0xA  }
0x7d: {  	[tilespmem:s31], [sflag:$0xE] =	stream.indirect.gather.add.f32 [hbm:s3], $0x80, s21, s23, $0xb8;
	[tilespmem:$0x15400] =	vst v63  }
0x7e: {  	_ =	swait.ge [sflag:s22], $0x4000  }
0x7f: {  	[sflag:s22] =	ssyncset.done $0x0  }
0x80: {  	s11 =	simm.s32 $0x1080;
	[sflag:s22] =	ssyncadd.s32 $0xFFFFC000  }
0x81: {  	[tilespmem:s1], [sflag:$0xF] =	stream.indirect.gather.add.f32 [hbm:s3], $0x80, s11, s23, $0xb8;
	[tilespmem:$0x15400] =	vst v63  }
0x82: {  	s12 =	simm.s32 $0x1100  }
0x83: {  	[tilespmem:s1], [sflag:$0xF] =	stream.indirect.gather.add.f32 [hbm:s3], $0x80, s12, s23, $0xb8;
	[tilespmem:$0x15400] =	vst v63  }
0x84: {  	s17 =	simm.s32 $0x1180  }
0x85: {  	[tilespmem:s1], [sflag:$0xF] =	stream.indirect.gather.add.f32 [hbm:s3], $0x80, s17, s23, $0xb8;
	[tilespmem:$0x15400] =	vst v63  }
0x86: {  	s19 =	simm.s32 $0x1200  }
0x87: {  	[tilespmem:s1], [sflag:$0xF] =	stream.indirect.gather.add.f32 [hbm:s3], $0x80, s19, s23, $0xb8;
	[tilespmem:$0x15400] =	vst v63  }
0x88: {  	s20 =	simm.s32 $0x1280  }
0x89: {  	[tilespmem:s1], [sflag:$0xF] =	stream.indirect.gather.add.f32 [hbm:s3], $0x80, s20, s23, $0xb8;
	[tilespmem:$0x15400] =	vst v63  }
0x8a: {  	s21 =	simm.s32 $0x1300  }
0x8b: {  	[tilespmem:s1], [sflag:$0xF] =	stream.indirect.gather.add.f32 [hbm:s3], $0x80, s21, s23, $0xb8;
	[tilespmem:$0x15400] =	vst v63  }
0x8c: {  	s22 =	simm.s32 $0x1380  }
0x8d: {  	[tilespmem:s1], [sflag:$0xF] =	stream.indirect.gather.add.f32 [hbm:s3], $0x80, s22, s23, $0xb8;
	[tilespmem:$0x15400] =	vst v63  }
0x8e: {  	_ =	swait.ge [sflag:s9], $0x4000  }
0x8f: {  	[sflag:s9] =	ssyncset.done $0x0  }
0x90: {  	[sflag:s9] =	ssyncadd.s32 $0xFFFFC000  }
0x91: {  	_ =	swait.ge [sflag:s9], $0x4000  }
0x92: {  	[sflag:s9] =	ssyncset.done $0x0  }
0x93: {  	[sflag:s9] =	ssyncadd.s32 $0xFFFFC000  }
0x94: {  	_ =	swait.ge [sflag:s9], $0x4000  }
0x95: {  	[sflag:s9] =	ssyncset.done $0x0  }
0x96: {  	[sflag:s9] =	ssyncadd.s32 $0xFFFFC000  }
0x97: {  	_ =	swait.ge [sflag:s9], $0x4000  }
0x98: {  	[sflag:s9] =	ssyncset.done $0x0  }
0x99: {  	[sflag:s9] =	ssyncadd.s32 $0xFFFFC000  }
0x9a: {  	_ =	swait.ge [sflag:s9], $0x4000  }
0x9b: {  	[sflag:s9] =	ssyncset.done $0x0  }
0x9c: {  	[sflag:s9] =	ssyncadd.s32 $0xFFFFC000  }
0x9d: {  	_ =	swait.ge [sflag:s9], $0x4000  }
0x9e: {  	[sflag:s9] =	ssyncset.done $0x0  }
0x9f: {  	[sflag:s9] =	ssyncadd.s32 $0xFFFFC000  }
0xa0: {  	_ =	swait.ge [sflag:s9], $0x4000  }
0xa1: {  	s6 =	rddreg [dreg:$0x3];
	[sflag:s9] =	ssyncset.done $0x0  }
0xa2: {  	[sflag:s9] =	ssyncadd.s32 $0xFFFFC000;
	s19 =	sadd.s32 $0x0, s6  }
0xa3: {  	[hbm4b:s19+s2] =	stream.linear.scatter [tilespmem:s24], [sflag:$0x10], $0x4000, $0x38;
	[tilespmem:$0x15400] =	vst v63  }
0xa4: {  	_ =	swait.ge [sflag:s10], $0x4000  }
0xa5: {  	[sflag:s10] =	ssyncset.done $0x0  }
0xa6: {  	[sflag:s10] =	ssyncadd.s32 $0xFFFFC000  }
0xa7: {  	_ =	swait.ge [sflag:s10], $0x4000  }
0xa8: {  	[sflag:s10] =	ssyncset.done $0x0  }
0xa9: {  	[sflag:s10] =	ssyncadd.s32 $0xFFFFC000  }
0xaa: {  	_ =	swait.ge [sflag:s10], $0x4000  }
0xab: {  	[sflag:s10] =	ssyncset.done $0x0  }
0xac: {  	[sflag:s10] =	ssyncadd.s32 $0xFFFFC000  }
0xad: {  	_ =	swait.ge [sflag:s10], $0x4000  }
0xae: {  	[sflag:s10] =	ssyncset.done $0x0  }
0xaf: {  	[sflag:s10] =	ssyncadd.s32 $0xFFFFC000  }
0xb0: {  	_ =	swait.ge [sflag:s10], $0x4000  }
0xb1: {  	[sflag:s10] =	ssyncset.done $0x0  }
0xb2: {  	[sflag:s10] =	ssyncadd.s32 $0xFFFFC000  }
0xb3: {  	_ =	swait.ge [sflag:s10], $0x4000  }
0xb4: {  	[sflag:s10] =	ssyncset.done $0x0  }
0xb5: {  	[sflag:s10] =	ssyncadd.s32 $0xFFFFC000  }
0xb6: {  	_ =	swait.ge [sflag:s10], $0x4000  }
0xb7: {  	[sflag:s10] =	ssyncset.done $0x0  }
0xb8: {  	s11 =	sadd.s32 $0x800, s19;
	[sflag:s10] =	ssyncadd.s32 $0xFFFFC000  }
0xb9: {  	[hbm4b:s11+s2] =	stream.linear.scatter [tilespmem:s26], [sflag:$0x11], $0x4000, $0x38;
	[tilespmem:$0x15400] =	vst v63  }
0xba: {  	_ =	swait.ge [sflag:s13], $0x4000  }
0xbb: {  	[sflag:s13] =	ssyncset.done $0x0  }
0xbc: {  	[sflag:s13] =	ssyncadd.s32 $0xFFFFC000  }
0xbd: {  	_ =	swait.ge [sflag:s13], $0x4000  }
0xbe: {  	[sflag:s13] =	ssyncset.done $0x0  }
0xbf: {  	[sflag:s13] =	ssyncadd.s32 $0xFFFFC000  }
0xc0: {  	_ =	swait.ge [sflag:s13], $0x4000  }
0xc1: {  	[sflag:s13] =	ssyncset.done $0x0  }
0xc2: {  	[sflag:s13] =	ssyncadd.s32 $0xFFFFC000  }
0xc3: {  	_ =	swait.ge [sflag:s13], $0x4000  }
0xc4: {  	[sflag:s13] =	ssyncset.done $0x0  }
0xc5: {  	[sflag:s13] =	ssyncadd.s32 $0xFFFFC000  }
0xc6: {  	_ =	swait.ge [sflag:s13], $0x4000  }
0xc7: {  	[sflag:s13] =	ssyncset.done $0x0  }
0xc8: {  	[sflag:s13] =	ssyncadd.s32 $0xFFFFC000  }
0xc9: {  	_ =	swait.ge [sflag:s13], $0x4000  }
0xca: {  	[sflag:s13] =	ssyncset.done $0x0  }
0xcb: {  	[sflag:s13] =	ssyncadd.s32 $0xFFFFC000  }
0xcc: {  	_ =	swait.ge [sflag:s13], $0x4000  }
0xcd: {  	[sflag:s13] =	ssyncset.done $0x0  }
0xce: {  	s12 =	sadd.s32 $0x1000, s19;
	[sflag:s13] =	ssyncadd.s32 $0xFFFFC000  }
0xcf: {  	[hbm4b:s12+s2] =	stream.linear.scatter [tilespmem:s29], [sflag:$0x12], $0x4000, $0x38;
	[tilespmem:$0x15400] =	vst v63  }
0xd0: {  	_ =	swait.ge [sflag:s14], $0x4000  }
0xd1: {  	[sflag:s14] =	ssyncset.done $0x0  }
0xd2: {  	[sflag:s14] =	ssyncadd.s32 $0xFFFFC000  }
0xd3: {  	_ =	swait.ge [sflag:s14], $0x4000  }
0xd4: {  	[sflag:s14] =	ssyncset.done $0x0  }
0xd5: {  	[sflag:s14] =	ssyncadd.s32 $0xFFFFC000  }
0xd6: {  	_ =	swait.ge [sflag:s14], $0x4000  }
0xd7: {  	[sflag:s14] =	ssyncset.done $0x0  }
0xd8: {  	[sflag:s14] =	ssyncadd.s32 $0xFFFFC000  }
0xd9: {  	_ =	swait.ge [sflag:s14], $0x4000  }
0xda: {  	[sflag:s14] =	ssyncset.done $0x0  }
0xdb: {  	[sflag:s14] =	ssyncadd.s32 $0xFFFFC000  }
0xdc: {  	_ =	swait.ge [sflag:s14], $0x4000  }
0xdd: {  	[sflag:s14] =	ssyncset.done $0x0  }
0xde: {  	[sflag:s14] =	ssyncadd.s32 $0xFFFFC000  }
0xdf: {  	_ =	swait.ge [sflag:s14], $0x4000  }
0xe0: {  	[sflag:s14] =	ssyncset.done $0x0  }
0xe1: {  	[sflag:s14] =	ssyncadd.s32 $0xFFFFC000  }
0xe2: {  	_ =	swait.ge [sflag:s14], $0x4000  }
0xe3: {  	[sflag:s14] =	ssyncset.done $0x0  }
0xe4: {  	s17 =	sadd.s32 $0x1800, s19;
	[sflag:s14] =	ssyncadd.s32 $0xFFFFC000  }
0xe5: {  	[hbm4b:s17+s2] =	stream.linear.scatter [tilespmem:s31], [sflag:$0x13], $0x4000, $0x38;
	[tilespmem:$0x15400] =	vst v63  }
0xe6: {  	_ =	swait.ge [sflag:s15], $0x4000  }
0xe7: {  	[sflag:s15] =	ssyncset.done $0x0  }
0xe8: {  	[sflag:s15] =	ssyncadd.s32 $0xFFFFC000  }
0xe9: {  	_ =	swait.ge [sflag:s15], $0x4000  }
0xea: {  	[sflag:s15] =	ssyncset.done $0x0  }
0xeb: {  	[sflag:s15] =	ssyncadd.s32 $0xFFFFC000  }
0xec: {  	_ =	swait.ge [sflag:s15], $0x4000  }
0xed: {  	[sflag:s15] =	ssyncset.done $0x0  }
0xee: {  	[sflag:s15] =	ssyncadd.s32 $0xFFFFC000  }
0xef: {  	_ =	swait.ge [sflag:s15], $0x4000  }
0xf0: {  	[sflag:s15] =	ssyncset.done $0x0  }
0xf1: {  	[sflag:s15] =	ssyncadd.s32 $0xFFFFC000  }
0xf2: {  	_ =	swait.ge [sflag:s15], $0x4000  }
0xf3: {  	[sflag:s15] =	ssyncset.done $0x0  }
0xf4: {  	[sflag:s15] =	ssyncadd.s32 $0xFFFFC000  }
0xf5: {  	_ =	swait.ge [sflag:s15], $0x4000  }
0xf6: {  	[sflag:s15] =	ssyncset.done $0x0  }
0xf7: {  	[sflag:s15] =	ssyncadd.s32 $0xFFFFC000  }
0xf8: {  	_ =	swait.ge [sflag:s15], $0x4000  }
0xf9: {  	[sflag:s15] =	ssyncset.done $0x0  }
0xfa: {  	s19 =	sadd.s32 $0x2000, s19;
	[sflag:s15] =	ssyncadd.s32 $0xFFFFC000  }
0xfb: {  	[hbm4b:s19+s2] =	stream.linear.scatter [tilespmem:s1], [sflag:$0x14], $0x4000, $0x38;
	[tilespmem:$0x15400] =	vst v63  }
0xfc: {  	_ =	swait.ge [sflag:s16], $0x4000  }
0xfd: {  	[sflag:s16] =	ssyncset.done $0x0  }
0xfe: {  	s20 =	rddreg [dreg:$0x11];
	[sflag:s16] =	ssyncadd.s32 $0xFFFFC000  }
0xff: {  	[tilespmem:s2], [sflag:$0x1] =	stream.linear.gather [hbm4b:s20+s2], $0x400, $0x38;
	[tilespmem:$0x15400] =	vst v63  }
0x100: {  	_ =	swait.ge [sflag:s5], $0x4000  }
0x101: {  	[sflag:s5] =	ssyncset.done $0x0;
	s22 =	rddreg [dreg:$0x10]  }
0x102: {  	[sflag:s5] =	ssyncadd.s32 $0xFFFFC000;
	s21 =	sadd.s32 $0xFFFFFF80, s22  }
0x103: {  	[tilespmem:s28], [sflag:$0x2] =	stream.linear.gather [hbm4b:s21+s2], $0x400, $0x38;
	[tilespmem:$0x15400] =	vst v63  }
0x104: {  	_ =	swait.ge [sflag:s7], $0x4000  }
0x105: {  	[sflag:s7] =	ssyncset.done $0x0  }
0x106: {  	[sflag:s7] =	ssyncadd.s32 $0xFFFFC000  }
0x107: {  	[tilespmem:s30], [sflag:$0x3] =	stream.linear.gather [hbm4b:s22+s2], $0x400, $0x38;
	[tilespmem:$0x15400] =	vst v63  }
0x108: {  	_ =	swait.ge [sflag:s8], $0x4000  }
0x109: {  	[sflag:s8] =	ssyncset.done $0x0;
	s21 =	rddreg [dreg:$0xf]  }
0x10a: {  	[sflag:s8] =	ssyncadd.s32 $0xFFFFC000;
	s19 =	sadd.s32 $0xFFFFFF80, s21  }
0x10b: {  	[tilespmem:s25], [sflag:$0x4] =	stream.linear.gather [hbm4b:s19+s2], $0x400, $0x38;
	[tilespmem:$0x15400] =	vst v63  }
0x10c: {  	_ =	swait.ge [sflag:s18], $0x4000  }
0x10d: {  	[sflag:s18] =	ssyncset.done $0x0  }
0x10e: {  	[sflag:s18] =	ssyncadd.s32 $0xFFFFC000  }
0x10f: {  	[tilespmem:s0], [sflag:$0x5] =	stream.linear.gather [hbm4b:s21+s2], $0x400, $0x38;
	[tilespmem:$0x15400] =	vst v63  }
0x110: {  	_ =	swait.ge [sflag:s4], $0x400  }
0x111: {  	[sflag:s4] =	ssyncset.done $0x0  }
0x112: {  	s11 =	simm.s32 $0x2;
	[sflag:s4] =	ssyncadd.s32 $0xFFFFFC00  }
0x113: {  	[tilespmem:s24], [sflag:$0x6] =	stream.indirect.gather [hbm4b:s3+s23], $0x80, s2, s23, $0xb8;
	[tilespmem:$0x15400] =	vst v63  }
0x114: {  	_ =	swait.ge [sflag:s11], $0x400  }
0x115: {  	[sflag:s11] =	ssyncset.done $0x0  }
0x116: {  	s6 =	simm.s32 $0x3;
	[sflag:s11] =	ssyncadd.s32 $0xFFFFFC00  }
0x117: {  	[tilespmem:s26], [sflag:$0x7] =	stream.indirect.gather [hbm4b:s3+s23], $0x80, s28, s23, $0xb8;
	[tilespmem:$0x15400] =	vst v63  }
0x118: {  	_ =	swait.ge [sflag:s6], $0x400  }
0x119: {  	[sflag:s6] =	ssyncset.done $0x0  }
0x11a: {  	s17 =	simm.s32 $0x4;
	[sflag:s6] =	ssyncadd.s32 $0xFFFFFC00  }
0x11b: {  	[tilespmem:s29], [sflag:$0x8] =	stream.indirect.gather [hbm4b:s3+s23], $0x80, s30, s23, $0xb8;
	[tilespmem:$0x15400] =	vst v63  }
0x11c: {  	_ =	swait.ge [sflag:s17], $0x400  }
0x11d: {  	[sflag:s17] =	ssyncset.done $0x0  }
0x11e: {  	s12 =	simm.s32 $0x5;
	[sflag:s17] =	ssyncadd.s32 $0xFFFFFC00  }
0x11f: {  	[tilespmem:s31], [sflag:$0x9] =	stream.indirect.gather [hbm4b:s3+s23], $0x80, s25, s23, $0xb8;
	[tilespmem:$0x15400] =	vst v63  }
0x120: {  	_ =	swait.ge [sflag:s12], $0x400  }
0x121: {  	s20 =	sadd.s32 $0x280, s20;
	s22 =	sadd.s32 $0x280, s22;
	[sflag:s12] =	ssyncset.done $0x0  }
0x122: {  	s19 =	simm.s32 $0x2800;
	s21 =	sadd.s32 $0x280, s21;
	[sflag:s12] =	ssyncadd.s32 $0xFFFFFC00  }
.LBB2_2:
0x123: {  	s4 =	simm.s32 $0x1000;
	s28 =	simm.s32 $0x6  }
0x124: {  	[tilespmem:s1], [sflag:$0xA] =	stream.indirect.gather [hbm4b:s3+s23], $0x80, s4, s23, $0xb8;
	[tilespmem:$0x15400] =	vst v63  }
0x125: {  	_ =	swait.ge [sflag:s28], $0x4000  }
0x126: {  	[sflag:s28] =	ssyncset.done $0x0  }
0x127: {  	[sflag:s28] =	ssyncadd.s32 $0xFFFFC000  }
0x128: {  	[tilespmem:s24], [sflag:$0xB] =	stream.indirect.gather.add.f32 [hbm:s3], $0x80, s23, s23, $0xb8;
	[tilespmem:$0x15400] =	vst v63  }
0x129: {  	s28 =	simm.s32 $0x100  }
0x12a: {  	[tilespmem:s24], [sflag:$0xB] =	stream.indirect.gather.add.f32 [hbm:s3], $0x80, s28, s23, $0xb8;
	[tilespmem:$0x15400] =	vst v63  }
0x12b: {  	s28 =	simm.s32 $0x180  }
0x12c: {  	[tilespmem:s24], [sflag:$0xB] =	stream.indirect.gather.add.f32 [hbm:s3], $0x80, s28, s23, $0xb8;
	[tilespmem:$0x15400] =	vst v63  }
0x12d: {  	s28 =	simm.s32 $0x200  }
0x12e: {  	[tilespmem:s24], [sflag:$0xB] =	stream.indirect.gather.add.f32 [hbm:s3], $0x80, s28, s23, $0xb8;
	[tilespmem:$0x15400] =	vst v63  }
0x12f: {  	s28 =	simm.s32 $0x280  }
0x130: {  	[tilespmem:s24], [sflag:$0xB] =	stream.indirect.gather.add.f32 [hbm:s3], $0x80, s28, s23, $0xb8;
	[tilespmem:$0x15400] =	vst v63  }
0x131: {  	s28 =	simm.s32 $0x300  }
0x132: {  	[tilespmem:s24], [sflag:$0xB] =	stream.indirect.gather.add.f32 [hbm:s3], $0x80, s28, s23, $0xb8;
	[tilespmem:$0x15400] =	vst v63  }
0x133: {  	s28 =	simm.s32 $0x380  }
0x134: {  	[tilespmem:s24], [sflag:$0xB] =	stream.indirect.gather.add.f32 [hbm:s3], $0x80, s28, s23, $0xb8;
	[tilespmem:$0x15400] =	vst v63  }
0x135: {  	s28 =	simm.s32 $0x7  }
0x136: {  	_ =	swait.ge [sflag:s28], $0x4000  }
0x137: {  	[sflag:s28] =	ssyncset.done $0x0  }
0x138: {  	[sflag:s28] =	ssyncadd.s32 $0xFFFFC000;
	s28 =	simm.s32 $0x480  }
0x139: {  	[tilespmem:s26], [sflag:$0xC] =	stream.indirect.gather.add.f32 [hbm:s3], $0x80, s28, s23, $0xb8;
	[tilespmem:$0x15400] =	vst v63  }
0x13a: {  	s28 =	simm.s32 $0x500  }
0x13b: {  	[tilespmem:s26], [sflag:$0xC] =	stream.indirect.gather.add.f32 [hbm:s3], $0x80, s28, s23, $0xb8;
	[tilespmem:$0x15400] =	vst v63  }
0x13c: {  	s28 =	simm.s32 $0x580  }
0x13d: {  	[tilespmem:s26], [sflag:$0xC] =	stream.indirect.gather.add.f32 [hbm:s3], $0x80, s28, s23, $0xb8;
	[tilespmem:$0x15400] =	vst v63  }
0x13e: {  	s28 =	simm.s32 $0x600  }
0x13f: {  	[tilespmem:s26], [sflag:$0xC] =	stream.indirect.gather.add.f32 [hbm:s3], $0x80, s28, s23, $0xb8;
	[tilespmem:$0x15400] =	vst v63  }
0x140: {  	s28 =	simm.s32 $0x680  }
0x141: {  	[tilespmem:s26], [sflag:$0xC] =	stream.indirect.gather.add.f32 [hbm:s3], $0x80, s28, s23, $0xb8;
	[tilespmem:$0x15400] =	vst v63  }
0x142: {  	s28 =	simm.s32 $0x700  }
0x143: {  	[tilespmem:s26], [sflag:$0xC] =	stream.indirect.gather.add.f32 [hbm:s3], $0x80, s28, s23, $0xb8;
	[tilespmem:$0x15400] =	vst v63  }
0x144: {  	s28 =	simm.s32 $0x780  }
0x145: {  	[tilespmem:s26], [sflag:$0xC] =	stream.indirect.gather.add.f32 [hbm:s3], $0x80, s28, s23, $0xb8;
	[tilespmem:$0x15400] =	vst v63  }
0x146: {  	s28 =	simm.s32 $0x8  }
0x147: {  	_ =	swait.ge [sflag:s28], $0x4000  }
0x148: {  	[sflag:s28] =	ssyncset.done $0x0  }
0x149: {  	[sflag:s28] =	ssyncadd.s32 $0xFFFFC000;
	s28 =	simm.s32 $0x880  }
0x14a: {  	[tilespmem:s29], [sflag:$0xD] =	stream.indirect.gather.add.f32 [hbm:s3], $0x80, s28, s23, $0xb8;
	[tilespmem:$0x15400] =	vst v63  }
0x14b: {  	s28 =	simm.s32 $0x900  }
0x14c: {  	[tilespmem:s29], [sflag:$0xD] =	stream.indirect.gather.add.f32 [hbm:s3], $0x80, s28, s23, $0xb8;
	[tilespmem:$0x15400] =	vst v63  }
0x14d: {  	s28 =	simm.s32 $0x980  }
0x14e: {  	[tilespmem:s29], [sflag:$0xD] =	stream.indirect.gather.add.f32 [hbm:s3], $0x80, s28, s23, $0xb8;
	[tilespmem:$0x15400] =	vst v63  }
0x14f: {  	s28 =	simm.s32 $0xA00  }
0x150: {  	[tilespmem:s29], [sflag:$0xD] =	stream.indirect.gather.add.f32 [hbm:s3], $0x80, s28, s23, $0xb8;
	[tilespmem:$0x15400] =	vst v63  }
0x151: {  	s28 =	simm.s32 $0xA80  }
0x152: {  	[tilespmem:s29], [sflag:$0xD] =	stream.indirect.gather.add.f32 [hbm:s3], $0x80, s28, s23, $0xb8;
	[tilespmem:$0x15400] =	vst v63  }
0x153: {  	s28 =	simm.s32 $0xB00  }
0x154: {  	[tilespmem:s29], [sflag:$0xD] =	stream.indirect.gather.add.f32 [hbm:s3], $0x80, s28, s23, $0xb8;
	[tilespmem:$0x15400] =	vst v63  }
0x155: {  	s28 =	simm.s32 $0xB80  }
0x156: {  	[tilespmem:s29], [sflag:$0xD] =	stream.indirect.gather.add.f32 [hbm:s3], $0x80, s28, s23, $0xb8;
	[tilespmem:$0x15400] =	vst v63  }
0x157: {  	s28 =	simm.s32 $0x9  }
0x158: {  	_ =	swait.ge [sflag:s28], $0x4000  }
0x159: {  	[sflag:s28] =	ssyncset.done $0x0  }
0x15a: {  	[sflag:s28] =	ssyncadd.s32 $0xFFFFC000;
	s28 =	simm.s32 $0xC80  }
0x15b: {  	[tilespmem:s31], [sflag:$0xE] =	stream.indirect.gather.add.f32 [hbm:s3], $0x80, s28, s23, $0xb8;
	[tilespmem:$0x15400] =	vst v63  }
0x15c: {  	s28 =	simm.s32 $0xD00  }
0x15d: {  	[tilespmem:s31], [sflag:$0xE] =	stream.indirect.gather.add.f32 [hbm:s3], $0x80, s28, s23, $0xb8;
	[tilespmem:$0x15400] =	vst v63  }
0x15e: {  	s28 =	simm.s32 $0xD80  }
0x15f: {  	[tilespmem:s31], [sflag:$0xE] =	stream.indirect.gather.add.f32 [hbm:s3], $0x80, s28, s23, $0xb8;
	[tilespmem:$0x15400] =	vst v63  }
0x160: {  	s28 =	simm.s32 $0xE00  }
0x161: {  	[tilespmem:s31], [sflag:$0xE] =	stream.indirect.gather.add.f32 [hbm:s3], $0x80, s28, s23, $0xb8;
	[tilespmem:$0x15400] =	vst v63  }
0x162: {  	s28 =	simm.s32 $0xE80  }
0x163: {  	[tilespmem:s31], [sflag:$0xE] =	stream.indirect.gather.add.f32 [hbm:s3], $0x80, s28, s23, $0xb8;
	[tilespmem:$0x15400] =	vst v63  }
0x164: {  	s28 =	simm.s32 $0xF00  }
0x165: {  	[tilespmem:s31], [sflag:$0xE] =	stream.indirect.gather.add.f32 [hbm:s3], $0x80, s28, s23, $0xb8;
	[tilespmem:$0x15400] =	vst v63  }
0x166: {  	s28 =	simm.s32 $0xF80  }
0x167: {  	[tilespmem:s31], [sflag:$0xE] =	stream.indirect.gather.add.f32 [hbm:s3], $0x80, s28, s23, $0xb8;
	[tilespmem:$0x15400] =	vst v63  }
0x168: {  	s28 =	simm.s32 $0xA  }
0x169: {  	_ =	swait.ge [sflag:s28], $0x4000  }
0x16a: {  	[sflag:s28] =	ssyncset.done $0x0  }
0x16b: {  	[sflag:s28] =	ssyncadd.s32 $0xFFFFC000;
	s28 =	simm.s32 $0x1080  }
0x16c: {  	[tilespmem:s1], [sflag:$0xF] =	stream.indirect.gather.add.f32 [hbm:s3], $0x80, s28, s23, $0xb8;
	[tilespmem:$0x15400] =	vst v63  }
0x16d: {  	s28 =	simm.s32 $0x1100  }
0x16e: {  	[tilespmem:s1], [sflag:$0xF] =	stream.indirect.gather.add.f32 [hbm:s3], $0x80, s28, s23, $0xb8;
	[tilespmem:$0x15400] =	vst v63  }
0x16f: {  	s28 =	simm.s32 $0x1180  }
0x170: {  	[tilespmem:s1], [sflag:$0xF] =	stream.indirect.gather.add.f32 [hbm:s3], $0x80, s28, s23, $0xb8;
	[tilespmem:$0x15400] =	vst v63  }
0x171: {  	s28 =	simm.s32 $0x1200  }
0x172: {  	[tilespmem:s1], [sflag:$0xF] =	stream.indirect.gather.add.f32 [hbm:s3], $0x80, s28, s23, $0xb8;
	[tilespmem:$0x15400] =	vst v63  }
0x173: {  	s28 =	simm.s32 $0x1280  }
0x174: {  	[tilespmem:s1], [sflag:$0xF] =	stream.indirect.gather.add.f32 [hbm:s3], $0x80, s28, s23, $0xb8;
	[tilespmem:$0x15400] =	vst v63  }
0x175: {  	s28 =	simm.s32 $0x1300  }
0x176: {  	[tilespmem:s1], [sflag:$0xF] =	stream.indirect.gather.add.f32 [hbm:s3], $0x80, s28, s23, $0xb8;
	[tilespmem:$0x15400] =	vst v63  }
0x177: {  	s28 =	simm.s32 $0x1380  }
0x178: {  	[tilespmem:s1], [sflag:$0xF] =	stream.indirect.gather.add.f32 [hbm:s3], $0x80, s28, s23, $0xb8;
	[tilespmem:$0x15400] =	vst v63  }
0x179: {  	_ =	swait.ge [sflag:s9], $0x4000  }
0x17a: {  	[sflag:s9] =	ssyncset.done $0x0  }
0x17b: {  	[sflag:s9] =	ssyncadd.s32 $0xFFFFC000  }
0x17c: {  	_ =	swait.ge [sflag:s9], $0x4000  }
0x17d: {  	[sflag:s9] =	ssyncset.done $0x0  }
0x17e: {  	[sflag:s9] =	ssyncadd.s32 $0xFFFFC000  }
0x17f: {  	_ =	swait.ge [sflag:s9], $0x4000  }
0x180: {  	[sflag:s9] =	ssyncset.done $0x0  }
0x181: {  	[sflag:s9] =	ssyncadd.s32 $0xFFFFC000  }
0x182: {  	_ =	swait.ge [sflag:s9], $0x4000  }
0x183: {  	[sflag:s9] =	ssyncset.done $0x0  }
0x184: {  	[sflag:s9] =	ssyncadd.s32 $0xFFFFC000  }
0x185: {  	_ =	swait.ge [sflag:s9], $0x4000  }
0x186: {  	[sflag:s9] =	ssyncset.done $0x0  }
0x187: {  	[sflag:s9] =	ssyncadd.s32 $0xFFFFC000  }
0x188: {  	_ =	swait.ge [sflag:s9], $0x4000  }
0x189: {  	[sflag:s9] =	ssyncset.done $0x0  }
0x18a: {  	[sflag:s9] =	ssyncadd.s32 $0xFFFFC000  }
0x18b: {  	_ =	swait.ge [sflag:s9], $0x4000  }
0x18c: {  	s25 =	smov.u32 s19;
	s28 =	rddreg [dreg:$0x3];
	[sflag:s9] =	ssyncset.done $0x0  }
0x18d: {  	[sflag:s9] =	ssyncadd.s32 $0xFFFFC000;
	s25 =	sadd.s32 s25, s28  }
0x18e: {  	[hbm4b:s25+s2] =	stream.linear.scatter [tilespmem:s24], [sflag:$0x10], $0x4000, $0x38;
	[tilespmem:$0x15400] =	vst v63  }
0x18f: {  	_ =	swait.ge [sflag:s10], $0x4000  }
0x190: {  	[sflag:s10] =	ssyncset.done $0x0  }
0x191: {  	[sflag:s10] =	ssyncadd.s32 $0xFFFFC000  }
0x192: {  	_ =	swait.ge [sflag:s10], $0x4000  }
0x193: {  	[sflag:s10] =	ssyncset.done $0x0  }
0x194: {  	[sflag:s10] =	ssyncadd.s32 $0xFFFFC000  }
0x195: {  	_ =	swait.ge [sflag:s10], $0x4000  }
0x196: {  	[sflag:s10] =	ssyncset.done $0x0  }
0x197: {  	[sflag:s10] =	ssyncadd.s32 $0xFFFFC000  }
0x198: {  	_ =	swait.ge [sflag:s10], $0x4000  }
0x199: {  	[sflag:s10] =	ssyncset.done $0x0  }
0x19a: {  	[sflag:s10] =	ssyncadd.s32 $0xFFFFC000  }
0x19b: {  	_ =	swait.ge [sflag:s10], $0x4000  }
0x19c: {  	[sflag:s10] =	ssyncset.done $0x0  }
0x19d: {  	[sflag:s10] =	ssyncadd.s32 $0xFFFFC000  }
0x19e: {  	_ =	swait.ge [sflag:s10], $0x4000  }
0x19f: {  	[sflag:s10] =	ssyncset.done $0x0  }
0x1a0: {  	[sflag:s10] =	ssyncadd.s32 $0xFFFFC000  }
0x1a1: {  	_ =	swait.ge [sflag:s10], $0x4000  }
0x1a2: {  	[sflag:s10] =	ssyncset.done $0x0  }
0x1a3: {  	s28 =	sadd.s32 $0x800, s25;
	[sflag:s10] =	ssyncadd.s32 $0xFFFFC000  }
0x1a4: {  	[hbm4b:s28+s2] =	stream.linear.scatter [tilespmem:s26], [sflag:$0x11], $0x4000, $0x38;
	[tilespmem:$0x15400] =	vst v63  }
0x1a5: {  	_ =	swait.ge [sflag:s13], $0x4000  }
0x1a6: {  	[sflag:s13] =	ssyncset.done $0x0  }
0x1a7: {  	[sflag:s13] =	ssyncadd.s32 $0xFFFFC000  }
0x1a8: {  	_ =	swait.ge [sflag:s13], $0x4000  }
0x1a9: {  	[sflag:s13] =	ssyncset.done $0x0  }
0x1aa: {  	[sflag:s13] =	ssyncadd.s32 $0xFFFFC000  }
0x1ab: {  	_ =	swait.ge [sflag:s13], $0x4000  }
0x1ac: {  	[sflag:s13] =	ssyncset.done $0x0  }
0x1ad: {  	[sflag:s13] =	ssyncadd.s32 $0xFFFFC000  }
0x1ae: {  	_ =	swait.ge [sflag:s13], $0x4000  }
0x1af: {  	[sflag:s13] =	ssyncset.done $0x0  }
0x1b0: {  	[sflag:s13] =	ssyncadd.s32 $0xFFFFC000  }
0x1b1: {  	_ =	swait.ge [sflag:s13], $0x4000  }
0x1b2: {  	[sflag:s13] =	ssyncset.done $0x0  }
0x1b3: {  	[sflag:s13] =	ssyncadd.s32 $0xFFFFC000  }
0x1b4: {  	_ =	swait.ge [sflag:s13], $0x4000  }
0x1b5: {  	[sflag:s13] =	ssyncset.done $0x0  }
0x1b6: {  	[sflag:s13] =	ssyncadd.s32 $0xFFFFC000  }
0x1b7: {  	_ =	swait.ge [sflag:s13], $0x4000  }
0x1b8: {  	[sflag:s13] =	ssyncset.done $0x0  }
0x1b9: {  	s28 =	sadd.s32 $0x1000, s25;
	[sflag:s13] =	ssyncadd.s32 $0xFFFFC000  }
0x1ba: {  	[hbm4b:s28+s2] =	stream.linear.scatter [tilespmem:s29], [sflag:$0x12], $0x4000, $0x38;
	[tilespmem:$0x15400] =	vst v63  }
0x1bb: {  	_ =	swait.ge [sflag:s14], $0x4000  }
0x1bc: {  	[sflag:s14] =	ssyncset.done $0x0  }
0x1bd: {  	[sflag:s14] =	ssyncadd.s32 $0xFFFFC000  }
0x1be: {  	_ =	swait.ge [sflag:s14], $0x4000  }
0x1bf: {  	[sflag:s14] =	ssyncset.done $0x0  }
0x1c0: {  	[sflag:s14] =	ssyncadd.s32 $0xFFFFC000  }
0x1c1: {  	_ =	swait.ge [sflag:s14], $0x4000  }
0x1c2: {  	[sflag:s14] =	ssyncset.done $0x0  }
0x1c3: {  	[sflag:s14] =	ssyncadd.s32 $0xFFFFC000  }
0x1c4: {  	_ =	swait.ge [sflag:s14], $0x4000  }
0x1c5: {  	[sflag:s14] =	ssyncset.done $0x0  }
0x1c6: {  	[sflag:s14] =	ssyncadd.s32 $0xFFFFC000  }
0x1c7: {  	_ =	swait.ge [sflag:s14], $0x4000  }
0x1c8: {  	[sflag:s14] =	ssyncset.done $0x0  }
0x1c9: {  	[sflag:s14] =	ssyncadd.s32 $0xFFFFC000  }
0x1ca: {  	_ =	swait.ge [sflag:s14], $0x4000  }
0x1cb: {  	[sflag:s14] =	ssyncset.done $0x0  }
0x1cc: {  	[sflag:s14] =	ssyncadd.s32 $0xFFFFC000  }
0x1cd: {  	_ =	swait.ge [sflag:s14], $0x4000  }
0x1ce: {  	[sflag:s14] =	ssyncset.done $0x0  }
0x1cf: {  	s28 =	sadd.s32 $0x1800, s25;
	[sflag:s14] =	ssyncadd.s32 $0xFFFFC000  }
0x1d0: {  	[hbm4b:s28+s2] =	stream.linear.scatter [tilespmem:s31], [sflag:$0x13], $0x4000, $0x38;
	[tilespmem:$0x15400] =	vst v63  }
0x1d1: {  	_ =	swait.ge [sflag:s15], $0x4000  }
0x1d2: {  	[sflag:s15] =	ssyncset.done $0x0  }
0x1d3: {  	[sflag:s15] =	ssyncadd.s32 $0xFFFFC000  }
0x1d4: {  	_ =	swait.ge [sflag:s15], $0x4000  }
0x1d5: {  	[sflag:s15] =	ssyncset.done $0x0  }
0x1d6: {  	[sflag:s15] =	ssyncadd.s32 $0xFFFFC000  }
0x1d7: {  	_ =	swait.ge [sflag:s15], $0x4000  }
0x1d8: {  	[sflag:s15] =	ssyncset.done $0x0  }
0x1d9: {  	[sflag:s15] =	ssyncadd.s32 $0xFFFFC000  }
0x1da: {  	_ =	swait.ge [sflag:s15], $0x4000  }
0x1db: {  	[sflag:s15] =	ssyncset.done $0x0  }
0x1dc: {  	[sflag:s15] =	ssyncadd.s32 $0xFFFFC000  }
0x1dd: {  	_ =	swait.ge [sflag:s15], $0x4000  }
0x1de: {  	[sflag:s15] =	ssyncset.done $0x0  }
0x1df: {  	[sflag:s15] =	ssyncadd.s32 $0xFFFFC000  }
0x1e0: {  	_ =	swait.ge [sflag:s15], $0x4000  }
0x1e1: {  	[sflag:s15] =	ssyncset.done $0x0  }
0x1e2: {  	[sflag:s15] =	ssyncadd.s32 $0xFFFFC000  }
0x1e3: {  	_ =	swait.ge [sflag:s15], $0x4000  }
0x1e4: {  	[sflag:s15] =	ssyncset.done $0x0  }
0x1e5: {  	s25 =	sadd.s32 $0x2000, s25;
	[sflag:s15] =	ssyncadd.s32 $0xFFFFC000  }
0x1e6: {  	[hbm4b:s25+s2] =	stream.linear.scatter [tilespmem:s1], [sflag:$0x14], $0x4000, $0x38;
	[tilespmem:$0x15400] =	vst v63  }
0x1e7: {  	_ =	swait.ge [sflag:s16], $0x4000  }
0x1e8: {  	[sflag:s16] =	ssyncset.done $0x0  }
0x1e9: {  	[sflag:s16] =	ssyncadd.s32 $0xFFFFC000  }
0x1ea: {  	[tilespmem:s2], [sflag:$0x1] =	stream.linear.gather [hbm4b:s20+s2], $0x400, $0x38;
	[tilespmem:$0x15400] =	vst v63  }
0x1eb: {  	_ =	swait.ge [sflag:s5], $0x4000  }
0x1ec: {  	[sflag:s5] =	ssyncset.done $0x0  }
0x1ed: {  	s28 =	simm.s32 $0x400;
	s25 =	sadd.s32 $0xFFFFFF80, s22;
	[sflag:s5] =	ssyncadd.s32 $0xFFFFC000  }
0x1ee: {  	[tilespmem:s28], [sflag:$0x2] =	stream.linear.gather [hbm4b:s25+s2], $0x400, $0x38;
	[tilespmem:$0x15400] =	vst v63  }
0x1ef: {  	_ =	swait.ge [sflag:s7], $0x4000  }
0x1f0: {  	[sflag:s7] =	ssyncset.done $0x0  }
0x1f1: {  	[sflag:s7] =	ssyncadd.s32 $0xFFFFC000  }
0x1f2: {  	[tilespmem:s30], [sflag:$0x3] =	stream.linear.gather [hbm4b:s22+s2], $0x400, $0x38;
	[tilespmem:$0x15400] =	vst v63  }
0x1f3: {  	_ =	swait.ge [sflag:s8], $0x4000  }
0x1f4: {  	[sflag:s8] =	ssyncset.done $0x0  }
0x1f5: {  	s0 =	simm.s32 $0xC00;
	s25 =	sadd.s32 $0xFFFFFF80, s21;
	[sflag:s8] =	ssyncadd.s32 $0xFFFFC000  }
0x1f6: {  	[tilespmem:s0], [sflag:$0x4] =	stream.linear.gather [hbm4b:s25+s2], $0x400, $0x38;
	[tilespmem:$0x15400] =	vst v63  }
0x1f7: {  	_ =	swait.ge [sflag:s18], $0x4000  }
0x1f8: {  	[sflag:s18] =	ssyncset.done $0x0  }
0x1f9: {  	[sflag:s18] =	ssyncadd.s32 $0xFFFFC000  }
0x1fa: {  	[tilespmem:s4], [sflag:$0x5] =	stream.linear.gather [hbm4b:s21+s2], $0x400, $0x38;
	[tilespmem:$0x15400] =	vst v63  }
0x1fb: {  	s4 =	simm.s32 $0x1  }
0x1fc: {  	_ =	swait.ge [sflag:s4], $0x400  }
0x1fd: {  	[sflag:s4] =	ssyncset.done $0x0  }
0x1fe: {  	[sflag:s4] =	ssyncadd.s32 $0xFFFFFC00  }
0x1ff: {  	[tilespmem:s24], [sflag:$0x6] =	stream.indirect.gather [hbm4b:s3+s23], $0x80, s2, s23, $0xb8;
	[tilespmem:$0x15400] =	vst v63  }
0x200: {  	_ =	swait.ge [sflag:s11], $0x400  }
0x201: {  	[sflag:s11] =	ssyncset.done $0x0  }
0x202: {  	[sflag:s11] =	ssyncadd.s32 $0xFFFFFC00  }
0x203: {  	[tilespmem:s26], [sflag:$0x7] =	stream.indirect.gather [hbm4b:s3+s23], $0x80, s28, s23, $0xb8;
	[tilespmem:$0x15400] =	vst v63  }
0x204: {  	_ =	swait.ge [sflag:s6], $0x400  }
0x205: {  	[sflag:s6] =	ssyncset.done $0x0  }
0x206: {  	[sflag:s6] =	ssyncadd.s32 $0xFFFFFC00  }
0x207: {  	[tilespmem:s29], [sflag:$0x8] =	stream.indirect.gather [hbm4b:s3+s23], $0x80, s30, s23, $0xb8;
	[tilespmem:$0x15400] =	vst v63  }
0x208: {  	_ =	swait.ge [sflag:s17], $0x400  }
0x209: {  	p0 =	sne.s32 s19, $0x14000;
	[sflag:s17] =	ssyncset.done $0x0  }
.Ltmp0:
0x20a: {  	s25 =	simm.s32 $0xC00;
	[sflag:s17] =	ssyncadd.s32 $0xFFFFFC00;
	(pc) =	sbr.rel @p0 .LBB2_2-.Ltmp0, $4  }
0x20b: {  	[tilespmem:s31], [sflag:$0x9] =	stream.indirect.gather [hbm4b:s3+s23], $0x80, s25, s23, $0xb8;
	[tilespmem:$0x15400] =	vst v63  }
0x20c: {  	s19 =	sadd.s32 $0x2800, s19;
	_ =	swait.ge [sflag:s12], $0x400  }
0x20d: {  	s20 =	sadd.s32 $0x280, s20;
	s22 =	sadd.s32 $0x280, s22;
	[sflag:s12] =	ssyncset.done $0x0  }
0x20e: {  	s0 =	simm.s32 $0x1000;
	s21 =	sadd.s32 $0x280, s21;
	[sflag:s12] =	ssyncadd.s32 $0xFFFFFC00  }
0x20f: {  	[tilespmem:s1], [sflag:$0xA] =	stream.indirect.gather [hbm4b:s3+s23], $0x80, s0, s23, $0xb8;
	[tilespmem:$0x15400] =	vst v63  }
0x210: {  	s12 =	simm.s32 $0x6  }
0x211: {  	_ =	swait.ge [sflag:s12], $0x4000  }
0x212: {  	[sflag:s12] =	ssyncset.done $0x0  }
0x213: {  	[sflag:s12] =	ssyncadd.s32 $0xFFFFC000  }
0x214: {  	[tilespmem:s24], [sflag:$0xB] =	stream.indirect.gather.add.f32 [hbm:s3], $0x80, s23, s23, $0xb8;
	[tilespmem:$0x15400] =	vst v63  }
0x215: {  	s17 =	simm.s32 $0x100  }
0x216: {  	[tilespmem:s24], [sflag:$0xB] =	stream.indirect.gather.add.f32 [hbm:s3], $0x80, s17, s23, $0xb8;
	[tilespmem:$0x15400] =	vst v63  }
0x217: {  	s19 =	simm.s32 $0x180  }
0x218: {  	[tilespmem:s24], [sflag:$0xB] =	stream.indirect.gather.add.f32 [hbm:s3], $0x80, s19, s23, $0xb8;
	[tilespmem:$0x15400] =	vst v63  }
0x219: {  	s20 =	simm.s32 $0x200  }
0x21a: {  	[tilespmem:s24], [sflag:$0xB] =	stream.indirect.gather.add.f32 [hbm:s3], $0x80, s20, s23, $0xb8;
	[tilespmem:$0x15400] =	vst v63  }
0x21b: {  	s21 =	simm.s32 $0x280  }
0x21c: {  	[tilespmem:s24], [sflag:$0xB] =	stream.indirect.gather.add.f32 [hbm:s3], $0x80, s21, s23, $0xb8;
	[tilespmem:$0x15400] =	vst v63  }
0x21d: {  	s22 =	simm.s32 $0x300  }
0x21e: {  	[tilespmem:s24], [sflag:$0xB] =	stream.indirect.gather.add.f32 [hbm:s3], $0x80, s22, s23, $0xb8;
	[tilespmem:$0x15400] =	vst v63  }
0x21f: {  	s6 =	simm.s32 $0x380;
	s11 =	simm.s32 $0x7  }
0x220: {  	[tilespmem:s24], [sflag:$0xB] =	stream.indirect.gather.add.f32 [hbm:s3], $0x80, s6, s23, $0xb8;
	[tilespmem:$0x15400] =	vst v63  }
0x221: {  	_ =	swait.ge [sflag:s11], $0x4000  }
0x222: {  	[sflag:s11] =	ssyncset.done $0x0  }
0x223: {  	s12 =	simm.s32 $0x480;
	[sflag:s11] =	ssyncadd.s32 $0xFFFFC000  }
0x224: {  	[tilespmem:s26], [sflag:$0xC] =	stream.indirect.gather.add.f32 [hbm:s3], $0x80, s12, s23, $0xb8;
	[tilespmem:$0x15400] =	vst v63  }
0x225: {  	s17 =	simm.s32 $0x500  }
0x226: {  	[tilespmem:s26], [sflag:$0xC] =	stream.indirect.gather.add.f32 [hbm:s3], $0x80, s17, s23, $0xb8;
	[tilespmem:$0x15400] =	vst v63  }
0x227: {  	s19 =	simm.s32 $0x580  }
0x228: {  	[tilespmem:s26], [sflag:$0xC] =	stream.indirect.gather.add.f32 [hbm:s3], $0x80, s19, s23, $0xb8;
	[tilespmem:$0x15400] =	vst v63  }
0x229: {  	s20 =	simm.s32 $0x600  }
0x22a: {  	[tilespmem:s26], [sflag:$0xC] =	stream.indirect.gather.add.f32 [hbm:s3], $0x80, s20, s23, $0xb8;
	[tilespmem:$0x15400] =	vst v63  }
0x22b: {  	s21 =	simm.s32 $0x680  }
0x22c: {  	[tilespmem:s26], [sflag:$0xC] =	stream.indirect.gather.add.f32 [hbm:s3], $0x80, s21, s23, $0xb8;
	[tilespmem:$0x15400] =	vst v63  }
0x22d: {  	s22 =	simm.s32 $0x700  }
0x22e: {  	[tilespmem:s26], [sflag:$0xC] =	stream.indirect.gather.add.f32 [hbm:s3], $0x80, s22, s23, $0xb8;
	[tilespmem:$0x15400] =	vst v63  }
0x22f: {  	s6 =	simm.s32 $0x780;
	s11 =	simm.s32 $0x8  }
0x230: {  	[tilespmem:s26], [sflag:$0xC] =	stream.indirect.gather.add.f32 [hbm:s3], $0x80, s6, s23, $0xb8;
	[tilespmem:$0x15400] =	vst v63  }
0x231: {  	_ =	swait.ge [sflag:s11], $0x4000  }
0x232: {  	[sflag:s11] =	ssyncset.done $0x0  }
0x233: {  	s12 =	simm.s32 $0x880;
	[sflag:s11] =	ssyncadd.s32 $0xFFFFC000  }
0x234: {  	[tilespmem:s29], [sflag:$0xD] =	stream.indirect.gather.add.f32 [hbm:s3], $0x80, s12, s23, $0xb8;
	[tilespmem:$0x15400] =	vst v63  }
0x235: {  	s17 =	simm.s32 $0x900  }
0x236: {  	[tilespmem:s29], [sflag:$0xD] =	stream.indirect.gather.add.f32 [hbm:s3], $0x80, s17, s23, $0xb8;
	[tilespmem:$0x15400] =	vst v63  }
0x237: {  	s19 =	simm.s32 $0x980  }
0x238: {  	[tilespmem:s29], [sflag:$0xD] =	stream.indirect.gather.add.f32 [hbm:s3], $0x80, s19, s23, $0xb8;
	[tilespmem:$0x15400] =	vst v63  }
0x239: {  	s20 =	simm.s32 $0xA00  }
0x23a: {  	[tilespmem:s29], [sflag:$0xD] =	stream.indirect.gather.add.f32 [hbm:s3], $0x80, s20, s23, $0xb8;
	[tilespmem:$0x15400] =	vst v63  }
0x23b: {  	s21 =	simm.s32 $0xA80  }
0x23c: {  	[tilespmem:s29], [sflag:$0xD] =	stream.indirect.gather.add.f32 [hbm:s3], $0x80, s21, s23, $0xb8;
	[tilespmem:$0x15400] =	vst v63  }
0x23d: {  	s22 =	simm.s32 $0xB00  }
0x23e: {  	[tilespmem:s29], [sflag:$0xD] =	stream.indirect.gather.add.f32 [hbm:s3], $0x80, s22, s23, $0xb8;
	[tilespmem:$0x15400] =	vst v63  }
0x23f: {  	s6 =	simm.s32 $0xB80;
	s11 =	simm.s32 $0x9  }
0x240: {  	[tilespmem:s29], [sflag:$0xD] =	stream.indirect.gather.add.f32 [hbm:s3], $0x80, s6, s23, $0xb8;
	[tilespmem:$0x15400] =	vst v63  }
0x241: {  	_ =	swait.ge [sflag:s11], $0x4000  }
0x242: {  	[sflag:s11] =	ssyncset.done $0x0  }
0x243: {  	s12 =	simm.s32 $0xC80;
	[sflag:s11] =	ssyncadd.s32 $0xFFFFC000  }
0x244: {  	[tilespmem:s31], [sflag:$0xE] =	stream.indirect.gather.add.f32 [hbm:s3], $0x80, s12, s23, $0xb8;
	[tilespmem:$0x15400] =	vst v63  }
0x245: {  	s17 =	simm.s32 $0xD00  }
0x246: {  	[tilespmem:s31], [sflag:$0xE] =	stream.indirect.gather.add.f32 [hbm:s3], $0x80, s17, s23, $0xb8;
	[tilespmem:$0x15400] =	vst v63  }
0x247: {  	s19 =	simm.s32 $0xD80  }
0x248: {  	[tilespmem:s31], [sflag:$0xE] =	stream.indirect.gather.add.f32 [hbm:s3], $0x80, s19, s23, $0xb8;
	[tilespmem:$0x15400] =	vst v63  }
0x249: {  	s20 =	simm.s32 $0xE00  }
0x24a: {  	[tilespmem:s31], [sflag:$0xE] =	stream.indirect.gather.add.f32 [hbm:s3], $0x80, s20, s23, $0xb8;
	[tilespmem:$0x15400] =	vst v63  }
0x24b: {  	s21 =	simm.s32 $0xE80  }
0x24c: {  	[tilespmem:s31], [sflag:$0xE] =	stream.indirect.gather.add.f32 [hbm:s3], $0x80, s21, s23, $0xb8;
	[tilespmem:$0x15400] =	vst v63  }
0x24d: {  	s22 =	simm.s32 $0xF00  }
0x24e: {  	[tilespmem:s31], [sflag:$0xE] =	stream.indirect.gather.add.f32 [hbm:s3], $0x80, s22, s23, $0xb8;
	[tilespmem:$0x15400] =	vst v63  }
0x24f: {  	s6 =	simm.s32 $0xF80;
	s11 =	simm.s32 $0xA  }
0x250: {  	[tilespmem:s31], [sflag:$0xE] =	stream.indirect.gather.add.f32 [hbm:s3], $0x80, s6, s23, $0xb8;
	[tilespmem:$0x15400] =	vst v63  }
0x251: {  	_ =	swait.ge [sflag:s11], $0x4000  }
0x252: {  	[sflag:s11] =	ssyncset.done $0x0  }
0x253: {  	s12 =	simm.s32 $0x1080;
	[sflag:s11] =	ssyncadd.s32 $0xFFFFC000  }
0x254: {  	[tilespmem:s1], [sflag:$0xF] =	stream.indirect.gather.add.f32 [hbm:s3], $0x80, s12, s23, $0xb8;
	[tilespmem:$0x15400] =	vst v63  }
0x255: {  	s17 =	simm.s32 $0x1100  }
0x256: {  	[tilespmem:s1], [sflag:$0xF] =	stream.indirect.gather.add.f32 [hbm:s3], $0x80, s17, s23, $0xb8;
	[tilespmem:$0x15400] =	vst v63  }
0x257: {  	s19 =	simm.s32 $0x1180  }
0x258: {  	[tilespmem:s1], [sflag:$0xF] =	stream.indirect.gather.add.f32 [hbm:s3], $0x80, s19, s23, $0xb8;
	[tilespmem:$0x15400] =	vst v63  }
0x259: {  	s20 =	simm.s32 $0x1200  }
0x25a: {  	[tilespmem:s1], [sflag:$0xF] =	stream.indirect.gather.add.f32 [hbm:s3], $0x80, s20, s23, $0xb8;
	[tilespmem:$0x15400] =	vst v63  }
0x25b: {  	s21 =	simm.s32 $0x1280  }
0x25c: {  	[tilespmem:s1], [sflag:$0xF] =	stream.indirect.gather.add.f32 [hbm:s3], $0x80, s21, s23, $0xb8;
	[tilespmem:$0x15400] =	vst v63  }
0x25d: {  	s22 =	simm.s32 $0x1300  }
0x25e: {  	[tilespmem:s1], [sflag:$0xF] =	stream.indirect.gather.add.f32 [hbm:s3], $0x80, s22, s23, $0xb8;
	[tilespmem:$0x15400] =	vst v63  }
0x25f: {  	s6 =	simm.s32 $0x1380  }
0x260: {  	[tilespmem:s1], [sflag:$0xF] =	stream.indirect.gather.add.f32 [hbm:s3], $0x80, s6, s23, $0xb8;
	[tilespmem:$0x15400] =	vst v63  }
0x261: {  	_ =	swait.ge [sflag:s9], $0x4000  }
0x262: {  	[sflag:s9] =	ssyncset.done $0x0  }
0x263: {  	[sflag:s9] =	ssyncadd.s32 $0xFFFFC000  }
0x264: {  	_ =	swait.ge [sflag:s9], $0x4000  }
0x265: {  	[sflag:s9] =	ssyncset.done $0x0  }
0x266: {  	[sflag:s9] =	ssyncadd.s32 $0xFFFFC000  }
0x267: {  	_ =	swait.ge [sflag:s9], $0x4000  }
0x268: {  	[sflag:s9] =	ssyncset.done $0x0  }
0x269: {  	[sflag:s9] =	ssyncadd.s32 $0xFFFFC000  }
0x26a: {  	_ =	swait.ge [sflag:s9], $0x4000  }
0x26b: {  	[sflag:s9] =	ssyncset.done $0x0  }
0x26c: {  	[sflag:s9] =	ssyncadd.s32 $0xFFFFC000  }
0x26d: {  	_ =	swait.ge [sflag:s9], $0x4000  }
0x26e: {  	[sflag:s9] =	ssyncset.done $0x0  }
0x26f: {  	[sflag:s9] =	ssyncadd.s32 $0xFFFFC000  }
0x270: {  	_ =	swait.ge [sflag:s9], $0x4000  }
0x271: {  	[sflag:s9] =	ssyncset.done $0x0  }
0x272: {  	[sflag:s9] =	ssyncadd.s32 $0xFFFFC000  }
0x273: {  	_ =	swait.ge [sflag:s9], $0x4000  }
0x274: {  	[sflag:s9] =	ssyncset.done $0x0  }
0x275: {  	s19 =	rddreg [dreg:$0x9];
	[sflag:s9] =	ssyncadd.s32 $0xFFFFC000  }
0x276: {  	[hbm4b:s19+s2] =	stream.linear.scatter [tilespmem:s24], [sflag:$0x10], $0x4000, $0x38;
	[tilespmem:$0x15400] =	vst v63  }
0x277: {  	_ =	swait.ge [sflag:s10], $0x4000  }
0x278: {  	[sflag:s10] =	ssyncset.done $0x0  }
0x279: {  	[sflag:s10] =	ssyncadd.s32 $0xFFFFC000  }
0x27a: {  	_ =	swait.ge [sflag:s10], $0x4000  }
0x27b: {  	[sflag:s10] =	ssyncset.done $0x0  }
0x27c: {  	[sflag:s10] =	ssyncadd.s32 $0xFFFFC000  }
0x27d: {  	_ =	swait.ge [sflag:s10], $0x4000  }
0x27e: {  	[sflag:s10] =	ssyncset.done $0x0  }
0x27f: {  	[sflag:s10] =	ssyncadd.s32 $0xFFFFC000  }
0x280: {  	_ =	swait.ge [sflag:s10], $0x4000  }
0x281: {  	[sflag:s10] =	ssyncset.done $0x0  }
0x282: {  	[sflag:s10] =	ssyncadd.s32 $0xFFFFC000  }
0x283: {  	_ =	swait.ge [sflag:s10], $0x4000  }
0x284: {  	[sflag:s10] =	ssyncset.done $0x0  }
0x285: {  	[sflag:s10] =	ssyncadd.s32 $0xFFFFC000  }
0x286: {  	_ =	swait.ge [sflag:s10], $0x4000  }
0x287: {  	[sflag:s10] =	ssyncset.done $0x0  }
0x288: {  	[sflag:s10] =	ssyncadd.s32 $0xFFFFC000  }
0x289: {  	_ =	swait.ge [sflag:s10], $0x4000  }
0x28a: {  	[sflag:s10] =	ssyncset.done $0x0  }
0x28b: {  	s11 =	rddreg [dreg:$0xa];
	[sflag:s10] =	ssyncadd.s32 $0xFFFFC000  }
0x28c: {  	[hbm4b:s11+s2] =	stream.linear.scatter [tilespmem:s26], [sflag:$0x11], $0x4000, $0x38;
	[tilespmem:$0x15400] =	vst v63  }
0x28d: {  	_ =	swait.ge [sflag:s13], $0x4000  }
0x28e: {  	[sflag:s13] =	ssyncset.done $0x0  }
0x28f: {  	[sflag:s13] =	ssyncadd.s32 $0xFFFFC000  }
0x290: {  	_ =	swait.ge [sflag:s13], $0x4000  }
0x291: {  	[sflag:s13] =	ssyncset.done $0x0  }
0x292: {  	[sflag:s13] =	ssyncadd.s32 $0xFFFFC000  }
0x293: {  	_ =	swait.ge [sflag:s13], $0x4000  }
0x294: {  	[sflag:s13] =	ssyncset.done $0x0  }
0x295: {  	[sflag:s13] =	ssyncadd.s32 $0xFFFFC000  }
0x296: {  	_ =	swait.ge [sflag:s13], $0x4000  }
0x297: {  	[sflag:s13] =	ssyncset.done $0x0  }
0x298: {  	[sflag:s13] =	ssyncadd.s32 $0xFFFFC000  }
0x299: {  	_ =	swait.ge [sflag:s13], $0x4000  }
0x29a: {  	[sflag:s13] =	ssyncset.done $0x0  }
0x29b: {  	[sflag:s13] =	ssyncadd.s32 $0xFFFFC000  }
0x29c: {  	_ =	swait.ge [sflag:s13], $0x4000  }
0x29d: {  	[sflag:s13] =	ssyncset.done $0x0  }
0x29e: {  	[sflag:s13] =	ssyncadd.s32 $0xFFFFC000  }
0x29f: {  	_ =	swait.ge [sflag:s13], $0x4000  }
0x2a0: {  	[sflag:s13] =	ssyncset.done $0x0  }
0x2a1: {  	s12 =	rddreg [dreg:$0xb];
	[sflag:s13] =	ssyncadd.s32 $0xFFFFC000  }
0x2a2: {  	[hbm4b:s12+s2] =	stream.linear.scatter [tilespmem:s29], [sflag:$0x12], $0x4000, $0x38;
	[tilespmem:$0x15400] =	vst v63  }
0x2a3: {  	_ =	swait.ge [sflag:s14], $0x4000  }
0x2a4: {  	[sflag:s14] =	ssyncset.done $0x0  }
0x2a5: {  	[sflag:s14] =	ssyncadd.s32 $0xFFFFC000  }
0x2a6: {  	_ =	swait.ge [sflag:s14], $0x4000  }
0x2a7: {  	[sflag:s14] =	ssyncset.done $0x0  }
0x2a8: {  	[sflag:s14] =	ssyncadd.s32 $0xFFFFC000  }
0x2a9: {  	_ =	swait.ge [sflag:s14], $0x4000  }
0x2aa: {  	[sflag:s14] =	ssyncset.done $0x0  }
0x2ab: {  	[sflag:s14] =	ssyncadd.s32 $0xFFFFC000  }
0x2ac: {  	_ =	swait.ge [sflag:s14], $0x4000  }
0x2ad: {  	[sflag:s14] =	ssyncset.done $0x0  }
0x2ae: {  	[sflag:s14] =	ssyncadd.s32 $0xFFFFC000  }
0x2af: {  	_ =	swait.ge [sflag:s14], $0x4000  }
0x2b0: {  	[sflag:s14] =	ssyncset.done $0x0  }
0x2b1: {  	[sflag:s14] =	ssyncadd.s32 $0xFFFFC000  }
0x2b2: {  	_ =	swait.ge [sflag:s14], $0x4000  }
0x2b3: {  	[sflag:s14] =	ssyncset.done $0x0  }
0x2b4: {  	[sflag:s14] =	ssyncadd.s32 $0xFFFFC000  }
0x2b5: {  	_ =	swait.ge [sflag:s14], $0x4000  }
0x2b6: {  	[sflag:s14] =	ssyncset.done $0x0  }
0x2b7: {  	s17 =	rddreg [dreg:$0xc];
	[sflag:s14] =	ssyncadd.s32 $0xFFFFC000  }
0x2b8: {  	[hbm4b:s17+s2] =	stream.linear.scatter [tilespmem:s31], [sflag:$0x13], $0x4000, $0x38;
	[tilespmem:$0x15400] =	vst v63  }
0x2b9: {  	_ =	swait.ge [sflag:s15], $0x4000  }
0x2ba: {  	[sflag:s15] =	ssyncset.done $0x0  }
0x2bb: {  	[sflag:s15] =	ssyncadd.s32 $0xFFFFC000  }
0x2bc: {  	_ =	swait.ge [sflag:s15], $0x4000  }
0x2bd: {  	[sflag:s15] =	ssyncset.done $0x0  }
0x2be: {  	[sflag:s15] =	ssyncadd.s32 $0xFFFFC000  }
0x2bf: {  	_ =	swait.ge [sflag:s15], $0x4000  }
0x2c0: {  	[sflag:s15] =	ssyncset.done $0x0  }
0x2c1: {  	[sflag:s15] =	ssyncadd.s32 $0xFFFFC000  }
0x2c2: {  	_ =	swait.ge [sflag:s15], $0x4000  }
0x2c3: {  	[sflag:s15] =	ssyncset.done $0x0  }
0x2c4: {  	[sflag:s15] =	ssyncadd.s32 $0xFFFFC000  }
0x2c5: {  	_ =	swait.ge [sflag:s15], $0x4000  }
0x2c6: {  	[sflag:s15] =	ssyncset.done $0x0  }
0x2c7: {  	[sflag:s15] =	ssyncadd.s32 $0xFFFFC000  }
0x2c8: {  	_ =	swait.ge [sflag:s15], $0x4000  }
0x2c9: {  	[sflag:s15] =	ssyncset.done $0x0  }
0x2ca: {  	[sflag:s15] =	ssyncadd.s32 $0xFFFFC000  }
0x2cb: {  	_ =	swait.ge [sflag:s15], $0x4000  }
0x2cc: {  	[sflag:s15] =	ssyncset.done $0x0  }
0x2cd: {  	s20 =	rddreg [dreg:$0xd];
	[sflag:s15] =	ssyncadd.s32 $0xFFFFC000  }
0x2ce: {  	[hbm4b:s20+s2] =	stream.linear.scatter [tilespmem:s1], [sflag:$0x14], $0x4000, $0x38;
	[tilespmem:$0x15400] =	vst v63  }
0x2cf: {  	_ =	swait.ge [sflag:s16], $0x4000  }
0x2d0: {  	[sflag:s16] =	ssyncset.done $0x0  }
0x2d1: {  	[sflag:s16] =	ssyncadd.s32 $0xFFFFC000  }
0x2d2: {  	_ =	swait.ge [sflag:s5], $0x4000  }
0x2d3: {  	[sflag:s5] =	ssyncset.done $0x0  }
0x2d4: {  	[sflag:s5] =	ssyncadd.s32 $0xFFFFC000  }
0x2d5: {  	_ =	swait.ge [sflag:s7], $0x4000  }
0x2d6: {  	[sflag:s7] =	ssyncset.done $0x0  }
0x2d7: {  	[sflag:s7] =	ssyncadd.s32 $0xFFFFC000  }
0x2d8: {  	_ =	swait.ge [sflag:s8], $0x4000  }
0x2d9: {  	[sflag:s8] =	ssyncset.done $0x0  }
0x2da: {  	[sflag:s8] =	ssyncadd.s32 $0xFFFFC000  }
0x2db: {  	_ =	swait.ge [sflag:s18], $0x4000  }
0x2dc: {  	s21 =	rddreg [dreg:$0x12]  }
0x2dd: {  	s22 =	rddreg [dreg:$0xe];
	s0 =	sadd.s32 $0x1, s21  }
0x2de: {  	p0 =	sne.s32 s0, s22  }
.Ltmp1:
0x2df: {  	_ = 	snop;
	(pc) =	sbr.rel @p0 .LBB2_1-.Ltmp1, $4  }
0x2e0: {  	_ = 	snop  }
0x2e1: {  	s6 =	simm.s32 $0x3  }
0x2e2: {  	s11 =	simm.s32 $0x2;
	s12 =	simm.s32 $0x5;
	[sflag:s18] =	ssyncset.done $0x0  }
0x2e3: {  	s17 =	simm.s32 $0x4;
	s20 =	simm.s32 $0x800;
	[sflag:s18] =	ssyncadd.s32 $0xFFFFC000  }
0x2e4: {  	_ =	sfence.sel $0x180000  }
0x2e5: {  	[bflag:$0x0] =	sbarrier.arrive $0xFFFF  }
0x2e6: {  	_ =	strace $0x90000047  }
0x2e7: {  	s0 =	stileid.u32;
	[bflag:$0x2] =	sbarrier.arrive $0xFFFF  }
0x2e8: {  	p0 =	sne.s32 s0, $0x0;
	s0 =	rddreg [dreg:$0x2]  }
0x2e9: {  	s0 =	sadd.s32 @!p0 $0x100000, s0  }
0x2ea: {  	[sflag:s0] =	ssyncadd.tile.s32 @!p0 $0x1;
	_ =	shalt  }
.Lfunc_end2:
_tile_overlayer_lowered:
.L_overlay_start_2:
0x2eb: {  	(tag) =	ssettag $0x2  }
0x2ec: {  	s0 =	rddreg [dreg:$0x0];
	s2 =	stileid.u32  }
0x2ed: {  	s1 =	rddreg [dreg:$0x1];
	p0 =	sne.s32 s2, $0x0  }
0x2ee: {  	s3 =	rddreg [dreg:$0x2];
	[bflag:$0x3] =	sbarrier.arrive $0xFFFF;
	s2 =	simm.s32 @!p0 $0x1C15  }
0x2ef: {  	[timem:s3], [sflag:s2] =	dma.local @!p0 [hbm:s0], s1  }
0x2f0: {  	s0 =	simm.s32 @!p0 $0x15  }
0x2f1: {  	_ =	swait.ge @!p0 [sflag:s0], s1  }
0x2f2: {  	s1 =	ssub.s32 @!p0 $0x0, s1;
	[sflag:s0] =	ssyncset.done @!p0 $0x0  }
0x2f3: {  	[sflag:s0] =	ssyncadd.s32 @!p0 s1  }
0x2f4: {  	[bflag:$0x3] =	sbarrier.arrive $0xFFFF  }
0x2f5: {  	_ =	shalt  }

// kernel: sparse-core-data-format-call.cloned.1.call-start
scs
called_computation_lowered:
.L_overlay_start_0:
0x0: {  	s2 =	sld [smem:$0x3FD9]  }
0x1: {  	s3 =	sld [smem:$0x3FFE];
	_ =	sdelay $0x1  }
0x2: {  	s1 =	srdreg.scid  }
0x3: {  	s0 =	sand.u32 $0x1, s1  }
0x4: {  	s18 =	sshll.u32 s0, $0xA;
	s2 =	sadd.s32 s3, s2  }
0x5: {  	s2 =	sadd.s32 s2, s18  }
0x6: {  	[smem:$0x3FC4] =	sst s2  }
0x7: {  	_ = 	snop  }
0x8: {  	s2 =	sld [smem:$0x3FD0];
	(tm) =	ssettm $0x1  }
0x9: {  	s19 =	sld [smem:$0x3FFB];
	_ =	sdelay $0x3  }
0xa: {  	_ =	strace s19  }
0xb: {  	s3 =	sld [smem:$0x3FFC];
	_ =	sdelay $0x3  }
0xc: {  	_ =	strace s3  }
0xd: {  	s3 =	sld [smem:$0x3FFD];
	_ =	sdelay $0x3  }
0xe: {  	_ =	strace s3  }
0xf: {  	_ =	strace $0x8FFFFFFF  }
0x10: {  	s20 =	sld [smem:$0x3FDB];
	_ =	sdelay $0x1  }
0x11: {  	s4 =	simm.s32 $_scs_section_size  }
0x12: {  	s5 =	simm.s32 $_size__tile_overlayer_lowered;
	s6 =	simm.s32 $_tile_overlayer_lowered  }
0x13: {  	s23 =	simm.s32 $0x1BFF;
	s22 =	sshll.u32 s6, $0x1;
	s3 =	sadd.s32 s4, s20  }
0x14: {  	s7 =	simm.s32 $0x0;
	s21 =	sshll.u32 s5, $0x1;
	s5 =	sadd.s32 s22, s3  }
0x15: {  	[timem:s7], [sflag:s23] =	dma.local [hbm:s5], s21  }
0x16: {  	_ =	swait.ge [sflag:s23], s21  }
0x17: {  	s4 =	ssub.s32 $0x0, s21;
	[sflag:s23] =	ssyncset.done $0x0  }
0x18: {  	[sflag:s23] =	ssyncadd.s32 s4;
	_ =	sdelay $0x1  }
0x19: {  	s24 =	simm.s32 $0x1B8B  }
0x1a: {  	_ =	swait.ge [sflag:s24], $0x1  }
0x1b: {  	[sflag:s24] =	ssyncset.done $0x0  }
0x1c: {  	s26 =	simm.s32 $0x1B8E;
	s25 =	sld [smem:$0x3FFE];
	[sflag:s24] =	ssyncadd.s32 $0xFFFFFFFF  }
0x1d: {  	s27 =	simm.s32 $execute0_lowered;
	[smem:$0x3FD2] =	sst s26  }
0x1e: {  	s5 =	sshll.u32 s27, $0x1;
	_ =	strace $0x80000049;
	[dreg:$0x1] =	wrdreg $0xFFFFFFFF  }
0x1f: {  	s28 =	simm.s32 $_size_execute0_lowered;
	s3 =	sadd.s32 s3, s5;
	[dreg:$0x0] =	wrdreg $0x0  }
0x20: {  	s5 =	sshll.u32 s28, $0x1;
	[dreg:$0x2] =	wrdreg s3  }
0x21: {  	[dreg:$0x3] =	wrdreg s5  }
0x22: {  	[dreg:$0x4] =	wrdreg $0xC0  }
0x23: {  	_ =	task [dreg:s7], $0x5FFFF  }
0x24: {  	[dreg:$0x1] =	wrdreg $0xFFFFFFFF  }
0x25: {  	[dreg:$0x0] =	wrdreg $0x60  }
0x26: {  	[dreg:$0x2] =	wrdreg s25  }
0x27: {  	[dreg:$0x3] =	wrdreg s2  }
0x28: {  	[dreg:$0x4] =	wrdreg $0x9  }
0x29: {  	_ =	task.clear_ibuf [dreg:s7], $0x5FFFF;
	_ =	strace $0x90000049  }
0x2a: {  	s29 =	simm.s32 $0x9;
	_ =	strace $0x8000004B  }
0x2b: {  	_ =	swait.ge [sflag:s29], $0x1  }
0x2c: {  	[sflag:s29] =	ssyncadd.s32 $0xFFFFFFFF  }
0x2d: {  	_ =	strace $0x9000004B  }
0x2e: {  	_ =	sfence  }
0x2f: {  	s30 =	sld [smem:$0x0];
	_ =	sdelay $0x2  }
0x30: {  	s31 =	sshll.u32 s1, $0xD;
	s1 =	sshrl.u32 s1, $0x2  }
0x31: {  	s3 =	sand.u32 $0x4000, s31;
	s1 =	sadd.s32 s1, s30  }
0x32: {  	s0 =	sor.u32 s3, s0;
	s1 =	sshll.u32 s1, $0x11  }
0x33: {  	s0 =	sor.u32 s1, s0  }
0x34: {  	s0 =	sadd.s32 $0x8F2B, s0  }
0x35: {  	[sflag:s0] =	ssyncadd.remote.s32 $0x1  }
0x36: {  	_ =	sfence.sel $0xFFFF  }
0x37: {  	[dreg:$0x0] =	wrdreg $0xFFFFFFFF;
	(pc) =	sbr.abs _section_cstart, $3  }
0x38: {  	[dreg:$0x1] =	wrdreg $0xFFFFFFFF  }
0x39: {  	_ =	task.clear_ibuf [dreg:s7], $0x2FFFF;
	_ =	strace $0x9FFFFFFF  }
0x3a: {  	(tm) =	ssettm $0x7FFFFFFF  }
0x3b: {  	_ =	shalt  }
tec
execute0_lowered:
.L_overlay_start_1:
0x0: {  	(tag) =	ssettag $0x1  }
0x1: {  	s0 =	srdreg.scid  }
0x2: {  	s1 =	sshll.u32 s0, $0x4  }
0x3: {  	s0 =	stileid.u32;
	s1 =	sand.u32 $0x10, s1  }
0x4: {  	s1 =	sor.u32 s0, s1  }
0x5: {  	s6 =	rddreg [dreg:$0x0];
	s4 =	simm.s32 $0x1;
	s2 =	sshll.u32 s1, $0x6  }
0x6: {  	s7 =	simm.s32 $0x2;
	s13 =	simm.s32 $0x0;
	s1 =	ssub.s32 $0x1000, s2  }
0x7: {  	s8 =	simm.s32 $0x2000;
	s9 =	simm.s32 $0x80000;
	s3 =	sand.u32 $0x7C0, s1  }
0x8: {  	s14 =	simm.s32 $0x0;
	s5 =	sshrl.u32 s1, $0xB;
	p0 =	sne.s32 s3, $0x0  }
.Ltmp0:
0x9: {  	s1 =	rddreg [dreg:$0x2];
	s4 =	simm.s32 @!p0 $0x0;
	(pc) =	sbr.rel .LBB1_1-.Ltmp0, $4  }
0xa: {  	s10 =	simm.s32 $0x0;
	s3 =	rddreg [dreg:$0x1];
	s5 =	sadd.s32 s4, s5  }
0xb: {  	_ =	strace $0x8000004A;
	s4 =	simm.s32 $0x1;
	s5 =	smul.u32 $0x19, s5  }
0xc: {  	s12 =	simm.s32 $0x0;
	s6 =	sadd.s32 $0x1000, s6;
	[sflag:s4] =	ssyncpa.u1 $0x0  }
0xd: {  	s11 =	smov.u32 s2;
	[sflag:s7] =	ssyncpa.u1 $0x0;
	s7 =	sadd.s32 $0x1, s5  }
.LBB1_7:
0xe: {  	s15 =	sadd.s32 $0x2, s10  }
0xf: {  	s13 =	sadd.s32 $0x800, s11;
	s17 =	smov.u32 s11;
	p1 =	sgt.s32 s15, $0x31  }
0x10: {  	s17 =	smov.u32 @p1 s13  }
0x11: {  	s15 =	simm.s32 @p1 $0x0;
	p1 =	sgt.s32 s17, $0xFFF  }
0x12: {  	s17 =	smov.u32 @p1 s2;
	p1 =	sne.s32 s12, s7  }
.Ltmp1:
0x13: {  	p0 =	slt.u32 s12, $0x2;
	(pc) =	sbr.rel @!p1 .LBB1_8-.Ltmp1, $4  }
0x14: {  	s16 =	simm.s32 @!p0 $0x2  }
0x15: {  	s14 =	smov.u32 s11;
	_ =	swait.ge @!p0 [sflag:s16], $0x4000  }
0x16: {  	s13 =	smov.u32 s10;
	[sflag:s16] =	ssyncset.done @!p0 $0x0;
	s10 =	smov.u32 s15  }
0x17: {  	s12 =	sadd.s32 $0x1, s12;
	[sflag:s16] =	ssyncadd.s32 @!p0 $0xFFFFC000;
	s11 =	smov.u32 s17  }
.LBB1_1:
0x18: {  	p0 =	sge.u32 s12, s5  }
0x19: {  	s15 =	sand.u32 @!p0 $0x1FFFFFF, s10  }
0x1a: {  	s16 =	smulhi.u32 @!p0 $0x4924925, s15;
	_ =	sdelay $0x1  }
0x1b: {  	s16 =	smul.u32 @!p0 $0x38, s16  }
0x1c: {  	s17 =	sxor.u32 @!p0 $0xFFFFFFFF, s12;
	s18 =	smul.u32 @!p0 $0x380, s11  }
0x1d: {  	s31 =	sadd.s32 $0xFFFFFFFF, s12;
	s17 =	sshll.u32 @!p0 s17, $0xE;
	s15 =	ssub.s32 @!p0 s15, s16  }
0x1e: {  	s16 =	sand.u32 @!p0 $0x4000, s17;
	s17 =	sadd.s32 @!p0 s6, s18;
	s15 =	sshll.u32 @!p0 s15, $0x4  }
0x1f: {  	s18 =	simm.s32 @!p0 $0x1C00;
	s15 =	sadd.s32 @!p0 s15, s17;
	s17 =	simm.s32 @!p0 $0x100  }
0x20: {  	[tilespmem:s16], [sflag:$0x1] =	stream.strided.gather @!p0 [hbm4b:s15+s17], $0x4000, s18, s17, $0x38;
	[tilespmem:$0x10000] =	vst v63  }
0x21: {  	p0 =	sge.u32 s31, s5  }
.Ltmp2:
0x22: {  	_ = 	snop;
	(pc) =	sbr.rel @p0 .LBB1_7-.Ltmp2, $1  }
0x23: {  	_ =	sdelay $0x3  }
0x24: {  	_ =	swait.ge [sflag:s4], $0x4000;
	s15 =	sshll.u32 s12, $0xE  }
0x25: {  	[sflag:s4] =	ssyncset.done $0x0;
	s16 =	sand.u32 $0x4000, s15  }
0x26: {  	s17 =	simm.s32 $0x0;
	[sflag:s4] =	ssyncadd.s32 $0xFFFFC000;
	s15 =	sor.u32 $0x8000, s16  }
.LBB1_3:
0x27: {  	s18 =	sshll.u32 s17, $0x8  }
0x28: {  	s18 =	sand.u32 $0x3FFFFF00, s18  }
0x29: {  	s19 =	sshll.u32 s17, $0x7;
	s18 =	sadd.s32 s18, s16  }
0x2a: {  	s19 =	sand.u32 $0x3FFFFF80, s19;
	v0 =	vmov s18  }
0x2b: {  	s19 =	sadd.s32 s19, s15  }
0x2c: {  	p0 =	por $0x1, $0x1;
	v1 =	vmov s19;
	s18 =	simm.s32 $0x0  }
.LBB1_4:
0x2d: {  	s19 =	sshll.u32 s18, $0x7  }
0x2e: {  	s19 =	sand.u32 $0x3FFFFF80, s19  }
0x2f: {  	v2 =	vld.idx.msk [tilespmem:v0+s19+$0x0 ss:$0x1], $0xffff  }
0x30: {  	v3 =	vld.idx.msk [tilespmem:v0+s19+$0x10 ss:$0x1], $0xffff  }
0x31: {  	v4 =	vld.idx.msk [tilespmem:v0+s19+$0x20 ss:$0x1], $0xffff  }
0x32: {  	s31 =	sshll.u32 s18, $0xD;
	v5 =	vld.idx.msk [tilespmem:v0+s19+$0x30 ss:$0x1], $0xffff  }
0x33: {  	s18 =	sand.u32 $0x3FFFE000, s31;
	v6 =	vld.idx.msk [tilespmem:v0+s19+$0x40 ss:$0x1], $0xffff  }
0x34: {  	v63 =	vld.idx.msk [tilespmem:v0+s19+$0x70 ss:$0x1], $0xffff;
	[tilespmem:v1+s18+$0x0 ss:$0x1] =	vst.idx.msk $0xffff, v2  }
0x35: {  	v2 =	vld.idx.msk [tilespmem:v0+s19+$0x50 ss:$0x1], $0xffff;
	[tilespmem:v1+s18+$0x10 ss:$0x1] =	vst.idx.msk $0xffff, v3  }
0x36: {  	p1 =	por p0, p0;
	v3 =	vld.idx.msk [tilespmem:v0+s19+$0x60 ss:$0x1], $0xffff;
	[tilespmem:v1+s18+$0x20 ss:$0x1] =	vst.idx.msk $0xffff, v4  }
.Ltmp3:
0x37: {  	[tilespmem:v1+s18+$0x30 ss:$0x1] =	vst.idx.msk $0xffff, v5;
	(pc) =	sbr.rel @p1 .LBB1_4-.Ltmp3, $4  }
0x38: {  	[tilespmem:v1+s18+$0x40 ss:$0x1] =	vst.idx.msk $0xffff, v6  }
0x39: {  	[tilespmem:v1+s18+$0x70 ss:$0x1] =	vst.idx.msk $0xffff, v63  }
0x3a: {  	[tilespmem:v1+s18+$0x50 ss:$0x1] =	vst.idx.msk $0xffff, v2  }
0x3b: {  	p0 =	por $0x0, $0x0;
	[tilespmem:v1+s18+$0x60 ss:$0x1] =	vst.idx.msk $0xffff, v3;
	s18 =	simm.s32 $0x1  }
0x3c: {  	s17 =	sadd.s32 $0x1, s17  }
0x3d: {  	p0 =	sne.s32 s17, $0x40  }
.Ltmp4:
0x3e: {  	_ = 	snop;
	(pc) =	sbr.rel @p0 .LBB1_3-.Ltmp4, $1  }
0x3f: {  	_ =	sdelay $0x3  }
.Ltmp5:
0x40: {  	s14 =	sshll.u32 s14, $0x4;
	(pc) =	sbr.rel .LBB1_7-.Ltmp5, $4  }
0x41: {  	s14 =	sand.u32 $0xFFF0, s14  }
0x42: {  	s13 =	sshll.u32 s13, $0x10;
	s14 =	sadd.s32 s3, s14  }
0x43: {  	s13 =	sadd.s32 s13, s14  }
0x44: {  	[hbm4b:s13+s8] =	stream.strided.scatter [tilespmem:s15], [sflag:$0x2], $0x4000, s9, s8, $0x38;
	[tilespmem:$0x10000] =	vst v63  }
.LBB1_8:
0x45: {  	_ =	sfence.sel $0x180000  }
0x46: {  	s2 =	simm.s32 $0x1;
	[bflag:$0x0] =	sbarrier.arrive $0xFFFF  }
0x47: {  	s31 =	simm.s32 $0x2;
	[sflag:s2] =	ssyncpa.u1 $0x1  }
0x48: {  	[sflag:s31] =	ssyncpa.u1 $0x1  }
0x49: {  	p0 =	sne.s32 s0, $0x0;
	_ =	strace $0x9000004A  }
0x4a: {  	s0 =	sadd.s32 @!p0 $0x100000, s1;
	[bflag:$0x2] =	sbarrier.arrive $0xFFFF  }
0x4b: {  	[sflag:s0] =	ssyncadd.tile.s32 @!p0 $0x1;
	_ =	shalt  }
.Lfunc_end1:
_tile_overlayer_lowered:
.L_overlay_start_2:
0x4c: {  	(tag) =	ssettag $0x2  }
0x4d: {  	s0 =	rddreg [dreg:$0x0];
	s2 =	stileid.u32  }
0x4e: {  	s1 =	rddreg [dreg:$0x1];
	p0 =	sne.s32 s2, $0x0  }
0x4f: {  	s3 =	rddreg [dreg:$0x2];
	[bflag:$0x3] =	sbarrier.arrive $0xFFFF;
	s2 =	simm.s32 @!p0 $0x1C01  }
0x50: {  	[timem:s3], [sflag:s2] =	dma.local @!p0 [hbm:s0], s1  }
0x51: {  	s0 =	simm.s32 @!p0 $0x1  }
0x52: {  	_ =	swait.ge @!p0 [sflag:s0], s1  }
0x53: {  	s1 =	ssub.s32 @!p0 $0x0, s1;
	[sflag:s0] =	ssyncset.done @!p0 $0x0  }
0x54: {  	[sflag:s0] =	ssyncadd.s32 @!p0 s1  }
0x55: {  	[bflag:$0x3] =	sbarrier.arrive $0xFFFF  }
0x56: {  	_ =	shalt  }

</sc_bundles>
